<compile_context>
chip_gen: v7x
topology: tpu7x:2x2x1
jax: 0.10.2.dev20260603
libtpu: 0.0.44.dev20260713+nightly
codegen_flags: <defaults>
</compile_context>

<pallas_src>
import functools

import jax
import jax.numpy as jnp
from jax import lax
from jax.experimental import pallas as pl
from jax.experimental.pallas import tpu as pltpu
from jax.experimental.pallas import tpu_sc as plsc

_CHUNK = 128


def _fps_body(x_ref, y_ref, z_ref, idx_ref, px_ref, py_ref, pz_ref,
              dists_ref, carry_ref, fix_ref):
    B, N = x_ref.shape
    NT = N // 128
    c = pl.program_id(0)

    lane = jax.lax.broadcasted_iota(jnp.int32, (B, _CHUNK), 1)
    row_base = N * jax.lax.broadcasted_iota(jnp.int32, (B, _CHUNK), 0)

    @pl.when(c == 0)
    def _init():
        dists_ref[...] = jnp.full((B, N), jnp.inf, dtype=jnp.float32)
        sx0 = jnp.broadcast_to(x_ref[:, 0:1], (B, _CHUNK))
        sy0 = jnp.broadcast_to(y_ref[:, 0:1], (B, _CHUNK))
        sz0 = jnp.broadcast_to(z_ref[:, 0:1], (B, _CHUNK))
        carry_ref[0] = sx0
        carry_ref[1] = sy0
        carry_ref[2] = sz0

    sx = carry_ref[0][...]
    sy = carry_ref[1][...]
    sz = carry_ref[2][...]
    x0b = jnp.broadcast_to(x_ref[:, 0:1], (B, _CHUNK))
    y0b = jnp.broadcast_to(y_ref[:, 0:1], (B, _CHUNK))
    z0b = jnp.broadcast_to(z_ref[:, 0:1], (B, _CHUNK))
    zero_buf = jnp.zeros((B, _CHUNK), jnp.float32)

    def step(j, st):
        sx, sy, sz, bi, bx, by, bz = st
        t = c * _CHUNK + j

        NSTR = 8
        streams = [None] * NSTR
        for k in range(NT):
            sl = pl.ds(k * 128, 128)
            xk = x_ref[:, sl]
            yk = y_ref[:, sl]
            zk = z_ref[:, sl]
            dx = xk - sx
            dy = yk - sy
            dz = zk - sz
            d = (dx * dx + dz * dz) + dy * dy
            nd = jnp.minimum(dists_ref[:, sl], d)
            dists_ref[:, sl] = nd
            s = k % NSTR
            if streams[s] is None:
                streams[s] = (nd, jnp.full((B, 128), k, jnp.int32),
                              xk, yk, zk)
            else:
                a = streams[s]
                cond = nd > a[0]
                bnode = (nd, k, xk, yk, zk)
                streams[s] = tuple(jnp.where(cond, bb, aa)
                                   for aa, bb in zip(a, bnode))

        streams = [s for s in streams if s is not None]
        while len(streams) > 1:
            nxt = []
            for a, b in zip(streams[0::2], streams[1::2]):
                take = (b[0] > a[0]) | ((b[0] == a[0]) & (b[1] < a[1]))
                nxt.append(tuple(jnp.where(take, bb, aa)
                                 for aa, bb in zip(a, b)))
            if len(streams) % 2:
                nxt.append(streams[-1])
            streams = nxt
        mv, rv, xv, yv, zv = streams[0]

        jv = (rv * 128 + lane) + row_base

        def bsum(v):
            return jnp.broadcast_to(
                jnp.sum(v, axis=1, keepdims=True), (B, _CHUNK))

        m = jnp.max(mv, axis=1, keepdims=True)
        ismax = mv == m
        sel = jnp.broadcast_to(
            jnp.min(jnp.where(ismax, jv, B * N), axis=1, keepdims=True),
            (B, _CHUNK))
        cnt = jnp.sum(jnp.where(ismax, 1.0, 0.0))
        fix_ref[0] = bsum(jnp.where(ismax, xv, 0.0))
        fix_ref[1] = bsum(jnp.where(ismax, yv, 0.0))
        fix_ref[2] = bsum(jnp.where(ismax, zv, 0.0))

        @pl.when(cnt > B + 0.5)
        def _fix_tie():
            win = jv == sel
            fix_ref[0] = bsum(jnp.where(win, xv, 0.0))
            fix_ref[1] = bsum(jnp.where(win, yv, 0.0))
            fix_ref[2] = bsum(jnp.where(win, zv, 0.0))

        sx = fix_ref[0][...]
        sy = fix_ref[1][...]
        sz = fix_ref[2][...]

        first = t == 0
        sel = jnp.where(first, row_base, sel)
        sx = jnp.where(first, x0b, sx)
        sy = jnp.where(first, y0b, sy)
        sz = jnp.where(first, z0b, sz)

        hit = lane == j
        bi = jnp.where(hit, sel, bi)
        bx = jnp.where(hit, sx, bx)
        by = jnp.where(hit, sy, by)
        bz = jnp.where(hit, sz, bz)
        return (sx, sy, sz, bi, bx, by, bz)

    st0 = (sx, sy, sz,
           jnp.zeros((B, _CHUNK), jnp.int32), zero_buf, zero_buf, zero_buf)
    sx, sy, sz, bi, bx, by, bz = jax.lax.fori_loop(0, _CHUNK, step, st0)

    carry_ref[0] = sx
    carry_ref[1] = sy
    carry_ref[2] = sz
    idx_ref[...] = bi
    px_ref[...] = bx
    py_ref[...] = by
    pz_ref[...] = bz


def _run_fps(xs, ys, zs, n_samples):
    B, N = xs.shape
    nchunk = n_samples // _CHUNK
    grid = (nchunk,)
    full = pl.BlockSpec((B, N), lambda c: (0, 0))
    out = pl.BlockSpec((B, _CHUNK), lambda c: (0, c))
    return pl.pallas_call(
        _fps_body,
        grid=grid,
        in_specs=[full, full, full],
        out_specs=[out, out, out, out],
        out_shape=[
            jax.ShapeDtypeStruct((B, n_samples), jnp.int32),
            jax.ShapeDtypeStruct((B, n_samples), jnp.float32),
            jax.ShapeDtypeStruct((B, n_samples), jnp.float32),
            jax.ShapeDtypeStruct((B, n_samples), jnp.float32),
        ],
        scratch_shapes=[
            pltpu.VMEM((B, N), jnp.float32),
            pltpu.VMEM((3, B, _CHUNK), jnp.float32),
            pltpu.VMEM((3, B, _CHUNK), jnp.float32),
        ],
    )(xs, ys, zs)


def _sc_gather(table, idx2d):
    V, D = table.shape
    R = idx2d.shape[0]
    info = plsc.get_sparse_core_info()
    nw = info.num_cores * info.num_subcores
    rows_per_w = R // nw

    mesh = plsc.VectorSubcoreMesh(core_axis_name="c", subcore_axis_name="s")

    @functools.partial(
        pl.kernel,
        mesh=mesh,
        compiler_params=pltpu.CompilerParams(use_tc_tiling_on_sc=False),
        out_type=jax.ShapeDtypeStruct((R * 128, D), jnp.float32),
        scratch_types=[
            pltpu.VMEM((rows_per_w, 128), jnp.int32),
            pltpu.VMEM((128, D), jnp.float32),
            pltpu.VMEM((128, D), jnp.float32),
            pltpu.SemaphoreType.DMA,
            pltpu.SemaphoreType.DMA,
        ],
    )
    def gather_kernel(table_hbm, idx_hbm, out_hbm, idx_v, rows0, rows1,
                      sem0, sem1):
        wid = lax.axis_index("s") * info.num_cores + lax.axis_index("c")
        base_row = wid * rows_per_w
        pltpu.sync_copy(idx_hbm.at[pl.ds(base_row, rows_per_w)], idx_v)
        bufs = (rows0, rows1)
        sems = (sem0, sem1)
        copies = [None, None]
        for k in range(rows_per_w):
            s = k % 2
            if copies[s] is not None:
                copies[s].wait()
            cp = pltpu.async_copy(table_hbm.at[idx_v.at[k]], bufs[s], sems[s])
            cp.wait()
            out_cp = pltpu.async_copy(
                bufs[s], out_hbm.at[pl.ds((base_row + k) * 128, 128)],
                sems[s])
            copies[s] = out_cp
        for cp in copies:
            if cp is not None:
                cp.wait()

    return gather_kernel(table, idx2d)


def kernel(points, features):
    B, N, F = points.shape[0], points.shape[1], features.shape[2]
    n_samples = N // 2
    xs = points[:, :, 0]
    ys = points[:, :, 1]
    zs = points[:, :, 2]
    idx, px, py, pz = _run_fps(xs, ys, zs, n_samples)
    downsampled_points = jnp.stack([px, py, pz], axis=-1)
    feats_flat = features.reshape(B * N, F)
    idx2d = idx.reshape(B * n_samples // 128, 128)
    downsampled_features = _sc_gather(feats_flat, idx2d).reshape(
        B, n_samples, F)
    return (downsampled_points, downsampled_features)

# --- scband reference (transcript-rebuilt; emitter-appended) ---
"""Pipeline reference for scband-adaptive-downsampling-60052232733253 (READ-ONLY COPY).

The authoritative reference and input builder live on the scoring server;
editing this copy changes nothing except your own understanding.
"""

import jax, jax.numpy as jnp
import numpy as np

RATIO = 0.5


def fps_single(pts, n_samples):
    # Farthest point sampling on a single cloud [N, 3], deterministic start at index 0
    N = pts.shape[0]

    def body(i, state):
        sel, dists, last = state
        lastpt = pts[last]
        d = jnp.sum((pts - lastpt) ** 2, axis=-1)
        dists = jnp.minimum(dists, d)
        nxt = jnp.argmax(dists).astype(jnp.int32)
        sel = sel.at[i].set(nxt)
        return (sel, dists, nxt)

    sel0 = jnp.zeros((n_samples,), dtype=jnp.int32)
    dists0 = jnp.full((N,), jnp.inf, dtype=pts.dtype)
    sel, _, _ = jax.lax.fori_loop(1, n_samples, body, (sel0, dists0, jnp.int32(0)))
    return sel


def setup_inputs(seed: int = 0):
    key = jax.random.key(seed)
    k1, k2 = jax.random.split(key)
    points = jax.random.normal(k1, (8, 16384, 3), dtype=jnp.float32)
    features = jax.random.normal(k2, (8, 16384, 64), dtype=jnp.float32)
    return {"points": points, "features": features}


def reference(points, features):
    B, N, _ = points.shape
    n_samples = int(N * RATIO)
    # per-batch FPS (equivalent to torch_cluster.fps with flat batch vector,
    # since fps returns per-batch-contiguous indices which the torch code
    # re-splits by batch)
    idx = jax.vmap(lambda p: fps_single(p, n_samples))(points)  # [B, n_samples] int32
    downsampled_points = jnp.take_along_axis(points, idx[:, :, None], axis=1)
    downsampled_features = jnp.take_along_axis(features, idx[:, :, None], axis=1)
    return (downsampled_points, downsampled_features)

if __name__ == "__main__":
    import jax
    _d = setup_inputs()
    print(jax.jit(kernel)(*tuple(_d.values())))

</pallas_src>

<mosaic_0001>
#map = affine_map<(d0, d1) -> (0, 0)>
module attributes {stable_mosaic.version = 14 : i64} {
  func.func @gather_kernel(%arg0: i32, %arg1: i32, %arg2: memref<131072x64xf32, #tpu.memory_space<hbm>>, %arg3: memref<512x128xi32, #tpu.memory_space<hbm>>, %arg4: memref<65536x64xf32, #tpu.memory_space<hbm>>, %arg5: memref<16x128xi32, #tpu.memory_space<vmem>>, %arg6: memref<128x64xf32, #tpu.memory_space<vmem>>, %arg7: memref<128x64xf32, #tpu.memory_space<vmem>>, %arg8: memref<!tpu.dma_semaphore, #tpu.memory_space<semaphore_mem>>, %arg9: memref<!tpu.dma_semaphore, #tpu.memory_space<semaphore_mem>>) attributes {dimension_semantics = [#tpu.dimension_semantics<core_parallel>, #tpu.dimension_semantics<subcore_parallel>], iteration_bounds = array<i64: 2, 16>, scalar_prefetch = 0 : i64, scratch_operands = 5 : i64, tpu.core_type = #tpu.core_type<sc_vector_subcore>, window_params = [{transform_indices = #map}, {transform_indices = #map}, {transform_indices = #map}]} {
    %mul3A = arith.constant 2 : i32
    %mul3A_0 = arith.muli %arg1, %mul3A : i32
    %add3A = arith.addi %mul3A_0, %arg0 : i32
    %mul3A_1 = arith.constant 16 : i32
    %mul3A_2 = arith.muli %add3A, %mul3A_1 : i32
    "tpu.region"() ({
      %run_scoped3A = tpu.sem_alloc : memref<!tpu.dma_semaphore, #tpu.memory_space<semaphore_mem>>
      %dma_start3A_417 = arith.constant 0 : i32
      %dma_start3A_418 = tpu.memref_slice %arg3[%mul3A_2, %dma_start3A_417] : memref<512x128xi32, #tpu.memory_space<hbm>> -> memref<16x128xi32, #tpu.memory_space<hbm>>
      %dma_start3A_419 = arith.constant 0 : i32
      %dma_start3A_420 = tpu.memref_slice %arg3[%mul3A_2, %dma_start3A_419] : memref<512x128xi32, #tpu.memory_space<hbm>> -> memref<16x128xi32, #tpu.memory_space<hbm>>
      tpu.enqueue_dma source(%dma_start3A_420 : memref<16x128xi32, #tpu.memory_space<hbm>>) target(%arg5 : memref<16x128xi32, #tpu.memory_space<vmem>>) target_semaphore(%run_scoped3A : memref<!tpu.dma_semaphore, #tpu.memory_space<semaphore_mem>>)
      %dma_wait3A_421 = arith.constant 0 : i32
      %dma_wait3A_422 = tpu.memref_slice %arg3[%mul3A_2, %dma_wait3A_421] : memref<512x128xi32, #tpu.memory_space<hbm>> -> memref<16x128xi32, #tpu.memory_space<hbm>>
      %dma_wait3A_423 = arith.constant 0 : i32
      %dma_wait3A_424 = tpu.memref_slice %arg3[%mul3A_2, %dma_wait3A_423] : memref<512x128xi32, #tpu.memory_space<hbm>> -> memref<16x128xi32, #tpu.memory_space<hbm>>
      tpu.wait_dma2 semaphore(%run_scoped3A : memref<!tpu.dma_semaphore, #tpu.memory_space<semaphore_mem>>) src(%dma_wait3A_424 : memref<16x128xi32, #tpu.memory_space<hbm>>) dst(%arg5 : memref<16x128xi32, #tpu.memory_space<vmem>>)
      tpu.yield
    }) : () -> ()
    %dma_start3A = arith.constant 0 : i32
    %dma_start3A_3 = arith.constant 0 : i32
    %dma_start3A_4 = tpu.memref_slice %arg5[%dma_start3A, %dma_start3A_3] : memref<16x128xi32, #tpu.memory_space<vmem>> -> memref<1x128xi32, #tpu.memory_space<vmem>>
    %dma_start3A_5 = tpu.memref_squeeze %dma_start3A_4 : memref<1x128xi32, #tpu.memory_space<vmem>> -> memref<128xi32, #tpu.memory_space<vmem>>
    %dma_start3A_6 = arith.constant 0 : i32
    %dma_start3A_7 = arith.constant 0 : i32
    %dma_start3A_8 = tpu.memref_slice %arg2[%dma_start3A_6, %dma_start3A_7] : memref<131072x64xf32, #tpu.memory_space<hbm>> -> memref<131072x64xf32, #tpu.memory_space<hbm>>
    tpu.enqueue_indirect_dma source(%dma_start3A_8 : memref<131072x64xf32, #tpu.memory_space<hbm>>) target(%arg6 : memref<128x64xf32, #tpu.memory_space<vmem>>) offsets(%dma_start3A_5 : memref<128xi32, #tpu.memory_space<vmem>>) semaphore(%arg8 : memref<!tpu.dma_semaphore, #tpu.memory_space<semaphore_mem>>)
    %dma_wait3A = arith.constant 0 : i32
    %dma_wait3A_9 = arith.constant 0 : i32
    %dma_wait3A_10 = tpu.memref_slice %arg5[%dma_wait3A, %dma_wait3A_9] : memref<16x128xi32, #tpu.memory_space<vmem>> -> memref<1x128xi32, #tpu.memory_space<vmem>>
    %dma_wait3A_11 = tpu.memref_squeeze %dma_wait3A_10 : memref<1x128xi32, #tpu.memory_space<vmem>> -> memref<128xi32, #tpu.memory_space<vmem>>
    %dma_wait3A_12 = arith.constant 0 : i32
    %dma_wait3A_13 = arith.constant 0 : i32
    %dma_wait3A_14 = tpu.memref_slice %arg2[%dma_wait3A_12, %dma_wait3A_13] : memref<131072x64xf32, #tpu.memory_space<hbm>> -> memref<131072x64xf32, #tpu.memory_space<hbm>>
    tpu.wait_indirect_dma semaphore(%arg8 : memref<!tpu.dma_semaphore, #tpu.memory_space<semaphore_mem>>) src(%dma_wait3A_14 : memref<131072x64xf32, #tpu.memory_space<hbm>>) dst(%arg6 : memref<128x64xf32, #tpu.memory_space<vmem>>)
    %add3A_15 = arith.constant 0 : i32
    %add3A_16 = arith.addi %mul3A_2, %add3A_15 : i32
    %mul3A_17 = arith.constant 128 : i32
    %mul3A_18 = arith.muli %add3A_16, %mul3A_17 : i32
    %dma_start3A_19 = arith.constant 0 : i32
    %dma_start3A_20 = tpu.memref_slice %arg4[%mul3A_18, %dma_start3A_19] : memref<65536x64xf32, #tpu.memory_space<hbm>> -> memref<128x64xf32, #tpu.memory_space<hbm>>
    %dma_start3A_21 = arith.constant 0 : i32
    %dma_start3A_22 = tpu.memref_slice %arg4[%mul3A_18, %dma_start3A_21] : memref<65536x64xf32, #tpu.memory_space<hbm>> -> memref<128x64xf32, #tpu.memory_space<hbm>>
    tpu.enqueue_dma source(%arg6 : memref<128x64xf32, #tpu.memory_space<vmem>>) target(%dma_start3A_22 : memref<128x64xf32, #tpu.memory_space<hbm>>) target_semaphore(%arg8 : memref<!tpu.dma_semaphore, #tpu.memory_space<semaphore_mem>>)
    %dma_start3A_23 = arith.constant 1 : i32
    %dma_start3A_24 = arith.constant 0 : i32
    %dma_start3A_25 = tpu.memref_slice %arg5[%dma_start3A_23, %dma_start3A_24] : memref<16x128xi32, #tpu.memory_space<vmem>> -> memref<1x128xi32, #tpu.memory_space<vmem>>
    %dma_start3A_26 = tpu.memref_squeeze %dma_start3A_25 : memref<1x128xi32, #tpu.memory_space<vmem>> -> memref<128xi32, #tpu.memory_space<vmem>>
    %dma_start3A_27 = arith.constant 0 : i32
    %dma_start3A_28 = arith.constant 0 : i32
    %dma_start3A_29 = tpu.memref_slice %arg2[%dma_start3A_27, %dma_start3A_28] : memref<131072x64xf32, #tpu.memory_space<hbm>> -> memref<131072x64xf32, #tpu.memory_space<hbm>>
    tpu.enqueue_indirect_dma source(%dma_start3A_29 : memref<131072x64xf32, #tpu.memory_space<hbm>>) target(%arg7 : memref<128x64xf32, #tpu.memory_space<vmem>>) offsets(%dma_start3A_26 : memref<128xi32, #tpu.memory_space<vmem>>) semaphore(%arg9 : memref<!tpu.dma_semaphore, #tpu.memory_space<semaphore_mem>>)
    %dma_wait3A_30 = arith.constant 1 : i32
    %dma_wait3A_31 = arith.constant 0 : i32
    %dma_wait3A_32 = tpu.memref_slice %arg5[%dma_wait3A_30, %dma_wait3A_31] : memref<16x128xi32, #tpu.memory_space<vmem>> -> memref<1x128xi32, #tpu.memory_space<vmem>>
    %dma_wait3A_33 = tpu.memref_squeeze %dma_wait3A_32 : memref<1x128xi32, #tpu.memory_space<vmem>> -> memref<128xi32, #tpu.memory_space<vmem>>
    %dma_wait3A_34 = arith.constant 0 : i32
    %dma_wait3A_35 = arith.constant 0 : i32
    %dma_wait3A_36 = tpu.memref_slice %arg2[%dma_wait3A_34, %dma_wait3A_35] : memref<131072x64xf32, #tpu.memory_space<hbm>> -> memref<131072x64xf32, #tpu.memory_space<hbm>>
    tpu.wait_indirect_dma semaphore(%arg9 : memref<!tpu.dma_semaphore, #tpu.memory_space<semaphore_mem>>) src(%dma_wait3A_36 : memref<131072x64xf32, #tpu.memory_space<hbm>>) dst(%arg7 : memref<128x64xf32, #tpu.memory_space<vmem>>)
    %add3A_37 = arith.constant 1 : i32
    %add3A_38 = arith.addi %mul3A_2, %add3A_37 : i32
    %mul3A_39 = arith.constant 128 : i32
    %mul3A_40 = arith.muli %add3A_38, %mul3A_39 : i32
    %dma_start3A_41 = arith.constant 0 : i32
    %dma_start3A_42 = tpu.memref_slice %arg4[%mul3A_40, %dma_start3A_41] : memref<65536x64xf32, #tpu.memory_space<hbm>> -> memref<128x64xf32, #tpu.memory_space<hbm>>
    %dma_start3A_43 = arith.constant 0 : i32
    %dma_start3A_44 = tpu.memref_slice %arg4[%mul3A_40, %dma_start3A_43] : memref<65536x64xf32, #tpu.memory_space<hbm>> -> memref<128x64xf32, #tpu.memory_space<hbm>>
    tpu.enqueue_dma source(%arg7 : memref<128x64xf32, #tpu.memory_space<vmem>>) target(%dma_start3A_44 : memref<128x64xf32, #tpu.memory_space<hbm>>) target_semaphore(%arg9 : memref<!tpu.dma_semaphore, #tpu.memory_space<semaphore_mem>>)
    %dma_wait3A_45 = arith.constant 0 : i32
    %dma_wait3A_46 = tpu.memref_slice %arg4[%mul3A_18, %dma_wait3A_45] : memref<65536x64xf32, #tpu.memory_space<hbm>> -> memref<128x64xf32, #tpu.memory_space<hbm>>
    %dma_wait3A_47 = arith.constant 0 : i32
    %dma_wait3A_48 = tpu.memref_slice %arg4[%mul3A_18, %dma_wait3A_47] : memref<65536x64xf32, #tpu.memory_space<hbm>> -> memref<128x64xf32, #tpu.memory_space<hbm>>
    tpu.wait_dma2 semaphore(%arg8 : memref<!tpu.dma_semaphore, #tpu.memory_space<semaphore_mem>>) src(%arg6 : memref<128x64xf32, #tpu.memory_space<vmem>>) dst(%dma_wait3A_48 : memref<128x64xf32, #tpu.memory_space<hbm>>)
    %dma_start3A_49 = arith.constant 2 : i32
    %dma_start3A_50 = arith.constant 0 : i32
    %dma_start3A_51 = tpu.memref_slice %arg5[%dma_start3A_49, %dma_start3A_50] : memref<16x128xi32, #tpu.memory_space<vmem>> -> memref<1x128xi32, #tpu.memory_space<vmem>>
    %dma_start3A_52 = tpu.memref_squeeze %dma_start3A_51 : memref<1x128xi32, #tpu.memory_space<vmem>> -> memref<128xi32, #tpu.memory_space<vmem>>
    %dma_start3A_53 = arith.constant 0 : i32
    %dma_start3A_54 = arith.constant 0 : i32
    %dma_start3A_55 = tpu.memref_slice %arg2[%dma_start3A_53, %dma_start3A_54] : memref<131072x64xf32, #tpu.memory_space<hbm>> -> memref<131072x64xf32, #tpu.memory_space<hbm>>
    tpu.enqueue_indirect_dma source(%dma_start3A_55 : memref<131072x64xf32, #tpu.memory_space<hbm>>) target(%arg6 : memref<128x64xf32, #tpu.memory_space<vmem>>) offsets(%dma_start3A_52 : memref<128xi32, #tpu.memory_space<vmem>>) semaphore(%arg8 : memref<!tpu.dma_semaphore, #tpu.memory_space<semaphore_mem>>)
    %dma_wait3A_56 = arith.constant 2 : i32
    %dma_wait3A_57 = arith.constant 0 : i32
    %dma_wait3A_58 = tpu.memref_slice %arg5[%dma_wait3A_56, %dma_wait3A_57] : memref<16x128xi32, #tpu.memory_space<vmem>> -> memref<1x128xi32, #tpu.memory_space<vmem>>
    %dma_wait3A_59 = tpu.memref_squeeze %dma_wait3A_58 : memref<1x128xi32, #tpu.memory_space<vmem>> -> memref<128xi32, #tpu.memory_space<vmem>>
    %dma_wait3A_60 = arith.constant 0 : i32
    %dma_wait3A_61 = arith.constant 0 : i32
    %dma_wait3A_62 = tpu.memref_slice %arg2[%dma_wait3A_60, %dma_wait3A_61] : memref<131072x64xf32, #tpu.memory_space<hbm>> -> memref<131072x64xf32, #tpu.memory_space<hbm>>
    tpu.wait_indirect_dma semaphore(%arg8 : memref<!tpu.dma_semaphore, #tpu.memory_space<semaphore_mem>>) src(%dma_wait3A_62 : memref<131072x64xf32, #tpu.memory_space<hbm>>) dst(%arg6 : memref<128x64xf32, #tpu.memory_space<vmem>>)
    %add3A_63 = arith.constant 2 : i32
    %add3A_64 = arith.addi %mul3A_2, %add3A_63 : i32
    %mul3A_65 = arith.constant 128 : i32
    %mul3A_66 = arith.muli %add3A_64, %mul3A_65 : i32
    %dma_start3A_67 = arith.constant 0 : i32
    %dma_start3A_68 = tpu.memref_slice %arg4[%mul3A_66, %dma_start3A_67] : memref<65536x64xf32, #tpu.memory_space<hbm>> -> memref<128x64xf32, #tpu.memory_space<hbm>>
    %dma_start3A_69 = arith.constant 0 : i32
    %dma_start3A_70 = tpu.memref_slice %arg4[%mul3A_66, %dma_start3A_69] : memref<65536x64xf32, #tpu.memory_space<hbm>> -> memref<128x64xf32, #tpu.memory_space<hbm>>
    tpu.enqueue_dma source(%arg6 : memref<128x64xf32, #tpu.memory_space<vmem>>) target(%dma_start3A_70 : memref<128x64xf32, #tpu.memory_space<hbm>>) target_semaphore(%arg8 : memref<!tpu.dma_semaphore, #tpu.memory_space<semaphore_mem>>)
    %dma_wait3A_71 = arith.constant 0 : i32
    %dma_wait3A_72 = tpu.memref_slice %arg4[%mul3A_40, %dma_wait3A_71] : memref<65536x64xf32, #tpu.memory_space<hbm>> -> memref<128x64xf32, #tpu.memory_space<hbm>>
    %dma_wait3A_73 = arith.constant 0 : i32
    %dma_wait3A_74 = tpu.memref_slice %arg4[%mul3A_40, %dma_wait3A_73] : memref<65536x64xf32, #tpu.memory_space<hbm>> -> memref<128x64xf32, #tpu.memory_space<hbm>>
    tpu.wait_dma2 semaphore(%arg9 : memref<!tpu.dma_semaphore, #tpu.memory_space<semaphore_mem>>) src(%arg7 : memref<128x64xf32, #tpu.memory_space<vmem>>) dst(%dma_wait3A_74 : memref<128x64xf32, #tpu.memory_space<hbm>>)
    %dma_start3A_75 = arith.constant 3 : i32
    %dma_start3A_76 = arith.constant 0 : i32
    %dma_start3A_77 = tpu.memref_slice %arg5[%dma_start3A_75, %dma_start3A_76] : memref<16x128xi32, #tpu.memory_space<vmem>> -> memref<1x128xi32, #tpu.memory_space<vmem>>
    %dma_start3A_78 = tpu.memref_squeeze %dma_start3A_77 : memref<1x128xi32, #tpu.memory_space<vmem>> -> memref<128xi32, #tpu.memory_space<vmem>>
    %dma_start3A_79 = arith.constant 0 : i32
    %dma_start3A_80 = arith.constant 0 : i32
    %dma_start3A_81 = tpu.memref_slice %arg2[%dma_start3A_79, %dma_start3A_80] : memref<131072x64xf32, #tpu.memory_space<hbm>> -> memref<131072x64xf32, #tpu.memory_space<hbm>>
    tpu.enqueue_indirect_dma source(%dma_start3A_81 : memref<131072x64xf32, #tpu.memory_space<hbm>>) target(%arg7 : memref<128x64xf32, #tpu.memory_space<vmem>>) offsets(%dma_start3A_78 : memref<128xi32, #tpu.memory_space<vmem>>) semaphore(%arg9 : memref<!tpu.dma_semaphore, #tpu.memory_space<semaphore_mem>>)
    %dma_wait3A_82 = arith.constant 3 : i32
    %dma_wait3A_83 = arith.constant 0 : i32
    %dma_wait3A_84 = tpu.memref_slice %arg5[%dma_wait3A_82, %dma_wait3A_83] : memref<16x128xi32, #tpu.memory_space<vmem>> -> memref<1x128xi32, #tpu.memory_space<vmem>>
    %dma_wait3A_85 = tpu.memref_squeeze %dma_wait3A_84 : memref<1x128xi32, #tpu.memory_space<vmem>> -> memref<128xi32, #tpu.memory_space<vmem>>
    %dma_wait3A_86 = arith.constant 0 : i32
    %dma_wait3A_87 = arith.constant 0 : i32
    %dma_wait3A_88 = tpu.memref_slice %arg2[%dma_wait3A_86, %dma_wait3A_87] : memref<131072x64xf32, #tpu.memory_space<hbm>> -> memref<131072x64xf32, #tpu.memory_space<hbm>>
    tpu.wait_indirect_dma semaphore(%arg9 : memref<!tpu.dma_semaphore, #tpu.memory_space<semaphore_mem>>) src(%dma_wait3A_88 : memref<131072x64xf32, #tpu.memory_space<hbm>>) dst(%arg7 : memref<128x64xf32, #tpu.memory_space<vmem>>)
    %add3A_89 = arith.constant 3 : i32
    %add3A_90 = arith.addi %mul3A_2, %add3A_89 : i32
    %mul3A_91 = arith.constant 128 : i32
    %mul3A_92 = arith.muli %add3A_90, %mul3A_91 : i32
    %dma_start3A_93 = arith.constant 0 : i32
    %dma_start3A_94 = tpu.memref_slice %arg4[%mul3A_92, %dma_start3A_93] : memref<65536x64xf32, #tpu.memory_space<hbm>> -> memref<128x64xf32, #tpu.memory_space<hbm>>
    %dma_start3A_95 = arith.constant 0 : i32
    %dma_start3A_96 = tpu.memref_slice %arg4[%mul3A_92, %dma_start3A_95] : memref<65536x64xf32, #tpu.memory_space<hbm>> -> memref<128x64xf32, #tpu.memory_space<hbm>>
    tpu.enqueue_dma source(%arg7 : memref<128x64xf32, #tpu.memory_space<vmem>>) target(%dma_start3A_96 : memref<128x64xf32, #tpu.memory_space<hbm>>) target_semaphore(%arg9 : memref<!tpu.dma_semaphore, #tpu.memory_space<semaphore_mem>>)
    %dma_wait3A_97 = arith.constant 0 : i32
    %dma_wait3A_98 = tpu.memref_slice %arg4[%mul3A_66, %dma_wait3A_97] : memref<65536x64xf32, #tpu.memory_space<hbm>> -> memref<128x64xf32, #tpu.memory_space<hbm>>
    %dma_wait3A_99 = arith.constant 0 : i32
    %dma_wait3A_100 = tpu.memref_slice %arg4[%mul3A_66, %dma_wait3A_99] : memref<65536x64xf32, #tpu.memory_space<hbm>> -> memref<128x64xf32, #tpu.memory_space<hbm>>
    tpu.wait_dma2 semaphore(%arg8 : memref<!tpu.dma_semaphore, #tpu.memory_space<semaphore_mem>>) src(%arg6 : memref<128x64xf32, #tpu.memory_space<vmem>>) dst(%dma_wait3A_100 : memref<128x64xf32, #tpu.memory_space<hbm>>)
    %dma_start3A_101 = arith.constant 4 : i32
    %dma_start3A_102 = arith.constant 0 : i32
    %dma_start3A_103 = tpu.memref_slice %arg5[%dma_start3A_101, %dma_start3A_102] : memref<16x128xi32, #tpu.memory_space<vmem>> -> memref<1x128xi32, #tpu.memory_space<vmem>>
    %dma_start3A_104 = tpu.memref_squeeze %dma_start3A_103 : memref<1x128xi32, #tpu.memory_space<vmem>> -> memref<128xi32, #tpu.memory_space<vmem>>
    %dma_start3A_105 = arith.constant 0 : i32
    %dma_start3A_106 = arith.constant 0 : i32
    %dma_start3A_107 = tpu.memref_slice %arg2[%dma_start3A_105, %dma_start3A_106] : memref<131072x64xf32, #tpu.memory_space<hbm>> -> memref<131072x64xf32, #tpu.memory_space<hbm>>
    tpu.enqueue_indirect_dma source(%dma_start3A_107 : memref<131072x64xf32, #tpu.memory_space<hbm>>) target(%arg6 : memref<128x64xf32, #tpu.memory_space<vmem>>) offsets(%dma_start3A_104 : memref<128xi32, #tpu.memory_space<vmem>>) semaphore(%arg8 : memref<!tpu.dma_semaphore, #tpu.memory_space<semaphore_mem>>)
    %dma_wait3A_108 = arith.constant 4 : i32
    %dma_wait3A_109 = arith.constant 0 : i32
    %dma_wait3A_110 = tpu.memref_slice %arg5[%dma_wait3A_108, %dma_wait3A_109] : memref<16x128xi32, #tpu.memory_space<vmem>> -> memref<1x128xi32, #tpu.memory_space<vmem>>
    %dma_wait3A_111 = tpu.memref_squeeze %dma_wait3A_110 : memref<1x128xi32, #tpu.memory_space<vmem>> -> memref<128xi32, #tpu.memory_space<vmem>>
    %dma_wait3A_112 = arith.constant 0 : i32
    %dma_wait3A_113 = arith.constant 0 : i32
    %dma_wait3A_114 = tpu.memref_slice %arg2[%dma_wait3A_112, %dma_wait3A_113] : memref<131072x64xf32, #tpu.memory_space<hbm>> -> memref<131072x64xf32, #tpu.memory_space<hbm>>
    tpu.wait_indirect_dma semaphore(%arg8 : memref<!tpu.dma_semaphore, #tpu.memory_space<semaphore_mem>>) src(%dma_wait3A_114 : memref<131072x64xf32, #tpu.memory_space<hbm>>) dst(%arg6 : memref<128x64xf32, #tpu.memory_space<vmem>>)
    %add3A_115 = arith.constant 4 : i32
    %add3A_116 = arith.addi %mul3A_2, %add3A_115 : i32
    %mul3A_117 = arith.constant 128 : i32
    %mul3A_118 = arith.muli %add3A_116, %mul3A_117 : i32
    %dma_start3A_119 = arith.constant 0 : i32
    %dma_start3A_120 = tpu.memref_slice %arg4[%mul3A_118, %dma_start3A_119] : memref<65536x64xf32, #tpu.memory_space<hbm>> -> memref<128x64xf32, #tpu.memory_space<hbm>>
    %dma_start3A_121 = arith.constant 0 : i32
    %dma_start3A_122 = tpu.memref_slice %arg4[%mul3A_118, %dma_start3A_121] : memref<65536x64xf32, #tpu.memory_space<hbm>> -> memref<128x64xf32, #tpu.memory_space<hbm>>
    tpu.enqueue_dma source(%arg6 : memref<128x64xf32, #tpu.memory_space<vmem>>) target(%dma_start3A_122 : memref<128x64xf32, #tpu.memory_space<hbm>>) target_semaphore(%arg8 : memref<!tpu.dma_semaphore, #tpu.memory_space<semaphore_mem>>)
    %dma_wait3A_123 = arith.constant 0 : i32
    %dma_wait3A_124 = tpu.memref_slice %arg4[%mul3A_92, %dma_wait3A_123] : memref<65536x64xf32, #tpu.memory_space<hbm>> -> memref<128x64xf32, #tpu.memory_space<hbm>>
    %dma_wait3A_125 = arith.constant 0 : i32
    %dma_wait3A_126 = tpu.memref_slice %arg4[%mul3A_92, %dma_wait3A_125] : memref<65536x64xf32, #tpu.memory_space<hbm>> -> memref<128x64xf32, #tpu.memory_space<hbm>>
    tpu.wait_dma2 semaphore(%arg9 : memref<!tpu.dma_semaphore, #tpu.memory_space<semaphore_mem>>) src(%arg7 : memref<128x64xf32, #tpu.memory_space<vmem>>) dst(%dma_wait3A_126 : memref<128x64xf32, #tpu.memory_space<hbm>>)
    %dma_start3A_127 = arith.constant 5 : i32
    %dma_start3A_128 = arith.constant 0 : i32
    %dma_start3A_129 = tpu.memref_slice %arg5[%dma_start3A_127, %dma_start3A_128] : memref<16x128xi32, #tpu.memory_space<vmem>> -> memref<1x128xi32, #tpu.memory_space<vmem>>
    %dma_start3A_130 = tpu.memref_squeeze %dma_start3A_129 : memref<1x128xi32, #tpu.memory_space<vmem>> -> memref<128xi32, #tpu.memory_space<vmem>>
    %dma_start3A_131 = arith.constant 0 : i32
    %dma_start3A_132 = arith.constant 0 : i32
    %dma_start3A_133 = tpu.memref_slice %arg2[%dma_start3A_131, %dma_start3A_132] : memref<131072x64xf32, #tpu.memory_space<hbm>> -> memref<131072x64xf32, #tpu.memory_space<hbm>>
    tpu.enqueue_indirect_dma source(%dma_start3A_133 : memref<131072x64xf32, #tpu.memory_space<hbm>>) target(%arg7 : memref<128x64xf32, #tpu.memory_space<vmem>>) offsets(%dma_start3A_130 : memref<128xi32, #tpu.memory_space<vmem>>) semaphore(%arg9 : memref<!tpu.dma_semaphore, #tpu.memory_space<semaphore_mem>>)
    %dma_wait3A_134 = arith.constant 5 : i32
    %dma_wait3A_135 = arith.constant 0 : i32
    %dma_wait3A_136 = tpu.memref_slice %arg5[%dma_wait3A_134, %dma_wait3A_135] : memref<16x128xi32, #tpu.memory_space<vmem>> -> memref<1x128xi32, #tpu.memory_space<vmem>>
    %dma_wait3A_137 = tpu.memref_squeeze %dma_wait3A_136 : memref<1x128xi32, #tpu.memory_space<vmem>> -> memref<128xi32, #tpu.memory_space<vmem>>
    %dma_wait3A_138 = arith.constant 0 : i32
    %dma_wait3A_139 = arith.constant 0 : i32
    %dma_wait3A_140 = tpu.memref_slice %arg2[%dma_wait3A_138, %dma_wait3A_139] : memref<131072x64xf32, #tpu.memory_space<hbm>> -> memref<131072x64xf32, #tpu.memory_space<hbm>>
    tpu.wait_indirect_dma semaphore(%arg9 : memref<!tpu.dma_semaphore, #tpu.memory_space<semaphore_mem>>) src(%dma_wait3A_140 : memref<131072x64xf32, #tpu.memory_space<hbm>>) dst(%arg7 : memref<128x64xf32, #tpu.memory_space<vmem>>)
    %add3A_141 = arith.constant 5 : i32
    %add3A_142 = arith.addi %mul3A_2, %add3A_141 : i32
    %mul3A_143 = arith.constant 128 : i32
    %mul3A_144 = arith.muli %add3A_142, %mul3A_143 : i32
    %dma_start3A_145 = arith.constant 0 : i32
    %dma_start3A_146 = tpu.memref_slice %arg4[%mul3A_144, %dma_start3A_145] : memref<65536x64xf32, #tpu.memory_space<hbm>> -> memref<128x64xf32, #tpu.memory_space<hbm>>
    %dma_start3A_147 = arith.constant 0 : i32
    %dma_start3A_148 = tpu.memref_slice %arg4[%mul3A_144, %dma_start3A_147] : memref<65536x64xf32, #tpu.memory_space<hbm>> -> memref<128x64xf32, #tpu.memory_space<hbm>>
    tpu.enqueue_dma source(%arg7 : memref<128x64xf32, #tpu.memory_space<vmem>>) target(%dma_start3A_148 : memref<128x64xf32, #tpu.memory_space<hbm>>) target_semaphore(%arg9 : memref<!tpu.dma_semaphore, #tpu.memory_space<semaphore_mem>>)
    %dma_wait3A_149 = arith.constant 0 : i32
    %dma_wait3A_150 = tpu.memref_slice %arg4[%mul3A_118, %dma_wait3A_149] : memref<65536x64xf32, #tpu.memory_space<hbm>> -> memref<128x64xf32, #tpu.memory_space<hbm>>
    %dma_wait3A_151 = arith.constant 0 : i32
    %dma_wait3A_152 = tpu.memref_slice %arg4[%mul3A_118, %dma_wait3A_151] : memref<65536x64xf32, #tpu.memory_space<hbm>> -> memref<128x64xf32, #tpu.memory_space<hbm>>
    tpu.wait_dma2 semaphore(%arg8 : memref<!tpu.dma_semaphore, #tpu.memory_space<semaphore_mem>>) src(%arg6 : memref<128x64xf32, #tpu.memory_space<vmem>>) dst(%dma_wait3A_152 : memref<128x64xf32, #tpu.memory_space<hbm>>)
    %dma_start3A_153 = arith.constant 6 : i32
    %dma_start3A_154 = arith.constant 0 : i32
    %dma_start3A_155 = tpu.memref_slice %arg5[%dma_start3A_153, %dma_start3A_154] : memref<16x128xi32, #tpu.memory_space<vmem>> -> memref<1x128xi32, #tpu.memory_space<vmem>>
    %dma_start3A_156 = tpu.memref_squeeze %dma_start3A_155 : memref<1x128xi32, #tpu.memory_space<vmem>> -> memref<128xi32, #tpu.memory_space<vmem>>
    %dma_start3A_157 = arith.constant 0 : i32
    %dma_start3A_158 = arith.constant 0 : i32
    %dma_start3A_159 = tpu.memref_slice %arg2[%dma_start3A_157, %dma_start3A_158] : memref<131072x64xf32, #tpu.memory_space<hbm>> -> memref<131072x64xf32, #tpu.memory_space<hbm>>
    tpu.enqueue_indirect_dma source(%dma_start3A_159 : memref<131072x64xf32, #tpu.memory_space<hbm>>) target(%arg6 : memref<128x64xf32, #tpu.memory_space<vmem>>) offsets(%dma_start3A_156 : memref<128xi32, #tpu.memory_space<vmem>>) semaphore(%arg8 : memref<!tpu.dma_semaphore, #tpu.memory_space<semaphore_mem>>)
    %dma_wait3A_160 = arith.constant 6 : i32
    %dma_wait3A_161 = arith.constant 0 : i32
    %dma_wait3A_162 = tpu.memref_slice %arg5[%dma_wait3A_160, %dma_wait3A_161] : memref<16x128xi32, #tpu.memory_space<vmem>> -> memref<1x128xi32, #tpu.memory_space<vmem>>
    %dma_wait3A_163 = tpu.memref_squeeze %dma_wait3A_162 : memref<1x128xi32, #tpu.memory_space<vmem>> -> memref<128xi32, #tpu.memory_space<vmem>>
    %dma_wait3A_164 = arith.constant 0 : i32
    %dma_wait3A_165 = arith.constant 0 : i32
    %dma_wait3A_166 = tpu.memref_slice %arg2[%dma_wait3A_164, %dma_wait3A_165] : memref<131072x64xf32, #tpu.memory_space<hbm>> -> memref<131072x64xf32, #tpu.memory_space<hbm>>
    tpu.wait_indirect_dma semaphore(%arg8 : memref<!tpu.dma_semaphore, #tpu.memory_space<semaphore_mem>>) src(%dma_wait3A_166 : memref<131072x64xf32, #tpu.memory_space<hbm>>) dst(%arg6 : memref<128x64xf32, #tpu.memory_space<vmem>>)
    %add3A_167 = arith.constant 6 : i32
    %add3A_168 = arith.addi %mul3A_2, %add3A_167 : i32
    %mul3A_169 = arith.constant 128 : i32
    %mul3A_170 = arith.muli %add3A_168, %mul3A_169 : i32
    %dma_start3A_171 = arith.constant 0 : i32
    %dma_start3A_172 = tpu.memref_slice %arg4[%mul3A_170, %dma_start3A_171] : memref<65536x64xf32, #tpu.memory_space<hbm>> -> memref<128x64xf32, #tpu.memory_space<hbm>>
    %dma_start3A_173 = arith.constant 0 : i32
    %dma_start3A_174 = tpu.memref_slice %arg4[%mul3A_170, %dma_start3A_173] : memref<65536x64xf32, #tpu.memory_space<hbm>> -> memref<128x64xf32, #tpu.memory_space<hbm>>
    tpu.enqueue_dma source(%arg6 : memref<128x64xf32, #tpu.memory_space<vmem>>) target(%dma_start3A_174 : memref<128x64xf32, #tpu.memory_space<hbm>>) target_semaphore(%arg8 : memref<!tpu.dma_semaphore, #tpu.memory_space<semaphore_mem>>)
    %dma_wait3A_175 = arith.constant 0 : i32
    %dma_wait3A_176 = tpu.memref_slice %arg4[%mul3A_144, %dma_wait3A_175] : memref<65536x64xf32, #tpu.memory_space<hbm>> -> memref<128x64xf32, #tpu.memory_space<hbm>>
    %dma_wait3A_177 = arith.constant 0 : i32
    %dma_wait3A_178 = tpu.memref_slice %arg4[%mul3A_144, %dma_wait3A_177] : memref<65536x64xf32, #tpu.memory_space<hbm>> -> memref<128x64xf32, #tpu.memory_space<hbm>>
    tpu.wait_dma2 semaphore(%arg9 : memref<!tpu.dma_semaphore, #tpu.memory_space<semaphore_mem>>) src(%arg7 : memref<128x64xf32, #tpu.memory_space<vmem>>) dst(%dma_wait3A_178 : memref<128x64xf32, #tpu.memory_space<hbm>>)
    %dma_start3A_179 = arith.constant 7 : i32
    %dma_start3A_180 = arith.constant 0 : i32
    %dma_start3A_181 = tpu.memref_slice %arg5[%dma_start3A_179, %dma_start3A_180] : memref<16x128xi32, #tpu.memory_space<vmem>> -> memref<1x128xi32, #tpu.memory_space<vmem>>
    %dma_start3A_182 = tpu.memref_squeeze %dma_start3A_181 : memref<1x128xi32, #tpu.memory_space<vmem>> -> memref<128xi32, #tpu.memory_space<vmem>>
    %dma_start3A_183 = arith.constant 0 : i32
    %dma_start3A_184 = arith.constant 0 : i32
    %dma_start3A_185 = tpu.memref_slice %arg2[%dma_start3A_183, %dma_start3A_184] : memref<131072x64xf32, #tpu.memory_space<hbm>> -> memref<131072x64xf32, #tpu.memory_space<hbm>>
    tpu.enqueue_indirect_dma source(%dma_start3A_185 : memref<131072x64xf32, #tpu.memory_space<hbm>>) target(%arg7 : memref<128x64xf32, #tpu.memory_space<vmem>>) offsets(%dma_start3A_182 : memref<128xi32, #tpu.memory_space<vmem>>) semaphore(%arg9 : memref<!tpu.dma_semaphore, #tpu.memory_space<semaphore_mem>>)
    %dma_wait3A_186 = arith.constant 7 : i32
    %dma_wait3A_187 = arith.constant 0 : i32
    %dma_wait3A_188 = tpu.memref_slice %arg5[%dma_wait3A_186, %dma_wait3A_187] : memref<16x128xi32, #tpu.memory_space<vmem>> -> memref<1x128xi32, #tpu.memory_space<vmem>>
    %dma_wait3A_189 = tpu.memref_squeeze %dma_wait3A_188 : memref<1x128xi32, #tpu.memory_space<vmem>> -> memref<128xi32, #tpu.memory_space<vmem>>
    %dma_wait3A_190 = arith.constant 0 : i32
    %dma_wait3A_191 = arith.constant 0 : i32
    %dma_wait3A_192 = tpu.memref_slice %arg2[%dma_wait3A_190, %dma_wait3A_191] : memref<131072x64xf32, #tpu.memory_space<hbm>> -> memref<131072x64xf32, #tpu.memory_space<hbm>>
    tpu.wait_indirect_dma semaphore(%arg9 : memref<!tpu.dma_semaphore, #tpu.memory_space<semaphore_mem>>) src(%dma_wait3A_192 : memref<131072x64xf32, #tpu.memory_space<hbm>>) dst(%arg7 : memref<128x64xf32, #tpu.memory_space<vmem>>)
    %add3A_193 = arith.constant 7 : i32
    %add3A_194 = arith.addi %mul3A_2, %add3A_193 : i32
    %mul3A_195 = arith.constant 128 : i32
    %mul3A_196 = arith.muli %add3A_194, %mul3A_195 : i32
    %dma_start3A_197 = arith.constant 0 : i32
    %dma_start3A_198 = tpu.memref_slice %arg4[%mul3A_196, %dma_start3A_197] : memref<65536x64xf32, #tpu.memory_space<hbm>> -> memref<128x64xf32, #tpu.memory_space<hbm>>
    %dma_start3A_199 = arith.constant 0 : i32
    %dma_start3A_200 = tpu.memref_slice %arg4[%mul3A_196, %dma_start3A_199] : memref<65536x64xf32, #tpu.memory_space<hbm>> -> memref<128x64xf32, #tpu.memory_space<hbm>>
    tpu.enqueue_dma source(%arg7 : memref<128x64xf32, #tpu.memory_space<vmem>>) target(%dma_start3A_200 : memref<128x64xf32, #tpu.memory_space<hbm>>) target_semaphore(%arg9 : memref<!tpu.dma_semaphore, #tpu.memory_space<semaphore_mem>>)
    %dma_wait3A_201 = arith.constant 0 : i32
    %dma_wait3A_202 = tpu.memref_slice %arg4[%mul3A_170, %dma_wait3A_201] : memref<65536x64xf32, #tpu.memory_space<hbm>> -> memref<128x64xf32, #tpu.memory_space<hbm>>
    %dma_wait3A_203 = arith.constant 0 : i32
    %dma_wait3A_204 = tpu.memref_slice %arg4[%mul3A_170, %dma_wait3A_203] : memref<65536x64xf32, #tpu.memory_space<hbm>> -> memref<128x64xf32, #tpu.memory_space<hbm>>
    tpu.wait_dma2 semaphore(%arg8 : memref<!tpu.dma_semaphore, #tpu.memory_space<semaphore_mem>>) src(%arg6 : memref<128x64xf32, #tpu.memory_space<vmem>>) dst(%dma_wait3A_204 : memref<128x64xf32, #tpu.memory_space<hbm>>)
    %dma_start3A_205 = arith.constant 8 : i32
    %dma_start3A_206 = arith.constant 0 : i32
    %dma_start3A_207 = tpu.memref_slice %arg5[%dma_start3A_205, %dma_start3A_206] : memref<16x128xi32, #tpu.memory_space<vmem>> -> memref<1x128xi32, #tpu.memory_space<vmem>>
    %dma_start3A_208 = tpu.memref_squeeze %dma_start3A_207 : memref<1x128xi32, #tpu.memory_space<vmem>> -> memref<128xi32, #tpu.memory_space<vmem>>
    %dma_start3A_209 = arith.constant 0 : i32
    %dma_start3A_210 = arith.constant 0 : i32
    %dma_start3A_211 = tpu.memref_slice %arg2[%dma_start3A_209, %dma_start3A_210] : memref<131072x64xf32, #tpu.memory_space<hbm>> -> memref<131072x64xf32, #tpu.memory_space<hbm>>
    tpu.enqueue_indirect_dma source(%dma_start3A_211 : memref<131072x64xf32, #tpu.memory_space<hbm>>) target(%arg6 : memref<128x64xf32, #tpu.memory_space<vmem>>) offsets(%dma_start3A_208 : memref<128xi32, #tpu.memory_space<vmem>>) semaphore(%arg8 : memref<!tpu.dma_semaphore, #tpu.memory_space<semaphore_mem>>)
    %dma_wait3A_212 = arith.constant 8 : i32
    %dma_wait3A_213 = arith.constant 0 : i32
    %dma_wait3A_214 = tpu.memref_slice %arg5[%dma_wait3A_212, %dma_wait3A_213] : memref<16x128xi32, #tpu.memory_space<vmem>> -> memref<1x128xi32, #tpu.memory_space<vmem>>
    %dma_wait3A_215 = tpu.memref_squeeze %dma_wait3A_214 : memref<1x128xi32, #tpu.memory_space<vmem>> -> memref<128xi32, #tpu.memory_space<vmem>>
    %dma_wait3A_216 = arith.constant 0 : i32
    %dma_wait3A_217 = arith.constant 0 : i32
    %dma_wait3A_218 = tpu.memref_slice %arg2[%dma_wait3A_216, %dma_wait3A_217] : memref<131072x64xf32, #tpu.memory_space<hbm>> -> memref<131072x64xf32, #tpu.memory_space<hbm>>
    tpu.wait_indirect_dma semaphore(%arg8 : memref<!tpu.dma_semaphore, #tpu.memory_space<semaphore_mem>>) src(%dma_wait3A_218 : memref<131072x64xf32, #tpu.memory_space<hbm>>) dst(%arg6 : memref<128x64xf32, #tpu.memory_space<vmem>>)
    %add3A_219 = arith.constant 8 : i32
    %add3A_220 = arith.addi %mul3A_2, %add3A_219 : i32
    %mul3A_221 = arith.constant 128 : i32
    %mul3A_222 = arith.muli %add3A_220, %mul3A_221 : i32
    %dma_start3A_223 = arith.constant 0 : i32
    %dma_start3A_224 = tpu.memref_slice %arg4[%mul3A_222, %dma_start3A_223] : memref<65536x64xf32, #tpu.memory_space<hbm>> -> memref<128x64xf32, #tpu.memory_space<hbm>>
    %dma_start3A_225 = arith.constant 0 : i32
    %dma_start3A_226 = tpu.memref_slice %arg4[%mul3A_222, %dma_start3A_225] : memref<65536x64xf32, #tpu.memory_space<hbm>> -> memref<128x64xf32, #tpu.memory_space<hbm>>
    tpu.enqueue_dma source(%arg6 : memref<128x64xf32, #tpu.memory_space<vmem>>) target(%dma_start3A_226 : memref<128x64xf32, #tpu.memory_space<hbm>>) target_semaphore(%arg8 : memref<!tpu.dma_semaphore, #tpu.memory_space<semaphore_mem>>)
    %dma_wait3A_227 = arith.constant 0 : i32
    %dma_wait3A_228 = tpu.memref_slice %arg4[%mul3A_196, %dma_wait3A_227] : memref<65536x64xf32, #tpu.memory_space<hbm>> -> memref<128x64xf32, #tpu.memory_space<hbm>>
    %dma_wait3A_229 = arith.constant 0 : i32
    %dma_wait3A_230 = tpu.memref_slice %arg4[%mul3A_196, %dma_wait3A_229] : memref<65536x64xf32, #tpu.memory_space<hbm>> -> memref<128x64xf32, #tpu.memory_space<hbm>>
    tpu.wait_dma2 semaphore(%arg9 : memref<!tpu.dma_semaphore, #tpu.memory_space<semaphore_mem>>) src(%arg7 : memref<128x64xf32, #tpu.memory_space<vmem>>) dst(%dma_wait3A_230 : memref<128x64xf32, #tpu.memory_space<hbm>>)
    %dma_start3A_231 = arith.constant 9 : i32
    %dma_start3A_232 = arith.constant 0 : i32
    %dma_start3A_233 = tpu.memref_slice %arg5[%dma_start3A_231, %dma_start3A_232] : memref<16x128xi32, #tpu.memory_space<vmem>> -> memref<1x128xi32, #tpu.memory_space<vmem>>
    %dma_start3A_234 = tpu.memref_squeeze %dma_start3A_233 : memref<1x128xi32, #tpu.memory_space<vmem>> -> memref<128xi32, #tpu.memory_space<vmem>>
    %dma_start3A_235 = arith.constant 0 : i32
    %dma_start3A_236 = arith.constant 0 : i32
    %dma_start3A_237 = tpu.memref_slice %arg2[%dma_start3A_235, %dma_start3A_236] : memref<131072x64xf32, #tpu.memory_space<hbm>> -> memref<131072x64xf32, #tpu.memory_space<hbm>>
    tpu.enqueue_indirect_dma source(%dma_start3A_237 : memref<131072x64xf32, #tpu.memory_space<hbm>>) target(%arg7 : memref<128x64xf32, #tpu.memory_space<vmem>>) offsets(%dma_start3A_234 : memref<128xi32, #tpu.memory_space<vmem>>) semaphore(%arg9 : memref<!tpu.dma_semaphore, #tpu.memory_space<semaphore_mem>>)
    %dma_wait3A_238 = arith.constant 9 : i32
    %dma_wait3A_239 = arith.constant 0 : i32
    %dma_wait3A_240 = tpu.memref_slice %arg5[%dma_wait3A_238, %dma_wait3A_239] : memref<16x128xi32, #tpu.memory_space<vmem>> -> memref<1x128xi32, #tpu.memory_space<vmem>>
    %dma_wait3A_241 = tpu.memref_squeeze %dma_wait3A_240 : memref<1x128xi32, #tpu.memory_space<vmem>> -> memref<128xi32, #tpu.memory_space<vmem>>
    %dma_wait3A_242 = arith.constant 0 : i32
    %dma_wait3A_243 = arith.constant 0 : i32
    %dma_wait3A_244 = tpu.memref_slice %arg2[%dma_wait3A_242, %dma_wait3A_243] : memref<131072x64xf32, #tpu.memory_space<hbm>> -> memref<131072x64xf32, #tpu.memory_space<hbm>>
    tpu.wait_indirect_dma semaphore(%arg9 : memref<!tpu.dma_semaphore, #tpu.memory_space<semaphore_mem>>) src(%dma_wait3A_244 : memref<131072x64xf32, #tpu.memory_space<hbm>>) dst(%arg7 : memref<128x64xf32, #tpu.memory_space<vmem>>)
    %add3A_245 = arith.constant 9 : i32
    %add3A_246 = arith.addi %mul3A_2, %add3A_245 : i32
    %mul3A_247 = arith.constant 128 : i32
    %mul3A_248 = arith.muli %add3A_246, %mul3A_247 : i32
    %dma_start3A_249 = arith.constant 0 : i32
    %dma_start3A_250 = tpu.memref_slice %arg4[%mul3A_248, %dma_start3A_249] : memref<65536x64xf32, #tpu.memory_space<hbm>> -> memref<128x64xf32, #tpu.memory_space<hbm>>
    %dma_start3A_251 = arith.constant 0 : i32
    %dma_start3A_252 = tpu.memref_slice %arg4[%mul3A_248, %dma_start3A_251] : memref<65536x64xf32, #tpu.memory_space<hbm>> -> memref<128x64xf32, #tpu.memory_space<hbm>>
    tpu.enqueue_dma source(%arg7 : memref<128x64xf32, #tpu.memory_space<vmem>>) target(%dma_start3A_252 : memref<128x64xf32, #tpu.memory_space<hbm>>) target_semaphore(%arg9 : memref<!tpu.dma_semaphore, #tpu.memory_space<semaphore_mem>>)
    %dma_wait3A_253 = arith.constant 0 : i32
    %dma_wait3A_254 = tpu.memref_slice %arg4[%mul3A_222, %dma_wait3A_253] : memref<65536x64xf32, #tpu.memory_space<hbm>> -> memref<128x64xf32, #tpu.memory_space<hbm>>
    %dma_wait3A_255 = arith.constant 0 : i32
    %dma_wait3A_256 = tpu.memref_slice %arg4[%mul3A_222, %dma_wait3A_255] : memref<65536x64xf32, #tpu.memory_space<hbm>> -> memref<128x64xf32, #tpu.memory_space<hbm>>
    tpu.wait_dma2 semaphore(%arg8 : memref<!tpu.dma_semaphore, #tpu.memory_space<semaphore_mem>>) src(%arg6 : memref<128x64xf32, #tpu.memory_space<vmem>>) dst(%dma_wait3A_256 : memref<128x64xf32, #tpu.memory_space<hbm>>)
    %dma_start3A_257 = arith.constant 10 : i32
    %dma_start3A_258 = arith.constant 0 : i32
    %dma_start3A_259 = tpu.memref_slice %arg5[%dma_start3A_257, %dma_start3A_258] : memref<16x128xi32, #tpu.memory_space<vmem>> -> memref<1x128xi32, #tpu.memory_space<vmem>>
    %dma_start3A_260 = tpu.memref_squeeze %dma_start3A_259 : memref<1x128xi32, #tpu.memory_space<vmem>> -> memref<128xi32, #tpu.memory_space<vmem>>
    %dma_start3A_261 = arith.constant 0 : i32
    %dma_start3A_262 = arith.constant 0 : i32
    %dma_start3A_263 = tpu.memref_slice %arg2[%dma_start3A_261, %dma_start3A_262] : memref<131072x64xf32, #tpu.memory_space<hbm>> -> memref<131072x64xf32, #tpu.memory_space<hbm>>
    tpu.enqueue_indirect_dma source(%dma_start3A_263 : memref<131072x64xf32, #tpu.memory_space<hbm>>) target(%arg6 : memref<128x64xf32, #tpu.memory_space<vmem>>) offsets(%dma_start3A_260 : memref<128xi32, #tpu.memory_space<vmem>>) semaphore(%arg8 : memref<!tpu.dma_semaphore, #tpu.memory_space<semaphore_mem>>)
    %dma_wait3A_264 = arith.constant 10 : i32
    %dma_wait3A_265 = arith.constant 0 : i32
    %dma_wait3A_266 = tpu.memref_slice %arg5[%dma_wait3A_264, %dma_wait3A_265] : memref<16x128xi32, #tpu.memory_space<vmem>> -> memref<1x128xi32, #tpu.memory_space<vmem>>
    %dma_wait3A_267 = tpu.memref_squeeze %dma_wait3A_266 : memref<1x128xi32, #tpu.memory_space<vmem>> -> memref<128xi32, #tpu.memory_space<vmem>>
    %dma_wait3A_268 = arith.constant 0 : i32
    %dma_wait3A_269 = arith.constant 0 : i32
    %dma_wait3A_270 = tpu.memref_slice %arg2[%dma_wait3A_268, %dma_wait3A_269] : memref<131072x64xf32, #tpu.memory_space<hbm>> -> memref<131072x64xf32, #tpu.memory_space<hbm>>
    tpu.wait_indirect_dma semaphore(%arg8 : memref<!tpu.dma_semaphore, #tpu.memory_space<semaphore_mem>>) src(%dma_wait3A_270 : memref<131072x64xf32, #tpu.memory_space<hbm>>) dst(%arg6 : memref<128x64xf32, #tpu.memory_space<vmem>>)
    %add3A_271 = arith.constant 10 : i32
    %add3A_272 = arith.addi %mul3A_2, %add3A_271 : i32
    %mul3A_273 = arith.constant 128 : i32
    %mul3A_274 = arith.muli %add3A_272, %mul3A_273 : i32
    %dma_start3A_275 = arith.constant 0 : i32
    %dma_start3A_276 = tpu.memref_slice %arg4[%mul3A_274, %dma_start3A_275] : memref<65536x64xf32, #tpu.memory_space<hbm>> -> memref<128x64xf32, #tpu.memory_space<hbm>>
    %dma_start3A_277 = arith.constant 0 : i32
    %dma_start3A_278 = tpu.memref_slice %arg4[%mul3A_274, %dma_start3A_277] : memref<65536x64xf32, #tpu.memory_space<hbm>> -> memref<128x64xf32, #tpu.memory_space<hbm>>
    tpu.enqueue_dma source(%arg6 : memref<128x64xf32, #tpu.memory_space<vmem>>) target(%dma_start3A_278 : memref<128x64xf32, #tpu.memory_space<hbm>>) target_semaphore(%arg8 : memref<!tpu.dma_semaphore, #tpu.memory_space<semaphore_mem>>)
    %dma_wait3A_279 = arith.constant 0 : i32
    %dma_wait3A_280 = tpu.memref_slice %arg4[%mul3A_248, %dma_wait3A_279] : memref<65536x64xf32, #tpu.memory_space<hbm>> -> memref<128x64xf32, #tpu.memory_space<hbm>>
    %dma_wait3A_281 = arith.constant 0 : i32
    %dma_wait3A_282 = tpu.memref_slice %arg4[%mul3A_248, %dma_wait3A_281] : memref<65536x64xf32, #tpu.memory_space<hbm>> -> memref<128x64xf32, #tpu.memory_space<hbm>>
    tpu.wait_dma2 semaphore(%arg9 : memref<!tpu.dma_semaphore, #tpu.memory_space<semaphore_mem>>) src(%arg7 : memref<128x64xf32, #tpu.memory_space<vmem>>) dst(%dma_wait3A_282 : memref<128x64xf32, #tpu.memory_space<hbm>>)
    %dma_start3A_283 = arith.constant 11 : i32
    %dma_start3A_284 = arith.constant 0 : i32
    %dma_start3A_285 = tpu.memref_slice %arg5[%dma_start3A_283, %dma_start3A_284] : memref<16x128xi32, #tpu.memory_space<vmem>> -> memref<1x128xi32, #tpu.memory_space<vmem>>
    %dma_start3A_286 = tpu.memref_squeeze %dma_start3A_285 : memref<1x128xi32, #tpu.memory_space<vmem>> -> memref<128xi32, #tpu.memory_space<vmem>>
    %dma_start3A_287 = arith.constant 0 : i32
    %dma_start3A_288 = arith.constant 0 : i32
    %dma_start3A_289 = tpu.memref_slice %arg2[%dma_start3A_287, %dma_start3A_288] : memref<131072x64xf32, #tpu.memory_space<hbm>> -> memref<131072x64xf32, #tpu.memory_space<hbm>>
    tpu.enqueue_indirect_dma source(%dma_start3A_289 : memref<131072x64xf32, #tpu.memory_space<hbm>>) target(%arg7 : memref<128x64xf32, #tpu.memory_space<vmem>>) offsets(%dma_start3A_286 : memref<128xi32, #tpu.memory_space<vmem>>) semaphore(%arg9 : memref<!tpu.dma_semaphore, #tpu.memory_space<semaphore_mem>>)
    %dma_wait3A_290 = arith.constant 11 : i32
    %dma_wait3A_291 = arith.constant 0 : i32
    %dma_wait3A_292 = tpu.memref_slice %arg5[%dma_wait3A_290, %dma_wait3A_291] : memref<16x128xi32, #tpu.memory_space<vmem>> -> memref<1x128xi32, #tpu.memory_space<vmem>>
    %dma_wait3A_293 = tpu.memref_squeeze %dma_wait3A_292 : memref<1x128xi32, #tpu.memory_space<vmem>> -> memref<128xi32, #tpu.memory_space<vmem>>
    %dma_wait3A_294 = arith.constant 0 : i32
    %dma_wait3A_295 = arith.constant 0 : i32
    %dma_wait3A_296 = tpu.memref_slice %arg2[%dma_wait3A_294, %dma_wait3A_295] : memref<131072x64xf32, #tpu.memory_space<hbm>> -> memref<131072x64xf32, #tpu.memory_space<hbm>>
    tpu.wait_indirect_dma semaphore(%arg9 : memref<!tpu.dma_semaphore, #tpu.memory_space<semaphore_mem>>) src(%dma_wait3A_296 : memref<131072x64xf32, #tpu.memory_space<hbm>>) dst(%arg7 : memref<128x64xf32, #tpu.memory_space<vmem>>)
    %add3A_297 = arith.constant 11 : i32
    %add3A_298 = arith.addi %mul3A_2, %add3A_297 : i32
    %mul3A_299 = arith.constant 128 : i32
    %mul3A_300 = arith.muli %add3A_298, %mul3A_299 : i32
    %dma_start3A_301 = arith.constant 0 : i32
    %dma_start3A_302 = tpu.memref_slice %arg4[%mul3A_300, %dma_start3A_301] : memref<65536x64xf32, #tpu.memory_space<hbm>> -> memref<128x64xf32, #tpu.memory_space<hbm>>
    %dma_start3A_303 = arith.constant 0 : i32
    %dma_start3A_304 = tpu.memref_slice %arg4[%mul3A_300, %dma_start3A_303] : memref<65536x64xf32, #tpu.memory_space<hbm>> -> memref<128x64xf32, #tpu.memory_space<hbm>>
    tpu.enqueue_dma source(%arg7 : memref<128x64xf32, #tpu.memory_space<vmem>>) target(%dma_start3A_304 : memref<128x64xf32, #tpu.memory_space<hbm>>) target_semaphore(%arg9 : memref<!tpu.dma_semaphore, #tpu.memory_space<semaphore_mem>>)
    %dma_wait3A_305 = arith.constant 0 : i32
    %dma_wait3A_306 = tpu.memref_slice %arg4[%mul3A_274, %dma_wait3A_305] : memref<65536x64xf32, #tpu.memory_space<hbm>> -> memref<128x64xf32, #tpu.memory_space<hbm>>
    %dma_wait3A_307 = arith.constant 0 : i32
    %dma_wait3A_308 = tpu.memref_slice %arg4[%mul3A_274, %dma_wait3A_307] : memref<65536x64xf32, #tpu.memory_space<hbm>> -> memref<128x64xf32, #tpu.memory_space<hbm>>
    tpu.wait_dma2 semaphore(%arg8 : memref<!tpu.dma_semaphore, #tpu.memory_space<semaphore_mem>>) src(%arg6 : memref<128x64xf32, #tpu.memory_space<vmem>>) dst(%dma_wait3A_308 : memref<128x64xf32, #tpu.memory_space<hbm>>)
    %dma_start3A_309 = arith.constant 12 : i32
    %dma_start3A_310 = arith.constant 0 : i32
    %dma_start3A_311 = tpu.memref_slice %arg5[%dma_start3A_309, %dma_start3A_310] : memref<16x128xi32, #tpu.memory_space<vmem>> -> memref<1x128xi32, #tpu.memory_space<vmem>>
    %dma_start3A_312 = tpu.memref_squeeze %dma_start3A_311 : memref<1x128xi32, #tpu.memory_space<vmem>> -> memref<128xi32, #tpu.memory_space<vmem>>
    %dma_start3A_313 = arith.constant 0 : i32
    %dma_start3A_314 = arith.constant 0 : i32
    %dma_start3A_315 = tpu.memref_slice %arg2[%dma_start3A_313, %dma_start3A_314] : memref<131072x64xf32, #tpu.memory_space<hbm>> -> memref<131072x64xf32, #tpu.memory_space<hbm>>
    tpu.enqueue_indirect_dma source(%dma_start3A_315 : memref<131072x64xf32, #tpu.memory_space<hbm>>) target(%arg6 : memref<128x64xf32, #tpu.memory_space<vmem>>) offsets(%dma_start3A_312 : memref<128xi32, #tpu.memory_space<vmem>>) semaphore(%arg8 : memref<!tpu.dma_semaphore, #tpu.memory_space<semaphore_mem>>)
    %dma_wait3A_316 = arith.constant 12 : i32
    %dma_wait3A_317 = arith.constant 0 : i32
    %dma_wait3A_318 = tpu.memref_slice %arg5[%dma_wait3A_316, %dma_wait3A_317] : memref<16x128xi32, #tpu.memory_space<vmem>> -> memref<1x128xi32, #tpu.memory_space<vmem>>
    %dma_wait3A_319 = tpu.memref_squeeze %dma_wait3A_318 : memref<1x128xi32, #tpu.memory_space<vmem>> -> memref<128xi32, #tpu.memory_space<vmem>>
    %dma_wait3A_320 = arith.constant 0 : i32
    %dma_wait3A_321 = arith.constant 0 : i32
    %dma_wait3A_322 = tpu.memref_slice %arg2[%dma_wait3A_320, %dma_wait3A_321] : memref<131072x64xf32, #tpu.memory_space<hbm>> -> memref<131072x64xf32, #tpu.memory_space<hbm>>
    tpu.wait_indirect_dma semaphore(%arg8 : memref<!tpu.dma_semaphore, #tpu.memory_space<semaphore_mem>>) src(%dma_wait3A_322 : memref<131072x64xf32, #tpu.memory_space<hbm>>) dst(%arg6 : memref<128x64xf32, #tpu.memory_space<vmem>>)
    %add3A_323 = arith.constant 12 : i32
    %add3A_324 = arith.addi %mul3A_2, %add3A_323 : i32
    %mul3A_325 = arith.constant 128 : i32
    %mul3A_326 = arith.muli %add3A_324, %mul3A_325 : i32
    %dma_start3A_327 = arith.constant 0 : i32
    %dma_start3A_328 = tpu.memref_slice %arg4[%mul3A_326, %dma_start3A_327] : memref<65536x64xf32, #tpu.memory_space<hbm>> -> memref<128x64xf32, #tpu.memory_space<hbm>>
    %dma_start3A_329 = arith.constant 0 : i32
    %dma_start3A_330 = tpu.memref_slice %arg4[%mul3A_326, %dma_start3A_329] : memref<65536x64xf32, #tpu.memory_space<hbm>> -> memref<128x64xf32, #tpu.memory_space<hbm>>
    tpu.enqueue_dma source(%arg6 : memref<128x64xf32, #tpu.memory_space<vmem>>) target(%dma_start3A_330 : memref<128x64xf32, #tpu.memory_space<hbm>>) target_semaphore(%arg8 : memref<!tpu.dma_semaphore, #tpu.memory_space<semaphore_mem>>)
    %dma_wait3A_331 = arith.constant 0 : i32
    %dma_wait3A_332 = tpu.memref_slice %arg4[%mul3A_300, %dma_wait3A_331] : memref<65536x64xf32, #tpu.memory_space<hbm>> -> memref<128x64xf32, #tpu.memory_space<hbm>>
    %dma_wait3A_333 = arith.constant 0 : i32
    %dma_wait3A_334 = tpu.memref_slice %arg4[%mul3A_300, %dma_wait3A_333] : memref<65536x64xf32, #tpu.memory_space<hbm>> -> memref<128x64xf32, #tpu.memory_space<hbm>>
    tpu.wait_dma2 semaphore(%arg9 : memref<!tpu.dma_semaphore, #tpu.memory_space<semaphore_mem>>) src(%arg7 : memref<128x64xf32, #tpu.memory_space<vmem>>) dst(%dma_wait3A_334 : memref<128x64xf32, #tpu.memory_space<hbm>>)
    %dma_start3A_335 = arith.constant 13 : i32
    %dma_start3A_336 = arith.constant 0 : i32
    %dma_start3A_337 = tpu.memref_slice %arg5[%dma_start3A_335, %dma_start3A_336] : memref<16x128xi32, #tpu.memory_space<vmem>> -> memref<1x128xi32, #tpu.memory_space<vmem>>
    %dma_start3A_338 = tpu.memref_squeeze %dma_start3A_337 : memref<1x128xi32, #tpu.memory_space<vmem>> -> memref<128xi32, #tpu.memory_space<vmem>>
    %dma_start3A_339 = arith.constant 0 : i32
    %dma_start3A_340 = arith.constant 0 : i32
    %dma_start3A_341 = tpu.memref_slice %arg2[%dma_start3A_339, %dma_start3A_340] : memref<131072x64xf32, #tpu.memory_space<hbm>> -> memref<131072x64xf32, #tpu.memory_space<hbm>>
    tpu.enqueue_indirect_dma source(%dma_start3A_341 : memref<131072x64xf32, #tpu.memory_space<hbm>>) target(%arg7 : memref<128x64xf32, #tpu.memory_space<vmem>>) offsets(%dma_start3A_338 : memref<128xi32, #tpu.memory_space<vmem>>) semaphore(%arg9 : memref<!tpu.dma_semaphore, #tpu.memory_space<semaphore_mem>>)
    %dma_wait3A_342 = arith.constant 13 : i32
    %dma_wait3A_343 = arith.constant 0 : i32
    %dma_wait3A_344 = tpu.memref_slice %arg5[%dma_wait3A_342, %dma_wait3A_343] : memref<16x128xi32, #tpu.memory_space<vmem>> -> memref<1x128xi32, #tpu.memory_space<vmem>>
    %dma_wait3A_345 = tpu.memref_squeeze %dma_wait3A_344 : memref<1x128xi32, #tpu.memory_space<vmem>> -> memref<128xi32, #tpu.memory_space<vmem>>
    %dma_wait3A_346 = arith.constant 0 : i32
    %dma_wait3A_347 = arith.constant 0 : i32
    %dma_wait3A_348 = tpu.memref_slice %arg2[%dma_wait3A_346, %dma_wait3A_347] : memref<131072x64xf32, #tpu.memory_space<hbm>> -> memref<131072x64xf32, #tpu.memory_space<hbm>>
    tpu.wait_indirect_dma semaphore(%arg9 : memref<!tpu.dma_semaphore, #tpu.memory_space<semaphore_mem>>) src(%dma_wait3A_348 : memref<131072x64xf32, #tpu.memory_space<hbm>>) dst(%arg7 : memref<128x64xf32, #tpu.memory_space<vmem>>)
    %add3A_349 = arith.constant 13 : i32
    %add3A_350 = arith.addi %mul3A_2, %add3A_349 : i32
    %mul3A_351 = arith.constant 128 : i32
    %mul3A_352 = arith.muli %add3A_350, %mul3A_351 : i32
    %dma_start3A_353 = arith.constant 0 : i32
    %dma_start3A_354 = tpu.memref_slice %arg4[%mul3A_352, %dma_start3A_353] : memref<65536x64xf32, #tpu.memory_space<hbm>> -> memref<128x64xf32, #tpu.memory_space<hbm>>
    %dma_start3A_355 = arith.constant 0 : i32
    %dma_start3A_356 = tpu.memref_slice %arg4[%mul3A_352, %dma_start3A_355] : memref<65536x64xf32, #tpu.memory_space<hbm>> -> memref<128x64xf32, #tpu.memory_space<hbm>>
    tpu.enqueue_dma source(%arg7 : memref<128x64xf32, #tpu.memory_space<vmem>>) target(%dma_start3A_356 : memref<128x64xf32, #tpu.memory_space<hbm>>) target_semaphore(%arg9 : memref<!tpu.dma_semaphore, #tpu.memory_space<semaphore_mem>>)
    %dma_wait3A_357 = arith.constant 0 : i32
    %dma_wait3A_358 = tpu.memref_slice %arg4[%mul3A_326, %dma_wait3A_357] : memref<65536x64xf32, #tpu.memory_space<hbm>> -> memref<128x64xf32, #tpu.memory_space<hbm>>
    %dma_wait3A_359 = arith.constant 0 : i32
    %dma_wait3A_360 = tpu.memref_slice %arg4[%mul3A_326, %dma_wait3A_359] : memref<65536x64xf32, #tpu.memory_space<hbm>> -> memref<128x64xf32, #tpu.memory_space<hbm>>
    tpu.wait_dma2 semaphore(%arg8 : memref<!tpu.dma_semaphore, #tpu.memory_space<semaphore_mem>>) src(%arg6 : memref<128x64xf32, #tpu.memory_space<vmem>>) dst(%dma_wait3A_360 : memref<128x64xf32, #tpu.memory_space<hbm>>)
    %dma_start3A_361 = arith.constant 14 : i32
    %dma_start3A_362 = arith.constant 0 : i32
    %dma_start3A_363 = tpu.memref_slice %arg5[%dma_start3A_361, %dma_start3A_362] : memref<16x128xi32, #tpu.memory_space<vmem>> -> memref<1x128xi32, #tpu.memory_space<vmem>>
    %dma_start3A_364 = tpu.memref_squeeze %dma_start3A_363 : memref<1x128xi32, #tpu.memory_space<vmem>> -> memref<128xi32, #tpu.memory_space<vmem>>
    %dma_start3A_365 = arith.constant 0 : i32
    %dma_start3A_366 = arith.constant 0 : i32
    %dma_start3A_367 = tpu.memref_slice %arg2[%dma_start3A_365, %dma_start3A_366] : memref<131072x64xf32, #tpu.memory_space<hbm>> -> memref<131072x64xf32, #tpu.memory_space<hbm>>
    tpu.enqueue_indirect_dma source(%dma_start3A_367 : memref<131072x64xf32, #tpu.memory_space<hbm>>) target(%arg6 : memref<128x64xf32, #tpu.memory_space<vmem>>) offsets(%dma_start3A_364 : memref<128xi32, #tpu.memory_space<vmem>>) semaphore(%arg8 : memref<!tpu.dma_semaphore, #tpu.memory_space<semaphore_mem>>)
    %dma_wait3A_368 = arith.constant 14 : i32
    %dma_wait3A_369 = arith.constant 0 : i32
    %dma_wait3A_370 = tpu.memref_slice %arg5[%dma_wait3A_368, %dma_wait3A_369] : memref<16x128xi32, #tpu.memory_space<vmem>> -> memref<1x128xi32, #tpu.memory_space<vmem>>
    %dma_wait3A_371 = tpu.memref_squeeze %dma_wait3A_370 : memref<1x128xi32, #tpu.memory_space<vmem>> -> memref<128xi32, #tpu.memory_space<vmem>>
    %dma_wait3A_372 = arith.constant 0 : i32
    %dma_wait3A_373 = arith.constant 0 : i32
    %dma_wait3A_374 = tpu.memref_slice %arg2[%dma_wait3A_372, %dma_wait3A_373] : memref<131072x64xf32, #tpu.memory_space<hbm>> -> memref<131072x64xf32, #tpu.memory_space<hbm>>
    tpu.wait_indirect_dma semaphore(%arg8 : memref<!tpu.dma_semaphore, #tpu.memory_space<semaphore_mem>>) src(%dma_wait3A_374 : memref<131072x64xf32, #tpu.memory_space<hbm>>) dst(%arg6 : memref<128x64xf32, #tpu.memory_space<vmem>>)
    %add3A_375 = arith.constant 14 : i32
    %add3A_376 = arith.addi %mul3A_2, %add3A_375 : i32
    %mul3A_377 = arith.constant 128 : i32
    %mul3A_378 = arith.muli %add3A_376, %mul3A_377 : i32
    %dma_start3A_379 = arith.constant 0 : i32
    %dma_start3A_380 = tpu.memref_slice %arg4[%mul3A_378, %dma_start3A_379] : memref<65536x64xf32, #tpu.memory_space<hbm>> -> memref<128x64xf32, #tpu.memory_space<hbm>>
    %dma_start3A_381 = arith.constant 0 : i32
    %dma_start3A_382 = tpu.memref_slice %arg4[%mul3A_378, %dma_start3A_381] : memref<65536x64xf32, #tpu.memory_space<hbm>> -> memref<128x64xf32, #tpu.memory_space<hbm>>
    tpu.enqueue_dma source(%arg6 : memref<128x64xf32, #tpu.memory_space<vmem>>) target(%dma_start3A_382 : memref<128x64xf32, #tpu.memory_space<hbm>>) target_semaphore(%arg8 : memref<!tpu.dma_semaphore, #tpu.memory_space<semaphore_mem>>)
    %dma_wait3A_383 = arith.constant 0 : i32
    %dma_wait3A_384 = tpu.memref_slice %arg4[%mul3A_352, %dma_wait3A_383] : memref<65536x64xf32, #tpu.memory_space<hbm>> -> memref<128x64xf32, #tpu.memory_space<hbm>>
    %dma_wait3A_385 = arith.constant 0 : i32
    %dma_wait3A_386 = tpu.memref_slice %arg4[%mul3A_352, %dma_wait3A_385] : memref<65536x64xf32, #tpu.memory_space<hbm>> -> memref<128x64xf32, #tpu.memory_space<hbm>>
    tpu.wait_dma2 semaphore(%arg9 : memref<!tpu.dma_semaphore, #tpu.memory_space<semaphore_mem>>) src(%arg7 : memref<128x64xf32, #tpu.memory_space<vmem>>) dst(%dma_wait3A_386 : memref<128x64xf32, #tpu.memory_space<hbm>>)
    %dma_start3A_387 = arith.constant 15 : i32
    %dma_start3A_388 = arith.constant 0 : i32
    %dma_start3A_389 = tpu.memref_slice %arg5[%dma_start3A_387, %dma_start3A_388] : memref<16x128xi32, #tpu.memory_space<vmem>> -> memref<1x128xi32, #tpu.memory_space<vmem>>
    %dma_start3A_390 = tpu.memref_squeeze %dma_start3A_389 : memref<1x128xi32, #tpu.memory_space<vmem>> -> memref<128xi32, #tpu.memory_space<vmem>>
    %dma_start3A_391 = arith.constant 0 : i32
    %dma_start3A_392 = arith.constant 0 : i32
    %dma_start3A_393 = tpu.memref_slice %arg2[%dma_start3A_391, %dma_start3A_392] : memref<131072x64xf32, #tpu.memory_space<hbm>> -> memref<131072x64xf32, #tpu.memory_space<hbm>>
    tpu.enqueue_indirect_dma source(%dma_start3A_393 : memref<131072x64xf32, #tpu.memory_space<hbm>>) target(%arg7 : memref<128x64xf32, #tpu.memory_space<vmem>>) offsets(%dma_start3A_390 : memref<128xi32, #tpu.memory_space<vmem>>) semaphore(%arg9 : memref<!tpu.dma_semaphore, #tpu.memory_space<semaphore_mem>>)
    %dma_wait3A_394 = arith.constant 15 : i32
    %dma_wait3A_395 = arith.constant 0 : i32
    %dma_wait3A_396 = tpu.memref_slice %arg5[%dma_wait3A_394, %dma_wait3A_395] : memref<16x128xi32, #tpu.memory_space<vmem>> -> memref<1x128xi32, #tpu.memory_space<vmem>>
    %dma_wait3A_397 = tpu.memref_squeeze %dma_wait3A_396 : memref<1x128xi32, #tpu.memory_space<vmem>> -> memref<128xi32, #tpu.memory_space<vmem>>
    %dma_wait3A_398 = arith.constant 0 : i32
    %dma_wait3A_399 = arith.constant 0 : i32
    %dma_wait3A_400 = tpu.memref_slice %arg2[%dma_wait3A_398, %dma_wait3A_399] : memref<131072x64xf32, #tpu.memory_space<hbm>> -> memref<131072x64xf32, #tpu.memory_space<hbm>>
    tpu.wait_indirect_dma semaphore(%arg9 : memref<!tpu.dma_semaphore, #tpu.memory_space<semaphore_mem>>) src(%dma_wait3A_400 : memref<131072x64xf32, #tpu.memory_space<hbm>>) dst(%arg7 : memref<128x64xf32, #tpu.memory_space<vmem>>)
    %add3A_401 = arith.constant 15 : i32
    %add3A_402 = arith.addi %mul3A_2, %add3A_401 : i32
    %mul3A_403 = arith.constant 128 : i32
    %mul3A_404 = arith.muli %add3A_402, %mul3A_403 : i32
    %dma_start3A_405 = arith.constant 0 : i32
    %dma_start3A_406 = tpu.memref_slice %arg4[%mul3A_404, %dma_start3A_405] : memref<65536x64xf32, #tpu.memory_space<hbm>> -> memref<128x64xf32, #tpu.memory_space<hbm>>
    %dma_start3A_407 = arith.constant 0 : i32
    %dma_start3A_408 = tpu.memref_slice %arg4[%mul3A_404, %dma_start3A_407] : memref<65536x64xf32, #tpu.memory_space<hbm>> -> memref<128x64xf32, #tpu.memory_space<hbm>>
    tpu.enqueue_dma source(%arg7 : memref<128x64xf32, #tpu.memory_space<vmem>>) target(%dma_start3A_408 : memref<128x64xf32, #tpu.memory_space<hbm>>) target_semaphore(%arg9 : memref<!tpu.dma_semaphore, #tpu.memory_space<semaphore_mem>>)
    %dma_wait3A_409 = arith.constant 0 : i32
    %dma_wait3A_410 = tpu.memref_slice %arg4[%mul3A_378, %dma_wait3A_409] : memref<65536x64xf32, #tpu.memory_space<hbm>> -> memref<128x64xf32, #tpu.memory_space<hbm>>
    %dma_wait3A_411 = arith.constant 0 : i32
    %dma_wait3A_412 = tpu.memref_slice %arg4[%mul3A_378, %dma_wait3A_411] : memref<65536x64xf32, #tpu.memory_space<hbm>> -> memref<128x64xf32, #tpu.memory_space<hbm>>
    tpu.wait_dma2 semaphore(%arg8 : memref<!tpu.dma_semaphore, #tpu.memory_space<semaphore_mem>>) src(%arg6 : memref<128x64xf32, #tpu.memory_space<vmem>>) dst(%dma_wait3A_412 : memref<128x64xf32, #tpu.memory_space<hbm>>)
    %dma_wait3A_413 = arith.constant 0 : i32
    %dma_wait3A_414 = tpu.memref_slice %arg4[%mul3A_404, %dma_wait3A_413] : memref<65536x64xf32, #tpu.memory_space<hbm>> -> memref<128x64xf32, #tpu.memory_space<hbm>>
    %dma_wait3A_415 = arith.constant 0 : i32
    %dma_wait3A_416 = tpu.memref_slice %arg4[%mul3A_404, %dma_wait3A_415] : memref<65536x64xf32, #tpu.memory_space<hbm>> -> memref<128x64xf32, #tpu.memory_space<hbm>>
    tpu.wait_dma2 semaphore(%arg9 : memref<!tpu.dma_semaphore, #tpu.memory_space<semaphore_mem>>) src(%arg7 : memref<128x64xf32, #tpu.memory_space<vmem>>) dst(%dma_wait3A_416 : memref<128x64xf32, #tpu.memory_space<hbm>>)
    return
  }
}

module attributes {stable_mosaic.version = 14 : i64} {
  func.func @_fps_body(%arg0: i32, %arg1: memref<8x16384xf32, #tpu.memory_space<vmem>>, %arg2: memref<8x16384xf32, #tpu.memory_space<vmem>>, %arg3: memref<8x16384xf32, #tpu.memory_space<vmem>>, %arg4: memref<8x128xi32, #tpu.memory_space<vmem>>, %arg5: memref<8x128xf32, #tpu.memory_space<vmem>>, %arg6: memref<8x128xf32, #tpu.memory_space<vmem>>, %arg7: memref<8x128xf32, #tpu.memory_space<vmem>>, %arg8: memref<8x16384xf32, #tpu.memory_space<vmem>>, %arg9: memref<3x8x128xf32, #tpu.memory_space<vmem>>, %arg10: memref<3x8x128xf32, #tpu.memory_space<vmem>>) attributes {dimension_semantics = [#tpu.dimension_semantics<arbitrary>], iteration_bounds = array<i64: 64>, scalar_prefetch = 0 : i64, scratch_operands = 3 : i64, tpu.core_type = #tpu.core_type<tc>, window_params = [{pipeline_mode = #tpu.pipeline_mode<synchronous>, transform_indices = @transform_0, window_bounds = array<i64: 8, 16384>}, {pipeline_mode = #tpu.pipeline_mode<synchronous>, transform_indices = @transform_1, window_bounds = array<i64: 8, 16384>}, {pipeline_mode = #tpu.pipeline_mode<synchronous>, transform_indices = @transform_2, window_bounds = array<i64: 8, 16384>}, {transform_indices = @transform_3, window_bounds = array<i64: 8, 128>}, {transform_indices = @transform_4, window_bounds = array<i64: 8, 128>}, {transform_indices = @transform_5, window_bounds = array<i64: 8, 128>}, {transform_indices = @transform_6, window_bounds = array<i64: 8, 128>}]} {
    %iota3A = tpu.iota {dimensions = array<i32: 1>} : vector<8x128xi32>
    %iota3A_0 = tpu.iota {dimensions = array<i32: 0>} : vector<8x128xi32>
    %mul3A = arith.constant 16384 : i32
    %mul3A_1 = vector.broadcast %mul3A : i32 to vector<8x128xi32>
    %mul3A_2 = arith.muli %mul3A_1, %iota3A_0 : vector<8x128xi32>
    %eq3A = arith.constant 0 : i32
    %eq3A_3 = arith.cmpi eq, %arg0, %eq3A : i32
    %convert_element_type3A = arith.extui %eq3A_3 : i1 to i32
    %cond3A = arith.constant 0 : i32
    %cond3A_4 = arith.cmpi ne, %convert_element_type3A, %cond3A : i32
    scf.if %cond3A_4 {
      %broadcast_in_dim3A_71 = arith.constant 0x7F800000 : f32
      %broadcast_in_dim3A_72 = vector.broadcast %broadcast_in_dim3A_71 : f32 to vector<8x16384xf32>
      %swap3A_73 = arith.constant 0 : index
      %swap3A_74 = arith.constant 0 : index
      %swap3A_75 = vector.load %arg8[%swap3A_73, %swap3A_74] : memref<8x16384xf32, #tpu.memory_space<vmem>>, vector<8x16384xf32>
      tpu.vector_store %arg8[%swap3A_73, %swap3A_74], %broadcast_in_dim3A_72 {strides = array<i32>} : memref<8x16384xf32, #tpu.memory_space<vmem>>, vector<8x16384xf32>,
      %get3A_76 = arith.constant 0 : index
      %get3A_77 = arith.constant 0 : index
      %get3A_78 = vector.load %arg1[%get3A_76, %get3A_77] : memref<8x16384xf32, #tpu.memory_space<vmem>>, vector<8x1xf32>
      %broadcast_in_dim3A_79 = vector.shape_cast %get3A_78 : vector<8x1xf32> to vector<8x1xf32>
      %broadcast_in_dim3A_80 = vector.broadcast %broadcast_in_dim3A_79 : vector<8x1xf32> to vector<8x128xf32>
      %get3A_81 = arith.constant 0 : index
      %get3A_82 = arith.constant 0 : index
      %get3A_83 = vector.load %arg2[%get3A_81, %get3A_82] : memref<8x16384xf32, #tpu.memory_space<vmem>>, vector<8x1xf32>
      %broadcast_in_dim3A_84 = vector.shape_cast %get3A_83 : vector<8x1xf32> to vector<8x1xf32>
      %broadcast_in_dim3A_85 = vector.broadcast %broadcast_in_dim3A_84 : vector<8x1xf32> to vector<8x128xf32>
      %get3A_86 = arith.constant 0 : index
      %get3A_87 = arith.constant 0 : index
      %get3A_88 = vector.load %arg3[%get3A_86, %get3A_87] : memref<8x16384xf32, #tpu.memory_space<vmem>>, vector<8x1xf32>
      %broadcast_in_dim3A_89 = vector.shape_cast %get3A_88 : vector<8x1xf32> to vector<8x1xf32>
      %broadcast_in_dim3A_90 = vector.broadcast %broadcast_in_dim3A_89 : vector<8x1xf32> to vector<8x128xf32>
      %swap3A_91 = arith.constant 0 : index
      %swap3A_92 = arith.constant 0 : index
      %swap3A_93 = arith.constant 0 : index
      %swap3A_94 = vector.load %arg9[%swap3A_91, %swap3A_92, %swap3A_93] : memref<3x8x128xf32, #tpu.memory_space<vmem>>, vector<1x8x128xf32>
      %swap3A_95 = vector.shape_cast %swap3A_94 : vector<1x8x128xf32> to vector<8x128xf32>
      %swap3A_96 = vector.shape_cast %broadcast_in_dim3A_80 : vector<8x128xf32> to vector<1x8x128xf32>
      tpu.vector_store %arg9[%swap3A_91, %swap3A_92, %swap3A_93], %swap3A_96 {strides = array<i32>} : memref<3x8x128xf32, #tpu.memory_space<vmem>>, vector<1x8x128xf32>,
      %swap3A_97 = arith.constant 1 : index
      %swap3A_98 = arith.constant 0 : index
      %swap3A_99 = arith.constant 0 : index
      %swap3A_100 = vector.load %arg9[%swap3A_97, %swap3A_98, %swap3A_99] : memref<3x8x128xf32, #tpu.memory_space<vmem>>, vector<1x8x128xf32>
      %swap3A_101 = vector.shape_cast %swap3A_100 : vector<1x8x128xf32> to vector<8x128xf32>
      %swap3A_102 = vector.shape_cast %broadcast_in_dim3A_85 : vector<8x128xf32> to vector<1x8x128xf32>
      tpu.vector_store %arg9[%swap3A_97, %swap3A_98, %swap3A_99], %swap3A_102 {strides = array<i32>} : memref<3x8x128xf32, #tpu.memory_space<vmem>>, vector<1x8x128xf32>,
      %swap3A_103 = arith.constant 2 : index
      %swap3A_104 = arith.constant 0 : index
      %swap3A_105 = arith.constant 0 : index
      %swap3A_106 = vector.load %arg9[%swap3A_103, %swap3A_104, %swap3A_105] : memref<3x8x128xf32, #tpu.memory_space<vmem>>, vector<1x8x128xf32>
      %swap3A_107 = vector.shape_cast %swap3A_106 : vector<1x8x128xf32> to vector<8x128xf32>
      %swap3A_108 = vector.shape_cast %broadcast_in_dim3A_90 : vector<8x128xf32> to vector<1x8x128xf32>
      tpu.vector_store %arg9[%swap3A_103, %swap3A_104, %swap3A_105], %swap3A_108 {strides = array<i32>} : memref<3x8x128xf32, #tpu.memory_space<vmem>>, vector<1x8x128xf32>,
    } else {
    }
    %get3A = arith.constant 0 : index
    %get3A_5 = arith.constant 0 : index
    %get3A_6 = arith.constant 0 : index
    %get3A_7 = vector.load %arg9[%get3A, %get3A_5, %get3A_6] : memref<3x8x128xf32, #tpu.memory_space<vmem>>, vector<1x8x128xf32>
    %get3A_8 = vector.shape_cast %get3A_7 : vector<1x8x128xf32> to vector<8x128xf32>
    %get3A_9 = arith.constant 1 : index
    %get3A_10 = arith.constant 0 : index
    %get3A_11 = arith.constant 0 : index
    %get3A_12 = vector.load %arg9[%get3A_9, %get3A_10, %get3A_11] : memref<3x8x128xf32, #tpu.memory_space<vmem>>, vector<1x8x128xf32>
    %get3A_13 = vector.shape_cast %get3A_12 : vector<1x8x128xf32> to vector<8x128xf32>
    %get3A_14 = arith.constant 2 : index
    %get3A_15 = arith.constant 0 : index
    %get3A_16 = arith.constant 0 : index
    %get3A_17 = vector.load %arg9[%get3A_14, %get3A_15, %get3A_16] : memref<3x8x128xf32, #tpu.memory_space<vmem>>, vector<1x8x128xf32>
    %get3A_18 = vector.shape_cast %get3A_17 : vector<1x8x128xf32> to vector<8x128xf32>
    %get3A_19 = arith.constant 0 : index
    %get3A_20 = arith.constant 0 : index
    %get3A_21 = vector.load %arg1[%get3A_19, %get3A_20] : memref<8x16384xf32, #tpu.memory_space<vmem>>, vector<8x1xf32>
    %broadcast_in_dim3A = vector.shape_cast %get3A_21 : vector<8x1xf32> to vector<8x1xf32>
    %broadcast_in_dim3A_22 = vector.broadcast %broadcast_in_dim3A : vector<8x1xf32> to vector<8x128xf32>
    %get3A_23 = arith.constant 0 : index
    %get3A_24 = arith.constant 0 : index
    %get3A_25 = vector.load %arg2[%get3A_23, %get3A_24] : memref<8x16384xf32, #tpu.memory_space<vmem>>, vector<8x1xf32>
    %broadcast_in_dim3A_26 = vector.shape_cast %get3A_25 : vector<8x1xf32> to vector<8x1xf32>
    %broadcast_in_dim3A_27 = vector.broadcast %broadcast_in_dim3A_26 : vector<8x1xf32> to vector<8x128xf32>
    %get3A_28 = arith.constant 0 : index
    %get3A_29 = arith.constant 0 : index
    %get3A_30 = vector.load %arg3[%get3A_28, %get3A_29] : memref<8x16384xf32, #tpu.memory_space<vmem>>, vector<8x1xf32>
    %broadcast_in_dim3A_31 = vector.shape_cast %get3A_30 : vector<8x1xf32> to vector<8x1xf32>
    %broadcast_in_dim3A_32 = vector.broadcast %broadcast_in_dim3A_31 : vector<8x1xf32> to vector<8x128xf32>
    %broadcast_in_dim3A_33 = arith.constant 0.000000e+00 : f32
    %broadcast_in_dim3A_34 = vector.broadcast %broadcast_in_dim3A_33 : f32 to vector<8x128xf32>
    %broadcast_in_dim3A_35 = arith.constant 0 : i32
    %broadcast_in_dim3A_36 = vector.broadcast %broadcast_in_dim3A_35 : i32 to vector<8x128xi32>
    %scan3A = arith.constant 0 : i32
    %scan3A_37 = arith.constant 128 : i32
    %scan3A_38 = arith.addi %scan3A, %scan3A_37 : i32
    %scan3A_39 = arith.constant 1 : i32
    %scan3A_40:7 = scf.for %scan3A_71 = %scan3A to %scan3A_38 step %scan3A_39 iter_args(%scan3A_72 = %get3A_8, %scan3A_73 = %get3A_13, %scan3A_74 = %get3A_18, %scan3A_75 = %broadcast_in_dim3A_36, %scan3A_76 = %broadcast_in_dim3A_34, %scan3A_77 = %broadcast_in_dim3A_34, %scan3A_78 = %broadcast_in_dim3A_34) -> (vector<8x128xf32>, vector<8x128xf32>, vector<8x128xf32>, vector<8x128xi32>, vector<8x128xf32>, vector<8x128xf32>, vector<8x128xf32>)  : i32 {
      %mul3A_79 = arith.constant 128 : i32
      %mul3A_80 = arith.muli %arg0, %mul3A_79 : i32
      %add3A = arith.addi %mul3A_80, %scan3A_71 : i32
      %get3A_81 = arith.constant 0 : index
      %get3A_82 = arith.constant 0 : index
      %get3A_83 = vector.load %arg1[%get3A_81, %get3A_82] : memref<8x16384xf32, #tpu.memory_space<vmem>>, vector<8x128xf32>
      %get3A_84 = arith.constant 0 : index
      %get3A_85 = arith.constant 0 : index
      %get3A_86 = vector.load %arg2[%get3A_84, %get3A_85] : memref<8x16384xf32, #tpu.memory_space<vmem>>, vector<8x128xf32>
      %get3A_87 = arith.constant 0 : index
      %get3A_88 = arith.constant 0 : index
      %get3A_89 = vector.load %arg3[%get3A_87, %get3A_88] : memref<8x16384xf32, #tpu.memory_space<vmem>>, vector<8x128xf32>
      %sub3A = arith.subf %get3A_83, %scan3A_72 : vector<8x128xf32>
      %sub3A_90 = arith.subf %get3A_86, %scan3A_73 : vector<8x128xf32>
      %sub3A_91 = arith.subf %get3A_89, %scan3A_74 : vector<8x128xf32>
      %mul3A_92 = arith.mulf %sub3A, %sub3A : vector<8x128xf32>
      %mul3A_93 = arith.mulf %sub3A_91, %sub3A_91 : vector<8x128xf32>
      %add3A_94 = arith.addf %mul3A_92, %mul3A_93 : vector<8x128xf32>
      %mul3A_95 = arith.mulf %sub3A_90, %sub3A_90 : vector<8x128xf32>
      %add3A_96 = arith.addf %add3A_94, %mul3A_95 : vector<8x128xf32>
      %get3A_97 = arith.constant 0 : index
      %get3A_98 = arith.constant 0 : index
      %get3A_99 = vector.load %arg8[%get3A_97, %get3A_98] : memref<8x16384xf32, #tpu.memory_space<vmem>>, vector<8x128xf32>
      %min3A = arith.minimumf %get3A_99, %add3A_96 : vector<8x128xf32>
      %swap3A_100 = arith.constant 0 : index
      %swap3A_101 = arith.constant 0 : index
      %swap3A_102 = vector.load %arg8[%swap3A_100, %swap3A_101] : memref<8x16384xf32, #tpu.memory_space<vmem>>, vector<8x128xf32>
      tpu.vector_store %arg8[%swap3A_100, %swap3A_101], %min3A {strides = array<i32>} : memref<8x16384xf32, #tpu.memory_space<vmem>>, vector<8x128xf32>,
      %broadcast_in_dim3A_103 = arith.constant 0 : i32
      %broadcast_in_dim3A_104 = vector.broadcast %broadcast_in_dim3A_103 : i32 to vector<8x128xi32>
      %get3A_105 = arith.constant 0 : index
      %get3A_106 = arith.constant 128 : index
      %get3A_107 = vector.load %arg1[%get3A_105, %get3A_106] : memref<8x16384xf32, #tpu.memory_space<vmem>>, vector<8x128xf32>
      %get3A_108 = arith.constant 0 : index
      %get3A_109 = arith.constant 128 : index
      %get3A_110 = vector.load %arg2[%get3A_108, %get3A_109] : memref<8x16384xf32, #tpu.memory_space<vmem>>, vector<8x128xf32>
      %get3A_111 = arith.constant 0 : index
      %get3A_112 = arith.constant 128 : index
      %get3A_113 = vector.load %arg3[%get3A_111, %get3A_112] : memref<8x16384xf32, #tpu.memory_space<vmem>>, vector<8x128xf32>
      %sub3A_114 = arith.subf %get3A_107, %scan3A_72 : vector<8x128xf32>
      %sub3A_115 = arith.subf %get3A_110, %scan3A_73 : vector<8x128xf32>
      %sub3A_116 = arith.subf %get3A_113, %scan3A_74 : vector<8x128xf32>
      %mul3A_117 = arith.mulf %sub3A_114, %sub3A_114 : vector<8x128xf32>
      %mul3A_118 = arith.mulf %sub3A_116, %sub3A_116 : vector<8x128xf32>
      %add3A_119 = arith.addf %mul3A_117, %mul3A_118 : vector<8x128xf32>
      %mul3A_120 = arith.mulf %sub3A_115, %sub3A_115 : vector<8x128xf32>
      %add3A_121 = arith.addf %add3A_119, %mul3A_120 : vector<8x128xf32>
      %get3A_122 = arith.constant 0 : index
      %get3A_123 = arith.constant 128 : index
      %get3A_124 = vector.load %arg8[%get3A_122, %get3A_123] : memref<8x16384xf32, #tpu.memory_space<vmem>>, vector<8x128xf32>
      %min3A_125 = arith.minimumf %get3A_124, %add3A_121 : vector<8x128xf32>
      %swap3A_126 = arith.constant 0 : index
      %swap3A_127 = arith.constant 128 : index
      %swap3A_128 = vector.load %arg8[%swap3A_126, %swap3A_127] : memref<8x16384xf32, #tpu.memory_space<vmem>>, vector<8x128xf32>
      tpu.vector_store %arg8[%swap3A_126, %swap3A_127], %min3A_125 {strides = array<i32>} : memref<8x16384xf32, #tpu.memory_space<vmem>>, vector<8x128xf32>,
      %broadcast_in_dim3A_129 = arith.constant 1 : i32
      %broadcast_in_dim3A_130 = vector.broadcast %broadcast_in_dim3A_129 : i32 to vector<8x128xi32>
      %get3A_131 = arith.constant 0 : index
      %get3A_132 = arith.constant 256 : index
      %get3A_133 = vector.load %arg1[%get3A_131, %get3A_132] : memref<8x16384xf32, #tpu.memory_space<vmem>>, vector<8x128xf32>
      %get3A_134 = arith.constant 0 : index
      %get3A_135 = arith.constant 256 : index
      %get3A_136 = vector.load %arg2[%get3A_134, %get3A_135] : memref<8x16384xf32, #tpu.memory_space<vmem>>, vector<8x128xf32>
      %get3A_137 = arith.constant 0 : index
      %get3A_138 = arith.constant 256 : index
      %get3A_139 = vector.load %arg3[%get3A_137, %get3A_138] : memref<8x16384xf32, #tpu.memory_space<vmem>>, vector<8x128xf32>
      %sub3A_140 = arith.subf %get3A_133, %scan3A_72 : vector<8x128xf32>
      %sub3A_141 = arith.subf %get3A_136, %scan3A_73 : vector<8x128xf32>
      %sub3A_142 = arith.subf %get3A_139, %scan3A_74 : vector<8x128xf32>
      %mul3A_143 = arith.mulf %sub3A_140, %sub3A_140 : vector<8x128xf32>
      %mul3A_144 = arith.mulf %sub3A_142, %sub3A_142 : vector<8x128xf32>
      %add3A_145 = arith.addf %mul3A_143, %mul3A_144 : vector<8x128xf32>
      %mul3A_146 = arith.mulf %sub3A_141, %sub3A_141 : vector<8x128xf32>
      %add3A_147 = arith.addf %add3A_145, %mul3A_146 : vector<8x128xf32>
      %get3A_148 = arith.constant 0 : index
      %get3A_149 = arith.constant 256 : index
      %get3A_150 = vector.load %arg8[%get3A_148, %get3A_149] : memref<8x16384xf32, #tpu.memory_space<vmem>>, vector<8x128xf32>
      %min3A_151 = arith.minimumf %get3A_150, %add3A_147 : vector<8x128xf32>
      %swap3A_152 = arith.constant 0 : index
      %swap3A_153 = arith.constant 256 : index
      %swap3A_154 = vector.load %arg8[%swap3A_152, %swap3A_153] : memref<8x16384xf32, #tpu.memory_space<vmem>>, vector<8x128xf32>
      tpu.vector_store %arg8[%swap3A_152, %swap3A_153], %min3A_151 {strides = array<i32>} : memref<8x16384xf32, #tpu.memory_space<vmem>>, vector<8x128xf32>,
      %broadcast_in_dim3A_155 = arith.constant 2 : i32
      %broadcast_in_dim3A_156 = vector.broadcast %broadcast_in_dim3A_155 : i32 to vector<8x128xi32>
      %get3A_157 = arith.constant 0 : index
      %get3A_158 = arith.constant 384 : index
      %get3A_159 = vector.load %arg1[%get3A_157, %get3A_158] : memref<8x16384xf32, #tpu.memory_space<vmem>>, vector<8x128xf32>
      %get3A_160 = arith.constant 0 : index
      %get3A_161 = arith.constant 384 : index
      %get3A_162 = vector.load %arg2[%get3A_160, %get3A_161] : memref<8x16384xf32, #tpu.memory_space<vmem>>, vector<8x128xf32>
      %get3A_163 = arith.constant 0 : index
      %get3A_164 = arith.constant 384 : index
      %get3A_165 = vector.load %arg3[%get3A_163, %get3A_164] : memref<8x16384xf32, #tpu.memory_space<vmem>>, vector<8x128xf32>
      %sub3A_166 = arith.subf %get3A_159, %scan3A_72 : vector<8x128xf32>
      %sub3A_167 = arith.subf %get3A_162, %scan3A_73 : vector<8x128xf32>
      %sub3A_168 = arith.subf %get3A_165, %scan3A_74 : vector<8x128xf32>
      %mul3A_169 = arith.mulf %sub3A_166, %sub3A_166 : vector<8x128xf32>
      %mul3A_170 = arith.mulf %sub3A_168, %sub3A_168 : vector<8x128xf32>
      %add3A_171 = arith.addf %mul3A_169, %mul3A_170 : vector<8x128xf32>
      %mul3A_172 = arith.mulf %sub3A_167, %sub3A_167 : vector<8x128xf32>
      %add3A_173 = arith.addf %add3A_171, %mul3A_172 : vector<8x128xf32>
      %get3A_174 = arith.constant 0 : index
      %get3A_175 = arith.constant 384 : index
      %get3A_176 = vector.load %arg8[%get3A_174, %get3A_175] : memref<8x16384xf32, #tpu.memory_space<vmem>>, vector<8x128xf32>
      %min3A_177 = arith.minimumf %get3A_176, %add3A_173 : vector<8x128xf32>
      %swap3A_178 = arith.constant 0 : index
      %swap3A_179 = arith.constant 384 : index
      %swap3A_180 = vector.load %arg8[%swap3A_178, %swap3A_179] : memref<8x16384xf32, #tpu.memory_space<vmem>>, vector<8x128xf32>
      tpu.vector_store %arg8[%swap3A_178, %swap3A_179], %min3A_177 {strides = array<i32>} : memref<8x16384xf32, #tpu.memory_space<vmem>>, vector<8x128xf32>,
      %broadcast_in_dim3A_181 = arith.constant 3 : i32
      %broadcast_in_dim3A_182 = vector.broadcast %broadcast_in_dim3A_181 : i32 to vector<8x128xi32>
      %get3A_183 = arith.constant 0 : index
      %get3A_184 = arith.constant 512 : index
      %get3A_185 = vector.load %arg1[%get3A_183, %get3A_184] : memref<8x16384xf32, #tpu.memory_space<vmem>>, vector<8x128xf32>
      %get3A_186 = arith.constant 0 : index
      %get3A_187 = arith.constant 512 : index
      %get3A_188 = vector.load %arg2[%get3A_186, %get3A_187] : memref<8x16384xf32, #tpu.memory_space<vmem>>, vector<8x128xf32>
      %get3A_189 = arith.constant 0 : index
      %get3A_190 = arith.constant 512 : index
      %get3A_191 = vector.load %arg3[%get3A_189, %get3A_190] : memref<8x16384xf32, #tpu.memory_space<vmem>>, vector<8x128xf32>
      %sub3A_192 = arith.subf %get3A_185, %scan3A_72 : vector<8x128xf32>
      %sub3A_193 = arith.subf %get3A_188, %scan3A_73 : vector<8x128xf32>
      %sub3A_194 = arith.subf %get3A_191, %scan3A_74 : vector<8x128xf32>
      %mul3A_195 = arith.mulf %sub3A_192, %sub3A_192 : vector<8x128xf32>
      %mul3A_196 = arith.mulf %sub3A_194, %sub3A_194 : vector<8x128xf32>
      %add3A_197 = arith.addf %mul3A_195, %mul3A_196 : vector<8x128xf32>
      %mul3A_198 = arith.mulf %sub3A_193, %sub3A_193 : vector<8x128xf32>
      %add3A_199 = arith.addf %add3A_197, %mul3A_198 : vector<8x128xf32>
      %get3A_200 = arith.constant 0 : index
      %get3A_201 = arith.constant 512 : index
      %get3A_202 = vector.load %arg8[%get3A_200, %get3A_201] : memref<8x16384xf32, #tpu.memory_space<vmem>>, vector<8x128xf32>
      %min3A_203 = arith.minimumf %get3A_202, %add3A_199 : vector<8x128xf32>
      %swap3A_204 = arith.constant 0 : index
      %swap3A_205 = arith.constant 512 : index
      %swap3A_206 = vector.load %arg8[%swap3A_204, %swap3A_205] : memref<8x16384xf32, #tpu.memory_space<vmem>>, vector<8x128xf32>
      tpu.vector_store %arg8[%swap3A_204, %swap3A_205], %min3A_203 {strides = array<i32>} : memref<8x16384xf32, #tpu.memory_space<vmem>>, vector<8x128xf32>,
      %broadcast_in_dim3A_207 = arith.constant 4 : i32
      %broadcast_in_dim3A_208 = vector.broadcast %broadcast_in_dim3A_207 : i32 to vector<8x128xi32>
      %get3A_209 = arith.constant 0 : index
      %get3A_210 = arith.constant 640 : index
      %get3A_211 = vector.load %arg1[%get3A_209, %get3A_210] : memref<8x16384xf32, #tpu.memory_space<vmem>>, vector<8x128xf32>
      %get3A_212 = arith.constant 0 : index
      %get3A_213 = arith.constant 640 : index
      %get3A_214 = vector.load %arg2[%get3A_212, %get3A_213] : memref<8x16384xf32, #tpu.memory_space<vmem>>, vector<8x128xf32>
      %get3A_215 = arith.constant 0 : index
      %get3A_216 = arith.constant 640 : index
      %get3A_217 = vector.load %arg3[%get3A_215, %get3A_216] : memref<8x16384xf32, #tpu.memory_space<vmem>>, vector<8x128xf32>
      %sub3A_218 = arith.subf %get3A_211, %scan3A_72 : vector<8x128xf32>
      %sub3A_219 = arith.subf %get3A_214, %scan3A_73 : vector<8x128xf32>
      %sub3A_220 = arith.subf %get3A_217, %scan3A_74 : vector<8x128xf32>
      %mul3A_221 = arith.mulf %sub3A_218, %sub3A_218 : vector<8x128xf32>
      %mul3A_222 = arith.mulf %sub3A_220, %sub3A_220 : vector<8x128xf32>
      %add3A_223 = arith.addf %mul3A_221, %mul3A_222 : vector<8x128xf32>
      %mul3A_224 = arith.mulf %sub3A_219, %sub3A_219 : vector<8x128xf32>
      %add3A_225 = arith.addf %add3A_223, %mul3A_224 : vector<8x128xf32>
      %get3A_226 = arith.constant 0 : index
      %get3A_227 = arith.constant 640 : index
      %get3A_228 = vector.load %arg8[%get3A_226, %get3A_227] : memref<8x16384xf32, #tpu.memory_space<vmem>>, vector<8x128xf32>
      %min3A_229 = arith.minimumf %get3A_228, %add3A_225 : vector<8x128xf32>
      %swap3A_230 = arith.constant 0 : index
      %swap3A_231 = arith.constant 640 : index
      %swap3A_232 = vector.load %arg8[%swap3A_230, %swap3A_231] : memref<8x16384xf32, #tpu.memory_space<vmem>>, vector<8x128xf32>
      tpu.vector_store %arg8[%swap3A_230, %swap3A_231], %min3A_229 {strides = array<i32>} : memref<8x16384xf32, #tpu.memory_space<vmem>>, vector<8x128xf32>,
      %broadcast_in_dim3A_233 = arith.constant 5 : i32
      %broadcast_in_dim3A_234 = vector.broadcast %broadcast_in_dim3A_233 : i32 to vector<8x128xi32>
      %get3A_235 = arith.constant 0 : index
      %get3A_236 = arith.constant 768 : index
      %get3A_237 = vector.load %arg1[%get3A_235, %get3A_236] : memref<8x16384xf32, #tpu.memory_space<vmem>>, vector<8x128xf32>
      %get3A_238 = arith.constant 0 : index
      %get3A_239 = arith.constant 768 : index
      %get3A_240 = vector.load %arg2[%get3A_238, %get3A_239] : memref<8x16384xf32, #tpu.memory_space<vmem>>, vector<8x128xf32>
      %get3A_241 = arith.constant 0 : index
      %get3A_242 = arith.constant 768 : index
      %get3A_243 = vector.load %arg3[%get3A_241, %get3A_242] : memref<8x16384xf32, #tpu.memory_space<vmem>>, vector<8x128xf32>
      %sub3A_244 = arith.subf %get3A_237, %scan3A_72 : vector<8x128xf32>
      %sub3A_245 = arith.subf %get3A_240, %scan3A_73 : vector<8x128xf32>
      %sub3A_246 = arith.subf %get3A_243, %scan3A_74 : vector<8x128xf32>
      %mul3A_247 = arith.mulf %sub3A_244, %sub3A_244 : vector<8x128xf32>
      %mul3A_248 = arith.mulf %sub3A_246, %sub3A_246 : vector<8x128xf32>
      %add3A_249 = arith.addf %mul3A_247, %mul3A_248 : vector<8x128xf32>
      %mul3A_250 = arith.mulf %sub3A_245, %sub3A_245 : vector<8x128xf32>
      %add3A_251 = arith.addf %add3A_249, %mul3A_250 : vector<8x128xf32>
      %get3A_252 = arith.constant 0 : index
      %get3A_253 = arith.constant 768 : index
      %get3A_254 = vector.load %arg8[%get3A_252, %get3A_253] : memref<8x16384xf32, #tpu.memory_space<vmem>>, vector<8x128xf32>
      %min3A_255 = arith.minimumf %get3A_254, %add3A_251 : vector<8x128xf32>
      %swap3A_256 = arith.constant 0 : index
      %swap3A_257 = arith.constant 768 : index
      %swap3A_258 = vector.load %arg8[%swap3A_256, %swap3A_257] : memref<8x16384xf32, #tpu.memory_space<vmem>>, vector<8x128xf32>
      tpu.vector_store %arg8[%swap3A_256, %swap3A_257], %min3A_255 {strides = array<i32>} : memref<8x16384xf32, #tpu.memory_space<vmem>>, vector<8x128xf32>,
      %broadcast_in_dim3A_259 = arith.constant 6 : i32
      %broadcast_in_dim3A_260 = vector.broadcast %broadcast_in_dim3A_259 : i32 to vector<8x128xi32>
      %get3A_261 = arith.constant 0 : index
      %get3A_262 = arith.constant 896 : index
      %get3A_263 = vector.load %arg1[%get3A_261, %get3A_262] : memref<8x16384xf32, #tpu.memory_space<vmem>>, vector<8x128xf32>
      %get3A_264 = arith.constant 0 : index
      %get3A_265 = arith.constant 896 : index
      %get3A_266 = vector.load %arg2[%get3A_264, %get3A_265] : memref<8x16384xf32, #tpu.memory_space<vmem>>, vector<8x128xf32>
      %get3A_267 = arith.constant 0 : index
      %get3A_268 = arith.constant 896 : index
      %get3A_269 = vector.load %arg3[%get3A_267, %get3A_268] : memref<8x16384xf32, #tpu.memory_space<vmem>>, vector<8x128xf32>
      %sub3A_270 = arith.subf %get3A_263, %scan3A_72 : vector<8x128xf32>
      %sub3A_271 = arith.subf %get3A_266, %scan3A_73 : vector<8x128xf32>
      %sub3A_272 = arith.subf %get3A_269, %scan3A_74 : vector<8x128xf32>
      %mul3A_273 = arith.mulf %sub3A_270, %sub3A_270 : vector<8x128xf32>
      %mul3A_274 = arith.mulf %sub3A_272, %sub3A_272 : vector<8x128xf32>
      %add3A_275 = arith.addf %mul3A_273, %mul3A_274 : vector<8x128xf32>
      %mul3A_276 = arith.mulf %sub3A_271, %sub3A_271 : vector<8x128xf32>
      %add3A_277 = arith.addf %add3A_275, %mul3A_276 : vector<8x128xf32>
      %get3A_278 = arith.constant 0 : index
      %get3A_279 = arith.constant 896 : index
      %get3A_280 = vector.load %arg8[%get3A_278, %get3A_279] : memref<8x16384xf32, #tpu.memory_space<vmem>>, vector<8x128xf32>
      %min3A_281 = arith.minimumf %get3A_280, %add3A_277 : vector<8x128xf32>
      %swap3A_282 = arith.constant 0 : index
      %swap3A_283 = arith.constant 896 : index
      %swap3A_284 = vector.load %arg8[%swap3A_282, %swap3A_283] : memref<8x16384xf32, #tpu.memory_space<vmem>>, vector<8x128xf32>
      tpu.vector_store %arg8[%swap3A_282, %swap3A_283], %min3A_281 {strides = array<i32>} : memref<8x16384xf32, #tpu.memory_space<vmem>>, vector<8x128xf32>,
      %broadcast_in_dim3A_285 = arith.constant 7 : i32
      %broadcast_in_dim3A_286 = vector.broadcast %broadcast_in_dim3A_285 : i32 to vector<8x128xi32>
      %get3A_287 = arith.constant 0 : index
      %get3A_288 = arith.constant 1024 : index
      %get3A_289 = vector.load %arg1[%get3A_287, %get3A_288] : memref<8x16384xf32, #tpu.memory_space<vmem>>, vector<8x128xf32>
      %get3A_290 = arith.constant 0 : index
      %get3A_291 = arith.constant 1024 : index
      %get3A_292 = vector.load %arg2[%get3A_290, %get3A_291] : memref<8x16384xf32, #tpu.memory_space<vmem>>, vector<8x128xf32>
      %get3A_293 = arith.constant 0 : index
      %get3A_294 = arith.constant 1024 : index
      %get3A_295 = vector.load %arg3[%get3A_293, %get3A_294] : memref<8x16384xf32, #tpu.memory_space<vmem>>, vector<8x128xf32>
      %sub3A_296 = arith.subf %get3A_289, %scan3A_72 : vector<8x128xf32>
      %sub3A_297 = arith.subf %get3A_292, %scan3A_73 : vector<8x128xf32>
      %sub3A_298 = arith.subf %get3A_295, %scan3A_74 : vector<8x128xf32>
      %mul3A_299 = arith.mulf %sub3A_296, %sub3A_296 : vector<8x128xf32>
      %mul3A_300 = arith.mulf %sub3A_298, %sub3A_298 : vector<8x128xf32>
      %add3A_301 = arith.addf %mul3A_299, %mul3A_300 : vector<8x128xf32>
      %mul3A_302 = arith.mulf %sub3A_297, %sub3A_297 : vector<8x128xf32>
      %add3A_303 = arith.addf %add3A_301, %mul3A_302 : vector<8x128xf32>
      %get3A_304 = arith.constant 0 : index
      %get3A_305 = arith.constant 1024 : index
      %get3A_306 = vector.load %arg8[%get3A_304, %get3A_305] : memref<8x16384xf32, #tpu.memory_space<vmem>>, vector<8x128xf32>
      %min3A_307 = arith.minimumf %get3A_306, %add3A_303 : vector<8x128xf32>
      %swap3A_308 = arith.constant 0 : index
      %swap3A_309 = arith.constant 1024 : index
      %swap3A_310 = vector.load %arg8[%swap3A_308, %swap3A_309] : memref<8x16384xf32, #tpu.memory_space<vmem>>, vector<8x128xf32>
      tpu.vector_store %arg8[%swap3A_308, %swap3A_309], %min3A_307 {strides = array<i32>} : memref<8x16384xf32, #tpu.memory_space<vmem>>, vector<8x128xf32>,
      %gt3A = arith.cmpf ogt, %min3A_307, %min3A : vector<8x128xf32>
      %select_n3A = arith.select %gt3A, %min3A_307, %min3A : vector<8x128xi1>, vector<8x128xf32>
      %jit3A = arith.constant 8 : i32
      %broadcast_in_dim3A_311 = vector.broadcast %jit3A : i32 to vector<8x128xi32>
      %select_n3A_312 = arith.select %gt3A, %broadcast_in_dim3A_311, %broadcast_in_dim3A_104 : vector<8x128xi1>, vector<8x128xi32>
      %select_n3A_313 = arith.select %gt3A, %get3A_289, %get3A_83 : vector<8x128xi1>, vector<8x128xf32>
      %select_n3A_314 = arith.select %gt3A, %get3A_292, %get3A_86 : vector<8x128xi1>, vector<8x128xf32>
      %select_n3A_315 = arith.select %gt3A, %get3A_295, %get3A_89 : vector<8x128xi1>, vector<8x128xf32>
      %get3A_316 = arith.constant 0 : index
      %get3A_317 = arith.constant 1152 : index
      %get3A_318 = vector.load %arg1[%get3A_316, %get3A_317] : memref<8x16384xf32, #tpu.memory_space<vmem>>, vector<8x128xf32>
      %get3A_319 = arith.constant 0 : index
      %get3A_320 = arith.constant 1152 : index
      %get3A_321 = vector.load %arg2[%get3A_319, %get3A_320] : memref<8x16384xf32, #tpu.memory_space<vmem>>, vector<8x128xf32>
      %get3A_322 = arith.constant 0 : index
      %get3A_323 = arith.constant 1152 : index
      %get3A_324 = vector.load %arg3[%get3A_322, %get3A_323] : memref<8x16384xf32, #tpu.memory_space<vmem>>, vector<8x128xf32>
      %sub3A_325 = arith.subf %get3A_318, %scan3A_72 : vector<8x128xf32>
      %sub3A_326 = arith.subf %get3A_321, %scan3A_73 : vector<8x128xf32>
      %sub3A_327 = arith.subf %get3A_324, %scan3A_74 : vector<8x128xf32>
      %mul3A_328 = arith.mulf %sub3A_325, %sub3A_325 : vector<8x128xf32>
      %mul3A_329 = arith.mulf %sub3A_327, %sub3A_327 : vector<8x128xf32>
      %add3A_330 = arith.addf %mul3A_328, %mul3A_329 : vector<8x128xf32>
      %mul3A_331 = arith.mulf %sub3A_326, %sub3A_326 : vector<8x128xf32>
      %add3A_332 = arith.addf %add3A_330, %mul3A_331 : vector<8x128xf32>
      %get3A_333 = arith.constant 0 : index
      %get3A_334 = arith.constant 1152 : index
      %get3A_335 = vector.load %arg8[%get3A_333, %get3A_334] : memref<8x16384xf32, #tpu.memory_space<vmem>>, vector<8x128xf32>
      %min3A_336 = arith.minimumf %get3A_335, %add3A_332 : vector<8x128xf32>
      %swap3A_337 = arith.constant 0 : index
      %swap3A_338 = arith.constant 1152 : index
      %swap3A_339 = vector.load %arg8[%swap3A_337, %swap3A_338] : memref<8x16384xf32, #tpu.memory_space<vmem>>, vector<8x128xf32>
      tpu.vector_store %arg8[%swap3A_337, %swap3A_338], %min3A_336 {strides = array<i32>} : memref<8x16384xf32, #tpu.memory_space<vmem>>, vector<8x128xf32>,
      %gt3A_340 = arith.cmpf ogt, %min3A_336, %min3A_125 : vector<8x128xf32>
      %select_n3A_341 = arith.select %gt3A_340, %min3A_336, %min3A_125 : vector<8x128xi1>, vector<8x128xf32>
      %jit3A_342 = arith.constant 9 : i32
      %broadcast_in_dim3A_343 = vector.broadcast %jit3A_342 : i32 to vector<8x128xi32>
      %select_n3A_344 = arith.select %gt3A_340, %broadcast_in_dim3A_343, %broadcast_in_dim3A_130 : vector<8x128xi1>, vector<8x128xi32>
      %select_n3A_345 = arith.select %gt3A_340, %get3A_318, %get3A_107 : vector<8x128xi1>, vector<8x128xf32>
      %select_n3A_346 = arith.select %gt3A_340, %get3A_321, %get3A_110 : vector<8x128xi1>, vector<8x128xf32>
      %select_n3A_347 = arith.select %gt3A_340, %get3A_324, %get3A_113 : vector<8x128xi1>, vector<8x128xf32>
      %get3A_348 = arith.constant 0 : index
      %get3A_349 = arith.constant 1280 : index
      %get3A_350 = vector.load %arg1[%get3A_348, %get3A_349] : memref<8x16384xf32, #tpu.memory_space<vmem>>, vector<8x128xf32>
      %get3A_351 = arith.constant 0 : index
      %get3A_352 = arith.constant 1280 : index
      %get3A_353 = vector.load %arg2[%get3A_351, %get3A_352] : memref<8x16384xf32, #tpu.memory_space<vmem>>, vector<8x128xf32>
      %get3A_354 = arith.constant 0 : index
      %get3A_355 = arith.constant 1280 : index
      %get3A_356 = vector.load %arg3[%get3A_354, %get3A_355] : memref<8x16384xf32, #tpu.memory_space<vmem>>, vector<8x128xf32>
      %sub3A_357 = arith.subf %get3A_350, %scan3A_72 : vector<8x128xf32>
      %sub3A_358 = arith.subf %get3A_353, %scan3A_73 : vector<8x128xf32>
      %sub3A_359 = arith.subf %get3A_356, %scan3A_74 : vector<8x128xf32>
      %mul3A_360 = arith.mulf %sub3A_357, %sub3A_357 : vector<8x128xf32>
      %mul3A_361 = arith.mulf %sub3A_359, %sub3A_359 : vector<8x128xf32>
      %add3A_362 = arith.addf %mul3A_360, %mul3A_361 : vector<8x128xf32>
      %mul3A_363 = arith.mulf %sub3A_358, %sub3A_358 : vector<8x128xf32>
      %add3A_364 = arith.addf %add3A_362, %mul3A_363 : vector<8x128xf32>
      %get3A_365 = arith.constant 0 : index
      %get3A_366 = arith.constant 1280 : index
      %get3A_367 = vector.load %arg8[%get3A_365, %get3A_366] : memref<8x16384xf32, #tpu.memory_space<vmem>>, vector<8x128xf32>
      %min3A_368 = arith.minimumf %get3A_367, %add3A_364 : vector<8x128xf32>
      %swap3A_369 = arith.constant 0 : index
      %swap3A_370 = arith.constant 1280 : index
      %swap3A_371 = vector.load %arg8[%swap3A_369, %swap3A_370] : memref<8x16384xf32, #tpu.memory_space<vmem>>, vector<8x128xf32>
      tpu.vector_store %arg8[%swap3A_369, %swap3A_370], %min3A_368 {strides = array<i32>} : memref<8x16384xf32, #tpu.memory_space<vmem>>, vector<8x128xf32>,
      %gt3A_372 = arith.cmpf ogt, %min3A_368, %min3A_151 : vector<8x128xf32>
      %select_n3A_373 = arith.select %gt3A_372, %min3A_368, %min3A_151 : vector<8x128xi1>, vector<8x128xf32>
      %jit3A_374 = arith.constant 10 : i32
      %broadcast_in_dim3A_375 = vector.broadcast %jit3A_374 : i32 to vector<8x128xi32>
      %select_n3A_376 = arith.select %gt3A_372, %broadcast_in_dim3A_375, %broadcast_in_dim3A_156 : vector<8x128xi1>, vector<8x128xi32>
      %select_n3A_377 = arith.select %gt3A_372, %get3A_350, %get3A_133 : vector<8x128xi1>, vector<8x128xf32>
      %select_n3A_378 = arith.select %gt3A_372, %get3A_353, %get3A_136 : vector<8x128xi1>, vector<8x128xf32>
      %select_n3A_379 = arith.select %gt3A_372, %get3A_356, %get3A_139 : vector<8x128xi1>, vector<8x128xf32>
      %get3A_380 = arith.constant 0 : index
      %get3A_381 = arith.constant 1408 : index
      %get3A_382 = vector.load %arg1[%get3A_380, %get3A_381] : memref<8x16384xf32, #tpu.memory_space<vmem>>, vector<8x128xf32>
      %get3A_383 = arith.constant 0 : index
      %get3A_384 = arith.constant 1408 : index
      %get3A_385 = vector.load %arg2[%get3A_383, %get3A_384] : memref<8x16384xf32, #tpu.memory_space<vmem>>, vector<8x128xf32>
      %get3A_386 = arith.constant 0 : index
      %get3A_387 = arith.constant 1408 : index
      %get3A_388 = vector.load %arg3[%get3A_386, %get3A_387] : memref<8x16384xf32, #tpu.memory_space<vmem>>, vector<8x128xf32>
      %sub3A_389 = arith.subf %get3A_382, %scan3A_72 : vector<8x128xf32>
      %sub3A_390 = arith.subf %get3A_385, %scan3A_73 : vector<8x128xf32>
      %sub3A_391 = arith.subf %get3A_388, %scan3A_74 : vector<8x128xf32>
      %mul3A_392 = arith.mulf %sub3A_389, %sub3A_389 : vector<8x128xf32>
      %mul3A_393 = arith.mulf %sub3A_391, %sub3A_391 : vector<8x128xf32>
      %add3A_394 = arith.addf %mul3A_392, %mul3A_393 : vector<8x128xf32>
      %mul3A_395 = arith.mulf %sub3A_390, %sub3A_390 : vector<8x128xf32>
      %add3A_396 = arith.addf %add3A_394, %mul3A_395 : vector<8x128xf32>
      %get3A_397 = arith.constant 0 : index
      %get3A_398 = arith.constant 1408 : index
      %get3A_399 = vector.load %arg8[%get3A_397, %get3A_398] : memref<8x16384xf32, #tpu.memory_space<vmem>>, vector<8x128xf32>
      %min3A_400 = arith.minimumf %get3A_399, %add3A_396 : vector<8x128xf32>
      %swap3A_401 = arith.constant 0 : index
      %swap3A_402 = arith.constant 1408 : index
      %swap3A_403 = vector.load %arg8[%swap3A_401, %swap3A_402] : memref<8x16384xf32, #tpu.memory_space<vmem>>, vector<8x128xf32>
      tpu.vector_store %arg8[%swap3A_401, %swap3A_402], %min3A_400 {strides = array<i32>} : memref<8x16384xf32, #tpu.memory_space<vmem>>, vector<8x128xf32>,
      %gt3A_404 = arith.cmpf ogt, %min3A_400, %min3A_177 : vector<8x128xf32>
      %select_n3A_405 = arith.select %gt3A_404, %min3A_400, %min3A_177 : vector<8x128xi1>, vector<8x128xf32>
      %jit3A_406 = arith.constant 11 : i32
      %broadcast_in_dim3A_407 = vector.broadcast %jit3A_406 : i32 to vector<8x128xi32>
      %select_n3A_408 = arith.select %gt3A_404, %broadcast_in_dim3A_407, %broadcast_in_dim3A_182 : vector<8x128xi1>, vector<8x128xi32>
      %select_n3A_409 = arith.select %gt3A_404, %get3A_382, %get3A_159 : vector<8x128xi1>, vector<8x128xf32>
      %select_n3A_410 = arith.select %gt3A_404, %get3A_385, %get3A_162 : vector<8x128xi1>, vector<8x128xf32>
      %select_n3A_411 = arith.select %gt3A_404, %get3A_388, %get3A_165 : vector<8x128xi1>, vector<8x128xf32>
      %get3A_412 = arith.constant 0 : index
      %get3A_413 = arith.constant 1536 : index
      %get3A_414 = vector.load %arg1[%get3A_412, %get3A_413] : memref<8x16384xf32, #tpu.memory_space<vmem>>, vector<8x128xf32>
      %get3A_415 = arith.constant 0 : index
      %get3A_416 = arith.constant 1536 : index
      %get3A_417 = vector.load %arg2[%get3A_415, %get3A_416] : memref<8x16384xf32, #tpu.memory_space<vmem>>, vector<8x128xf32>
      %get3A_418 = arith.constant 0 : index
      %get3A_419 = arith.constant 1536 : index
      %get3A_420 = vector.load %arg3[%get3A_418, %get3A_419] : memref<8x16384xf32, #tpu.memory_space<vmem>>, vector<8x128xf32>
      %sub3A_421 = arith.subf %get3A_414, %scan3A_72 : vector<8x128xf32>
      %sub3A_422 = arith.subf %get3A_417, %scan3A_73 : vector<8x128xf32>
      %sub3A_423 = arith.subf %get3A_420, %scan3A_74 : vector<8x128xf32>
      %mul3A_424 = arith.mulf %sub3A_421, %sub3A_421 : vector<8x128xf32>
      %mul3A_425 = arith.mulf %sub3A_423, %sub3A_423 : vector<8x128xf32>
      %add3A_426 = arith.addf %mul3A_424, %mul3A_425 : vector<8x128xf32>
      %mul3A_427 = arith.mulf %sub3A_422, %sub3A_422 : vector<8x128xf32>
      %add3A_428 = arith.addf %add3A_426, %mul3A_427 : vector<8x128xf32>
      %get3A_429 = arith.constant 0 : index
      %get3A_430 = arith.constant 1536 : index
      %get3A_431 = vector.load %arg8[%get3A_429, %get3A_430] : memref<8x16384xf32, #tpu.memory_space<vmem>>, vector<8x128xf32>
      %min3A_432 = arith.minimumf %get3A_431, %add3A_428 : vector<8x128xf32>
      %swap3A_433 = arith.constant 0 : index
      %swap3A_434 = arith.constant 1536 : index
      %swap3A_435 = vector.load %arg8[%swap3A_433, %swap3A_434] : memref<8x16384xf32, #tpu.memory_space<vmem>>, vector<8x128xf32>
      tpu.vector_store %arg8[%swap3A_433, %swap3A_434], %min3A_432 {strides = array<i32>} : memref<8x16384xf32, #tpu.memory_space<vmem>>, vector<8x128xf32>,
      %gt3A_436 = arith.cmpf ogt, %min3A_432, %min3A_203 : vector<8x128xf32>
      %select_n3A_437 = arith.select %gt3A_436, %min3A_432, %min3A_203 : vector<8x128xi1>, vector<8x128xf32>
      %jit3A_438 = arith.constant 12 : i32
      %broadcast_in_dim3A_439 = vector.broadcast %jit3A_438 : i32 to vector<8x128xi32>
      %select_n3A_440 = arith.select %gt3A_436, %broadcast_in_dim3A_439, %broadcast_in_dim3A_208 : vector<8x128xi1>, vector<8x128xi32>
      %select_n3A_441 = arith.select %gt3A_436, %get3A_414, %get3A_185 : vector<8x128xi1>, vector<8x128xf32>
      %select_n3A_442 = arith.select %gt3A_436, %get3A_417, %get3A_188 : vector<8x128xi1>, vector<8x128xf32>
      %select_n3A_443 = arith.select %gt3A_436, %get3A_420, %get3A_191 : vector<8x128xi1>, vector<8x128xf32>
      %get3A_444 = arith.constant 0 : index
      %get3A_445 = arith.constant 1664 : index
      %get3A_446 = vector.load %arg1[%get3A_444, %get3A_445] : memref<8x16384xf32, #tpu.memory_space<vmem>>, vector<8x128xf32>
      %get3A_447 = arith.constant 0 : index
      %get3A_448 = arith.constant 1664 : index
      %get3A_449 = vector.load %arg2[%get3A_447, %get3A_448] : memref<8x16384xf32, #tpu.memory_space<vmem>>, vector<8x128xf32>
      %get3A_450 = arith.constant 0 : index
      %get3A_451 = arith.constant 1664 : index
      %get3A_452 = vector.load %arg3[%get3A_450, %get3A_451] : memref<8x16384xf32, #tpu.memory_space<vmem>>, vector<8x128xf32>
      %sub3A_453 = arith.subf %get3A_446, %scan3A_72 : vector<8x128xf32>
      %sub3A_454 = arith.subf %get3A_449, %scan3A_73 : vector<8x128xf32>
      %sub3A_455 = arith.subf %get3A_452, %scan3A_74 : vector<8x128xf32>
      %mul3A_456 = arith.mulf %sub3A_453, %sub3A_453 : vector<8x128xf32>
      %mul3A_457 = arith.mulf %sub3A_455, %sub3A_455 : vector<8x128xf32>
      %add3A_458 = arith.addf %mul3A_456, %mul3A_457 : vector<8x128xf32>
      %mul3A_459 = arith.mulf %sub3A_454, %sub3A_454 : vector<8x128xf32>
      %add3A_460 = arith.addf %add3A_458, %mul3A_459 : vector<8x128xf32>
      %get3A_461 = arith.constant 0 : index
      %get3A_462 = arith.constant 1664 : index
      %get3A_463 = vector.load %arg8[%get3A_461, %get3A_462] : memref<8x16384xf32, #tpu.memory_space<vmem>>, vector<8x128xf32>
      %min3A_464 = arith.minimumf %get3A_463, %add3A_460 : vector<8x128xf32>
      %swap3A_465 = arith.constant 0 : index
      %swap3A_466 = arith.constant 1664 : index
      %swap3A_467 = vector.load %arg8[%swap3A_465, %swap3A_466] : memref<8x16384xf32, #tpu.memory_space<vmem>>, vector<8x128xf32>
      tpu.vector_store %arg8[%swap3A_465, %swap3A_466], %min3A_464 {strides = array<i32>} : memref<8x16384xf32, #tpu.memory_space<vmem>>, vector<8x128xf32>,
      %gt3A_468 = arith.cmpf ogt, %min3A_464, %min3A_229 : vector<8x128xf32>
      %select_n3A_469 = arith.select %gt3A_468, %min3A_464, %min3A_229 : vector<8x128xi1>, vector<8x128xf32>
      %jit3A_470 = arith.constant 13 : i32
      %broadcast_in_dim3A_471 = vector.broadcast %jit3A_470 : i32 to vector<8x128xi32>
      %select_n3A_472 = arith.select %gt3A_468, %broadcast_in_dim3A_471, %broadcast_in_dim3A_234 : vector<8x128xi1>, vector<8x128xi32>
      %select_n3A_473 = arith.select %gt3A_468, %get3A_446, %get3A_211 : vector<8x128xi1>, vector<8x128xf32>
      %select_n3A_474 = arith.select %gt3A_468, %get3A_449, %get3A_214 : vector<8x128xi1>, vector<8x128xf32>
      %select_n3A_475 = arith.select %gt3A_468, %get3A_452, %get3A_217 : vector<8x128xi1>, vector<8x128xf32>
      %get3A_476 = arith.constant 0 : index
      %get3A_477 = arith.constant 1792 : index
      %get3A_478 = vector.load %arg1[%get3A_476, %get3A_477] : memref<8x16384xf32, #tpu.memory_space<vmem>>, vector<8x128xf32>
      %get3A_479 = arith.constant 0 : index
      %get3A_480 = arith.constant 1792 : index
      %get3A_481 = vector.load %arg2[%get3A_479, %get3A_480] : memref<8x16384xf32, #tpu.memory_space<vmem>>, vector<8x128xf32>
      %get3A_482 = arith.constant 0 : index
      %get3A_483 = arith.constant 1792 : index
      %get3A_484 = vector.load %arg3[%get3A_482, %get3A_483] : memref<8x16384xf32, #tpu.memory_space<vmem>>, vector<8x128xf32>
      %sub3A_485 = arith.subf %get3A_478, %scan3A_72 : vector<8x128xf32>
      %sub3A_486 = arith.subf %get3A_481, %scan3A_73 : vector<8x128xf32>
      %sub3A_487 = arith.subf %get3A_484, %scan3A_74 : vector<8x128xf32>
      %mul3A_488 = arith.mulf %sub3A_485, %sub3A_485 : vector<8x128xf32>
      %mul3A_489 = arith.mulf %sub3A_487, %sub3A_487 : vector<8x128xf32>
      %add3A_490 = arith.addf %mul3A_488, %mul3A_489 : vector<8x128xf32>
      %mul3A_491 = arith.mulf %sub3A_486, %sub3A_486 : vector<8x128xf32>
      %add3A_492 = arith.addf %add3A_490, %mul3A_491 : vector<8x128xf32>
      %get3A_493 = arith.constant 0 : index
      %get3A_494 = arith.constant 1792 : index
      %get3A_495 = vector.load %arg8[%get3A_493, %get3A_494] : memref<8x16384xf32, #tpu.memory_space<vmem>>, vector<8x128xf32>
      %min3A_496 = arith.minimumf %get3A_495, %add3A_492 : vector<8x128xf32>
      %swap3A_497 = arith.constant 0 : index
      %swap3A_498 = arith.constant 1792 : index
      %swap3A_499 = vector.load %arg8[%swap3A_497, %swap3A_498] : memref<8x16384xf32, #tpu.memory_space<vmem>>, vector<8x128xf32>
      tpu.vector_store %arg8[%swap3A_497, %swap3A_498], %min3A_496 {strides = array<i32>} : memref<8x16384xf32, #tpu.memory_space<vmem>>, vector<8x128xf32>,
      %gt3A_500 = arith.cmpf ogt, %min3A_496, %min3A_255 : vector<8x128xf32>
      %select_n3A_501 = arith.select %gt3A_500, %min3A_496, %min3A_255 : vector<8x128xi1>, vector<8x128xf32>
      %jit3A_502 = arith.constant 14 : i32
      %broadcast_in_dim3A_503 = vector.broadcast %jit3A_502 : i32 to vector<8x128xi32>
      %select_n3A_504 = arith.select %gt3A_500, %broadcast_in_dim3A_503, %broadcast_in_dim3A_260 : vector<8x128xi1>, vector<8x128xi32>
      %select_n3A_505 = arith.select %gt3A_500, %get3A_478, %get3A_237 : vector<8x128xi1>, vector<8x128xf32>
      %select_n3A_506 = arith.select %gt3A_500, %get3A_481, %get3A_240 : vector<8x128xi1>, vector<8x128xf32>
      %select_n3A_507 = arith.select %gt3A_500, %get3A_484, %get3A_243 : vector<8x128xi1>, vector<8x128xf32>
      %get3A_508 = arith.constant 0 : index
      %get3A_509 = arith.constant 1920 : index
      %get3A_510 = vector.load %arg1[%get3A_508, %get3A_509] : memref<8x16384xf32, #tpu.memory_space<vmem>>, vector<8x128xf32>
      %get3A_511 = arith.constant 0 : index
      %get3A_512 = arith.constant 1920 : index
      %get3A_513 = vector.load %arg2[%get3A_511, %get3A_512] : memref<8x16384xf32, #tpu.memory_space<vmem>>, vector<8x128xf32>
      %get3A_514 = arith.constant 0 : index
      %get3A_515 = arith.constant 1920 : index
      %get3A_516 = vector.load %arg3[%get3A_514, %get3A_515] : memref<8x16384xf32, #tpu.memory_space<vmem>>, vector<8x128xf32>
      %sub3A_517 = arith.subf %get3A_510, %scan3A_72 : vector<8x128xf32>
      %sub3A_518 = arith.subf %get3A_513, %scan3A_73 : vector<8x128xf32>
      %sub3A_519 = arith.subf %get3A_516, %scan3A_74 : vector<8x128xf32>
      %mul3A_520 = arith.mulf %sub3A_517, %sub3A_517 : vector<8x128xf32>
      %mul3A_521 = arith.mulf %sub3A_519, %sub3A_519 : vector<8x128xf32>
      %add3A_522 = arith.addf %mul3A_520, %mul3A_521 : vector<8x128xf32>
      %mul3A_523 = arith.mulf %sub3A_518, %sub3A_518 : vector<8x128xf32>
      %add3A_524 = arith.addf %add3A_522, %mul3A_523 : vector<8x128xf32>
      %get3A_525 = arith.constant 0 : index
      %get3A_526 = arith.constant 1920 : index
      %get3A_527 = vector.load %arg8[%get3A_525, %get3A_526] : memref<8x16384xf32, #tpu.memory_space<vmem>>, vector<8x128xf32>
      %min3A_528 = arith.minimumf %get3A_527, %add3A_524 : vector<8x128xf32>
      %swap3A_529 = arith.constant 0 : index
      %swap3A_530 = arith.constant 1920 : index
      %swap3A_531 = vector.load %arg8[%swap3A_529, %swap3A_530] : memref<8x16384xf32, #tpu.memory_space<vmem>>, vector<8x128xf32>
      tpu.vector_store %arg8[%swap3A_529, %swap3A_530], %min3A_528 {strides = array<i32>} : memref<8x16384xf32, #tpu.memory_space<vmem>>, vector<8x128xf32>,
      %gt3A_532 = arith.cmpf ogt, %min3A_528, %min3A_281 : vector<8x128xf32>
      %select_n3A_533 = arith.select %gt3A_532, %min3A_528, %min3A_281 : vector<8x128xi1>, vector<8x128xf32>
      %jit3A_534 = arith.constant 15 : i32
      %broadcast_in_dim3A_535 = vector.broadcast %jit3A_534 : i32 to vector<8x128xi32>
      %select_n3A_536 = arith.select %gt3A_532, %broadcast_in_dim3A_535, %broadcast_in_dim3A_286 : vector<8x128xi1>, vector<8x128xi32>
      %select_n3A_537 = arith.select %gt3A_532, %get3A_510, %get3A_263 : vector<8x128xi1>, vector<8x128xf32>
      %select_n3A_538 = arith.select %gt3A_532, %get3A_513, %get3A_266 : vector<8x128xi1>, vector<8x128xf32>
      %select_n3A_539 = arith.select %gt3A_532, %get3A_516, %get3A_269 : vector<8x128xi1>, vector<8x128xf32>
      %get3A_540 = arith.constant 0 : index
      %get3A_541 = arith.constant 2048 : index
      %get3A_542 = vector.load %arg1[%get3A_540, %get3A_541] : memref<8x16384xf32, #tpu.memory_space<vmem>>, vector<8x128xf32>
      %get3A_543 = arith.constant 0 : index
      %get3A_544 = arith.constant 2048 : index
      %get3A_545 = vector.load %arg2[%get3A_543, %get3A_544] : memref<8x16384xf32, #tpu.memory_space<vmem>>, vector<8x128xf32>
      %get3A_546 = arith.constant 0 : index
      %get3A_547 = arith.constant 2048 : index
      %get3A_548 = vector.load %arg3[%get3A_546, %get3A_547] : memref<8x16384xf32, #tpu.memory_space<vmem>>, vector<8x128xf32>
      %sub3A_549 = arith.subf %get3A_542, %scan3A_72 : vector<8x128xf32>
      %sub3A_550 = arith.subf %get3A_545, %scan3A_73 : vector<8x128xf32>
      %sub3A_551 = arith.subf %get3A_548, %scan3A_74 : vector<8x128xf32>
      %mul3A_552 = arith.mulf %sub3A_549, %sub3A_549 : vector<8x128xf32>
      %mul3A_553 = arith.mulf %sub3A_551, %sub3A_551 : vector<8x128xf32>
      %add3A_554 = arith.addf %mul3A_552, %mul3A_553 : vector<8x128xf32>
      %mul3A_555 = arith.mulf %sub3A_550, %sub3A_550 : vector<8x128xf32>
      %add3A_556 = arith.addf %add3A_554, %mul3A_555 : vector<8x128xf32>
      %get3A_557 = arith.constant 0 : index
      %get3A_558 = arith.constant 2048 : index
      %get3A_559 = vector.load %arg8[%get3A_557, %get3A_558] : memref<8x16384xf32, #tpu.memory_space<vmem>>, vector<8x128xf32>
      %min3A_560 = arith.minimumf %get3A_559, %add3A_556 : vector<8x128xf32>
      %swap3A_561 = arith.constant 0 : index
      %swap3A_562 = arith.constant 2048 : index
      %swap3A_563 = vector.load %arg8[%swap3A_561, %swap3A_562] : memref<8x16384xf32, #tpu.memory_space<vmem>>, vector<8x128xf32>
      tpu.vector_store %arg8[%swap3A_561, %swap3A_562], %min3A_560 {strides = array<i32>} : memref<8x16384xf32, #tpu.memory_space<vmem>>, vector<8x128xf32>,
      %gt3A_564 = arith.cmpf ogt, %min3A_560, %select_n3A : vector<8x128xf32>
      %select_n3A_565 = arith.select %gt3A_564, %min3A_560, %select_n3A : vector<8x128xi1>, vector<8x128xf32>
      %jit3A_566 = arith.constant 16 : i32
      %broadcast_in_dim3A_567 = vector.broadcast %jit3A_566 : i32 to vector<8x128xi32>
      %select_n3A_568 = arith.select %gt3A_564, %broadcast_in_dim3A_567, %select_n3A_312 : vector<8x128xi1>, vector<8x128xi32>
      %select_n3A_569 = arith.select %gt3A_564, %get3A_542, %select_n3A_313 : vector<8x128xi1>, vector<8x128xf32>
      %select_n3A_570 = arith.select %gt3A_564, %get3A_545, %select_n3A_314 : vector<8x128xi1>, vector<8x128xf32>
      %select_n3A_571 = arith.select %gt3A_564, %get3A_548, %select_n3A_315 : vector<8x128xi1>, vector<8x128xf32>
      %get3A_572 = arith.constant 0 : index
      %get3A_573 = arith.constant 2176 : index
      %get3A_574 = vector.load %arg1[%get3A_572, %get3A_573] : memref<8x16384xf32, #tpu.memory_space<vmem>>, vector<8x128xf32>
      %get3A_575 = arith.constant 0 : index
      %get3A_576 = arith.constant 2176 : index
      %get3A_577 = vector.load %arg2[%get3A_575, %get3A_576] : memref<8x16384xf32, #tpu.memory_space<vmem>>, vector<8x128xf32>
      %get3A_578 = arith.constant 0 : index
      %get3A_579 = arith.constant 2176 : index
      %get3A_580 = vector.load %arg3[%get3A_578, %get3A_579] : memref<8x16384xf32, #tpu.memory_space<vmem>>, vector<8x128xf32>
      %sub3A_581 = arith.subf %get3A_574, %scan3A_72 : vector<8x128xf32>
      %sub3A_582 = arith.subf %get3A_577, %scan3A_73 : vector<8x128xf32>
      %sub3A_583 = arith.subf %get3A_580, %scan3A_74 : vector<8x128xf32>
      %mul3A_584 = arith.mulf %sub3A_581, %sub3A_581 : vector<8x128xf32>
      %mul3A_585 = arith.mulf %sub3A_583, %sub3A_583 : vector<8x128xf32>
      %add3A_586 = arith.addf %mul3A_584, %mul3A_585 : vector<8x128xf32>
      %mul3A_587 = arith.mulf %sub3A_582, %sub3A_582 : vector<8x128xf32>
      %add3A_588 = arith.addf %add3A_586, %mul3A_587 : vector<8x128xf32>
      %get3A_589 = arith.constant 0 : index
      %get3A_590 = arith.constant 2176 : index
      %get3A_591 = vector.load %arg8[%get3A_589, %get3A_590] : memref<8x16384xf32, #tpu.memory_space<vmem>>, vector<8x128xf32>
      %min3A_592 = arith.minimumf %get3A_591, %add3A_588 : vector<8x128xf32>
      %swap3A_593 = arith.constant 0 : index
      %swap3A_594 = arith.constant 2176 : index
      %swap3A_595 = vector.load %arg8[%swap3A_593, %swap3A_594] : memref<8x16384xf32, #tpu.memory_space<vmem>>, vector<8x128xf32>
      tpu.vector_store %arg8[%swap3A_593, %swap3A_594], %min3A_592 {strides = array<i32>} : memref<8x16384xf32, #tpu.memory_space<vmem>>, vector<8x128xf32>,
      %gt3A_596 = arith.cmpf ogt, %min3A_592, %select_n3A_341 : vector<8x128xf32>
      %select_n3A_597 = arith.select %gt3A_596, %min3A_592, %select_n3A_341 : vector<8x128xi1>, vector<8x128xf32>
      %jit3A_598 = arith.constant 17 : i32
      %broadcast_in_dim3A_599 = vector.broadcast %jit3A_598 : i32 to vector<8x128xi32>
      %select_n3A_600 = arith.select %gt3A_596, %broadcast_in_dim3A_599, %select_n3A_344 : vector<8x128xi1>, vector<8x128xi32>
      %select_n3A_601 = arith.select %gt3A_596, %get3A_574, %select_n3A_345 : vector<8x128xi1>, vector<8x128xf32>
      %select_n3A_602 = arith.select %gt3A_596, %get3A_577, %select_n3A_346 : vector<8x128xi1>, vector<8x128xf32>
      %select_n3A_603 = arith.select %gt3A_596, %get3A_580, %select_n3A_347 : vector<8x128xi1>, vector<8x128xf32>
      %get3A_604 = arith.constant 0 : index
      %get3A_605 = arith.constant 2304 : index
      %get3A_606 = vector.load %arg1[%get3A_604, %get3A_605] : memref<8x16384xf32, #tpu.memory_space<vmem>>, vector<8x128xf32>
      %get3A_607 = arith.constant 0 : index
      %get3A_608 = arith.constant 2304 : index
      %get3A_609 = vector.load %arg2[%get3A_607, %get3A_608] : memref<8x16384xf32, #tpu.memory_space<vmem>>, vector<8x128xf32>
      %get3A_610 = arith.constant 0 : index
      %get3A_611 = arith.constant 2304 : index
      %get3A_612 = vector.load %arg3[%get3A_610, %get3A_611] : memref<8x16384xf32, #tpu.memory_space<vmem>>, vector<8x128xf32>
      %sub3A_613 = arith.subf %get3A_606, %scan3A_72 : vector<8x128xf32>
      %sub3A_614 = arith.subf %get3A_609, %scan3A_73 : vector<8x128xf32>
      %sub3A_615 = arith.subf %get3A_612, %scan3A_74 : vector<8x128xf32>
      %mul3A_616 = arith.mulf %sub3A_613, %sub3A_613 : vector<8x128xf32>
      %mul3A_617 = arith.mulf %sub3A_615, %sub3A_615 : vector<8x128xf32>
      %add3A_618 = arith.addf %mul3A_616, %mul3A_617 : vector<8x128xf32>
      %mul3A_619 = arith.mulf %sub3A_614, %sub3A_614 : vector<8x128xf32>
      %add3A_620 = arith.addf %add3A_618, %mul3A_619 : vector<8x128xf32>
      %get3A_621 = arith.constant 0 : index
      %get3A_622 = arith.constant 2304 : index
      %get3A_623 = vector.load %arg8[%get3A_621, %get3A_622] : memref<8x16384xf32, #tpu.memory_space<vmem>>, vector<8x128xf32>
      %min3A_624 = arith.minimumf %get3A_623, %add3A_620 : vector<8x128xf32>
      %swap3A_625 = arith.constant 0 : index
      %swap3A_626 = arith.constant 2304 : index
      %swap3A_627 = vector.load %arg8[%swap3A_625, %swap3A_626] : memref<8x16384xf32, #tpu.memory_space<vmem>>, vector<8x128xf32>
      tpu.vector_store %arg8[%swap3A_625, %swap3A_626], %min3A_624 {strides = array<i32>} : memref<8x16384xf32, #tpu.memory_space<vmem>>, vector<8x128xf32>,
      %gt3A_628 = arith.cmpf ogt, %min3A_624, %select_n3A_373 : vector<8x128xf32>
      %select_n3A_629 = arith.select %gt3A_628, %min3A_624, %select_n3A_373 : vector<8x128xi1>, vector<8x128xf32>
      %jit3A_630 = arith.constant 18 : i32
      %broadcast_in_dim3A_631 = vector.broadcast %jit3A_630 : i32 to vector<8x128xi32>
      %select_n3A_632 = arith.select %gt3A_628, %broadcast_in_dim3A_631, %select_n3A_376 : vector<8x128xi1>, vector<8x128xi32>
      %select_n3A_633 = arith.select %gt3A_628, %get3A_606, %select_n3A_377 : vector<8x128xi1>, vector<8x128xf32>
      %select_n3A_634 = arith.select %gt3A_628, %get3A_609, %select_n3A_378 : vector<8x128xi1>, vector<8x128xf32>
      %select_n3A_635 = arith.select %gt3A_628, %get3A_612, %select_n3A_379 : vector<8x128xi1>, vector<8x128xf32>
      %get3A_636 = arith.constant 0 : index
      %get3A_637 = arith.constant 2432 : index
      %get3A_638 = vector.load %arg1[%get3A_636, %get3A_637] : memref<8x16384xf32, #tpu.memory_space<vmem>>, vector<8x128xf32>
      %get3A_639 = arith.constant 0 : index
      %get3A_640 = arith.constant 2432 : index
      %get3A_641 = vector.load %arg2[%get3A_639, %get3A_640] : memref<8x16384xf32, #tpu.memory_space<vmem>>, vector<8x128xf32>
      %get3A_642 = arith.constant 0 : index
      %get3A_643 = arith.constant 2432 : index
      %get3A_644 = vector.load %arg3[%get3A_642, %get3A_643] : memref<8x16384xf32, #tpu.memory_space<vmem>>, vector<8x128xf32>
      %sub3A_645 = arith.subf %get3A_638, %scan3A_72 : vector<8x128xf32>
      %sub3A_646 = arith.subf %get3A_641, %scan3A_73 : vector<8x128xf32>
      %sub3A_647 = arith.subf %get3A_644, %scan3A_74 : vector<8x128xf32>
      %mul3A_648 = arith.mulf %sub3A_645, %sub3A_645 : vector<8x128xf32>
      %mul3A_649 = arith.mulf %sub3A_647, %sub3A_647 : vector<8x128xf32>
      %add3A_650 = arith.addf %mul3A_648, %mul3A_649 : vector<8x128xf32>
      %mul3A_651 = arith.mulf %sub3A_646, %sub3A_646 : vector<8x128xf32>
      %add3A_652 = arith.addf %add3A_650, %mul3A_651 : vector<8x128xf32>
      %get3A_653 = arith.constant 0 : index
      %get3A_654 = arith.constant 2432 : index
      %get3A_655 = vector.load %arg8[%get3A_653, %get3A_654] : memref<8x16384xf32, #tpu.memory_space<vmem>>, vector<8x128xf32>
      %min3A_656 = arith.minimumf %get3A_655, %add3A_652 : vector<8x128xf32>
      %swap3A_657 = arith.constant 0 : index
      %swap3A_658 = arith.constant 2432 : index
      %swap3A_659 = vector.load %arg8[%swap3A_657, %swap3A_658] : memref<8x16384xf32, #tpu.memory_space<vmem>>, vector<8x128xf32>
      tpu.vector_store %arg8[%swap3A_657, %swap3A_658], %min3A_656 {strides = array<i32>} : memref<8x16384xf32, #tpu.memory_space<vmem>>, vector<8x128xf32>,
      %gt3A_660 = arith.cmpf ogt, %min3A_656, %select_n3A_405 : vector<8x128xf32>
      %select_n3A_661 = arith.select %gt3A_660, %min3A_656, %select_n3A_405 : vector<8x128xi1>, vector<8x128xf32>
      %jit3A_662 = arith.constant 19 : i32
      %broadcast_in_dim3A_663 = vector.broadcast %jit3A_662 : i32 to vector<8x128xi32>
      %select_n3A_664 = arith.select %gt3A_660, %broadcast_in_dim3A_663, %select_n3A_408 : vector<8x128xi1>, vector<8x128xi32>
      %select_n3A_665 = arith.select %gt3A_660, %get3A_638, %select_n3A_409 : vector<8x128xi1>, vector<8x128xf32>
      %select_n3A_666 = arith.select %gt3A_660, %get3A_641, %select_n3A_410 : vector<8x128xi1>, vector<8x128xf32>
      %select_n3A_667 = arith.select %gt3A_660, %get3A_644, %select_n3A_411 : vector<8x128xi1>, vector<8x128xf32>
      %get3A_668 = arith.constant 0 : index
      %get3A_669 = arith.constant 2560 : index
      %get3A_670 = vector.load %arg1[%get3A_668, %get3A_669] : memref<8x16384xf32, #tpu.memory_space<vmem>>, vector<8x128xf32>
      %get3A_671 = arith.constant 0 : index
      %get3A_672 = arith.constant 2560 : index
      %get3A_673 = vector.load %arg2[%get3A_671, %get3A_672] : memref<8x16384xf32, #tpu.memory_space<vmem>>, vector<8x128xf32>
      %get3A_674 = arith.constant 0 : index
      %get3A_675 = arith.constant 2560 : index
      %get3A_676 = vector.load %arg3[%get3A_674, %get3A_675] : memref<8x16384xf32, #tpu.memory_space<vmem>>, vector<8x128xf32>
      %sub3A_677 = arith.subf %get3A_670, %scan3A_72 : vector<8x128xf32>
      %sub3A_678 = arith.subf %get3A_673, %scan3A_73 : vector<8x128xf32>
      %sub3A_679 = arith.subf %get3A_676, %scan3A_74 : vector<8x128xf32>
      %mul3A_680 = arith.mulf %sub3A_677, %sub3A_677 : vector<8x128xf32>
      %mul3A_681 = arith.mulf %sub3A_679, %sub3A_679 : vector<8x128xf32>
      %add3A_682 = arith.addf %mul3A_680, %mul3A_681 : vector<8x128xf32>
      %mul3A_683 = arith.mulf %sub3A_678, %sub3A_678 : vector<8x128xf32>
      %add3A_684 = arith.addf %add3A_682, %mul3A_683 : vector<8x128xf32>
      %get3A_685 = arith.constant 0 : index
      %get3A_686 = arith.constant 2560 : index
      %get3A_687 = vector.load %arg8[%get3A_685, %get3A_686] : memref<8x16384xf32, #tpu.memory_space<vmem>>, vector<8x128xf32>
      %min3A_688 = arith.minimumf %get3A_687, %add3A_684 : vector<8x128xf32>
      %swap3A_689 = arith.constant 0 : index
      %swap3A_690 = arith.constant 2560 : index
      %swap3A_691 = vector.load %arg8[%swap3A_689, %swap3A_690] : memref<8x16384xf32, #tpu.memory_space<vmem>>, vector<8x128xf32>
      tpu.vector_store %arg8[%swap3A_689, %swap3A_690], %min3A_688 {strides = array<i32>} : memref<8x16384xf32, #tpu.memory_space<vmem>>, vector<8x128xf32>,
      %gt3A_692 = arith.cmpf ogt, %min3A_688, %select_n3A_437 : vector<8x128xf32>
      %select_n3A_693 = arith.select %gt3A_692, %min3A_688, %select_n3A_437 : vector<8x128xi1>, vector<8x128xf32>
      %jit3A_694 = arith.constant 20 : i32
      %broadcast_in_dim3A_695 = vector.broadcast %jit3A_694 : i32 to vector<8x128xi32>
      %select_n3A_696 = arith.select %gt3A_692, %broadcast_in_dim3A_695, %select_n3A_440 : vector<8x128xi1>, vector<8x128xi32>
      %select_n3A_697 = arith.select %gt3A_692, %get3A_670, %select_n3A_441 : vector<8x128xi1>, vector<8x128xf32>
      %select_n3A_698 = arith.select %gt3A_692, %get3A_673, %select_n3A_442 : vector<8x128xi1>, vector<8x128xf32>
      %select_n3A_699 = arith.select %gt3A_692, %get3A_676, %select_n3A_443 : vector<8x128xi1>, vector<8x128xf32>
      %get3A_700 = arith.constant 0 : index
      %get3A_701 = arith.constant 2688 : index
      %get3A_702 = vector.load %arg1[%get3A_700, %get3A_701] : memref<8x16384xf32, #tpu.memory_space<vmem>>, vector<8x128xf32>
      %get3A_703 = arith.constant 0 : index
      %get3A_704 = arith.constant 2688 : index
      %get3A_705 = vector.load %arg2[%get3A_703, %get3A_704] : memref<8x16384xf32, #tpu.memory_space<vmem>>, vector<8x128xf32>
      %get3A_706 = arith.constant 0 : index
      %get3A_707 = arith.constant 2688 : index
      %get3A_708 = vector.load %arg3[%get3A_706, %get3A_707] : memref<8x16384xf32, #tpu.memory_space<vmem>>, vector<8x128xf32>
      %sub3A_709 = arith.subf %get3A_702, %scan3A_72 : vector<8x128xf32>
      %sub3A_710 = arith.subf %get3A_705, %scan3A_73 : vector<8x128xf32>
      %sub3A_711 = arith.subf %get3A_708, %scan3A_74 : vector<8x128xf32>
      %mul3A_712 = arith.mulf %sub3A_709, %sub3A_709 : vector<8x128xf32>
      %mul3A_713 = arith.mulf %sub3A_711, %sub3A_711 : vector<8x128xf32>
      %add3A_714 = arith.addf %mul3A_712, %mul3A_713 : vector<8x128xf32>
      %mul3A_715 = arith.mulf %sub3A_710, %sub3A_710 : vector<8x128xf32>
      %add3A_716 = arith.addf %add3A_714, %mul3A_715 : vector<8x128xf32>
      %get3A_717 = arith.constant 0 : index
      %get3A_718 = arith.constant 2688 : index
      %get3A_719 = vector.load %arg8[%get3A_717, %get3A_718] : memref<8x16384xf32, #tpu.memory_space<vmem>>, vector<8x128xf32>
      %min3A_720 = arith.minimumf %get3A_719, %add3A_716 : vector<8x128xf32>
      %swap3A_721 = arith.constant 0 : index
      %swap3A_722 = arith.constant 2688 : index
      %swap3A_723 = vector.load %arg8[%swap3A_721, %swap3A_722] : memref<8x16384xf32, #tpu.memory_space<vmem>>, vector<8x128xf32>
      tpu.vector_store %arg8[%swap3A_721, %swap3A_722], %min3A_720 {strides = array<i32>} : memref<8x16384xf32, #tpu.memory_space<vmem>>, vector<8x128xf32>,
      %gt3A_724 = arith.cmpf ogt, %min3A_720, %select_n3A_469 : vector<8x128xf32>
      %select_n3A_725 = arith.select %gt3A_724, %min3A_720, %select_n3A_469 : vector<8x128xi1>, vector<8x128xf32>
      %jit3A_726 = arith.constant 21 : i32
      %broadcast_in_dim3A_727 = vector.broadcast %jit3A_726 : i32 to vector<8x128xi32>
      %select_n3A_728 = arith.select %gt3A_724, %broadcast_in_dim3A_727, %select_n3A_472 : vector<8x128xi1>, vector<8x128xi32>
      %select_n3A_729 = arith.select %gt3A_724, %get3A_702, %select_n3A_473 : vector<8x128xi1>, vector<8x128xf32>
      %select_n3A_730 = arith.select %gt3A_724, %get3A_705, %select_n3A_474 : vector<8x128xi1>, vector<8x128xf32>
      %select_n3A_731 = arith.select %gt3A_724, %get3A_708, %select_n3A_475 : vector<8x128xi1>, vector<8x128xf32>
      %get3A_732 = arith.constant 0 : index
      %get3A_733 = arith.constant 2816 : index
      %get3A_734 = vector.load %arg1[%get3A_732, %get3A_733] : memref<8x16384xf32, #tpu.memory_space<vmem>>, vector<8x128xf32>
      %get3A_735 = arith.constant 0 : index
      %get3A_736 = arith.constant 2816 : index
      %get3A_737 = vector.load %arg2[%get3A_735, %get3A_736] : memref<8x16384xf32, #tpu.memory_space<vmem>>, vector<8x128xf32>
      %get3A_738 = arith.constant 0 : index
      %get3A_739 = arith.constant 2816 : index
      %get3A_740 = vector.load %arg3[%get3A_738, %get3A_739] : memref<8x16384xf32, #tpu.memory_space<vmem>>, vector<8x128xf32>
      %sub3A_741 = arith.subf %get3A_734, %scan3A_72 : vector<8x128xf32>
      %sub3A_742 = arith.subf %get3A_737, %scan3A_73 : vector<8x128xf32>
      %sub3A_743 = arith.subf %get3A_740, %scan3A_74 : vector<8x128xf32>
      %mul3A_744 = arith.mulf %sub3A_741, %sub3A_741 : vector<8x128xf32>
      %mul3A_745 = arith.mulf %sub3A_743, %sub3A_743 : vector<8x128xf32>
      %add3A_746 = arith.addf %mul3A_744, %mul3A_745 : vector<8x128xf32>
      %mul3A_747 = arith.mulf %sub3A_742, %sub3A_742 : vector<8x128xf32>
      %add3A_748 = arith.addf %add3A_746, %mul3A_747 : vector<8x128xf32>
      %get3A_749 = arith.constant 0 : index
      %get3A_750 = arith.constant 2816 : index
      %get3A_751 = vector.load %arg8[%get3A_749, %get3A_750] : memref<8x16384xf32, #tpu.memory_space<vmem>>, vector<8x128xf32>
      %min3A_752 = arith.minimumf %get3A_751, %add3A_748 : vector<8x128xf32>
      %swap3A_753 = arith.constant 0 : index
      %swap3A_754 = arith.constant 2816 : index
      %swap3A_755 = vector.load %arg8[%swap3A_753, %swap3A_754] : memref<8x16384xf32, #tpu.memory_space<vmem>>, vector<8x128xf32>
      tpu.vector_store %arg8[%swap3A_753, %swap3A_754], %min3A_752 {strides = array<i32>} : memref<8x16384xf32, #tpu.memory_space<vmem>>, vector<8x128xf32>,
      %gt3A_756 = arith.cmpf ogt, %min3A_752, %select_n3A_501 : vector<8x128xf32>
      %select_n3A_757 = arith.select %gt3A_756, %min3A_752, %select_n3A_501 : vector<8x128xi1>, vector<8x128xf32>
      %jit3A_758 = arith.constant 22 : i32
      %broadcast_in_dim3A_759 = vector.broadcast %jit3A_758 : i32 to vector<8x128xi32>
      %select_n3A_760 = arith.select %gt3A_756, %broadcast_in_dim3A_759, %select_n3A_504 : vector<8x128xi1>, vector<8x128xi32>
      %select_n3A_761 = arith.select %gt3A_756, %get3A_734, %select_n3A_505 : vector<8x128xi1>, vector<8x128xf32>
      %select_n3A_762 = arith.select %gt3A_756, %get3A_737, %select_n3A_506 : vector<8x128xi1>, vector<8x128xf32>
      %select_n3A_763 = arith.select %gt3A_756, %get3A_740, %select_n3A_507 : vector<8x128xi1>, vector<8x128xf32>
      %get3A_764 = arith.constant 0 : index
      %get3A_765 = arith.constant 2944 : index
      %get3A_766 = vector.load %arg1[%get3A_764, %get3A_765] : memref<8x16384xf32, #tpu.memory_space<vmem>>, vector<8x128xf32>
      %get3A_767 = arith.constant 0 : index
      %get3A_768 = arith.constant 2944 : index
      %get3A_769 = vector.load %arg2[%get3A_767, %get3A_768] : memref<8x16384xf32, #tpu.memory_space<vmem>>, vector<8x128xf32>
      %get3A_770 = arith.constant 0 : index
      %get3A_771 = arith.constant 2944 : index
      %get3A_772 = vector.load %arg3[%get3A_770, %get3A_771] : memref<8x16384xf32, #tpu.memory_space<vmem>>, vector<8x128xf32>
      %sub3A_773 = arith.subf %get3A_766, %scan3A_72 : vector<8x128xf32>
      %sub3A_774 = arith.subf %get3A_769, %scan3A_73 : vector<8x128xf32>
      %sub3A_775 = arith.subf %get3A_772, %scan3A_74 : vector<8x128xf32>
      %mul3A_776 = arith.mulf %sub3A_773, %sub3A_773 : vector<8x128xf32>
      %mul3A_777 = arith.mulf %sub3A_775, %sub3A_775 : vector<8x128xf32>
      %add3A_778 = arith.addf %mul3A_776, %mul3A_777 : vector<8x128xf32>
      %mul3A_779 = arith.mulf %sub3A_774, %sub3A_774 : vector<8x128xf32>
      %add3A_780 = arith.addf %add3A_778, %mul3A_779 : vector<8x128xf32>
      %get3A_781 = arith.constant 0 : index
      %get3A_782 = arith.constant 2944 : index
      %get3A_783 = vector.load %arg8[%get3A_781, %get3A_782] : memref<8x16384xf32, #tpu.memory_space<vmem>>, vector<8x128xf32>
      %min3A_784 = arith.minimumf %get3A_783, %add3A_780 : vector<8x128xf32>
      %swap3A_785 = arith.constant 0 : index
      %swap3A_786 = arith.constant 2944 : index
      %swap3A_787 = vector.load %arg8[%swap3A_785, %swap3A_786] : memref<8x16384xf32, #tpu.memory_space<vmem>>, vector<8x128xf32>
      tpu.vector_store %arg8[%swap3A_785, %swap3A_786], %min3A_784 {strides = array<i32>} : memref<8x16384xf32, #tpu.memory_space<vmem>>, vector<8x128xf32>,
      %gt3A_788 = arith.cmpf ogt, %min3A_784, %select_n3A_533 : vector<8x128xf32>
      %select_n3A_789 = arith.select %gt3A_788, %min3A_784, %select_n3A_533 : vector<8x128xi1>, vector<8x128xf32>
      %jit3A_790 = arith.constant 23 : i32
      %broadcast_in_dim3A_791 = vector.broadcast %jit3A_790 : i32 to vector<8x128xi32>
      %select_n3A_792 = arith.select %gt3A_788, %broadcast_in_dim3A_791, %select_n3A_536 : vector<8x128xi1>, vector<8x128xi32>
      %select_n3A_793 = arith.select %gt3A_788, %get3A_766, %select_n3A_537 : vector<8x128xi1>, vector<8x128xf32>
      %select_n3A_794 = arith.select %gt3A_788, %get3A_769, %select_n3A_538 : vector<8x128xi1>, vector<8x128xf32>
      %select_n3A_795 = arith.select %gt3A_788, %get3A_772, %select_n3A_539 : vector<8x128xi1>, vector<8x128xf32>
      %get3A_796 = arith.constant 0 : index
      %get3A_797 = arith.constant 3072 : index
      %get3A_798 = vector.load %arg1[%get3A_796, %get3A_797] : memref<8x16384xf32, #tpu.memory_space<vmem>>, vector<8x128xf32>
      %get3A_799 = arith.constant 0 : index
      %get3A_800 = arith.constant 3072 : index
      %get3A_801 = vector.load %arg2[%get3A_799, %get3A_800] : memref<8x16384xf32, #tpu.memory_space<vmem>>, vector<8x128xf32>
      %get3A_802 = arith.constant 0 : index
      %get3A_803 = arith.constant 3072 : index
      %get3A_804 = vector.load %arg3[%get3A_802, %get3A_803] : memref<8x16384xf32, #tpu.memory_space<vmem>>, vector<8x128xf32>
      %sub3A_805 = arith.subf %get3A_798, %scan3A_72 : vector<8x128xf32>
      %sub3A_806 = arith.subf %get3A_801, %scan3A_73 : vector<8x128xf32>
      %sub3A_807 = arith.subf %get3A_804, %scan3A_74 : vector<8x128xf32>
      %mul3A_808 = arith.mulf %sub3A_805, %sub3A_805 : vector<8x128xf32>
      %mul3A_809 = arith.mulf %sub3A_807, %sub3A_807 : vector<8x128xf32>
      %add3A_810 = arith.addf %mul3A_808, %mul3A_809 : vector<8x128xf32>
      %mul3A_811 = arith.mulf %sub3A_806, %sub3A_806 : vector<8x128xf32>
      %add3A_812 = arith.addf %add3A_810, %mul3A_811 : vector<8x128xf32>
      %get3A_813 = arith.constant 0 : index
      %get3A_814 = arith.constant 3072 : index
      %get3A_815 = vector.load %arg8[%get3A_813, %get3A_814] : memref<8x16384xf32, #tpu.memory_space<vmem>>, vector<8x128xf32>
      %min3A_816 = arith.minimumf %get3A_815, %add3A_812 : vector<8x128xf32>
      %swap3A_817 = arith.constant 0 : index
      %swap3A_818 = arith.constant 3072 : index
      %swap3A_819 = vector.load %arg8[%swap3A_817, %swap3A_818] : memref<8x16384xf32, #tpu.memory_space<vmem>>, vector<8x128xf32>
      tpu.vector_store %arg8[%swap3A_817, %swap3A_818], %min3A_816 {strides = array<i32>} : memref<8x16384xf32, #tpu.memory_space<vmem>>, vector<8x128xf32>,
      %gt3A_820 = arith.cmpf ogt, %min3A_816, %select_n3A_565 : vector<8x128xf32>
      %select_n3A_821 = arith.select %gt3A_820, %min3A_816, %select_n3A_565 : vector<8x128xi1>, vector<8x128xf32>
      %jit3A_822 = arith.constant 24 : i32
      %broadcast_in_dim3A_823 = vector.broadcast %jit3A_822 : i32 to vector<8x128xi32>
      %select_n3A_824 = arith.select %gt3A_820, %broadcast_in_dim3A_823, %select_n3A_568 : vector<8x128xi1>, vector<8x128xi32>
      %select_n3A_825 = arith.select %gt3A_820, %get3A_798, %select_n3A_569 : vector<8x128xi1>, vector<8x128xf32>
      %select_n3A_826 = arith.select %gt3A_820, %get3A_801, %select_n3A_570 : vector<8x128xi1>, vector<8x128xf32>
      %select_n3A_827 = arith.select %gt3A_820, %get3A_804, %select_n3A_571 : vector<8x128xi1>, vector<8x128xf32>
      %get3A_828 = arith.constant 0 : index
      %get3A_829 = arith.constant 3200 : index
      %get3A_830 = vector.load %arg1[%get3A_828, %get3A_829] : memref<8x16384xf32, #tpu.memory_space<vmem>>, vector<8x128xf32>
      %get3A_831 = arith.constant 0 : index
      %get3A_832 = arith.constant 3200 : index
      %get3A_833 = vector.load %arg2[%get3A_831, %get3A_832] : memref<8x16384xf32, #tpu.memory_space<vmem>>, vector<8x128xf32>
      %get3A_834 = arith.constant 0 : index
      %get3A_835 = arith.constant 3200 : index
      %get3A_836 = vector.load %arg3[%get3A_834, %get3A_835] : memref<8x16384xf32, #tpu.memory_space<vmem>>, vector<8x128xf32>
      %sub3A_837 = arith.subf %get3A_830, %scan3A_72 : vector<8x128xf32>
      %sub3A_838 = arith.subf %get3A_833, %scan3A_73 : vector<8x128xf32>
      %sub3A_839 = arith.subf %get3A_836, %scan3A_74 : vector<8x128xf32>
      %mul3A_840 = arith.mulf %sub3A_837, %sub3A_837 : vector<8x128xf32>
      %mul3A_841 = arith.mulf %sub3A_839, %sub3A_839 : vector<8x128xf32>
      %add3A_842 = arith.addf %mul3A_840, %mul3A_841 : vector<8x128xf32>
      %mul3A_843 = arith.mulf %sub3A_838, %sub3A_838 : vector<8x128xf32>
      %add3A_844 = arith.addf %add3A_842, %mul3A_843 : vector<8x128xf32>
      %get3A_845 = arith.constant 0 : index
      %get3A_846 = arith.constant 3200 : index
      %get3A_847 = vector.load %arg8[%get3A_845, %get3A_846] : memref<8x16384xf32, #tpu.memory_space<vmem>>, vector<8x128xf32>
      %min3A_848 = arith.minimumf %get3A_847, %add3A_844 : vector<8x128xf32>
      %swap3A_849 = arith.constant 0 : index
      %swap3A_850 = arith.constant 3200 : index
      %swap3A_851 = vector.load %arg8[%swap3A_849, %swap3A_850] : memref<8x16384xf32, #tpu.memory_space<vmem>>, vector<8x128xf32>
      tpu.vector_store %arg8[%swap3A_849, %swap3A_850], %min3A_848 {strides = array<i32>} : memref<8x16384xf32, #tpu.memory_space<vmem>>, vector<8x128xf32>,
      %gt3A_852 = arith.cmpf ogt, %min3A_848, %select_n3A_597 : vector<8x128xf32>
      %select_n3A_853 = arith.select %gt3A_852, %min3A_848, %select_n3A_597 : vector<8x128xi1>, vector<8x128xf32>
      %jit3A_854 = arith.constant 25 : i32
      %broadcast_in_dim3A_855 = vector.broadcast %jit3A_854 : i32 to vector<8x128xi32>
      %select_n3A_856 = arith.select %gt3A_852, %broadcast_in_dim3A_855, %select_n3A_600 : vector<8x128xi1>, vector<8x128xi32>
      %select_n3A_857 = arith.select %gt3A_852, %get3A_830, %select_n3A_601 : vector<8x128xi1>, vector<8x128xf32>
      %select_n3A_858 = arith.select %gt3A_852, %get3A_833, %select_n3A_602 : vector<8x128xi1>, vector<8x128xf32>
      %select_n3A_859 = arith.select %gt3A_852, %get3A_836, %select_n3A_603 : vector<8x128xi1>, vector<8x128xf32>
      %get3A_860 = arith.constant 0 : index
      %get3A_861 = arith.constant 3328 : index
      %get3A_862 = vector.load %arg1[%get3A_860, %get3A_861] : memref<8x16384xf32, #tpu.memory_space<vmem>>, vector<8x128xf32>
      %get3A_863 = arith.constant 0 : index
      %get3A_864 = arith.constant 3328 : index
      %get3A_865 = vector.load %arg2[%get3A_863, %get3A_864] : memref<8x16384xf32, #tpu.memory_space<vmem>>, vector<8x128xf32>
      %get3A_866 = arith.constant 0 : index
      %get3A_867 = arith.constant 3328 : index
      %get3A_868 = vector.load %arg3[%get3A_866, %get3A_867] : memref<8x16384xf32, #tpu.memory_space<vmem>>, vector<8x128xf32>
      %sub3A_869 = arith.subf %get3A_862, %scan3A_72 : vector<8x128xf32>
      %sub3A_870 = arith.subf %get3A_865, %scan3A_73 : vector<8x128xf32>
      %sub3A_871 = arith.subf %get3A_868, %scan3A_74 : vector<8x128xf32>
      %mul3A_872 = arith.mulf %sub3A_869, %sub3A_869 : vector<8x128xf32>
      %mul3A_873 = arith.mulf %sub3A_871, %sub3A_871 : vector<8x128xf32>
      %add3A_874 = arith.addf %mul3A_872, %mul3A_873 : vector<8x128xf32>
      %mul3A_875 = arith.mulf %sub3A_870, %sub3A_870 : vector<8x128xf32>
      %add3A_876 = arith.addf %add3A_874, %mul3A_875 : vector<8x128xf32>
      %get3A_877 = arith.constant 0 : index
      %get3A_878 = arith.constant 3328 : index
      %get3A_879 = vector.load %arg8[%get3A_877, %get3A_878] : memref<8x16384xf32, #tpu.memory_space<vmem>>, vector<8x128xf32>
      %min3A_880 = arith.minimumf %get3A_879, %add3A_876 : vector<8x128xf32>
      %swap3A_881 = arith.constant 0 : index
      %swap3A_882 = arith.constant 3328 : index
      %swap3A_883 = vector.load %arg8[%swap3A_881, %swap3A_882] : memref<8x16384xf32, #tpu.memory_space<vmem>>, vector<8x128xf32>
      tpu.vector_store %arg8[%swap3A_881, %swap3A_882], %min3A_880 {strides = array<i32>} : memref<8x16384xf32, #tpu.memory_space<vmem>>, vector<8x128xf32>,
      %gt3A_884 = arith.cmpf ogt, %min3A_880, %select_n3A_629 : vector<8x128xf32>
      %select_n3A_885 = arith.select %gt3A_884, %min3A_880, %select_n3A_629 : vector<8x128xi1>, vector<8x128xf32>
      %jit3A_886 = arith.constant 26 : i32
      %broadcast_in_dim3A_887 = vector.broadcast %jit3A_886 : i32 to vector<8x128xi32>
      %select_n3A_888 = arith.select %gt3A_884, %broadcast_in_dim3A_887, %select_n3A_632 : vector<8x128xi1>, vector<8x128xi32>
      %select_n3A_889 = arith.select %gt3A_884, %get3A_862, %select_n3A_633 : vector<8x128xi1>, vector<8x128xf32>
      %select_n3A_890 = arith.select %gt3A_884, %get3A_865, %select_n3A_634 : vector<8x128xi1>, vector<8x128xf32>
      %select_n3A_891 = arith.select %gt3A_884, %get3A_868, %select_n3A_635 : vector<8x128xi1>, vector<8x128xf32>
      %get3A_892 = arith.constant 0 : index
      %get3A_893 = arith.constant 3456 : index
      %get3A_894 = vector.load %arg1[%get3A_892, %get3A_893] : memref<8x16384xf32, #tpu.memory_space<vmem>>, vector<8x128xf32>
      %get3A_895 = arith.constant 0 : index
      %get3A_896 = arith.constant 3456 : index
      %get3A_897 = vector.load %arg2[%get3A_895, %get3A_896] : memref<8x16384xf32, #tpu.memory_space<vmem>>, vector<8x128xf32>
      %get3A_898 = arith.constant 0 : index
      %get3A_899 = arith.constant 3456 : index
      %get3A_900 = vector.load %arg3[%get3A_898, %get3A_899] : memref<8x16384xf32, #tpu.memory_space<vmem>>, vector<8x128xf32>
      %sub3A_901 = arith.subf %get3A_894, %scan3A_72 : vector<8x128xf32>
      %sub3A_902 = arith.subf %get3A_897, %scan3A_73 : vector<8x128xf32>
      %sub3A_903 = arith.subf %get3A_900, %scan3A_74 : vector<8x128xf32>
      %mul3A_904 = arith.mulf %sub3A_901, %sub3A_901 : vector<8x128xf32>
      %mul3A_905 = arith.mulf %sub3A_903, %sub3A_903 : vector<8x128xf32>
      %add3A_906 = arith.addf %mul3A_904, %mul3A_905 : vector<8x128xf32>
      %mul3A_907 = arith.mulf %sub3A_902, %sub3A_902 : vector<8x128xf32>
      %add3A_908 = arith.addf %add3A_906, %mul3A_907 : vector<8x128xf32>
      %get3A_909 = arith.constant 0 : index
      %get3A_910 = arith.constant 3456 : index
      %get3A_911 = vector.load %arg8[%get3A_909, %get3A_910] : memref<8x16384xf32, #tpu.memory_space<vmem>>, vector<8x128xf32>
      %min3A_912 = arith.minimumf %get3A_911, %add3A_908 : vector<8x128xf32>
      %swap3A_913 = arith.constant 0 : index
      %swap3A_914 = arith.constant 3456 : index
      %swap3A_915 = vector.load %arg8[%swap3A_913, %swap3A_914] : memref<8x16384xf32, #tpu.memory_space<vmem>>, vector<8x128xf32>
      tpu.vector_store %arg8[%swap3A_913, %swap3A_914], %min3A_912 {strides = array<i32>} : memref<8x16384xf32, #tpu.memory_space<vmem>>, vector<8x128xf32>,
      %gt3A_916 = arith.cmpf ogt, %min3A_912, %select_n3A_661 : vector<8x128xf32>
      %select_n3A_917 = arith.select %gt3A_916, %min3A_912, %select_n3A_661 : vector<8x128xi1>, vector<8x128xf32>
      %jit3A_918 = arith.constant 27 : i32
      %broadcast_in_dim3A_919 = vector.broadcast %jit3A_918 : i32 to vector<8x128xi32>
      %select_n3A_920 = arith.select %gt3A_916, %broadcast_in_dim3A_919, %select_n3A_664 : vector<8x128xi1>, vector<8x128xi32>
      %select_n3A_921 = arith.select %gt3A_916, %get3A_894, %select_n3A_665 : vector<8x128xi1>, vector<8x128xf32>
      %select_n3A_922 = arith.select %gt3A_916, %get3A_897, %select_n3A_666 : vector<8x128xi1>, vector<8x128xf32>
      %select_n3A_923 = arith.select %gt3A_916, %get3A_900, %select_n3A_667 : vector<8x128xi1>, vector<8x128xf32>
      %get3A_924 = arith.constant 0 : index
      %get3A_925 = arith.constant 3584 : index
      %get3A_926 = vector.load %arg1[%get3A_924, %get3A_925] : memref<8x16384xf32, #tpu.memory_space<vmem>>, vector<8x128xf32>
      %get3A_927 = arith.constant 0 : index
      %get3A_928 = arith.constant 3584 : index
      %get3A_929 = vector.load %arg2[%get3A_927, %get3A_928] : memref<8x16384xf32, #tpu.memory_space<vmem>>, vector<8x128xf32>
      %get3A_930 = arith.constant 0 : index
      %get3A_931 = arith.constant 3584 : index
      %get3A_932 = vector.load %arg3[%get3A_930, %get3A_931] : memref<8x16384xf32, #tpu.memory_space<vmem>>, vector<8x128xf32>
      %sub3A_933 = arith.subf %get3A_926, %scan3A_72 : vector<8x128xf32>
      %sub3A_934 = arith.subf %get3A_929, %scan3A_73 : vector<8x128xf32>
      %sub3A_935 = arith.subf %get3A_932, %scan3A_74 : vector<8x128xf32>
      %mul3A_936 = arith.mulf %sub3A_933, %sub3A_933 : vector<8x128xf32>
      %mul3A_937 = arith.mulf %sub3A_935, %sub3A_935 : vector<8x128xf32>
      %add3A_938 = arith.addf %mul3A_936, %mul3A_937 : vector<8x128xf32>
      %mul3A_939 = arith.mulf %sub3A_934, %sub3A_934 : vector<8x128xf32>
      %add3A_940 = arith.addf %add3A_938, %mul3A_939 : vector<8x128xf32>
      %get3A_941 = arith.constant 0 : index
      %get3A_942 = arith.constant 3584 : index
      %get3A_943 = vector.load %arg8[%get3A_941, %get3A_942] : memref<8x16384xf32, #tpu.memory_space<vmem>>, vector<8x128xf32>
      %min3A_944 = arith.minimumf %get3A_943, %add3A_940 : vector<8x128xf32>
      %swap3A_945 = arith.constant 0 : index
      %swap3A_946 = arith.constant 3584 : index
      %swap3A_947 = vector.load %arg8[%swap3A_945, %swap3A_946] : memref<8x16384xf32, #tpu.memory_space<vmem>>, vector<8x128xf32>
      tpu.vector_store %arg8[%swap3A_945, %swap3A_946], %min3A_944 {strides = array<i32>} : memref<8x16384xf32, #tpu.memory_space<vmem>>, vector<8x128xf32>,
      %gt3A_948 = arith.cmpf ogt, %min3A_944, %select_n3A_693 : vector<8x128xf32>
      %select_n3A_949 = arith.select %gt3A_948, %min3A_944, %select_n3A_693 : vector<8x128xi1>, vector<8x128xf32>
      %jit3A_950 = arith.constant 28 : i32
      %broadcast_in_dim3A_951 = vector.broadcast %jit3A_950 : i32 to vector<8x128xi32>
      %select_n3A_952 = arith.select %gt3A_948, %broadcast_in_dim3A_951, %select_n3A_696 : vector<8x128xi1>, vector<8x128xi32>
      %select_n3A_953 = arith.select %gt3A_948, %get3A_926, %select_n3A_697 : vector<8x128xi1>, vector<8x128xf32>
      %select_n3A_954 = arith.select %gt3A_948, %get3A_929, %select_n3A_698 : vector<8x128xi1>, vector<8x128xf32>
      %select_n3A_955 = arith.select %gt3A_948, %get3A_932, %select_n3A_699 : vector<8x128xi1>, vector<8x128xf32>
      %get3A_956 = arith.constant 0 : index
      %get3A_957 = arith.constant 3712 : index
      %get3A_958 = vector.load %arg1[%get3A_956, %get3A_957] : memref<8x16384xf32, #tpu.memory_space<vmem>>, vector<8x128xf32>
      %get3A_959 = arith.constant 0 : index
      %get3A_960 = arith.constant 3712 : index
      %get3A_961 = vector.load %arg2[%get3A_959, %get3A_960] : memref<8x16384xf32, #tpu.memory_space<vmem>>, vector<8x128xf32>
      %get3A_962 = arith.constant 0 : index
      %get3A_963 = arith.constant 3712 : index
      %get3A_964 = vector.load %arg3[%get3A_962, %get3A_963] : memref<8x16384xf32, #tpu.memory_space<vmem>>, vector<8x128xf32>
      %sub3A_965 = arith.subf %get3A_958, %scan3A_72 : vector<8x128xf32>
      %sub3A_966 = arith.subf %get3A_961, %scan3A_73 : vector<8x128xf32>
      %sub3A_967 = arith.subf %get3A_964, %scan3A_74 : vector<8x128xf32>
      %mul3A_968 = arith.mulf %sub3A_965, %sub3A_965 : vector<8x128xf32>
      %mul3A_969 = arith.mulf %sub3A_967, %sub3A_967 : vector<8x128xf32>
      %add3A_970 = arith.addf %mul3A_968, %mul3A_969 : vector<8x128xf32>
      %mul3A_971 = arith.mulf %sub3A_966, %sub3A_966 : vector<8x128xf32>
      %add3A_972 = arith.addf %add3A_970, %mul3A_971 : vector<8x128xf32>
      %get3A_973 = arith.constant 0 : index
      %get3A_974 = arith.constant 3712 : index
      %get3A_975 = vector.load %arg8[%get3A_973, %get3A_974] : memref<8x16384xf32, #tpu.memory_space<vmem>>, vector<8x128xf32>
      %min3A_976 = arith.minimumf %get3A_975, %add3A_972 : vector<8x128xf32>
      %swap3A_977 = arith.constant 0 : index
      %swap3A_978 = arith.constant 3712 : index
      %swap3A_979 = vector.load %arg8[%swap3A_977, %swap3A_978] : memref<8x16384xf32, #tpu.memory_space<vmem>>, vector<8x128xf32>
      tpu.vector_store %arg8[%swap3A_977, %swap3A_978], %min3A_976 {strides = array<i32>} : memref<8x16384xf32, #tpu.memory_space<vmem>>, vector<8x128xf32>,
      %gt3A_980 = arith.cmpf ogt, %min3A_976, %select_n3A_725 : vector<8x128xf32>
      %select_n3A_981 = arith.select %gt3A_980, %min3A_976, %select_n3A_725 : vector<8x128xi1>, vector<8x128xf32>
      %jit3A_982 = arith.constant 29 : i32
      %broadcast_in_dim3A_983 = vector.broadcast %jit3A_982 : i32 to vector<8x128xi32>
      %select_n3A_984 = arith.select %gt3A_980, %broadcast_in_dim3A_983, %select_n3A_728 : vector<8x128xi1>, vector<8x128xi32>
      %select_n3A_985 = arith.select %gt3A_980, %get3A_958, %select_n3A_729 : vector<8x128xi1>, vector<8x128xf32>
      %select_n3A_986 = arith.select %gt3A_980, %get3A_961, %select_n3A_730 : vector<8x128xi1>, vector<8x128xf32>
      %select_n3A_987 = arith.select %gt3A_980, %get3A_964, %select_n3A_731 : vector<8x128xi1>, vector<8x128xf32>
      %get3A_988 = arith.constant 0 : index
      %get3A_989 = arith.constant 3840 : index
      %get3A_990 = vector.load %arg1[%get3A_988, %get3A_989] : memref<8x16384xf32, #tpu.memory_space<vmem>>, vector<8x128xf32>
      %get3A_991 = arith.constant 0 : index
      %get3A_992 = arith.constant 3840 : index
      %get3A_993 = vector.load %arg2[%get3A_991, %get3A_992] : memref<8x16384xf32, #tpu.memory_space<vmem>>, vector<8x128xf32>
      %get3A_994 = arith.constant 0 : index
      %get3A_995 = arith.constant 3840 : index
      %get3A_996 = vector.load %arg3[%get3A_994, %get3A_995] : memref<8x16384xf32, #tpu.memory_space<vmem>>, vector<8x128xf32>
      %sub3A_997 = arith.subf %get3A_990, %scan3A_72 : vector<8x128xf32>
      %sub3A_998 = arith.subf %get3A_993, %scan3A_73 : vector<8x128xf32>
      %sub3A_999 = arith.subf %get3A_996, %scan3A_74 : vector<8x128xf32>
      %mul3A_1000 = arith.mulf %sub3A_997, %sub3A_997 : vector<8x128xf32>
      %mul3A_1001 = arith.mulf %sub3A_999, %sub3A_999 : vector<8x128xf32>
      %add3A_1002 = arith.addf %mul3A_1000, %mul3A_1001 : vector<8x128xf32>
      %mul3A_1003 = arith.mulf %sub3A_998, %sub3A_998 : vector<8x128xf32>
      %add3A_1004 = arith.addf %add3A_1002, %mul3A_1003 : vector<8x128xf32>
      %get3A_1005 = arith.constant 0 : index
      %get3A_1006 = arith.constant 3840 : index
      %get3A_1007 = vector.load %arg8[%get3A_1005, %get3A_1006] : memref<8x16384xf32, #tpu.memory_space<vmem>>, vector<8x128xf32>
      %min3A_1008 = arith.minimumf %get3A_1007, %add3A_1004 : vector<8x128xf32>
      %swap3A_1009 = arith.constant 0 : index
      %swap3A_1010 = arith.constant 3840 : index
      %swap3A_1011 = vector.load %arg8[%swap3A_1009, %swap3A_1010] : memref<8x16384xf32, #tpu.memory_space<vmem>>, vector<8x128xf32>
      tpu.vector_store %arg8[%swap3A_1009, %swap3A_1010], %min3A_1008 {strides = array<i32>} : memref<8x16384xf32, #tpu.memory_space<vmem>>, vector<8x128xf32>,
      %gt3A_1012 = arith.cmpf ogt, %min3A_1008, %select_n3A_757 : vector<8x128xf32>
      %select_n3A_1013 = arith.select %gt3A_1012, %min3A_1008, %select_n3A_757 : vector<8x128xi1>, vector<8x128xf32>
      %jit3A_1014 = arith.constant 30 : i32
      %broadcast_in_dim3A_1015 = vector.broadcast %jit3A_1014 : i32 to vector<8x128xi32>
      %select_n3A_1016 = arith.select %gt3A_1012, %broadcast_in_dim3A_1015, %select_n3A_760 : vector<8x128xi1>, vector<8x128xi32>
      %select_n3A_1017 = arith.select %gt3A_1012, %get3A_990, %select_n3A_761 : vector<8x128xi1>, vector<8x128xf32>
      %select_n3A_1018 = arith.select %gt3A_1012, %get3A_993, %select_n3A_762 : vector<8x128xi1>, vector<8x128xf32>
      %select_n3A_1019 = arith.select %gt3A_1012, %get3A_996, %select_n3A_763 : vector<8x128xi1>, vector<8x128xf32>
      %get3A_1020 = arith.constant 0 : index
      %get3A_1021 = arith.constant 3968 : index
      %get3A_1022 = vector.load %arg1[%get3A_1020, %get3A_1021] : memref<8x16384xf32, #tpu.memory_space<vmem>>, vector<8x128xf32>
      %get3A_1023 = arith.constant 0 : index
      %get3A_1024 = arith.constant 3968 : index
      %get3A_1025 = vector.load %arg2[%get3A_1023, %get3A_1024] : memref<8x16384xf32, #tpu.memory_space<vmem>>, vector<8x128xf32>
      %get3A_1026 = arith.constant 0 : index
      %get3A_1027 = arith.constant 3968 : index
      %get3A_1028 = vector.load %arg3[%get3A_1026, %get3A_1027] : memref<8x16384xf32, #tpu.memory_space<vmem>>, vector<8x128xf32>
      %sub3A_1029 = arith.subf %get3A_1022, %scan3A_72 : vector<8x128xf32>
      %sub3A_1030 = arith.subf %get3A_1025, %scan3A_73 : vector<8x128xf32>
      %sub3A_1031 = arith.subf %get3A_1028, %scan3A_74 : vector<8x128xf32>
      %mul3A_1032 = arith.mulf %sub3A_1029, %sub3A_1029 : vector<8x128xf32>
      %mul3A_1033 = arith.mulf %sub3A_1031, %sub3A_1031 : vector<8x128xf32>
      %add3A_1034 = arith.addf %mul3A_1032, %mul3A_1033 : vector<8x128xf32>
      %mul3A_1035 = arith.mulf %sub3A_1030, %sub3A_1030 : vector<8x128xf32>
      %add3A_1036 = arith.addf %add3A_1034, %mul3A_1035 : vector<8x128xf32>
      %get3A_1037 = arith.constant 0 : index
      %get3A_1038 = arith.constant 3968 : index
      %get3A_1039 = vector.load %arg8[%get3A_1037, %get3A_1038] : memref<8x16384xf32, #tpu.memory_space<vmem>>, vector<8x128xf32>
      %min3A_1040 = arith.minimumf %get3A_1039, %add3A_1036 : vector<8x128xf32>
      %swap3A_1041 = arith.constant 0 : index
      %swap3A_1042 = arith.constant 3968 : index
      %swap3A_1043 = vector.load %arg8[%swap3A_1041, %swap3A_1042] : memref<8x16384xf32, #tpu.memory_space<vmem>>, vector<8x128xf32>
      tpu.vector_store %arg8[%swap3A_1041, %swap3A_1042], %min3A_1040 {strides = array<i32>} : memref<8x16384xf32, #tpu.memory_space<vmem>>, vector<8x128xf32>,
      %gt3A_1044 = arith.cmpf ogt, %min3A_1040, %select_n3A_789 : vector<8x128xf32>
      %select_n3A_1045 = arith.select %gt3A_1044, %min3A_1040, %select_n3A_789 : vector<8x128xi1>, vector<8x128xf32>
      %jit3A_1046 = arith.constant 31 : i32
      %broadcast_in_dim3A_1047 = vector.broadcast %jit3A_1046 : i32 to vector<8x128xi32>
      %select_n3A_1048 = arith.select %gt3A_1044, %broadcast_in_dim3A_1047, %select_n3A_792 : vector<8x128xi1>, vector<8x128xi32>
      %select_n3A_1049 = arith.select %gt3A_1044, %get3A_1022, %select_n3A_793 : vector<8x128xi1>, vector<8x128xf32>
      %select_n3A_1050 = arith.select %gt3A_1044, %get3A_1025, %select_n3A_794 : vector<8x128xi1>, vector<8x128xf32>
      %select_n3A_1051 = arith.select %gt3A_1044, %get3A_1028, %select_n3A_795 : vector<8x128xi1>, vector<8x128xf32>
      %get3A_1052 = arith.constant 0 : index
      %get3A_1053 = arith.constant 4096 : index
      %get3A_1054 = vector.load %arg1[%get3A_1052, %get3A_1053] : memref<8x16384xf32, #tpu.memory_space<vmem>>, vector<8x128xf32>
      %get3A_1055 = arith.constant 0 : index
      %get3A_1056 = arith.constant 4096 : index
      %get3A_1057 = vector.load %arg2[%get3A_1055, %get3A_1056] : memref<8x16384xf32, #tpu.memory_space<vmem>>, vector<8x128xf32>
      %get3A_1058 = arith.constant 0 : index
      %get3A_1059 = arith.constant 4096 : index
      %get3A_1060 = vector.load %arg3[%get3A_1058, %get3A_1059] : memref<8x16384xf32, #tpu.memory_space<vmem>>, vector<8x128xf32>
      %sub3A_1061 = arith.subf %get3A_1054, %scan3A_72 : vector<8x128xf32>
      %sub3A_1062 = arith.subf %get3A_1057, %scan3A_73 : vector<8x128xf32>
      %sub3A_1063 = arith.subf %get3A_1060, %scan3A_74 : vector<8x128xf32>
      %mul3A_1064 = arith.mulf %sub3A_1061, %sub3A_1061 : vector<8x128xf32>
      %mul3A_1065 = arith.mulf %sub3A_1063, %sub3A_1063 : vector<8x128xf32>
      %add3A_1066 = arith.addf %mul3A_1064, %mul3A_1065 : vector<8x128xf32>
      %mul3A_1067 = arith.mulf %sub3A_1062, %sub3A_1062 : vector<8x128xf32>
      %add3A_1068 = arith.addf %add3A_1066, %mul3A_1067 : vector<8x128xf32>
      %get3A_1069 = arith.constant 0 : index
      %get3A_1070 = arith.constant 4096 : index
      %get3A_1071 = vector.load %arg8[%get3A_1069, %get3A_1070] : memref<8x16384xf32, #tpu.memory_space<vmem>>, vector<8x128xf32>
      %min3A_1072 = arith.minimumf %get3A_1071, %add3A_1068 : vector<8x128xf32>
      %swap3A_1073 = arith.constant 0 : index
      %swap3A_1074 = arith.constant 4096 : index
      %swap3A_1075 = vector.load %arg8[%swap3A_1073, %swap3A_1074] : memref<8x16384xf32, #tpu.memory_space<vmem>>, vector<8x128xf32>
      tpu.vector_store %arg8[%swap3A_1073, %swap3A_1074], %min3A_1072 {strides = array<i32>} : memref<8x16384xf32, #tpu.memory_space<vmem>>, vector<8x128xf32>,
      %gt3A_1076 = arith.cmpf ogt, %min3A_1072, %select_n3A_821 : vector<8x128xf32>
      %select_n3A_1077 = arith.select %gt3A_1076, %min3A_1072, %select_n3A_821 : vector<8x128xi1>, vector<8x128xf32>
      %jit3A_1078 = arith.constant 32 : i32
      %broadcast_in_dim3A_1079 = vector.broadcast %jit3A_1078 : i32 to vector<8x128xi32>
      %select_n3A_1080 = arith.select %gt3A_1076, %broadcast_in_dim3A_1079, %select_n3A_824 : vector<8x128xi1>, vector<8x128xi32>
      %select_n3A_1081 = arith.select %gt3A_1076, %get3A_1054, %select_n3A_825 : vector<8x128xi1>, vector<8x128xf32>
      %select_n3A_1082 = arith.select %gt3A_1076, %get3A_1057, %select_n3A_826 : vector<8x128xi1>, vector<8x128xf32>
      %select_n3A_1083 = arith.select %gt3A_1076, %get3A_1060, %select_n3A_827 : vector<8x128xi1>, vector<8x128xf32>
      %get3A_1084 = arith.constant 0 : index
      %get3A_1085 = arith.constant 4224 : index
      %get3A_1086 = vector.load %arg1[%get3A_1084, %get3A_1085] : memref<8x16384xf32, #tpu.memory_space<vmem>>, vector<8x128xf32>
      %get3A_1087 = arith.constant 0 : index
      %get3A_1088 = arith.constant 4224 : index
      %get3A_1089 = vector.load %arg2[%get3A_1087, %get3A_1088] : memref<8x16384xf32, #tpu.memory_space<vmem>>, vector<8x128xf32>
      %get3A_1090 = arith.constant 0 : index
      %get3A_1091 = arith.constant 4224 : index
      %get3A_1092 = vector.load %arg3[%get3A_1090, %get3A_1091] : memref<8x16384xf32, #tpu.memory_space<vmem>>, vector<8x128xf32>
      %sub3A_1093 = arith.subf %get3A_1086, %scan3A_72 : vector<8x128xf32>
      %sub3A_1094 = arith.subf %get3A_1089, %scan3A_73 : vector<8x128xf32>
      %sub3A_1095 = arith.subf %get3A_1092, %scan3A_74 : vector<8x128xf32>
      %mul3A_1096 = arith.mulf %sub3A_1093, %sub3A_1093 : vector<8x128xf32>
      %mul3A_1097 = arith.mulf %sub3A_1095, %sub3A_1095 : vector<8x128xf32>
      %add3A_1098 = arith.addf %mul3A_1096, %mul3A_1097 : vector<8x128xf32>
      %mul3A_1099 = arith.mulf %sub3A_1094, %sub3A_1094 : vector<8x128xf32>
      %add3A_1100 = arith.addf %add3A_1098, %mul3A_1099 : vector<8x128xf32>
      %get3A_1101 = arith.constant 0 : index
      %get3A_1102 = arith.constant 4224 : index
      %get3A_1103 = vector.load %arg8[%get3A_1101, %get3A_1102] : memref<8x16384xf32, #tpu.memory_space<vmem>>, vector<8x128xf32>
      %min3A_1104 = arith.minimumf %get3A_1103, %add3A_1100 : vector<8x128xf32>
      %swap3A_1105 = arith.constant 0 : index
      %swap3A_1106 = arith.constant 4224 : index
      %swap3A_1107 = vector.load %arg8[%swap3A_1105, %swap3A_1106] : memref<8x16384xf32, #tpu.memory_space<vmem>>, vector<8x128xf32>
      tpu.vector_store %arg8[%swap3A_1105, %swap3A_1106], %min3A_1104 {strides = array<i32>} : memref<8x16384xf32, #tpu.memory_space<vmem>>, vector<8x128xf32>,
      %gt3A_1108 = arith.cmpf ogt, %min3A_1104, %select_n3A_853 : vector<8x128xf32>
      %select_n3A_1109 = arith.select %gt3A_1108, %min3A_1104, %select_n3A_853 : vector<8x128xi1>, vector<8x128xf32>
      %jit3A_1110 = arith.constant 33 : i32
      %broadcast_in_dim3A_1111 = vector.broadcast %jit3A_1110 : i32 to vector<8x128xi32>
      %select_n3A_1112 = arith.select %gt3A_1108, %broadcast_in_dim3A_1111, %select_n3A_856 : vector<8x128xi1>, vector<8x128xi32>
      %select_n3A_1113 = arith.select %gt3A_1108, %get3A_1086, %select_n3A_857 : vector<8x128xi1>, vector<8x128xf32>
      %select_n3A_1114 = arith.select %gt3A_1108, %get3A_1089, %select_n3A_858 : vector<8x128xi1>, vector<8x128xf32>
      %select_n3A_1115 = arith.select %gt3A_1108, %get3A_1092, %select_n3A_859 : vector<8x128xi1>, vector<8x128xf32>
      %get3A_1116 = arith.constant 0 : index
      %get3A_1117 = arith.constant 4352 : index
      %get3A_1118 = vector.load %arg1[%get3A_1116, %get3A_1117] : memref<8x16384xf32, #tpu.memory_space<vmem>>, vector<8x128xf32>
      %get3A_1119 = arith.constant 0 : index
      %get3A_1120 = arith.constant 4352 : index
      %get3A_1121 = vector.load %arg2[%get3A_1119, %get3A_1120] : memref<8x16384xf32, #tpu.memory_space<vmem>>, vector<8x128xf32>
      %get3A_1122 = arith.constant 0 : index
      %get3A_1123 = arith.constant 4352 : index
      %get3A_1124 = vector.load %arg3[%get3A_1122, %get3A_1123] : memref<8x16384xf32, #tpu.memory_space<vmem>>, vector<8x128xf32>
      %sub3A_1125 = arith.subf %get3A_1118, %scan3A_72 : vector<8x128xf32>
      %sub3A_1126 = arith.subf %get3A_1121, %scan3A_73 : vector<8x128xf32>
      %sub3A_1127 = arith.subf %get3A_1124, %scan3A_74 : vector<8x128xf32>
      %mul3A_1128 = arith.mulf %sub3A_1125, %sub3A_1125 : vector<8x128xf32>
      %mul3A_1129 = arith.mulf %sub3A_1127, %sub3A_1127 : vector<8x128xf32>
      %add3A_1130 = arith.addf %mul3A_1128, %mul3A_1129 : vector<8x128xf32>
      %mul3A_1131 = arith.mulf %sub3A_1126, %sub3A_1126 : vector<8x128xf32>
      %add3A_1132 = arith.addf %add3A_1130, %mul3A_1131 : vector<8x128xf32>
      %get3A_1133 = arith.constant 0 : index
      %get3A_1134 = arith.constant 4352 : index
      %get3A_1135 = vector.load %arg8[%get3A_1133, %get3A_1134] : memref<8x16384xf32, #tpu.memory_space<vmem>>, vector<8x128xf32>
      %min3A_1136 = arith.minimumf %get3A_1135, %add3A_1132 : vector<8x128xf32>
      %swap3A_1137 = arith.constant 0 : index
      %swap3A_1138 = arith.constant 4352 : index
      %swap3A_1139 = vector.load %arg8[%swap3A_1137, %swap3A_1138] : memref<8x16384xf32, #tpu.memory_space<vmem>>, vector<8x128xf32>
      tpu.vector_store %arg8[%swap3A_1137, %swap3A_1138], %min3A_1136 {strides = array<i32>} : memref<8x16384xf32, #tpu.memory_space<vmem>>, vector<8x128xf32>,
      %gt3A_1140 = arith.cmpf ogt, %min3A_1136, %select_n3A_885 : vector<8x128xf32>
      %select_n3A_1141 = arith.select %gt3A_1140, %min3A_1136, %select_n3A_885 : vector<8x128xi1>, vector<8x128xf32>
      %jit3A_1142 = arith.constant 34 : i32
      %broadcast_in_dim3A_1143 = vector.broadcast %jit3A_1142 : i32 to vector<8x128xi32>
      %select_n3A_1144 = arith.select %gt3A_1140, %broadcast_in_dim3A_1143, %select_n3A_888 : vector<8x128xi1>, vector<8x128xi32>
      %select_n3A_1145 = arith.select %gt3A_1140, %get3A_1118, %select_n3A_889 : vector<8x128xi1>, vector<8x128xf32>
      %select_n3A_1146 = arith.select %gt3A_1140, %get3A_1121, %select_n3A_890 : vector<8x128xi1>, vector<8x128xf32>
      %select_n3A_1147 = arith.select %gt3A_1140, %get3A_1124, %select_n3A_891 : vector<8x128xi1>, vector<8x128xf32>
      %get3A_1148 = arith.constant 0 : index
      %get3A_1149 = arith.constant 4480 : index
      %get3A_1150 = vector.load %arg1[%get3A_1148, %get3A_1149] : memref<8x16384xf32, #tpu.memory_space<vmem>>, vector<8x128xf32>
      %get3A_1151 = arith.constant 0 : index
      %get3A_1152 = arith.constant 4480 : index
      %get3A_1153 = vector.load %arg2[%get3A_1151, %get3A_1152] : memref<8x16384xf32, #tpu.memory_space<vmem>>, vector<8x128xf32>
      %get3A_1154 = arith.constant 0 : index
      %get3A_1155 = arith.constant 4480 : index
      %get3A_1156 = vector.load %arg3[%get3A_1154, %get3A_1155] : memref<8x16384xf32, #tpu.memory_space<vmem>>, vector<8x128xf32>
      %sub3A_1157 = arith.subf %get3A_1150, %scan3A_72 : vector<8x128xf32>
      %sub3A_1158 = arith.subf %get3A_1153, %scan3A_73 : vector<8x128xf32>
      %sub3A_1159 = arith.subf %get3A_1156, %scan3A_74 : vector<8x128xf32>
      %mul3A_1160 = arith.mulf %sub3A_1157, %sub3A_1157 : vector<8x128xf32>
      %mul3A_1161 = arith.mulf %sub3A_1159, %sub3A_1159 : vector<8x128xf32>
      %add3A_1162 = arith.addf %mul3A_1160, %mul3A_1161 : vector<8x128xf32>
      %mul3A_1163 = arith.mulf %sub3A_1158, %sub3A_1158 : vector<8x128xf32>
      %add3A_1164 = arith.addf %add3A_1162, %mul3A_1163 : vector<8x128xf32>
      %get3A_1165 = arith.constant 0 : index
      %get3A_1166 = arith.constant 4480 : index
      %get3A_1167 = vector.load %arg8[%get3A_1165, %get3A_1166] : memref<8x16384xf32, #tpu.memory_space<vmem>>, vector<8x128xf32>
      %min3A_1168 = arith.minimumf %get3A_1167, %add3A_1164 : vector<8x128xf32>
      %swap3A_1169 = arith.constant 0 : index
      %swap3A_1170 = arith.constant 4480 : index
      %swap3A_1171 = vector.load %arg8[%swap3A_1169, %swap3A_1170] : memref<8x16384xf32, #tpu.memory_space<vmem>>, vector<8x128xf32>
      tpu.vector_store %arg8[%swap3A_1169, %swap3A_1170], %min3A_1168 {strides = array<i32>} : memref<8x16384xf32, #tpu.memory_space<vmem>>, vector<8x128xf32>,
      %gt3A_1172 = arith.cmpf ogt, %min3A_1168, %select_n3A_917 : vector<8x128xf32>
      %select_n3A_1173 = arith.select %gt3A_1172, %min3A_1168, %select_n3A_917 : vector<8x128xi1>, vector<8x128xf32>
      %jit3A_1174 = arith.constant 35 : i32
      %broadcast_in_dim3A_1175 = vector.broadcast %jit3A_1174 : i32 to vector<8x128xi32>
      %select_n3A_1176 = arith.select %gt3A_1172, %broadcast_in_dim3A_1175, %select_n3A_920 : vector<8x128xi1>, vector<8x128xi32>
      %select_n3A_1177 = arith.select %gt3A_1172, %get3A_1150, %select_n3A_921 : vector<8x128xi1>, vector<8x128xf32>
      %select_n3A_1178 = arith.select %gt3A_1172, %get3A_1153, %select_n3A_922 : vector<8x128xi1>, vector<8x128xf32>
      %select_n3A_1179 = arith.select %gt3A_1172, %get3A_1156, %select_n3A_923 : vector<8x128xi1>, vector<8x128xf32>
      %get3A_1180 = arith.constant 0 : index
      %get3A_1181 = arith.constant 4608 : index
      %get3A_1182 = vector.load %arg1[%get3A_1180, %get3A_1181] : memref<8x16384xf32, #tpu.memory_space<vmem>>, vector<8x128xf32>
      %get3A_1183 = arith.constant 0 : index
      %get3A_1184 = arith.constant 4608 : index
      %get3A_1185 = vector.load %arg2[%get3A_1183, %get3A_1184] : memref<8x16384xf32, #tpu.memory_space<vmem>>, vector<8x128xf32>
      %get3A_1186 = arith.constant 0 : index
      %get3A_1187 = arith.constant 4608 : index
      %get3A_1188 = vector.load %arg3[%get3A_1186, %get3A_1187] : memref<8x16384xf32, #tpu.memory_space<vmem>>, vector<8x128xf32>
      %sub3A_1189 = arith.subf %get3A_1182, %scan3A_72 : vector<8x128xf32>
      %sub3A_1190 = arith.subf %get3A_1185, %scan3A_73 : vector<8x128xf32>
      %sub3A_1191 = arith.subf %get3A_1188, %scan3A_74 : vector<8x128xf32>
      %mul3A_1192 = arith.mulf %sub3A_1189, %sub3A_1189 : vector<8x128xf32>
      %mul3A_1193 = arith.mulf %sub3A_1191, %sub3A_1191 : vector<8x128xf32>
      %add3A_1194 = arith.addf %mul3A_1192, %mul3A_1193 : vector<8x128xf32>
      %mul3A_1195 = arith.mulf %sub3A_1190, %sub3A_1190 : vector<8x128xf32>
      %add3A_1196 = arith.addf %add3A_1194, %mul3A_1195 : vector<8x128xf32>
      %get3A_1197 = arith.constant 0 : index
      %get3A_1198 = arith.constant 4608 : index
      %get3A_1199 = vector.load %arg8[%get3A_1197, %get3A_1198] : memref<8x16384xf32, #tpu.memory_space<vmem>>, vector<8x128xf32>
      %min3A_1200 = arith.minimumf %get3A_1199, %add3A_1196 : vector<8x128xf32>
      %swap3A_1201 = arith.constant 0 : index
      %swap3A_1202 = arith.constant 4608 : index
      %swap3A_1203 = vector.load %arg8[%swap3A_1201, %swap3A_1202] : memref<8x16384xf32, #tpu.memory_space<vmem>>, vector<8x128xf32>
      tpu.vector_store %arg8[%swap3A_1201, %swap3A_1202], %min3A_1200 {strides = array<i32>} : memref<8x16384xf32, #tpu.memory_space<vmem>>, vector<8x128xf32>,
      %gt3A_1204 = arith.cmpf ogt, %min3A_1200, %select_n3A_949 : vector<8x128xf32>
      %select_n3A_1205 = arith.select %gt3A_1204, %min3A_1200, %select_n3A_949 : vector<8x128xi1>, vector<8x128xf32>
      %jit3A_1206 = arith.constant 36 : i32
      %broadcast_in_dim3A_1207 = vector.broadcast %jit3A_1206 : i32 to vector<8x128xi32>
      %select_n3A_1208 = arith.select %gt3A_1204, %broadcast_in_dim3A_1207, %select_n3A_952 : vector<8x128xi1>, vector<8x128xi32>
      %select_n3A_1209 = arith.select %gt3A_1204, %get3A_1182, %select_n3A_953 : vector<8x128xi1>, vector<8x128xf32>
      %select_n3A_1210 = arith.select %gt3A_1204, %get3A_1185, %select_n3A_954 : vector<8x128xi1>, vector<8x128xf32>
      %select_n3A_1211 = arith.select %gt3A_1204, %get3A_1188, %select_n3A_955 : vector<8x128xi1>, vector<8x128xf32>
      %get3A_1212 = arith.constant 0 : index
      %get3A_1213 = arith.constant 4736 : index
      %get3A_1214 = vector.load %arg1[%get3A_1212, %get3A_1213] : memref<8x16384xf32, #tpu.memory_space<vmem>>, vector<8x128xf32>
      %get3A_1215 = arith.constant 0 : index
      %get3A_1216 = arith.constant 4736 : index
      %get3A_1217 = vector.load %arg2[%get3A_1215, %get3A_1216] : memref<8x16384xf32, #tpu.memory_space<vmem>>, vector<8x128xf32>
      %get3A_1218 = arith.constant 0 : index
      %get3A_1219 = arith.constant 4736 : index
      %get3A_1220 = vector.load %arg3[%get3A_1218, %get3A_1219] : memref<8x16384xf32, #tpu.memory_space<vmem>>, vector<8x128xf32>
      %sub3A_1221 = arith.subf %get3A_1214, %scan3A_72 : vector<8x128xf32>
      %sub3A_1222 = arith.subf %get3A_1217, %scan3A_73 : vector<8x128xf32>
      %sub3A_1223 = arith.subf %get3A_1220, %scan3A_74 : vector<8x128xf32>
      %mul3A_1224 = arith.mulf %sub3A_1221, %sub3A_1221 : vector<8x128xf32>
      %mul3A_1225 = arith.mulf %sub3A_1223, %sub3A_1223 : vector<8x128xf32>
      %add3A_1226 = arith.addf %mul3A_1224, %mul3A_1225 : vector<8x128xf32>
      %mul3A_1227 = arith.mulf %sub3A_1222, %sub3A_1222 : vector<8x128xf32>
      %add3A_1228 = arith.addf %add3A_1226, %mul3A_1227 : vector<8x128xf32>
      %get3A_1229 = arith.constant 0 : index
      %get3A_1230 = arith.constant 4736 : index
      %get3A_1231 = vector.load %arg8[%get3A_1229, %get3A_1230] : memref<8x16384xf32, #tpu.memory_space<vmem>>, vector<8x128xf32>
      %min3A_1232 = arith.minimumf %get3A_1231, %add3A_1228 : vector<8x128xf32>
      %swap3A_1233 = arith.constant 0 : index
      %swap3A_1234 = arith.constant 4736 : index
      %swap3A_1235 = vector.load %arg8[%swap3A_1233, %swap3A_1234] : memref<8x16384xf32, #tpu.memory_space<vmem>>, vector<8x128xf32>
      tpu.vector_store %arg8[%swap3A_1233, %swap3A_1234], %min3A_1232 {strides = array<i32>} : memref<8x16384xf32, #tpu.memory_space<vmem>>, vector<8x128xf32>,
      %gt3A_1236 = arith.cmpf ogt, %min3A_1232, %select_n3A_981 : vector<8x128xf32>
      %select_n3A_1237 = arith.select %gt3A_1236, %min3A_1232, %select_n3A_981 : vector<8x128xi1>, vector<8x128xf32>
      %jit3A_1238 = arith.constant 37 : i32
      %broadcast_in_dim3A_1239 = vector.broadcast %jit3A_1238 : i32 to vector<8x128xi32>
      %select_n3A_1240 = arith.select %gt3A_1236, %broadcast_in_dim3A_1239, %select_n3A_984 : vector<8x128xi1>, vector<8x128xi32>
      %select_n3A_1241 = arith.select %gt3A_1236, %get3A_1214, %select_n3A_985 : vector<8x128xi1>, vector<8x128xf32>
      %select_n3A_1242 = arith.select %gt3A_1236, %get3A_1217, %select_n3A_986 : vector<8x128xi1>, vector<8x128xf32>
      %select_n3A_1243 = arith.select %gt3A_1236, %get3A_1220, %select_n3A_987 : vector<8x128xi1>, vector<8x128xf32>
      %get3A_1244 = arith.constant 0 : index
      %get3A_1245 = arith.constant 4864 : index
      %get3A_1246 = vector.load %arg1[%get3A_1244, %get3A_1245] : memref<8x16384xf32, #tpu.memory_space<vmem>>, vector<8x128xf32>
      %get3A_1247 = arith.constant 0 : index
      %get3A_1248 = arith.constant 4864 : index
      %get3A_1249 = vector.load %arg2[%get3A_1247, %get3A_1248] : memref<8x16384xf32, #tpu.memory_space<vmem>>, vector<8x128xf32>
      %get3A_1250 = arith.constant 0 : index
      %get3A_1251 = arith.constant 4864 : index
      %get3A_1252 = vector.load %arg3[%get3A_1250, %get3A_1251] : memref<8x16384xf32, #tpu.memory_space<vmem>>, vector<8x128xf32>
      %sub3A_1253 = arith.subf %get3A_1246, %scan3A_72 : vector<8x128xf32>
      %sub3A_1254 = arith.subf %get3A_1249, %scan3A_73 : vector<8x128xf32>
      %sub3A_1255 = arith.subf %get3A_1252, %scan3A_74 : vector<8x128xf32>
      %mul3A_1256 = arith.mulf %sub3A_1253, %sub3A_1253 : vector<8x128xf32>
      %mul3A_1257 = arith.mulf %sub3A_1255, %sub3A_1255 : vector<8x128xf32>
      %add3A_1258 = arith.addf %mul3A_1256, %mul3A_1257 : vector<8x128xf32>
      %mul3A_1259 = arith.mulf %sub3A_1254, %sub3A_1254 : vector<8x128xf32>
      %add3A_1260 = arith.addf %add3A_1258, %mul3A_1259 : vector<8x128xf32>
      %get3A_1261 = arith.constant 0 : index
      %get3A_1262 = arith.constant 4864 : index
      %get3A_1263 = vector.load %arg8[%get3A_1261, %get3A_1262] : memref<8x16384xf32, #tpu.memory_space<vmem>>, vector<8x128xf32>
      %min3A_1264 = arith.minimumf %get3A_1263, %add3A_1260 : vector<8x128xf32>
      %swap3A_1265 = arith.constant 0 : index
      %swap3A_1266 = arith.constant 4864 : index
      %swap3A_1267 = vector.load %arg8[%swap3A_1265, %swap3A_1266] : memref<8x16384xf32, #tpu.memory_space<vmem>>, vector<8x128xf32>
      tpu.vector_store %arg8[%swap3A_1265, %swap3A_1266], %min3A_1264 {strides = array<i32>} : memref<8x16384xf32, #tpu.memory_space<vmem>>, vector<8x128xf32>,
      %gt3A_1268 = arith.cmpf ogt, %min3A_1264, %select_n3A_1013 : vector<8x128xf32>
      %select_n3A_1269 = arith.select %gt3A_1268, %min3A_1264, %select_n3A_1013 : vector<8x128xi1>, vector<8x128xf32>
      %jit3A_1270 = arith.constant 38 : i32
      %broadcast_in_dim3A_1271 = vector.broadcast %jit3A_1270 : i32 to vector<8x128xi32>
      %select_n3A_1272 = arith.select %gt3A_1268, %broadcast_in_dim3A_1271, %select_n3A_1016 : vector<8x128xi1>, vector<8x128xi32>
      %select_n3A_1273 = arith.select %gt3A_1268, %get3A_1246, %select_n3A_1017 : vector<8x128xi1>, vector<8x128xf32>
      %select_n3A_1274 = arith.select %gt3A_1268, %get3A_1249, %select_n3A_1018 : vector<8x128xi1>, vector<8x128xf32>
      %select_n3A_1275 = arith.select %gt3A_1268, %get3A_1252, %select_n3A_1019 : vector<8x128xi1>, vector<8x128xf32>
      %get3A_1276 = arith.constant 0 : index
      %get3A_1277 = arith.constant 4992 : index
      %get3A_1278 = vector.load %arg1[%get3A_1276, %get3A_1277] : memref<8x16384xf32, #tpu.memory_space<vmem>>, vector<8x128xf32>
      %get3A_1279 = arith.constant 0 : index
      %get3A_1280 = arith.constant 4992 : index
      %get3A_1281 = vector.load %arg2[%get3A_1279, %get3A_1280] : memref<8x16384xf32, #tpu.memory_space<vmem>>, vector<8x128xf32>
      %get3A_1282 = arith.constant 0 : index
      %get3A_1283 = arith.constant 4992 : index
      %get3A_1284 = vector.load %arg3[%get3A_1282, %get3A_1283] : memref<8x16384xf32, #tpu.memory_space<vmem>>, vector<8x128xf32>
      %sub3A_1285 = arith.subf %get3A_1278, %scan3A_72 : vector<8x128xf32>
      %sub3A_1286 = arith.subf %get3A_1281, %scan3A_73 : vector<8x128xf32>
      %sub3A_1287 = arith.subf %get3A_1284, %scan3A_74 : vector<8x128xf32>
      %mul3A_1288 = arith.mulf %sub3A_1285, %sub3A_1285 : vector<8x128xf32>
      %mul3A_1289 = arith.mulf %sub3A_1287, %sub3A_1287 : vector<8x128xf32>
      %add3A_1290 = arith.addf %mul3A_1288, %mul3A_1289 : vector<8x128xf32>
      %mul3A_1291 = arith.mulf %sub3A_1286, %sub3A_1286 : vector<8x128xf32>
      %add3A_1292 = arith.addf %add3A_1290, %mul3A_1291 : vector<8x128xf32>
      %get3A_1293 = arith.constant 0 : index
      %get3A_1294 = arith.constant 4992 : index
      %get3A_1295 = vector.load %arg8[%get3A_1293, %get3A_1294] : memref<8x16384xf32, #tpu.memory_space<vmem>>, vector<8x128xf32>
      %min3A_1296 = arith.minimumf %get3A_1295, %add3A_1292 : vector<8x128xf32>
      %swap3A_1297 = arith.constant 0 : index
      %swap3A_1298 = arith.constant 4992 : index
      %swap3A_1299 = vector.load %arg8[%swap3A_1297, %swap3A_1298] : memref<8x16384xf32, #tpu.memory_space<vmem>>, vector<8x128xf32>
      tpu.vector_store %arg8[%swap3A_1297, %swap3A_1298], %min3A_1296 {strides = array<i32>} : memref<8x16384xf32, #tpu.memory_space<vmem>>, vector<8x128xf32>,
      %gt3A_1300 = arith.cmpf ogt, %min3A_1296, %select_n3A_1045 : vector<8x128xf32>
      %select_n3A_1301 = arith.select %gt3A_1300, %min3A_1296, %select_n3A_1045 : vector<8x128xi1>, vector<8x128xf32>
      %jit3A_1302 = arith.constant 39 : i32
      %broadcast_in_dim3A_1303 = vector.broadcast %jit3A_1302 : i32 to vector<8x128xi32>
      %select_n3A_1304 = arith.select %gt3A_1300, %broadcast_in_dim3A_1303, %select_n3A_1048 : vector<8x128xi1>, vector<8x128xi32>
      %select_n3A_1305 = arith.select %gt3A_1300, %get3A_1278, %select_n3A_1049 : vector<8x128xi1>, vector<8x128xf32>
      %select_n3A_1306 = arith.select %gt3A_1300, %get3A_1281, %select_n3A_1050 : vector<8x128xi1>, vector<8x128xf32>
      %select_n3A_1307 = arith.select %gt3A_1300, %get3A_1284, %select_n3A_1051 : vector<8x128xi1>, vector<8x128xf32>
      %get3A_1308 = arith.constant 0 : index
      %get3A_1309 = arith.constant 5120 : index
      %get3A_1310 = vector.load %arg1[%get3A_1308, %get3A_1309] : memref<8x16384xf32, #tpu.memory_space<vmem>>, vector<8x128xf32>
      %get3A_1311 = arith.constant 0 : index
      %get3A_1312 = arith.constant 5120 : index
      %get3A_1313 = vector.load %arg2[%get3A_1311, %get3A_1312] : memref<8x16384xf32, #tpu.memory_space<vmem>>, vector<8x128xf32>
      %get3A_1314 = arith.constant 0 : index
      %get3A_1315 = arith.constant 5120 : index
      %get3A_1316 = vector.load %arg3[%get3A_1314, %get3A_1315] : memref<8x16384xf32, #tpu.memory_space<vmem>>, vector<8x128xf32>
      %sub3A_1317 = arith.subf %get3A_1310, %scan3A_72 : vector<8x128xf32>
      %sub3A_1318 = arith.subf %get3A_1313, %scan3A_73 : vector<8x128xf32>
      %sub3A_1319 = arith.subf %get3A_1316, %scan3A_74 : vector<8x128xf32>
      %mul3A_1320 = arith.mulf %sub3A_1317, %sub3A_1317 : vector<8x128xf32>
      %mul3A_1321 = arith.mulf %sub3A_1319, %sub3A_1319 : vector<8x128xf32>
      %add3A_1322 = arith.addf %mul3A_1320, %mul3A_1321 : vector<8x128xf32>
      %mul3A_1323 = arith.mulf %sub3A_1318, %sub3A_1318 : vector<8x128xf32>
      %add3A_1324 = arith.addf %add3A_1322, %mul3A_1323 : vector<8x128xf32>
      %get3A_1325 = arith.constant 0 : index
      %get3A_1326 = arith.constant 5120 : index
      %get3A_1327 = vector.load %arg8[%get3A_1325, %get3A_1326] : memref<8x16384xf32, #tpu.memory_space<vmem>>, vector<8x128xf32>
      %min3A_1328 = arith.minimumf %get3A_1327, %add3A_1324 : vector<8x128xf32>
      %swap3A_1329 = arith.constant 0 : index
      %swap3A_1330 = arith.constant 5120 : index
      %swap3A_1331 = vector.load %arg8[%swap3A_1329, %swap3A_1330] : memref<8x16384xf32, #tpu.memory_space<vmem>>, vector<8x128xf32>
      tpu.vector_store %arg8[%swap3A_1329, %swap3A_1330], %min3A_1328 {strides = array<i32>} : memref<8x16384xf32, #tpu.memory_space<vmem>>, vector<8x128xf32>,
      %gt3A_1332 = arith.cmpf ogt, %min3A_1328, %select_n3A_1077 : vector<8x128xf32>
      %select_n3A_1333 = arith.select %gt3A_1332, %min3A_1328, %select_n3A_1077 : vector<8x128xi1>, vector<8x128xf32>
      %jit3A_1334 = arith.constant 40 : i32
      %broadcast_in_dim3A_1335 = vector.broadcast %jit3A_1334 : i32 to vector<8x128xi32>
      %select_n3A_1336 = arith.select %gt3A_1332, %broadcast_in_dim3A_1335, %select_n3A_1080 : vector<8x128xi1>, vector<8x128xi32>
      %select_n3A_1337 = arith.select %gt3A_1332, %get3A_1310, %select_n3A_1081 : vector<8x128xi1>, vector<8x128xf32>
      %select_n3A_1338 = arith.select %gt3A_1332, %get3A_1313, %select_n3A_1082 : vector<8x128xi1>, vector<8x128xf32>
      %select_n3A_1339 = arith.select %gt3A_1332, %get3A_1316, %select_n3A_1083 : vector<8x128xi1>, vector<8x128xf32>
      %get3A_1340 = arith.constant 0 : index
      %get3A_1341 = arith.constant 5248 : index
      %get3A_1342 = vector.load %arg1[%get3A_1340, %get3A_1341] : memref<8x16384xf32, #tpu.memory_space<vmem>>, vector<8x128xf32>
      %get3A_1343 = arith.constant 0 : index
      %get3A_1344 = arith.constant 5248 : index
      %get3A_1345 = vector.load %arg2[%get3A_1343, %get3A_1344] : memref<8x16384xf32, #tpu.memory_space<vmem>>, vector<8x128xf32>
      %get3A_1346 = arith.constant 0 : index
      %get3A_1347 = arith.constant 5248 : index
      %get3A_1348 = vector.load %arg3[%get3A_1346, %get3A_1347] : memref<8x16384xf32, #tpu.memory_space<vmem>>, vector<8x128xf32>
      %sub3A_1349 = arith.subf %get3A_1342, %scan3A_72 : vector<8x128xf32>
      %sub3A_1350 = arith.subf %get3A_1345, %scan3A_73 : vector<8x128xf32>
      %sub3A_1351 = arith.subf %get3A_1348, %scan3A_74 : vector<8x128xf32>
      %mul3A_1352 = arith.mulf %sub3A_1349, %sub3A_1349 : vector<8x128xf32>
      %mul3A_1353 = arith.mulf %sub3A_1351, %sub3A_1351 : vector<8x128xf32>
      %add3A_1354 = arith.addf %mul3A_1352, %mul3A_1353 : vector<8x128xf32>
      %mul3A_1355 = arith.mulf %sub3A_1350, %sub3A_1350 : vector<8x128xf32>
      %add3A_1356 = arith.addf %add3A_1354, %mul3A_1355 : vector<8x128xf32>
      %get3A_1357 = arith.constant 0 : index
      %get3A_1358 = arith.constant 5248 : index
      %get3A_1359 = vector.load %arg8[%get3A_1357, %get3A_1358] : memref<8x16384xf32, #tpu.memory_space<vmem>>, vector<8x128xf32>
      %min3A_1360 = arith.minimumf %get3A_1359, %add3A_1356 : vector<8x128xf32>
      %swap3A_1361 = arith.constant 0 : index
      %swap3A_1362 = arith.constant 5248 : index
      %swap3A_1363 = vector.load %arg8[%swap3A_1361, %swap3A_1362] : memref<8x16384xf32, #tpu.memory_space<vmem>>, vector<8x128xf32>
      tpu.vector_store %arg8[%swap3A_1361, %swap3A_1362], %min3A_1360 {strides = array<i32>} : memref<8x16384xf32, #tpu.memory_space<vmem>>, vector<8x128xf32>,
      %gt3A_1364 = arith.cmpf ogt, %min3A_1360, %select_n3A_1109 : vector<8x128xf32>
      %select_n3A_1365 = arith.select %gt3A_1364, %min3A_1360, %select_n3A_1109 : vector<8x128xi1>, vector<8x128xf32>
      %jit3A_1366 = arith.constant 41 : i32
      %broadcast_in_dim3A_1367 = vector.broadcast %jit3A_1366 : i32 to vector<8x128xi32>
      %select_n3A_1368 = arith.select %gt3A_1364, %broadcast_in_dim3A_1367, %select_n3A_1112 : vector<8x128xi1>, vector<8x128xi32>
      %select_n3A_1369 = arith.select %gt3A_1364, %get3A_1342, %select_n3A_1113 : vector<8x128xi1>, vector<8x128xf32>
      %select_n3A_1370 = arith.select %gt3A_1364, %get3A_1345, %select_n3A_1114 : vector<8x128xi1>, vector<8x128xf32>
      %select_n3A_1371 = arith.select %gt3A_1364, %get3A_1348, %select_n3A_1115 : vector<8x128xi1>, vector<8x128xf32>
      %get3A_1372 = arith.constant 0 : index
      %get3A_1373 = arith.constant 5376 : index
      %get3A_1374 = vector.load %arg1[%get3A_1372, %get3A_1373] : memref<8x16384xf32, #tpu.memory_space<vmem>>, vector<8x128xf32>
      %get3A_1375 = arith.constant 0 : index
      %get3A_1376 = arith.constant 5376 : index
      %get3A_1377 = vector.load %arg2[%get3A_1375, %get3A_1376] : memref<8x16384xf32, #tpu.memory_space<vmem>>, vector<8x128xf32>
      %get3A_1378 = arith.constant 0 : index
      %get3A_1379 = arith.constant 5376 : index
      %get3A_1380 = vector.load %arg3[%get3A_1378, %get3A_1379] : memref<8x16384xf32, #tpu.memory_space<vmem>>, vector<8x128xf32>
      %sub3A_1381 = arith.subf %get3A_1374, %scan3A_72 : vector<8x128xf32>
      %sub3A_1382 = arith.subf %get3A_1377, %scan3A_73 : vector<8x128xf32>
      %sub3A_1383 = arith.subf %get3A_1380, %scan3A_74 : vector<8x128xf32>
      %mul3A_1384 = arith.mulf %sub3A_1381, %sub3A_1381 : vector<8x128xf32>
      %mul3A_1385 = arith.mulf %sub3A_1383, %sub3A_1383 : vector<8x128xf32>
      %add3A_1386 = arith.addf %mul3A_1384, %mul3A_1385 : vector<8x128xf32>
      %mul3A_1387 = arith.mulf %sub3A_1382, %sub3A_1382 : vector<8x128xf32>
      %add3A_1388 = arith.addf %add3A_1386, %mul3A_1387 : vector<8x128xf32>
      %get3A_1389 = arith.constant 0 : index
      %get3A_1390 = arith.constant 5376 : index
      %get3A_1391 = vector.load %arg8[%get3A_1389, %get3A_1390] : memref<8x16384xf32, #tpu.memory_space<vmem>>, vector<8x128xf32>
      %min3A_1392 = arith.minimumf %get3A_1391, %add3A_1388 : vector<8x128xf32>
      %swap3A_1393 = arith.constant 0 : index
      %swap3A_1394 = arith.constant 5376 : index
      %swap3A_1395 = vector.load %arg8[%swap3A_1393, %swap3A_1394] : memref<8x16384xf32, #tpu.memory_space<vmem>>, vector<8x128xf32>
      tpu.vector_store %arg8[%swap3A_1393, %swap3A_1394], %min3A_1392 {strides = array<i32>} : memref<8x16384xf32, #tpu.memory_space<vmem>>, vector<8x128xf32>,
      %gt3A_1396 = arith.cmpf ogt, %min3A_1392, %select_n3A_1141 : vector<8x128xf32>
      %select_n3A_1397 = arith.select %gt3A_1396, %min3A_1392, %select_n3A_1141 : vector<8x128xi1>, vector<8x128xf32>
      %jit3A_1398 = arith.constant 42 : i32
      %broadcast_in_dim3A_1399 = vector.broadcast %jit3A_1398 : i32 to vector<8x128xi32>
      %select_n3A_1400 = arith.select %gt3A_1396, %broadcast_in_dim3A_1399, %select_n3A_1144 : vector<8x128xi1>, vector<8x128xi32>
      %select_n3A_1401 = arith.select %gt3A_1396, %get3A_1374, %select_n3A_1145 : vector<8x128xi1>, vector<8x128xf32>
      %select_n3A_1402 = arith.select %gt3A_1396, %get3A_1377, %select_n3A_1146 : vector<8x128xi1>, vector<8x128xf32>
      %select_n3A_1403 = arith.select %gt3A_1396, %get3A_1380, %select_n3A_1147 : vector<8x128xi1>, vector<8x128xf32>
      %get3A_1404 = arith.constant 0 : index
      %get3A_1405 = arith.constant 5504 : index
      %get3A_1406 = vector.load %arg1[%get3A_1404, %get3A_1405] : memref<8x16384xf32, #tpu.memory_space<vmem>>, vector<8x128xf32>
      %get3A_1407 = arith.constant 0 : index
      %get3A_1408 = arith.constant 5504 : index
      %get3A_1409 = vector.load %arg2[%get3A_1407, %get3A_1408] : memref<8x16384xf32, #tpu.memory_space<vmem>>, vector<8x128xf32>
      %get3A_1410 = arith.constant 0 : index
      %get3A_1411 = arith.constant 5504 : index
      %get3A_1412 = vector.load %arg3[%get3A_1410, %get3A_1411] : memref<8x16384xf32, #tpu.memory_space<vmem>>, vector<8x128xf32>
      %sub3A_1413 = arith.subf %get3A_1406, %scan3A_72 : vector<8x128xf32>
      %sub3A_1414 = arith.subf %get3A_1409, %scan3A_73 : vector<8x128xf32>
      %sub3A_1415 = arith.subf %get3A_1412, %scan3A_74 : vector<8x128xf32>
      %mul3A_1416 = arith.mulf %sub3A_1413, %sub3A_1413 : vector<8x128xf32>
      %mul3A_1417 = arith.mulf %sub3A_1415, %sub3A_1415 : vector<8x128xf32>
      %add3A_1418 = arith.addf %mul3A_1416, %mul3A_1417 : vector<8x128xf32>
      %mul3A_1419 = arith.mulf %sub3A_1414, %sub3A_1414 : vector<8x128xf32>
      %add3A_1420 = arith.addf %add3A_1418, %mul3A_1419 : vector<8x128xf32>
      %get3A_1421 = arith.constant 0 : index
      %get3A_1422 = arith.constant 5504 : index
      %get3A_1423 = vector.load %arg8[%get3A_1421, %get3A_1422] : memref<8x16384xf32, #tpu.memory_space<vmem>>, vector<8x128xf32>
      %min3A_1424 = arith.minimumf %get3A_1423, %add3A_1420 : vector<8x128xf32>
      %swap3A_1425 = arith.constant 0 : index
      %swap3A_1426 = arith.constant 5504 : index
      %swap3A_1427 = vector.load %arg8[%swap3A_1425, %swap3A_1426] : memref<8x16384xf32, #tpu.memory_space<vmem>>, vector<8x128xf32>
      tpu.vector_store %arg8[%swap3A_1425, %swap3A_1426], %min3A_1424 {strides = array<i32>} : memref<8x16384xf32, #tpu.memory_space<vmem>>, vector<8x128xf32>,
      %gt3A_1428 = arith.cmpf ogt, %min3A_1424, %select_n3A_1173 : vector<8x128xf32>
      %select_n3A_1429 = arith.select %gt3A_1428, %min3A_1424, %select_n3A_1173 : vector<8x128xi1>, vector<8x128xf32>
      %jit3A_1430 = arith.constant 43 : i32
      %broadcast_in_dim3A_1431 = vector.broadcast %jit3A_1430 : i32 to vector<8x128xi32>
      %select_n3A_1432 = arith.select %gt3A_1428, %broadcast_in_dim3A_1431, %select_n3A_1176 : vector<8x128xi1>, vector<8x128xi32>
      %select_n3A_1433 = arith.select %gt3A_1428, %get3A_1406, %select_n3A_1177 : vector<8x128xi1>, vector<8x128xf32>
      %select_n3A_1434 = arith.select %gt3A_1428, %get3A_1409, %select_n3A_1178 : vector<8x128xi1>, vector<8x128xf32>
      %select_n3A_1435 = arith.select %gt3A_1428, %get3A_1412, %select_n3A_1179 : vector<8x128xi1>, vector<8x128xf32>
      %get3A_1436 = arith.constant 0 : index
      %get3A_1437 = arith.constant 5632 : index
      %get3A_1438 = vector.load %arg1[%get3A_1436, %get3A_1437] : memref<8x16384xf32, #tpu.memory_space<vmem>>, vector<8x128xf32>
      %get3A_1439 = arith.constant 0 : index
      %get3A_1440 = arith.constant 5632 : index
      %get3A_1441 = vector.load %arg2[%get3A_1439, %get3A_1440] : memref<8x16384xf32, #tpu.memory_space<vmem>>, vector<8x128xf32>
      %get3A_1442 = arith.constant 0 : index
      %get3A_1443 = arith.constant 5632 : index
      %get3A_1444 = vector.load %arg3[%get3A_1442, %get3A_1443] : memref<8x16384xf32, #tpu.memory_space<vmem>>, vector<8x128xf32>
      %sub3A_1445 = arith.subf %get3A_1438, %scan3A_72 : vector<8x128xf32>
      %sub3A_1446 = arith.subf %get3A_1441, %scan3A_73 : vector<8x128xf32>
      %sub3A_1447 = arith.subf %get3A_1444, %scan3A_74 : vector<8x128xf32>
      %mul3A_1448 = arith.mulf %sub3A_1445, %sub3A_1445 : vector<8x128xf32>
      %mul3A_1449 = arith.mulf %sub3A_1447, %sub3A_1447 : vector<8x128xf32>
      %add3A_1450 = arith.addf %mul3A_1448, %mul3A_1449 : vector<8x128xf32>
      %mul3A_1451 = arith.mulf %sub3A_1446, %sub3A_1446 : vector<8x128xf32>
      %add3A_1452 = arith.addf %add3A_1450, %mul3A_1451 : vector<8x128xf32>
      %get3A_1453 = arith.constant 0 : index
      %get3A_1454 = arith.constant 5632 : index
      %get3A_1455 = vector.load %arg8[%get3A_1453, %get3A_1454] : memref<8x16384xf32, #tpu.memory_space<vmem>>, vector<8x128xf32>
      %min3A_1456 = arith.minimumf %get3A_1455, %add3A_1452 : vector<8x128xf32>
      %swap3A_1457 = arith.constant 0 : index
      %swap3A_1458 = arith.constant 5632 : index
      %swap3A_1459 = vector.load %arg8[%swap3A_1457, %swap3A_1458] : memref<8x16384xf32, #tpu.memory_space<vmem>>, vector<8x128xf32>
      tpu.vector_store %arg8[%swap3A_1457, %swap3A_1458], %min3A_1456 {strides = array<i32>} : memref<8x16384xf32, #tpu.memory_space<vmem>>, vector<8x128xf32>,
      %gt3A_1460 = arith.cmpf ogt, %min3A_1456, %select_n3A_1205 : vector<8x128xf32>
      %select_n3A_1461 = arith.select %gt3A_1460, %min3A_1456, %select_n3A_1205 : vector<8x128xi1>, vector<8x128xf32>
      %jit3A_1462 = arith.constant 44 : i32
      %broadcast_in_dim3A_1463 = vector.broadcast %jit3A_1462 : i32 to vector<8x128xi32>
      %select_n3A_1464 = arith.select %gt3A_1460, %broadcast_in_dim3A_1463, %select_n3A_1208 : vector<8x128xi1>, vector<8x128xi32>
      %select_n3A_1465 = arith.select %gt3A_1460, %get3A_1438, %select_n3A_1209 : vector<8x128xi1>, vector<8x128xf32>
      %select_n3A_1466 = arith.select %gt3A_1460, %get3A_1441, %select_n3A_1210 : vector<8x128xi1>, vector<8x128xf32>
      %select_n3A_1467 = arith.select %gt3A_1460, %get3A_1444, %select_n3A_1211 : vector<8x128xi1>, vector<8x128xf32>
      %get3A_1468 = arith.constant 0 : index
      %get3A_1469 = arith.constant 5760 : index
      %get3A_1470 = vector.load %arg1[%get3A_1468, %get3A_1469] : memref<8x16384xf32, #tpu.memory_space<vmem>>, vector<8x128xf32>
      %get3A_1471 = arith.constant 0 : index
      %get3A_1472 = arith.constant 5760 : index
      %get3A_1473 = vector.load %arg2[%get3A_1471, %get3A_1472] : memref<8x16384xf32, #tpu.memory_space<vmem>>, vector<8x128xf32>
      %get3A_1474 = arith.constant 0 : index
      %get3A_1475 = arith.constant 5760 : index
      %get3A_1476 = vector.load %arg3[%get3A_1474, %get3A_1475] : memref<8x16384xf32, #tpu.memory_space<vmem>>, vector<8x128xf32>
      %sub3A_1477 = arith.subf %get3A_1470, %scan3A_72 : vector<8x128xf32>
      %sub3A_1478 = arith.subf %get3A_1473, %scan3A_73 : vector<8x128xf32>
      %sub3A_1479 = arith.subf %get3A_1476, %scan3A_74 : vector<8x128xf32>
      %mul3A_1480 = arith.mulf %sub3A_1477, %sub3A_1477 : vector<8x128xf32>
      %mul3A_1481 = arith.mulf %sub3A_1479, %sub3A_1479 : vector<8x128xf32>
      %add3A_1482 = arith.addf %mul3A_1480, %mul3A_1481 : vector<8x128xf32>
      %mul3A_1483 = arith.mulf %sub3A_1478, %sub3A_1478 : vector<8x128xf32>
      %add3A_1484 = arith.addf %add3A_1482, %mul3A_1483 : vector<8x128xf32>
      %get3A_1485 = arith.constant 0 : index
      %get3A_1486 = arith.constant 5760 : index
      %get3A_1487 = vector.load %arg8[%get3A_1485, %get3A_1486] : memref<8x16384xf32, #tpu.memory_space<vmem>>, vector<8x128xf32>
      %min3A_1488 = arith.minimumf %get3A_1487, %add3A_1484 : vector<8x128xf32>
      %swap3A_1489 = arith.constant 0 : index
      %swap3A_1490 = arith.constant 5760 : index
      %swap3A_1491 = vector.load %arg8[%swap3A_1489, %swap3A_1490] : memref<8x16384xf32, #tpu.memory_space<vmem>>, vector<8x128xf32>
      tpu.vector_store %arg8[%swap3A_1489, %swap3A_1490], %min3A_1488 {strides = array<i32>} : memref<8x16384xf32, #tpu.memory_space<vmem>>, vector<8x128xf32>,
      %gt3A_1492 = arith.cmpf ogt, %min3A_1488, %select_n3A_1237 : vector<8x128xf32>
      %select_n3A_1493 = arith.select %gt3A_1492, %min3A_1488, %select_n3A_1237 : vector<8x128xi1>, vector<8x128xf32>
      %jit3A_1494 = arith.constant 45 : i32
      %broadcast_in_dim3A_1495 = vector.broadcast %jit3A_1494 : i32 to vector<8x128xi32>
      %select_n3A_1496 = arith.select %gt3A_1492, %broadcast_in_dim3A_1495, %select_n3A_1240 : vector<8x128xi1>, vector<8x128xi32>
      %select_n3A_1497 = arith.select %gt3A_1492, %get3A_1470, %select_n3A_1241 : vector<8x128xi1>, vector<8x128xf32>
      %select_n3A_1498 = arith.select %gt3A_1492, %get3A_1473, %select_n3A_1242 : vector<8x128xi1>, vector<8x128xf32>
      %select_n3A_1499 = arith.select %gt3A_1492, %get3A_1476, %select_n3A_1243 : vector<8x128xi1>, vector<8x128xf32>
      %get3A_1500 = arith.constant 0 : index
      %get3A_1501 = arith.constant 5888 : index
      %get3A_1502 = vector.load %arg1[%get3A_1500, %get3A_1501] : memref<8x16384xf32, #tpu.memory_space<vmem>>, vector<8x128xf32>
      %get3A_1503 = arith.constant 0 : index
      %get3A_1504 = arith.constant 5888 : index
      %get3A_1505 = vector.load %arg2[%get3A_1503, %get3A_1504] : memref<8x16384xf32, #tpu.memory_space<vmem>>, vector<8x128xf32>
      %get3A_1506 = arith.constant 0 : index
      %get3A_1507 = arith.constant 5888 : index
      %get3A_1508 = vector.load %arg3[%get3A_1506, %get3A_1507] : memref<8x16384xf32, #tpu.memory_space<vmem>>, vector<8x128xf32>
      %sub3A_1509 = arith.subf %get3A_1502, %scan3A_72 : vector<8x128xf32>
      %sub3A_1510 = arith.subf %get3A_1505, %scan3A_73 : vector<8x128xf32>
      %sub3A_1511 = arith.subf %get3A_1508, %scan3A_74 : vector<8x128xf32>
      %mul3A_1512 = arith.mulf %sub3A_1509, %sub3A_1509 : vector<8x128xf32>
      %mul3A_1513 = arith.mulf %sub3A_1511, %sub3A_1511 : vector<8x128xf32>
      %add3A_1514 = arith.addf %mul3A_1512, %mul3A_1513 : vector<8x128xf32>
      %mul3A_1515 = arith.mulf %sub3A_1510, %sub3A_1510 : vector<8x128xf32>
      %add3A_1516 = arith.addf %add3A_1514, %mul3A_1515 : vector<8x128xf32>
      %get3A_1517 = arith.constant 0 : index
      %get3A_1518 = arith.constant 5888 : index
      %get3A_1519 = vector.load %arg8[%get3A_1517, %get3A_1518] : memref<8x16384xf32, #tpu.memory_space<vmem>>, vector<8x128xf32>
      %min3A_1520 = arith.minimumf %get3A_1519, %add3A_1516 : vector<8x128xf32>
      %swap3A_1521 = arith.constant 0 : index
      %swap3A_1522 = arith.constant 5888 : index
      %swap3A_1523 = vector.load %arg8[%swap3A_1521, %swap3A_1522] : memref<8x16384xf32, #tpu.memory_space<vmem>>, vector<8x128xf32>
      tpu.vector_store %arg8[%swap3A_1521, %swap3A_1522], %min3A_1520 {strides = array<i32>} : memref<8x16384xf32, #tpu.memory_space<vmem>>, vector<8x128xf32>,
      %gt3A_1524 = arith.cmpf ogt, %min3A_1520, %select_n3A_1269 : vector<8x128xf32>
      %select_n3A_1525 = arith.select %gt3A_1524, %min3A_1520, %select_n3A_1269 : vector<8x128xi1>, vector<8x128xf32>
      %jit3A_1526 = arith.constant 46 : i32
      %broadcast_in_dim3A_1527 = vector.broadcast %jit3A_1526 : i32 to vector<8x128xi32>
      %select_n3A_1528 = arith.select %gt3A_1524, %broadcast_in_dim3A_1527, %select_n3A_1272 : vector<8x128xi1>, vector<8x128xi32>
      %select_n3A_1529 = arith.select %gt3A_1524, %get3A_1502, %select_n3A_1273 : vector<8x128xi1>, vector<8x128xf32>
      %select_n3A_1530 = arith.select %gt3A_1524, %get3A_1505, %select_n3A_1274 : vector<8x128xi1>, vector<8x128xf32>
      %select_n3A_1531 = arith.select %gt3A_1524, %get3A_1508, %select_n3A_1275 : vector<8x128xi1>, vector<8x128xf32>
      %get3A_1532 = arith.constant 0 : index
      %get3A_1533 = arith.constant 6016 : index
      %get3A_1534 = vector.load %arg1[%get3A_1532, %get3A_1533] : memref<8x16384xf32, #tpu.memory_space<vmem>>, vector<8x128xf32>
      %get3A_1535 = arith.constant 0 : index
      %get3A_1536 = arith.constant 6016 : index
      %get3A_1537 = vector.load %arg2[%get3A_1535, %get3A_1536] : memref<8x16384xf32, #tpu.memory_space<vmem>>, vector<8x128xf32>
      %get3A_1538 = arith.constant 0 : index
      %get3A_1539 = arith.constant 6016 : index
      %get3A_1540 = vector.load %arg3[%get3A_1538, %get3A_1539] : memref<8x16384xf32, #tpu.memory_space<vmem>>, vector<8x128xf32>
      %sub3A_1541 = arith.subf %get3A_1534, %scan3A_72 : vector<8x128xf32>
      %sub3A_1542 = arith.subf %get3A_1537, %scan3A_73 : vector<8x128xf32>
      %sub3A_1543 = arith.subf %get3A_1540, %scan3A_74 : vector<8x128xf32>
      %mul3A_1544 = arith.mulf %sub3A_1541, %sub3A_1541 : vector<8x128xf32>
      %mul3A_1545 = arith.mulf %sub3A_1543, %sub3A_1543 : vector<8x128xf32>
      %add3A_1546 = arith.addf %mul3A_1544, %mul3A_1545 : vector<8x128xf32>
      %mul3A_1547 = arith.mulf %sub3A_1542, %sub3A_1542 : vector<8x128xf32>
      %add3A_1548 = arith.addf %add3A_1546, %mul3A_1547 : vector<8x128xf32>
      %get3A_1549 = arith.constant 0 : index
      %get3A_1550 = arith.constant 6016 : index
      %get3A_1551 = vector.load %arg8[%get3A_1549, %get3A_1550] : memref<8x16384xf32, #tpu.memory_space<vmem>>, vector<8x128xf32>
      %min3A_1552 = arith.minimumf %get3A_1551, %add3A_1548 : vector<8x128xf32>
      %swap3A_1553 = arith.constant 0 : index
      %swap3A_1554 = arith.constant 6016 : index
      %swap3A_1555 = vector.load %arg8[%swap3A_1553, %swap3A_1554] : memref<8x16384xf32, #tpu.memory_space<vmem>>, vector<8x128xf32>
      tpu.vector_store %arg8[%swap3A_1553, %swap3A_1554], %min3A_1552 {strides = array<i32>} : memref<8x16384xf32, #tpu.memory_space<vmem>>, vector<8x128xf32>,
      %gt3A_1556 = arith.cmpf ogt, %min3A_1552, %select_n3A_1301 : vector<8x128xf32>
      %select_n3A_1557 = arith.select %gt3A_1556, %min3A_1552, %select_n3A_1301 : vector<8x128xi1>, vector<8x128xf32>
      %jit3A_1558 = arith.constant 47 : i32
      %broadcast_in_dim3A_1559 = vector.broadcast %jit3A_1558 : i32 to vector<8x128xi32>
      %select_n3A_1560 = arith.select %gt3A_1556, %broadcast_in_dim3A_1559, %select_n3A_1304 : vector<8x128xi1>, vector<8x128xi32>
      %select_n3A_1561 = arith.select %gt3A_1556, %get3A_1534, %select_n3A_1305 : vector<8x128xi1>, vector<8x128xf32>
      %select_n3A_1562 = arith.select %gt3A_1556, %get3A_1537, %select_n3A_1306 : vector<8x128xi1>, vector<8x128xf32>
      %select_n3A_1563 = arith.select %gt3A_1556, %get3A_1540, %select_n3A_1307 : vector<8x128xi1>, vector<8x128xf32>
      %get3A_1564 = arith.constant 0 : index
      %get3A_1565 = arith.constant 6144 : index
      %get3A_1566 = vector.load %arg1[%get3A_1564, %get3A_1565] : memref<8x16384xf32, #tpu.memory_space<vmem>>, vector<8x128xf32>
      %get3A_1567 = arith.constant 0 : index
      %get3A_1568 = arith.constant 6144 : index
      %get3A_1569 = vector.load %arg2[%get3A_1567, %get3A_1568] : memref<8x16384xf32, #tpu.memory_space<vmem>>, vector<8x128xf32>
      %get3A_1570 = arith.constant 0 : index
      %get3A_1571 = arith.constant 6144 : index
      %get3A_1572 = vector.load %arg3[%get3A_1570, %get3A_1571] : memref<8x16384xf32, #tpu.memory_space<vmem>>, vector<8x128xf32>
      %sub3A_1573 = arith.subf %get3A_1566, %scan3A_72 : vector<8x128xf32>
      %sub3A_1574 = arith.subf %get3A_1569, %scan3A_73 : vector<8x128xf32>
      %sub3A_1575 = arith.subf %get3A_1572, %scan3A_74 : vector<8x128xf32>
      %mul3A_1576 = arith.mulf %sub3A_1573, %sub3A_1573 : vector<8x128xf32>
      %mul3A_1577 = arith.mulf %sub3A_1575, %sub3A_1575 : vector<8x128xf32>
      %add3A_1578 = arith.addf %mul3A_1576, %mul3A_1577 : vector<8x128xf32>
      %mul3A_1579 = arith.mulf %sub3A_1574, %sub3A_1574 : vector<8x128xf32>
      %add3A_1580 = arith.addf %add3A_1578, %mul3A_1579 : vector<8x128xf32>
      %get3A_1581 = arith.constant 0 : index
      %get3A_1582 = arith.constant 6144 : index
      %get3A_1583 = vector.load %arg8[%get3A_1581, %get3A_1582] : memref<8x16384xf32, #tpu.memory_space<vmem>>, vector<8x128xf32>
      %min3A_1584 = arith.minimumf %get3A_1583, %add3A_1580 : vector<8x128xf32>
      %swap3A_1585 = arith.constant 0 : index
      %swap3A_1586 = arith.constant 6144 : index
      %swap3A_1587 = vector.load %arg8[%swap3A_1585, %swap3A_1586] : memref<8x16384xf32, #tpu.memory_space<vmem>>, vector<8x128xf32>
      tpu.vector_store %arg8[%swap3A_1585, %swap3A_1586], %min3A_1584 {strides = array<i32>} : memref<8x16384xf32, #tpu.memory_space<vmem>>, vector<8x128xf32>,
      %gt3A_1588 = arith.cmpf ogt, %min3A_1584, %select_n3A_1333 : vector<8x128xf32>
      %select_n3A_1589 = arith.select %gt3A_1588, %min3A_1584, %select_n3A_1333 : vector<8x128xi1>, vector<8x128xf32>
      %jit3A_1590 = arith.constant 48 : i32
      %broadcast_in_dim3A_1591 = vector.broadcast %jit3A_1590 : i32 to vector<8x128xi32>
      %select_n3A_1592 = arith.select %gt3A_1588, %broadcast_in_dim3A_1591, %select_n3A_1336 : vector<8x128xi1>, vector<8x128xi32>
      %select_n3A_1593 = arith.select %gt3A_1588, %get3A_1566, %select_n3A_1337 : vector<8x128xi1>, vector<8x128xf32>
      %select_n3A_1594 = arith.select %gt3A_1588, %get3A_1569, %select_n3A_1338 : vector<8x128xi1>, vector<8x128xf32>
      %select_n3A_1595 = arith.select %gt3A_1588, %get3A_1572, %select_n3A_1339 : vector<8x128xi1>, vector<8x128xf32>
      %get3A_1596 = arith.constant 0 : index
      %get3A_1597 = arith.constant 6272 : index
      %get3A_1598 = vector.load %arg1[%get3A_1596, %get3A_1597] : memref<8x16384xf32, #tpu.memory_space<vmem>>, vector<8x128xf32>
      %get3A_1599 = arith.constant 0 : index
      %get3A_1600 = arith.constant 6272 : index
      %get3A_1601 = vector.load %arg2[%get3A_1599, %get3A_1600] : memref<8x16384xf32, #tpu.memory_space<vmem>>, vector<8x128xf32>
      %get3A_1602 = arith.constant 0 : index
      %get3A_1603 = arith.constant 6272 : index
      %get3A_1604 = vector.load %arg3[%get3A_1602, %get3A_1603] : memref<8x16384xf32, #tpu.memory_space<vmem>>, vector<8x128xf32>
      %sub3A_1605 = arith.subf %get3A_1598, %scan3A_72 : vector<8x128xf32>
      %sub3A_1606 = arith.subf %get3A_1601, %scan3A_73 : vector<8x128xf32>
      %sub3A_1607 = arith.subf %get3A_1604, %scan3A_74 : vector<8x128xf32>
      %mul3A_1608 = arith.mulf %sub3A_1605, %sub3A_1605 : vector<8x128xf32>
      %mul3A_1609 = arith.mulf %sub3A_1607, %sub3A_1607 : vector<8x128xf32>
      %add3A_1610 = arith.addf %mul3A_1608, %mul3A_1609 : vector<8x128xf32>
      %mul3A_1611 = arith.mulf %sub3A_1606, %sub3A_1606 : vector<8x128xf32>
      %add3A_1612 = arith.addf %add3A_1610, %mul3A_1611 : vector<8x128xf32>
      %get3A_1613 = arith.constant 0 : index
      %get3A_1614 = arith.constant 6272 : index
      %get3A_1615 = vector.load %arg8[%get3A_1613, %get3A_1614] : memref<8x16384xf32, #tpu.memory_space<vmem>>, vector<8x128xf32>
      %min3A_1616 = arith.minimumf %get3A_1615, %add3A_1612 : vector<8x128xf32>
      %swap3A_1617 = arith.constant 0 : index
      %swap3A_1618 = arith.constant 6272 : index
      %swap3A_1619 = vector.load %arg8[%swap3A_1617, %swap3A_1618] : memref<8x16384xf32, #tpu.memory_space<vmem>>, vector<8x128xf32>
      tpu.vector_store %arg8[%swap3A_1617, %swap3A_1618], %min3A_1616 {strides = array<i32>} : memref<8x16384xf32, #tpu.memory_space<vmem>>, vector<8x128xf32>,
      %gt3A_1620 = arith.cmpf ogt, %min3A_1616, %select_n3A_1365 : vector<8x128xf32>
      %select_n3A_1621 = arith.select %gt3A_1620, %min3A_1616, %select_n3A_1365 : vector<8x128xi1>, vector<8x128xf32>
      %jit3A_1622 = arith.constant 49 : i32
      %broadcast_in_dim3A_1623 = vector.broadcast %jit3A_1622 : i32 to vector<8x128xi32>
      %select_n3A_1624 = arith.select %gt3A_1620, %broadcast_in_dim3A_1623, %select_n3A_1368 : vector<8x128xi1>, vector<8x128xi32>
      %select_n3A_1625 = arith.select %gt3A_1620, %get3A_1598, %select_n3A_1369 : vector<8x128xi1>, vector<8x128xf32>
      %select_n3A_1626 = arith.select %gt3A_1620, %get3A_1601, %select_n3A_1370 : vector<8x128xi1>, vector<8x128xf32>
      %select_n3A_1627 = arith.select %gt3A_1620, %get3A_1604, %select_n3A_1371 : vector<8x128xi1>, vector<8x128xf32>
      %get3A_1628 = arith.constant 0 : index
      %get3A_1629 = arith.constant 6400 : index
      %get3A_1630 = vector.load %arg1[%get3A_1628, %get3A_1629] : memref<8x16384xf32, #tpu.memory_space<vmem>>, vector<8x128xf32>
      %get3A_1631 = arith.constant 0 : index
      %get3A_1632 = arith.constant 6400 : index
      %get3A_1633 = vector.load %arg2[%get3A_1631, %get3A_1632] : memref<8x16384xf32, #tpu.memory_space<vmem>>, vector<8x128xf32>
      %get3A_1634 = arith.constant 0 : index
      %get3A_1635 = arith.constant 6400 : index
      %get3A_1636 = vector.load %arg3[%get3A_1634, %get3A_1635] : memref<8x16384xf32, #tpu.memory_space<vmem>>, vector<8x128xf32>
      %sub3A_1637 = arith.subf %get3A_1630, %scan3A_72 : vector<8x128xf32>
      %sub3A_1638 = arith.subf %get3A_1633, %scan3A_73 : vector<8x128xf32>
      %sub3A_1639 = arith.subf %get3A_1636, %scan3A_74 : vector<8x128xf32>
      %mul3A_1640 = arith.mulf %sub3A_1637, %sub3A_1637 : vector<8x128xf32>
      %mul3A_1641 = arith.mulf %sub3A_1639, %sub3A_1639 : vector<8x128xf32>
      %add3A_1642 = arith.addf %mul3A_1640, %mul3A_1641 : vector<8x128xf32>
      %mul3A_1643 = arith.mulf %sub3A_1638, %sub3A_1638 : vector<8x128xf32>
      %add3A_1644 = arith.addf %add3A_1642, %mul3A_1643 : vector<8x128xf32>
      %get3A_1645 = arith.constant 0 : index
      %get3A_1646 = arith.constant 6400 : index
      %get3A_1647 = vector.load %arg8[%get3A_1645, %get3A_1646] : memref<8x16384xf32, #tpu.memory_space<vmem>>, vector<8x128xf32>
      %min3A_1648 = arith.minimumf %get3A_1647, %add3A_1644 : vector<8x128xf32>
      %swap3A_1649 = arith.constant 0 : index
      %swap3A_1650 = arith.constant 6400 : index
      %swap3A_1651 = vector.load %arg8[%swap3A_1649, %swap3A_1650] : memref<8x16384xf32, #tpu.memory_space<vmem>>, vector<8x128xf32>
      tpu.vector_store %arg8[%swap3A_1649, %swap3A_1650], %min3A_1648 {strides = array<i32>} : memref<8x16384xf32, #tpu.memory_space<vmem>>, vector<8x128xf32>,
      %gt3A_1652 = arith.cmpf ogt, %min3A_1648, %select_n3A_1397 : vector<8x128xf32>
      %select_n3A_1653 = arith.select %gt3A_1652, %min3A_1648, %select_n3A_1397 : vector<8x128xi1>, vector<8x128xf32>
      %jit3A_1654 = arith.constant 50 : i32
      %broadcast_in_dim3A_1655 = vector.broadcast %jit3A_1654 : i32 to vector<8x128xi32>
      %select_n3A_1656 = arith.select %gt3A_1652, %broadcast_in_dim3A_1655, %select_n3A_1400 : vector<8x128xi1>, vector<8x128xi32>
      %select_n3A_1657 = arith.select %gt3A_1652, %get3A_1630, %select_n3A_1401 : vector<8x128xi1>, vector<8x128xf32>
      %select_n3A_1658 = arith.select %gt3A_1652, %get3A_1633, %select_n3A_1402 : vector<8x128xi1>, vector<8x128xf32>
      %select_n3A_1659 = arith.select %gt3A_1652, %get3A_1636, %select_n3A_1403 : vector<8x128xi1>, vector<8x128xf32>
      %get3A_1660 = arith.constant 0 : index
      %get3A_1661 = arith.constant 6528 : index
      %get3A_1662 = vector.load %arg1[%get3A_1660, %get3A_1661] : memref<8x16384xf32, #tpu.memory_space<vmem>>, vector<8x128xf32>
      %get3A_1663 = arith.constant 0 : index
      %get3A_1664 = arith.constant 6528 : index
      %get3A_1665 = vector.load %arg2[%get3A_1663, %get3A_1664] : memref<8x16384xf32, #tpu.memory_space<vmem>>, vector<8x128xf32>
      %get3A_1666 = arith.constant 0 : index
      %get3A_1667 = arith.constant 6528 : index
      %get3A_1668 = vector.load %arg3[%get3A_1666, %get3A_1667] : memref<8x16384xf32, #tpu.memory_space<vmem>>, vector<8x128xf32>
      %sub3A_1669 = arith.subf %get3A_1662, %scan3A_72 : vector<8x128xf32>
      %sub3A_1670 = arith.subf %get3A_1665, %scan3A_73 : vector<8x128xf32>
      %sub3A_1671 = arith.subf %get3A_1668, %scan3A_74 : vector<8x128xf32>
      %mul3A_1672 = arith.mulf %sub3A_1669, %sub3A_1669 : vector<8x128xf32>
      %mul3A_1673 = arith.mulf %sub3A_1671, %sub3A_1671 : vector<8x128xf32>
      %add3A_1674 = arith.addf %mul3A_1672, %mul3A_1673 : vector<8x128xf32>
      %mul3A_1675 = arith.mulf %sub3A_1670, %sub3A_1670 : vector<8x128xf32>
      %add3A_1676 = arith.addf %add3A_1674, %mul3A_1675 : vector<8x128xf32>
      %get3A_1677 = arith.constant 0 : index
      %get3A_1678 = arith.constant 6528 : index
      %get3A_1679 = vector.load %arg8[%get3A_1677, %get3A_1678] : memref<8x16384xf32, #tpu.memory_space<vmem>>, vector<8x128xf32>
      %min3A_1680 = arith.minimumf %get3A_1679, %add3A_1676 : vector<8x128xf32>
      %swap3A_1681 = arith.constant 0 : index
      %swap3A_1682 = arith.constant 6528 : index
      %swap3A_1683 = vector.load %arg8[%swap3A_1681, %swap3A_1682] : memref<8x16384xf32, #tpu.memory_space<vmem>>, vector<8x128xf32>
      tpu.vector_store %arg8[%swap3A_1681, %swap3A_1682], %min3A_1680 {strides = array<i32>} : memref<8x16384xf32, #tpu.memory_space<vmem>>, vector<8x128xf32>,
      %gt3A_1684 = arith.cmpf ogt, %min3A_1680, %select_n3A_1429 : vector<8x128xf32>
      %select_n3A_1685 = arith.select %gt3A_1684, %min3A_1680, %select_n3A_1429 : vector<8x128xi1>, vector<8x128xf32>
      %jit3A_1686 = arith.constant 51 : i32
      %broadcast_in_dim3A_1687 = vector.broadcast %jit3A_1686 : i32 to vector<8x128xi32>
      %select_n3A_1688 = arith.select %gt3A_1684, %broadcast_in_dim3A_1687, %select_n3A_1432 : vector<8x128xi1>, vector<8x128xi32>
      %select_n3A_1689 = arith.select %gt3A_1684, %get3A_1662, %select_n3A_1433 : vector<8x128xi1>, vector<8x128xf32>
      %select_n3A_1690 = arith.select %gt3A_1684, %get3A_1665, %select_n3A_1434 : vector<8x128xi1>, vector<8x128xf32>
      %select_n3A_1691 = arith.select %gt3A_1684, %get3A_1668, %select_n3A_1435 : vector<8x128xi1>, vector<8x128xf32>
      %get3A_1692 = arith.constant 0 : index
      %get3A_1693 = arith.constant 6656 : index
      %get3A_1694 = vector.load %arg1[%get3A_1692, %get3A_1693] : memref<8x16384xf32, #tpu.memory_space<vmem>>, vector<8x128xf32>
      %get3A_1695 = arith.constant 0 : index
      %get3A_1696 = arith.constant 6656 : index
      %get3A_1697 = vector.load %arg2[%get3A_1695, %get3A_1696] : memref<8x16384xf32, #tpu.memory_space<vmem>>, vector<8x128xf32>
      %get3A_1698 = arith.constant 0 : index
      %get3A_1699 = arith.constant 6656 : index
      %get3A_1700 = vector.load %arg3[%get3A_1698, %get3A_1699] : memref<8x16384xf32, #tpu.memory_space<vmem>>, vector<8x128xf32>
      %sub3A_1701 = arith.subf %get3A_1694, %scan3A_72 : vector<8x128xf32>
      %sub3A_1702 = arith.subf %get3A_1697, %scan3A_73 : vector<8x128xf32>
      %sub3A_1703 = arith.subf %get3A_1700, %scan3A_74 : vector<8x128xf32>
      %mul3A_1704 = arith.mulf %sub3A_1701, %sub3A_1701 : vector<8x128xf32>
      %mul3A_1705 = arith.mulf %sub3A_1703, %sub3A_1703 : vector<8x128xf32>
      %add3A_1706 = arith.addf %mul3A_1704, %mul3A_1705 : vector<8x128xf32>
      %mul3A_1707 = arith.mulf %sub3A_1702, %sub3A_1702 : vector<8x128xf32>
      %add3A_1708 = arith.addf %add3A_1706, %mul3A_1707 : vector<8x128xf32>
      %get3A_1709 = arith.constant 0 : index
      %get3A_1710 = arith.constant 6656 : index
      %get3A_1711 = vector.load %arg8[%get3A_1709, %get3A_1710] : memref<8x16384xf32, #tpu.memory_space<vmem>>, vector<8x128xf32>
      %min3A_1712 = arith.minimumf %get3A_1711, %add3A_1708 : vector<8x128xf32>
      %swap3A_1713 = arith.constant 0 : index
      %swap3A_1714 = arith.constant 6656 : index
      %swap3A_1715 = vector.load %arg8[%swap3A_1713, %swap3A_1714] : memref<8x16384xf32, #tpu.memory_space<vmem>>, vector<8x128xf32>
      tpu.vector_store %arg8[%swap3A_1713, %swap3A_1714], %min3A_1712 {strides = array<i32>} : memref<8x16384xf32, #tpu.memory_space<vmem>>, vector<8x128xf32>,
      %gt3A_1716 = arith.cmpf ogt, %min3A_1712, %select_n3A_1461 : vector<8x128xf32>
      %select_n3A_1717 = arith.select %gt3A_1716, %min3A_1712, %select_n3A_1461 : vector<8x128xi1>, vector<8x128xf32>
      %jit3A_1718 = arith.constant 52 : i32
      %broadcast_in_dim3A_1719 = vector.broadcast %jit3A_1718 : i32 to vector<8x128xi32>
      %select_n3A_1720 = arith.select %gt3A_1716, %broadcast_in_dim3A_1719, %select_n3A_1464 : vector<8x128xi1>, vector<8x128xi32>
      %select_n3A_1721 = arith.select %gt3A_1716, %get3A_1694, %select_n3A_1465 : vector<8x128xi1>, vector<8x128xf32>
      %select_n3A_1722 = arith.select %gt3A_1716, %get3A_1697, %select_n3A_1466 : vector<8x128xi1>, vector<8x128xf32>
      %select_n3A_1723 = arith.select %gt3A_1716, %get3A_1700, %select_n3A_1467 : vector<8x128xi1>, vector<8x128xf32>
      %get3A_1724 = arith.constant 0 : index
      %get3A_1725 = arith.constant 6784 : index
      %get3A_1726 = vector.load %arg1[%get3A_1724, %get3A_1725] : memref<8x16384xf32, #tpu.memory_space<vmem>>, vector<8x128xf32>
      %get3A_1727 = arith.constant 0 : index
      %get3A_1728 = arith.constant 6784 : index
      %get3A_1729 = vector.load %arg2[%get3A_1727, %get3A_1728] : memref<8x16384xf32, #tpu.memory_space<vmem>>, vector<8x128xf32>
      %get3A_1730 = arith.constant 0 : index
      %get3A_1731 = arith.constant 6784 : index
      %get3A_1732 = vector.load %arg3[%get3A_1730, %get3A_1731] : memref<8x16384xf32, #tpu.memory_space<vmem>>, vector<8x128xf32>
      %sub3A_1733 = arith.subf %get3A_1726, %scan3A_72 : vector<8x128xf32>
      %sub3A_1734 = arith.subf %get3A_1729, %scan3A_73 : vector<8x128xf32>
      %sub3A_1735 = arith.subf %get3A_1732, %scan3A_74 : vector<8x128xf32>
      %mul3A_1736 = arith.mulf %sub3A_1733, %sub3A_1733 : vector<8x128xf32>
      %mul3A_1737 = arith.mulf %sub3A_1735, %sub3A_1735 : vector<8x128xf32>
      %add3A_1738 = arith.addf %mul3A_1736, %mul3A_1737 : vector<8x128xf32>
      %mul3A_1739 = arith.mulf %sub3A_1734, %sub3A_1734 : vector<8x128xf32>
      %add3A_1740 = arith.addf %add3A_1738, %mul3A_1739 : vector<8x128xf32>
      %get3A_1741 = arith.constant 0 : index
      %get3A_1742 = arith.constant 6784 : index
      %get3A_1743 = vector.load %arg8[%get3A_1741, %get3A_1742] : memref<8x16384xf32, #tpu.memory_space<vmem>>, vector<8x128xf32>
      %min3A_1744 = arith.minimumf %get3A_1743, %add3A_1740 : vector<8x128xf32>
      %swap3A_1745 = arith.constant 0 : index
      %swap3A_1746 = arith.constant 6784 : index
      %swap3A_1747 = vector.load %arg8[%swap3A_1745, %swap3A_1746] : memref<8x16384xf32, #tpu.memory_space<vmem>>, vector<8x128xf32>
      tpu.vector_store %arg8[%swap3A_1745, %swap3A_1746], %min3A_1744 {strides = array<i32>} : memref<8x16384xf32, #tpu.memory_space<vmem>>, vector<8x128xf32>,
      %gt3A_1748 = arith.cmpf ogt, %min3A_1744, %select_n3A_1493 : vector<8x128xf32>
      %select_n3A_1749 = arith.select %gt3A_1748, %min3A_1744, %select_n3A_1493 : vector<8x128xi1>, vector<8x128xf32>
      %jit3A_1750 = arith.constant 53 : i32
      %broadcast_in_dim3A_1751 = vector.broadcast %jit3A_1750 : i32 to vector<8x128xi32>
      %select_n3A_1752 = arith.select %gt3A_1748, %broadcast_in_dim3A_1751, %select_n3A_1496 : vector<8x128xi1>, vector<8x128xi32>
      %select_n3A_1753 = arith.select %gt3A_1748, %get3A_1726, %select_n3A_1497 : vector<8x128xi1>, vector<8x128xf32>
      %select_n3A_1754 = arith.select %gt3A_1748, %get3A_1729, %select_n3A_1498 : vector<8x128xi1>, vector<8x128xf32>
      %select_n3A_1755 = arith.select %gt3A_1748, %get3A_1732, %select_n3A_1499 : vector<8x128xi1>, vector<8x128xf32>
      %get3A_1756 = arith.constant 0 : index
      %get3A_1757 = arith.constant 6912 : index
      %get3A_1758 = vector.load %arg1[%get3A_1756, %get3A_1757] : memref<8x16384xf32, #tpu.memory_space<vmem>>, vector<8x128xf32>
      %get3A_1759 = arith.constant 0 : index
      %get3A_1760 = arith.constant 6912 : index
      %get3A_1761 = vector.load %arg2[%get3A_1759, %get3A_1760] : memref<8x16384xf32, #tpu.memory_space<vmem>>, vector<8x128xf32>
      %get3A_1762 = arith.constant 0 : index
      %get3A_1763 = arith.constant 6912 : index
      %get3A_1764 = vector.load %arg3[%get3A_1762, %get3A_1763] : memref<8x16384xf32, #tpu.memory_space<vmem>>, vector<8x128xf32>
      %sub3A_1765 = arith.subf %get3A_1758, %scan3A_72 : vector<8x128xf32>
      %sub3A_1766 = arith.subf %get3A_1761, %scan3A_73 : vector<8x128xf32>
      %sub3A_1767 = arith.subf %get3A_1764, %scan3A_74 : vector<8x128xf32>
      %mul3A_1768 = arith.mulf %sub3A_1765, %sub3A_1765 : vector<8x128xf32>
      %mul3A_1769 = arith.mulf %sub3A_1767, %sub3A_1767 : vector<8x128xf32>
      %add3A_1770 = arith.addf %mul3A_1768, %mul3A_1769 : vector<8x128xf32>
      %mul3A_1771 = arith.mulf %sub3A_1766, %sub3A_1766 : vector<8x128xf32>
      %add3A_1772 = arith.addf %add3A_1770, %mul3A_1771 : vector<8x128xf32>
      %get3A_1773 = arith.constant 0 : index
      %get3A_1774 = arith.constant 6912 : index
      %get3A_1775 = vector.load %arg8[%get3A_1773, %get3A_1774] : memref<8x16384xf32, #tpu.memory_space<vmem>>, vector<8x128xf32>
      %min3A_1776 = arith.minimumf %get3A_1775, %add3A_1772 : vector<8x128xf32>
      %swap3A_1777 = arith.constant 0 : index
      %swap3A_1778 = arith.constant 6912 : index
      %swap3A_1779 = vector.load %arg8[%swap3A_1777, %swap3A_1778] : memref<8x16384xf32, #tpu.memory_space<vmem>>, vector<8x128xf32>
      tpu.vector_store %arg8[%swap3A_1777, %swap3A_1778], %min3A_1776 {strides = array<i32>} : memref<8x16384xf32, #tpu.memory_space<vmem>>, vector<8x128xf32>,
      %gt3A_1780 = arith.cmpf ogt, %min3A_1776, %select_n3A_1525 : vector<8x128xf32>
      %select_n3A_1781 = arith.select %gt3A_1780, %min3A_1776, %select_n3A_1525 : vector<8x128xi1>, vector<8x128xf32>
      %jit3A_1782 = arith.constant 54 : i32
      %broadcast_in_dim3A_1783 = vector.broadcast %jit3A_1782 : i32 to vector<8x128xi32>
      %select_n3A_1784 = arith.select %gt3A_1780, %broadcast_in_dim3A_1783, %select_n3A_1528 : vector<8x128xi1>, vector<8x128xi32>
      %select_n3A_1785 = arith.select %gt3A_1780, %get3A_1758, %select_n3A_1529 : vector<8x128xi1>, vector<8x128xf32>
      %select_n3A_1786 = arith.select %gt3A_1780, %get3A_1761, %select_n3A_1530 : vector<8x128xi1>, vector<8x128xf32>
      %select_n3A_1787 = arith.select %gt3A_1780, %get3A_1764, %select_n3A_1531 : vector<8x128xi1>, vector<8x128xf32>
      %get3A_1788 = arith.constant 0 : index
      %get3A_1789 = arith.constant 7040 : index
      %get3A_1790 = vector.load %arg1[%get3A_1788, %get3A_1789] : memref<8x16384xf32, #tpu.memory_space<vmem>>, vector<8x128xf32>
      %get3A_1791 = arith.constant 0 : index
      %get3A_1792 = arith.constant 7040 : index
      %get3A_1793 = vector.load %arg2[%get3A_1791, %get3A_1792] : memref<8x16384xf32, #tpu.memory_space<vmem>>, vector<8x128xf32>
      %get3A_1794 = arith.constant 0 : index
      %get3A_1795 = arith.constant 7040 : index
      %get3A_1796 = vector.load %arg3[%get3A_1794, %get3A_1795] : memref<8x16384xf32, #tpu.memory_space<vmem>>, vector<8x128xf32>
      %sub3A_1797 = arith.subf %get3A_1790, %scan3A_72 : vector<8x128xf32>
      %sub3A_1798 = arith.subf %get3A_1793, %scan3A_73 : vector<8x128xf32>
      %sub3A_1799 = arith.subf %get3A_1796, %scan3A_74 : vector<8x128xf32>
      %mul3A_1800 = arith.mulf %sub3A_1797, %sub3A_1797 : vector<8x128xf32>
      %mul3A_1801 = arith.mulf %sub3A_1799, %sub3A_1799 : vector<8x128xf32>
      %add3A_1802 = arith.addf %mul3A_1800, %mul3A_1801 : vector<8x128xf32>
      %mul3A_1803 = arith.mulf %sub3A_1798, %sub3A_1798 : vector<8x128xf32>
      %add3A_1804 = arith.addf %add3A_1802, %mul3A_1803 : vector<8x128xf32>
      %get3A_1805 = arith.constant 0 : index
      %get3A_1806 = arith.constant 7040 : index
      %get3A_1807 = vector.load %arg8[%get3A_1805, %get3A_1806] : memref<8x16384xf32, #tpu.memory_space<vmem>>, vector<8x128xf32>
      %min3A_1808 = arith.minimumf %get3A_1807, %add3A_1804 : vector<8x128xf32>
      %swap3A_1809 = arith.constant 0 : index
      %swap3A_1810 = arith.constant 7040 : index
      %swap3A_1811 = vector.load %arg8[%swap3A_1809, %swap3A_1810] : memref<8x16384xf32, #tpu.memory_space<vmem>>, vector<8x128xf32>
      tpu.vector_store %arg8[%swap3A_1809, %swap3A_1810], %min3A_1808 {strides = array<i32>} : memref<8x16384xf32, #tpu.memory_space<vmem>>, vector<8x128xf32>,
      %gt3A_1812 = arith.cmpf ogt, %min3A_1808, %select_n3A_1557 : vector<8x128xf32>
      %select_n3A_1813 = arith.select %gt3A_1812, %min3A_1808, %select_n3A_1557 : vector<8x128xi1>, vector<8x128xf32>
      %jit3A_1814 = arith.constant 55 : i32
      %broadcast_in_dim3A_1815 = vector.broadcast %jit3A_1814 : i32 to vector<8x128xi32>
      %select_n3A_1816 = arith.select %gt3A_1812, %broadcast_in_dim3A_1815, %select_n3A_1560 : vector<8x128xi1>, vector<8x128xi32>
      %select_n3A_1817 = arith.select %gt3A_1812, %get3A_1790, %select_n3A_1561 : vector<8x128xi1>, vector<8x128xf32>
      %select_n3A_1818 = arith.select %gt3A_1812, %get3A_1793, %select_n3A_1562 : vector<8x128xi1>, vector<8x128xf32>
      %select_n3A_1819 = arith.select %gt3A_1812, %get3A_1796, %select_n3A_1563 : vector<8x128xi1>, vector<8x128xf32>
      %get3A_1820 = arith.constant 0 : index
      %get3A_1821 = arith.constant 7168 : index
      %get3A_1822 = vector.load %arg1[%get3A_1820, %get3A_1821] : memref<8x16384xf32, #tpu.memory_space<vmem>>, vector<8x128xf32>
      %get3A_1823 = arith.constant 0 : index
      %get3A_1824 = arith.constant 7168 : index
      %get3A_1825 = vector.load %arg2[%get3A_1823, %get3A_1824] : memref<8x16384xf32, #tpu.memory_space<vmem>>, vector<8x128xf32>
      %get3A_1826 = arith.constant 0 : index
      %get3A_1827 = arith.constant 7168 : index
      %get3A_1828 = vector.load %arg3[%get3A_1826, %get3A_1827] : memref<8x16384xf32, #tpu.memory_space<vmem>>, vector<8x128xf32>
      %sub3A_1829 = arith.subf %get3A_1822, %scan3A_72 : vector<8x128xf32>
      %sub3A_1830 = arith.subf %get3A_1825, %scan3A_73 : vector<8x128xf32>
      %sub3A_1831 = arith.subf %get3A_1828, %scan3A_74 : vector<8x128xf32>
      %mul3A_1832 = arith.mulf %sub3A_1829, %sub3A_1829 : vector<8x128xf32>
      %mul3A_1833 = arith.mulf %sub3A_1831, %sub3A_1831 : vector<8x128xf32>
      %add3A_1834 = arith.addf %mul3A_1832, %mul3A_1833 : vector<8x128xf32>
      %mul3A_1835 = arith.mulf %sub3A_1830, %sub3A_1830 : vector<8x128xf32>
      %add3A_1836 = arith.addf %add3A_1834, %mul3A_1835 : vector<8x128xf32>
      %get3A_1837 = arith.constant 0 : index
      %get3A_1838 = arith.constant 7168 : index
      %get3A_1839 = vector.load %arg8[%get3A_1837, %get3A_1838] : memref<8x16384xf32, #tpu.memory_space<vmem>>, vector<8x128xf32>
      %min3A_1840 = arith.minimumf %get3A_1839, %add3A_1836 : vector<8x128xf32>
      %swap3A_1841 = arith.constant 0 : index
      %swap3A_1842 = arith.constant 7168 : index
      %swap3A_1843 = vector.load %arg8[%swap3A_1841, %swap3A_1842] : memref<8x16384xf32, #tpu.memory_space<vmem>>, vector<8x128xf32>
      tpu.vector_store %arg8[%swap3A_1841, %swap3A_1842], %min3A_1840 {strides = array<i32>} : memref<8x16384xf32, #tpu.memory_space<vmem>>, vector<8x128xf32>,
      %gt3A_1844 = arith.cmpf ogt, %min3A_1840, %select_n3A_1589 : vector<8x128xf32>
      %select_n3A_1845 = arith.select %gt3A_1844, %min3A_1840, %select_n3A_1589 : vector<8x128xi1>, vector<8x128xf32>
      %jit3A_1846 = arith.constant 56 : i32
      %broadcast_in_dim3A_1847 = vector.broadcast %jit3A_1846 : i32 to vector<8x128xi32>
      %select_n3A_1848 = arith.select %gt3A_1844, %broadcast_in_dim3A_1847, %select_n3A_1592 : vector<8x128xi1>, vector<8x128xi32>
      %select_n3A_1849 = arith.select %gt3A_1844, %get3A_1822, %select_n3A_1593 : vector<8x128xi1>, vector<8x128xf32>
      %select_n3A_1850 = arith.select %gt3A_1844, %get3A_1825, %select_n3A_1594 : vector<8x128xi1>, vector<8x128xf32>
      %select_n3A_1851 = arith.select %gt3A_1844, %get3A_1828, %select_n3A_1595 : vector<8x128xi1>, vector<8x128xf32>
      %get3A_1852 = arith.constant 0 : index
      %get3A_1853 = arith.constant 7296 : index
      %get3A_1854 = vector.load %arg1[%get3A_1852, %get3A_1853] : memref<8x16384xf32, #tpu.memory_space<vmem>>, vector<8x128xf32>
      %get3A_1855 = arith.constant 0 : index
      %get3A_1856 = arith.constant 7296 : index
      %get3A_1857 = vector.load %arg2[%get3A_1855, %get3A_1856] : memref<8x16384xf32, #tpu.memory_space<vmem>>, vector<8x128xf32>
      %get3A_1858 = arith.constant 0 : index
      %get3A_1859 = arith.constant 7296 : index
      %get3A_1860 = vector.load %arg3[%get3A_1858, %get3A_1859] : memref<8x16384xf32, #tpu.memory_space<vmem>>, vector<8x128xf32>
      %sub3A_1861 = arith.subf %get3A_1854, %scan3A_72 : vector<8x128xf32>
      %sub3A_1862 = arith.subf %get3A_1857, %scan3A_73 : vector<8x128xf32>
      %sub3A_1863 = arith.subf %get3A_1860, %scan3A_74 : vector<8x128xf32>
      %mul3A_1864 = arith.mulf %sub3A_1861, %sub3A_1861 : vector<8x128xf32>
      %mul3A_1865 = arith.mulf %sub3A_1863, %sub3A_1863 : vector<8x128xf32>
      %add3A_1866 = arith.addf %mul3A_1864, %mul3A_1865 : vector<8x128xf32>
      %mul3A_1867 = arith.mulf %sub3A_1862, %sub3A_1862 : vector<8x128xf32>
      %add3A_1868 = arith.addf %add3A_1866, %mul3A_1867 : vector<8x128xf32>
      %get3A_1869 = arith.constant 0 : index
      %get3A_1870 = arith.constant 7296 : index
      %get3A_1871 = vector.load %arg8[%get3A_1869, %get3A_1870] : memref<8x16384xf32, #tpu.memory_space<vmem>>, vector<8x128xf32>
      %min3A_1872 = arith.minimumf %get3A_1871, %add3A_1868 : vector<8x128xf32>
      %swap3A_1873 = arith.constant 0 : index
      %swap3A_1874 = arith.constant 7296 : index
      %swap3A_1875 = vector.load %arg8[%swap3A_1873, %swap3A_1874] : memref<8x16384xf32, #tpu.memory_space<vmem>>, vector<8x128xf32>
      tpu.vector_store %arg8[%swap3A_1873, %swap3A_1874], %min3A_1872 {strides = array<i32>} : memref<8x16384xf32, #tpu.memory_space<vmem>>, vector<8x128xf32>,
      %gt3A_1876 = arith.cmpf ogt, %min3A_1872, %select_n3A_1621 : vector<8x128xf32>
      %select_n3A_1877 = arith.select %gt3A_1876, %min3A_1872, %select_n3A_1621 : vector<8x128xi1>, vector<8x128xf32>
      %jit3A_1878 = arith.constant 57 : i32
      %broadcast_in_dim3A_1879 = vector.broadcast %jit3A_1878 : i32 to vector<8x128xi32>
      %select_n3A_1880 = arith.select %gt3A_1876, %broadcast_in_dim3A_1879, %select_n3A_1624 : vector<8x128xi1>, vector<8x128xi32>
      %select_n3A_1881 = arith.select %gt3A_1876, %get3A_1854, %select_n3A_1625 : vector<8x128xi1>, vector<8x128xf32>
      %select_n3A_1882 = arith.select %gt3A_1876, %get3A_1857, %select_n3A_1626 : vector<8x128xi1>, vector<8x128xf32>
      %select_n3A_1883 = arith.select %gt3A_1876, %get3A_1860, %select_n3A_1627 : vector<8x128xi1>, vector<8x128xf32>
      %get3A_1884 = arith.constant 0 : index
      %get3A_1885 = arith.constant 7424 : index
      %get3A_1886 = vector.load %arg1[%get3A_1884, %get3A_1885] : memref<8x16384xf32, #tpu.memory_space<vmem>>, vector<8x128xf32>
      %get3A_1887 = arith.constant 0 : index
      %get3A_1888 = arith.constant 7424 : index
      %get3A_1889 = vector.load %arg2[%get3A_1887, %get3A_1888] : memref<8x16384xf32, #tpu.memory_space<vmem>>, vector<8x128xf32>
      %get3A_1890 = arith.constant 0 : index
      %get3A_1891 = arith.constant 7424 : index
      %get3A_1892 = vector.load %arg3[%get3A_1890, %get3A_1891] : memref<8x16384xf32, #tpu.memory_space<vmem>>, vector<8x128xf32>
      %sub3A_1893 = arith.subf %get3A_1886, %scan3A_72 : vector<8x128xf32>
      %sub3A_1894 = arith.subf %get3A_1889, %scan3A_73 : vector<8x128xf32>
      %sub3A_1895 = arith.subf %get3A_1892, %scan3A_74 : vector<8x128xf32>
      %mul3A_1896 = arith.mulf %sub3A_1893, %sub3A_1893 : vector<8x128xf32>
      %mul3A_1897 = arith.mulf %sub3A_1895, %sub3A_1895 : vector<8x128xf32>
      %add3A_1898 = arith.addf %mul3A_1896, %mul3A_1897 : vector<8x128xf32>
      %mul3A_1899 = arith.mulf %sub3A_1894, %sub3A_1894 : vector<8x128xf32>
      %add3A_1900 = arith.addf %add3A_1898, %mul3A_1899 : vector<8x128xf32>
      %get3A_1901 = arith.constant 0 : index
      %get3A_1902 = arith.constant 7424 : index
      %get3A_1903 = vector.load %arg8[%get3A_1901, %get3A_1902] : memref<8x16384xf32, #tpu.memory_space<vmem>>, vector<8x128xf32>
      %min3A_1904 = arith.minimumf %get3A_1903, %add3A_1900 : vector<8x128xf32>
      %swap3A_1905 = arith.constant 0 : index
      %swap3A_1906 = arith.constant 7424 : index
      %swap3A_1907 = vector.load %arg8[%swap3A_1905, %swap3A_1906] : memref<8x16384xf32, #tpu.memory_space<vmem>>, vector<8x128xf32>
      tpu.vector_store %arg8[%swap3A_1905, %swap3A_1906], %min3A_1904 {strides = array<i32>} : memref<8x16384xf32, #tpu.memory_space<vmem>>, vector<8x128xf32>,
      %gt3A_1908 = arith.cmpf ogt, %min3A_1904, %select_n3A_1653 : vector<8x128xf32>
      %select_n3A_1909 = arith.select %gt3A_1908, %min3A_1904, %select_n3A_1653 : vector<8x128xi1>, vector<8x128xf32>
      %jit3A_1910 = arith.constant 58 : i32
      %broadcast_in_dim3A_1911 = vector.broadcast %jit3A_1910 : i32 to vector<8x128xi32>
      %select_n3A_1912 = arith.select %gt3A_1908, %broadcast_in_dim3A_1911, %select_n3A_1656 : vector<8x128xi1>, vector<8x128xi32>
      %select_n3A_1913 = arith.select %gt3A_1908, %get3A_1886, %select_n3A_1657 : vector<8x128xi1>, vector<8x128xf32>
      %select_n3A_1914 = arith.select %gt3A_1908, %get3A_1889, %select_n3A_1658 : vector<8x128xi1>, vector<8x128xf32>
      %select_n3A_1915 = arith.select %gt3A_1908, %get3A_1892, %select_n3A_1659 : vector<8x128xi1>, vector<8x128xf32>
      %get3A_1916 = arith.constant 0 : index
      %get3A_1917 = arith.constant 7552 : index
      %get3A_1918 = vector.load %arg1[%get3A_1916, %get3A_1917] : memref<8x16384xf32, #tpu.memory_space<vmem>>, vector<8x128xf32>
      %get3A_1919 = arith.constant 0 : index
      %get3A_1920 = arith.constant 7552 : index
      %get3A_1921 = vector.load %arg2[%get3A_1919, %get3A_1920] : memref<8x16384xf32, #tpu.memory_space<vmem>>, vector<8x128xf32>
      %get3A_1922 = arith.constant 0 : index
      %get3A_1923 = arith.constant 7552 : index
      %get3A_1924 = vector.load %arg3[%get3A_1922, %get3A_1923] : memref<8x16384xf32, #tpu.memory_space<vmem>>, vector<8x128xf32>
      %sub3A_1925 = arith.subf %get3A_1918, %scan3A_72 : vector<8x128xf32>
      %sub3A_1926 = arith.subf %get3A_1921, %scan3A_73 : vector<8x128xf32>
      %sub3A_1927 = arith.subf %get3A_1924, %scan3A_74 : vector<8x128xf32>
      %mul3A_1928 = arith.mulf %sub3A_1925, %sub3A_1925 : vector<8x128xf32>
      %mul3A_1929 = arith.mulf %sub3A_1927, %sub3A_1927 : vector<8x128xf32>
      %add3A_1930 = arith.addf %mul3A_1928, %mul3A_1929 : vector<8x128xf32>
      %mul3A_1931 = arith.mulf %sub3A_1926, %sub3A_1926 : vector<8x128xf32>
      %add3A_1932 = arith.addf %add3A_1930, %mul3A_1931 : vector<8x128xf32>
      %get3A_1933 = arith.constant 0 : index
      %get3A_1934 = arith.constant 7552 : index
      %get3A_1935 = vector.load %arg8[%get3A_1933, %get3A_1934] : memref<8x16384xf32, #tpu.memory_space<vmem>>, vector<8x128xf32>
      %min3A_1936 = arith.minimumf %get3A_1935, %add3A_1932 : vector<8x128xf32>
      %swap3A_1937 = arith.constant 0 : index
      %swap3A_1938 = arith.constant 7552 : index
      %swap3A_1939 = vector.load %arg8[%swap3A_1937, %swap3A_1938] : memref<8x16384xf32, #tpu.memory_space<vmem>>, vector<8x128xf32>
      tpu.vector_store %arg8[%swap3A_1937, %swap3A_1938], %min3A_1936 {strides = array<i32>} : memref<8x16384xf32, #tpu.memory_space<vmem>>, vector<8x128xf32>,
      %gt3A_1940 = arith.cmpf ogt, %min3A_1936, %select_n3A_1685 : vector<8x128xf32>
      %select_n3A_1941 = arith.select %gt3A_1940, %min3A_1936, %select_n3A_1685 : vector<8x128xi1>, vector<8x128xf32>
      %jit3A_1942 = arith.constant 59 : i32
      %broadcast_in_dim3A_1943 = vector.broadcast %jit3A_1942 : i32 to vector<8x128xi32>
      %select_n3A_1944 = arith.select %gt3A_1940, %broadcast_in_dim3A_1943, %select_n3A_1688 : vector<8x128xi1>, vector<8x128xi32>
      %select_n3A_1945 = arith.select %gt3A_1940, %get3A_1918, %select_n3A_1689 : vector<8x128xi1>, vector<8x128xf32>
      %select_n3A_1946 = arith.select %gt3A_1940, %get3A_1921, %select_n3A_1690 : vector<8x128xi1>, vector<8x128xf32>
      %select_n3A_1947 = arith.select %gt3A_1940, %get3A_1924, %select_n3A_1691 : vector<8x128xi1>, vector<8x128xf32>
      %get3A_1948 = arith.constant 0 : index
      %get3A_1949 = arith.constant 7680 : index
      %get3A_1950 = vector.load %arg1[%get3A_1948, %get3A_1949] : memref<8x16384xf32, #tpu.memory_space<vmem>>, vector<8x128xf32>
      %get3A_1951 = arith.constant 0 : index
      %get3A_1952 = arith.constant 7680 : index
      %get3A_1953 = vector.load %arg2[%get3A_1951, %get3A_1952] : memref<8x16384xf32, #tpu.memory_space<vmem>>, vector<8x128xf32>
      %get3A_1954 = arith.constant 0 : index
      %get3A_1955 = arith.constant 7680 : index
      %get3A_1956 = vector.load %arg3[%get3A_1954, %get3A_1955] : memref<8x16384xf32, #tpu.memory_space<vmem>>, vector<8x128xf32>
      %sub3A_1957 = arith.subf %get3A_1950, %scan3A_72 : vector<8x128xf32>
      %sub3A_1958 = arith.subf %get3A_1953, %scan3A_73 : vector<8x128xf32>
      %sub3A_1959 = arith.subf %get3A_1956, %scan3A_74 : vector<8x128xf32>
      %mul3A_1960 = arith.mulf %sub3A_1957, %sub3A_1957 : vector<8x128xf32>
      %mul3A_1961 = arith.mulf %sub3A_1959, %sub3A_1959 : vector<8x128xf32>
      %add3A_1962 = arith.addf %mul3A_1960, %mul3A_1961 : vector<8x128xf32>
      %mul3A_1963 = arith.mulf %sub3A_1958, %sub3A_1958 : vector<8x128xf32>
      %add3A_1964 = arith.addf %add3A_1962, %mul3A_1963 : vector<8x128xf32>
      %get3A_1965 = arith.constant 0 : index
      %get3A_1966 = arith.constant 7680 : index
      %get3A_1967 = vector.load %arg8[%get3A_1965, %get3A_1966] : memref<8x16384xf32, #tpu.memory_space<vmem>>, vector<8x128xf32>
      %min3A_1968 = arith.minimumf %get3A_1967, %add3A_1964 : vector<8x128xf32>
      %swap3A_1969 = arith.constant 0 : index
      %swap3A_1970 = arith.constant 7680 : index
      %swap3A_1971 = vector.load %arg8[%swap3A_1969, %swap3A_1970] : memref<8x16384xf32, #tpu.memory_space<vmem>>, vector<8x128xf32>
      tpu.vector_store %arg8[%swap3A_1969, %swap3A_1970], %min3A_1968 {strides = array<i32>} : memref<8x16384xf32, #tpu.memory_space<vmem>>, vector<8x128xf32>,
      %gt3A_1972 = arith.cmpf ogt, %min3A_1968, %select_n3A_1717 : vector<8x128xf32>
      %select_n3A_1973 = arith.select %gt3A_1972, %min3A_1968, %select_n3A_1717 : vector<8x128xi1>, vector<8x128xf32>
      %jit3A_1974 = arith.constant 60 : i32
      %broadcast_in_dim3A_1975 = vector.broadcast %jit3A_1974 : i32 to vector<8x128xi32>
      %select_n3A_1976 = arith.select %gt3A_1972, %broadcast_in_dim3A_1975, %select_n3A_1720 : vector<8x128xi1>, vector<8x128xi32>
      %select_n3A_1977 = arith.select %gt3A_1972, %get3A_1950, %select_n3A_1721 : vector<8x128xi1>, vector<8x128xf32>
      %select_n3A_1978 = arith.select %gt3A_1972, %get3A_1953, %select_n3A_1722 : vector<8x128xi1>, vector<8x128xf32>
      %select_n3A_1979 = arith.select %gt3A_1972, %get3A_1956, %select_n3A_1723 : vector<8x128xi1>, vector<8x128xf32>
      %get3A_1980 = arith.constant 0 : index
      %get3A_1981 = arith.constant 7808 : index
      %get3A_1982 = vector.load %arg1[%get3A_1980, %get3A_1981] : memref<8x16384xf32, #tpu.memory_space<vmem>>, vector<8x128xf32>
      %get3A_1983 = arith.constant 0 : index
      %get3A_1984 = arith.constant 7808 : index
      %get3A_1985 = vector.load %arg2[%get3A_1983, %get3A_1984] : memref<8x16384xf32, #tpu.memory_space<vmem>>, vector<8x128xf32>
      %get3A_1986 = arith.constant 0 : index
      %get3A_1987 = arith.constant 7808 : index
      %get3A_1988 = vector.load %arg3[%get3A_1986, %get3A_1987] : memref<8x16384xf32, #tpu.memory_space<vmem>>, vector<8x128xf32>
      %sub3A_1989 = arith.subf %get3A_1982, %scan3A_72 : vector<8x128xf32>
      %sub3A_1990 = arith.subf %get3A_1985, %scan3A_73 : vector<8x128xf32>
      %sub3A_1991 = arith.subf %get3A_1988, %scan3A_74 : vector<8x128xf32>
      %mul3A_1992 = arith.mulf %sub3A_1989, %sub3A_1989 : vector<8x128xf32>
      %mul3A_1993 = arith.mulf %sub3A_1991, %sub3A_1991 : vector<8x128xf32>
      %add3A_1994 = arith.addf %mul3A_1992, %mul3A_1993 : vector<8x128xf32>
      %mul3A_1995 = arith.mulf %sub3A_1990, %sub3A_1990 : vector<8x128xf32>
      %add3A_1996 = arith.addf %add3A_1994, %mul3A_1995 : vector<8x128xf32>
      %get3A_1997 = arith.constant 0 : index
      %get3A_1998 = arith.constant 7808 : index
      %get3A_1999 = vector.load %arg8[%get3A_1997, %get3A_1998] : memref<8x16384xf32, #tpu.memory_space<vmem>>, vector<8x128xf32>
      %min3A_2000 = arith.minimumf %get3A_1999, %add3A_1996 : vector<8x128xf32>
      %swap3A_2001 = arith.constant 0 : index
      %swap3A_2002 = arith.constant 7808 : index
      %swap3A_2003 = vector.load %arg8[%swap3A_2001, %swap3A_2002] : memref<8x16384xf32, #tpu.memory_space<vmem>>, vector<8x128xf32>
      tpu.vector_store %arg8[%swap3A_2001, %swap3A_2002], %min3A_2000 {strides = array<i32>} : memref<8x16384xf32, #tpu.memory_space<vmem>>, vector<8x128xf32>,
      %gt3A_2004 = arith.cmpf ogt, %min3A_2000, %select_n3A_1749 : vector<8x128xf32>
      %select_n3A_2005 = arith.select %gt3A_2004, %min3A_2000, %select_n3A_1749 : vector<8x128xi1>, vector<8x128xf32>
      %jit3A_2006 = arith.constant 61 : i32
      %broadcast_in_dim3A_2007 = vector.broadcast %jit3A_2006 : i32 to vector<8x128xi32>
      %select_n3A_2008 = arith.select %gt3A_2004, %broadcast_in_dim3A_2007, %select_n3A_1752 : vector<8x128xi1>, vector<8x128xi32>
      %select_n3A_2009 = arith.select %gt3A_2004, %get3A_1982, %select_n3A_1753 : vector<8x128xi1>, vector<8x128xf32>
      %select_n3A_2010 = arith.select %gt3A_2004, %get3A_1985, %select_n3A_1754 : vector<8x128xi1>, vector<8x128xf32>
      %select_n3A_2011 = arith.select %gt3A_2004, %get3A_1988, %select_n3A_1755 : vector<8x128xi1>, vector<8x128xf32>
      %get3A_2012 = arith.constant 0 : index
      %get3A_2013 = arith.constant 7936 : index
      %get3A_2014 = vector.load %arg1[%get3A_2012, %get3A_2013] : memref<8x16384xf32, #tpu.memory_space<vmem>>, vector<8x128xf32>
      %get3A_2015 = arith.constant 0 : index
      %get3A_2016 = arith.constant 7936 : index
      %get3A_2017 = vector.load %arg2[%get3A_2015, %get3A_2016] : memref<8x16384xf32, #tpu.memory_space<vmem>>, vector<8x128xf32>
      %get3A_2018 = arith.constant 0 : index
      %get3A_2019 = arith.constant 7936 : index
      %get3A_2020 = vector.load %arg3[%get3A_2018, %get3A_2019] : memref<8x16384xf32, #tpu.memory_space<vmem>>, vector<8x128xf32>
      %sub3A_2021 = arith.subf %get3A_2014, %scan3A_72 : vector<8x128xf32>
      %sub3A_2022 = arith.subf %get3A_2017, %scan3A_73 : vector<8x128xf32>
      %sub3A_2023 = arith.subf %get3A_2020, %scan3A_74 : vector<8x128xf32>
      %mul3A_2024 = arith.mulf %sub3A_2021, %sub3A_2021 : vector<8x128xf32>
      %mul3A_2025 = arith.mulf %sub3A_2023, %sub3A_2023 : vector<8x128xf32>
      %add3A_2026 = arith.addf %mul3A_2024, %mul3A_2025 : vector<8x128xf32>
      %mul3A_2027 = arith.mulf %sub3A_2022, %sub3A_2022 : vector<8x128xf32>
      %add3A_2028 = arith.addf %add3A_2026, %mul3A_2027 : vector<8x128xf32>
      %get3A_2029 = arith.constant 0 : index
      %get3A_2030 = arith.constant 7936 : index
      %get3A_2031 = vector.load %arg8[%get3A_2029, %get3A_2030] : memref<8x16384xf32, #tpu.memory_space<vmem>>, vector<8x128xf32>
      %min3A_2032 = arith.minimumf %get3A_2031, %add3A_2028 : vector<8x128xf32>
      %swap3A_2033 = arith.constant 0 : index
      %swap3A_2034 = arith.constant 7936 : index
      %swap3A_2035 = vector.load %arg8[%swap3A_2033, %swap3A_2034] : memref<8x16384xf32, #tpu.memory_space<vmem>>, vector<8x128xf32>
      tpu.vector_store %arg8[%swap3A_2033, %swap3A_2034], %min3A_2032 {strides = array<i32>} : memref<8x16384xf32, #tpu.memory_space<vmem>>, vector<8x128xf32>,
      %gt3A_2036 = arith.cmpf ogt, %min3A_2032, %select_n3A_1781 : vector<8x128xf32>
      %select_n3A_2037 = arith.select %gt3A_2036, %min3A_2032, %select_n3A_1781 : vector<8x128xi1>, vector<8x128xf32>
      %jit3A_2038 = arith.constant 62 : i32
      %broadcast_in_dim3A_2039 = vector.broadcast %jit3A_2038 : i32 to vector<8x128xi32>
      %select_n3A_2040 = arith.select %gt3A_2036, %broadcast_in_dim3A_2039, %select_n3A_1784 : vector<8x128xi1>, vector<8x128xi32>
      %select_n3A_2041 = arith.select %gt3A_2036, %get3A_2014, %select_n3A_1785 : vector<8x128xi1>, vector<8x128xf32>
      %select_n3A_2042 = arith.select %gt3A_2036, %get3A_2017, %select_n3A_1786 : vector<8x128xi1>, vector<8x128xf32>
      %select_n3A_2043 = arith.select %gt3A_2036, %get3A_2020, %select_n3A_1787 : vector<8x128xi1>, vector<8x128xf32>
      %get3A_2044 = arith.constant 0 : index
      %get3A_2045 = arith.constant 8064 : index
      %get3A_2046 = vector.load %arg1[%get3A_2044, %get3A_2045] : memref<8x16384xf32, #tpu.memory_space<vmem>>, vector<8x128xf32>
      %get3A_2047 = arith.constant 0 : index
      %get3A_2048 = arith.constant 8064 : index
      %get3A_2049 = vector.load %arg2[%get3A_2047, %get3A_2048] : memref<8x16384xf32, #tpu.memory_space<vmem>>, vector<8x128xf32>
      %get3A_2050 = arith.constant 0 : index
      %get3A_2051 = arith.constant 8064 : index
      %get3A_2052 = vector.load %arg3[%get3A_2050, %get3A_2051] : memref<8x16384xf32, #tpu.memory_space<vmem>>, vector<8x128xf32>
      %sub3A_2053 = arith.subf %get3A_2046, %scan3A_72 : vector<8x128xf32>
      %sub3A_2054 = arith.subf %get3A_2049, %scan3A_73 : vector<8x128xf32>
      %sub3A_2055 = arith.subf %get3A_2052, %scan3A_74 : vector<8x128xf32>
      %mul3A_2056 = arith.mulf %sub3A_2053, %sub3A_2053 : vector<8x128xf32>
      %mul3A_2057 = arith.mulf %sub3A_2055, %sub3A_2055 : vector<8x128xf32>
      %add3A_2058 = arith.addf %mul3A_2056, %mul3A_2057 : vector<8x128xf32>
      %mul3A_2059 = arith.mulf %sub3A_2054, %sub3A_2054 : vector<8x128xf32>
      %add3A_2060 = arith.addf %add3A_2058, %mul3A_2059 : vector<8x128xf32>
      %get3A_2061 = arith.constant 0 : index
      %get3A_2062 = arith.constant 8064 : index
      %get3A_2063 = vector.load %arg8[%get3A_2061, %get3A_2062] : memref<8x16384xf32, #tpu.memory_space<vmem>>, vector<8x128xf32>
      %min3A_2064 = arith.minimumf %get3A_2063, %add3A_2060 : vector<8x128xf32>
      %swap3A_2065 = arith.constant 0 : index
      %swap3A_2066 = arith.constant 8064 : index
      %swap3A_2067 = vector.load %arg8[%swap3A_2065, %swap3A_2066] : memref<8x16384xf32, #tpu.memory_space<vmem>>, vector<8x128xf32>
      tpu.vector_store %arg8[%swap3A_2065, %swap3A_2066], %min3A_2064 {strides = array<i32>} : memref<8x16384xf32, #tpu.memory_space<vmem>>, vector<8x128xf32>,
      %gt3A_2068 = arith.cmpf ogt, %min3A_2064, %select_n3A_1813 : vector<8x128xf32>
      %select_n3A_2069 = arith.select %gt3A_2068, %min3A_2064, %select_n3A_1813 : vector<8x128xi1>, vector<8x128xf32>
      %jit3A_2070 = arith.constant 63 : i32
      %broadcast_in_dim3A_2071 = vector.broadcast %jit3A_2070 : i32 to vector<8x128xi32>
      %select_n3A_2072 = arith.select %gt3A_2068, %broadcast_in_dim3A_2071, %select_n3A_1816 : vector<8x128xi1>, vector<8x128xi32>
      %select_n3A_2073 = arith.select %gt3A_2068, %get3A_2046, %select_n3A_1817 : vector<8x128xi1>, vector<8x128xf32>
      %select_n3A_2074 = arith.select %gt3A_2068, %get3A_2049, %select_n3A_1818 : vector<8x128xi1>, vector<8x128xf32>
      %select_n3A_2075 = arith.select %gt3A_2068, %get3A_2052, %select_n3A_1819 : vector<8x128xi1>, vector<8x128xf32>
      %get3A_2076 = arith.constant 0 : index
      %get3A_2077 = arith.constant 8192 : index
      %get3A_2078 = vector.load %arg1[%get3A_2076, %get3A_2077] : memref<8x16384xf32, #tpu.memory_space<vmem>>, vector<8x128xf32>
      %get3A_2079 = arith.constant 0 : index
      %get3A_2080 = arith.constant 8192 : index
      %get3A_2081 = vector.load %arg2[%get3A_2079, %get3A_2080] : memref<8x16384xf32, #tpu.memory_space<vmem>>, vector<8x128xf32>
      %get3A_2082 = arith.constant 0 : index
      %get3A_2083 = arith.constant 8192 : index
      %get3A_2084 = vector.load %arg3[%get3A_2082, %get3A_2083] : memref<8x16384xf32, #tpu.memory_space<vmem>>, vector<8x128xf32>
      %sub3A_2085 = arith.subf %get3A_2078, %scan3A_72 : vector<8x128xf32>
      %sub3A_2086 = arith.subf %get3A_2081, %scan3A_73 : vector<8x128xf32>
      %sub3A_2087 = arith.subf %get3A_2084, %scan3A_74 : vector<8x128xf32>
      %mul3A_2088 = arith.mulf %sub3A_2085, %sub3A_2085 : vector<8x128xf32>
      %mul3A_2089 = arith.mulf %sub3A_2087, %sub3A_2087 : vector<8x128xf32>
      %add3A_2090 = arith.addf %mul3A_2088, %mul3A_2089 : vector<8x128xf32>
      %mul3A_2091 = arith.mulf %sub3A_2086, %sub3A_2086 : vector<8x128xf32>
      %add3A_2092 = arith.addf %add3A_2090, %mul3A_2091 : vector<8x128xf32>
      %get3A_2093 = arith.constant 0 : index
      %get3A_2094 = arith.constant 8192 : index
      %get3A_2095 = vector.load %arg8[%get3A_2093, %get3A_2094] : memref<8x16384xf32, #tpu.memory_space<vmem>>, vector<8x128xf32>
      %min3A_2096 = arith.minimumf %get3A_2095, %add3A_2092 : vector<8x128xf32>
      %swap3A_2097 = arith.constant 0 : index
      %swap3A_2098 = arith.constant 8192 : index
      %swap3A_2099 = vector.load %arg8[%swap3A_2097, %swap3A_2098] : memref<8x16384xf32, #tpu.memory_space<vmem>>, vector<8x128xf32>
      tpu.vector_store %arg8[%swap3A_2097, %swap3A_2098], %min3A_2096 {strides = array<i32>} : memref<8x16384xf32, #tpu.memory_space<vmem>>, vector<8x128xf32>,
      %gt3A_2100 = arith.cmpf ogt, %min3A_2096, %select_n3A_1845 : vector<8x128xf32>
      %select_n3A_2101 = arith.select %gt3A_2100, %min3A_2096, %select_n3A_1845 : vector<8x128xi1>, vector<8x128xf32>
      %jit3A_2102 = arith.constant 64 : i32
      %broadcast_in_dim3A_2103 = vector.broadcast %jit3A_2102 : i32 to vector<8x128xi32>
      %select_n3A_2104 = arith.select %gt3A_2100, %broadcast_in_dim3A_2103, %select_n3A_1848 : vector<8x128xi1>, vector<8x128xi32>
      %select_n3A_2105 = arith.select %gt3A_2100, %get3A_2078, %select_n3A_1849 : vector<8x128xi1>, vector<8x128xf32>
      %select_n3A_2106 = arith.select %gt3A_2100, %get3A_2081, %select_n3A_1850 : vector<8x128xi1>, vector<8x128xf32>
      %select_n3A_2107 = arith.select %gt3A_2100, %get3A_2084, %select_n3A_1851 : vector<8x128xi1>, vector<8x128xf32>
      %get3A_2108 = arith.constant 0 : index
      %get3A_2109 = arith.constant 8320 : index
      %get3A_2110 = vector.load %arg1[%get3A_2108, %get3A_2109] : memref<8x16384xf32, #tpu.memory_space<vmem>>, vector<8x128xf32>
      %get3A_2111 = arith.constant 0 : index
      %get3A_2112 = arith.constant 8320 : index
      %get3A_2113 = vector.load %arg2[%get3A_2111, %get3A_2112] : memref<8x16384xf32, #tpu.memory_space<vmem>>, vector<8x128xf32>
      %get3A_2114 = arith.constant 0 : index
      %get3A_2115 = arith.constant 8320 : index
      %get3A_2116 = vector.load %arg3[%get3A_2114, %get3A_2115] : memref<8x16384xf32, #tpu.memory_space<vmem>>, vector<8x128xf32>
      %sub3A_2117 = arith.subf %get3A_2110, %scan3A_72 : vector<8x128xf32>
      %sub3A_2118 = arith.subf %get3A_2113, %scan3A_73 : vector<8x128xf32>
      %sub3A_2119 = arith.subf %get3A_2116, %scan3A_74 : vector<8x128xf32>
      %mul3A_2120 = arith.mulf %sub3A_2117, %sub3A_2117 : vector<8x128xf32>
      %mul3A_2121 = arith.mulf %sub3A_2119, %sub3A_2119 : vector<8x128xf32>
      %add3A_2122 = arith.addf %mul3A_2120, %mul3A_2121 : vector<8x128xf32>
      %mul3A_2123 = arith.mulf %sub3A_2118, %sub3A_2118 : vector<8x128xf32>
      %add3A_2124 = arith.addf %add3A_2122, %mul3A_2123 : vector<8x128xf32>
      %get3A_2125 = arith.constant 0 : index
      %get3A_2126 = arith.constant 8320 : index
      %get3A_2127 = vector.load %arg8[%get3A_2125, %get3A_2126] : memref<8x16384xf32, #tpu.memory_space<vmem>>, vector<8x128xf32>
      %min3A_2128 = arith.minimumf %get3A_2127, %add3A_2124 : vector<8x128xf32>
      %swap3A_2129 = arith.constant 0 : index
      %swap3A_2130 = arith.constant 8320 : index
      %swap3A_2131 = vector.load %arg8[%swap3A_2129, %swap3A_2130] : memref<8x16384xf32, #tpu.memory_space<vmem>>, vector<8x128xf32>
      tpu.vector_store %arg8[%swap3A_2129, %swap3A_2130], %min3A_2128 {strides = array<i32>} : memref<8x16384xf32, #tpu.memory_space<vmem>>, vector<8x128xf32>,
      %gt3A_2132 = arith.cmpf ogt, %min3A_2128, %select_n3A_1877 : vector<8x128xf32>
      %select_n3A_2133 = arith.select %gt3A_2132, %min3A_2128, %select_n3A_1877 : vector<8x128xi1>, vector<8x128xf32>
      %jit3A_2134 = arith.constant 65 : i32
      %broadcast_in_dim3A_2135 = vector.broadcast %jit3A_2134 : i32 to vector<8x128xi32>
      %select_n3A_2136 = arith.select %gt3A_2132, %broadcast_in_dim3A_2135, %select_n3A_1880 : vector<8x128xi1>, vector<8x128xi32>
      %select_n3A_2137 = arith.select %gt3A_2132, %get3A_2110, %select_n3A_1881 : vector<8x128xi1>, vector<8x128xf32>
      %select_n3A_2138 = arith.select %gt3A_2132, %get3A_2113, %select_n3A_1882 : vector<8x128xi1>, vector<8x128xf32>
      %select_n3A_2139 = arith.select %gt3A_2132, %get3A_2116, %select_n3A_1883 : vector<8x128xi1>, vector<8x128xf32>
      %get3A_2140 = arith.constant 0 : index
      %get3A_2141 = arith.constant 8448 : index
      %get3A_2142 = vector.load %arg1[%get3A_2140, %get3A_2141] : memref<8x16384xf32, #tpu.memory_space<vmem>>, vector<8x128xf32>
      %get3A_2143 = arith.constant 0 : index
      %get3A_2144 = arith.constant 8448 : index
      %get3A_2145 = vector.load %arg2[%get3A_2143, %get3A_2144] : memref<8x16384xf32, #tpu.memory_space<vmem>>, vector<8x128xf32>
      %get3A_2146 = arith.constant 0 : index
      %get3A_2147 = arith.constant 8448 : index
      %get3A_2148 = vector.load %arg3[%get3A_2146, %get3A_2147] : memref<8x16384xf32, #tpu.memory_space<vmem>>, vector<8x128xf32>
      %sub3A_2149 = arith.subf %get3A_2142, %scan3A_72 : vector<8x128xf32>
      %sub3A_2150 = arith.subf %get3A_2145, %scan3A_73 : vector<8x128xf32>
      %sub3A_2151 = arith.subf %get3A_2148, %scan3A_74 : vector<8x128xf32>
      %mul3A_2152 = arith.mulf %sub3A_2149, %sub3A_2149 : vector<8x128xf32>
      %mul3A_2153 = arith.mulf %sub3A_2151, %sub3A_2151 : vector<8x128xf32>
      %add3A_2154 = arith.addf %mul3A_2152, %mul3A_2153 : vector<8x128xf32>
      %mul3A_2155 = arith.mulf %sub3A_2150, %sub3A_2150 : vector<8x128xf32>
      %add3A_2156 = arith.addf %add3A_2154, %mul3A_2155 : vector<8x128xf32>
      %get3A_2157 = arith.constant 0 : index
      %get3A_2158 = arith.constant 8448 : index
      %get3A_2159 = vector.load %arg8[%get3A_2157, %get3A_2158] : memref<8x16384xf32, #tpu.memory_space<vmem>>, vector<8x128xf32>
      %min3A_2160 = arith.minimumf %get3A_2159, %add3A_2156 : vector<8x128xf32>
      %swap3A_2161 = arith.constant 0 : index
      %swap3A_2162 = arith.constant 8448 : index
      %swap3A_2163 = vector.load %arg8[%swap3A_2161, %swap3A_2162] : memref<8x16384xf32, #tpu.memory_space<vmem>>, vector<8x128xf32>
      tpu.vector_store %arg8[%swap3A_2161, %swap3A_2162], %min3A_2160 {strides = array<i32>} : memref<8x16384xf32, #tpu.memory_space<vmem>>, vector<8x128xf32>,
      %gt3A_2164 = arith.cmpf ogt, %min3A_2160, %select_n3A_1909 : vector<8x128xf32>
      %select_n3A_2165 = arith.select %gt3A_2164, %min3A_2160, %select_n3A_1909 : vector<8x128xi1>, vector<8x128xf32>
      %jit3A_2166 = arith.constant 66 : i32
      %broadcast_in_dim3A_2167 = vector.broadcast %jit3A_2166 : i32 to vector<8x128xi32>
      %select_n3A_2168 = arith.select %gt3A_2164, %broadcast_in_dim3A_2167, %select_n3A_1912 : vector<8x128xi1>, vector<8x128xi32>
      %select_n3A_2169 = arith.select %gt3A_2164, %get3A_2142, %select_n3A_1913 : vector<8x128xi1>, vector<8x128xf32>
      %select_n3A_2170 = arith.select %gt3A_2164, %get3A_2145, %select_n3A_1914 : vector<8x128xi1>, vector<8x128xf32>
      %select_n3A_2171 = arith.select %gt3A_2164, %get3A_2148, %select_n3A_1915 : vector<8x128xi1>, vector<8x128xf32>
      %get3A_2172 = arith.constant 0 : index
      %get3A_2173 = arith.constant 8576 : index
      %get3A_2174 = vector.load %arg1[%get3A_2172, %get3A_2173] : memref<8x16384xf32, #tpu.memory_space<vmem>>, vector<8x128xf32>
      %get3A_2175 = arith.constant 0 : index
      %get3A_2176 = arith.constant 8576 : index
      %get3A_2177 = vector.load %arg2[%get3A_2175, %get3A_2176] : memref<8x16384xf32, #tpu.memory_space<vmem>>, vector<8x128xf32>
      %get3A_2178 = arith.constant 0 : index
      %get3A_2179 = arith.constant 8576 : index
      %get3A_2180 = vector.load %arg3[%get3A_2178, %get3A_2179] : memref<8x16384xf32, #tpu.memory_space<vmem>>, vector<8x128xf32>
      %sub3A_2181 = arith.subf %get3A_2174, %scan3A_72 : vector<8x128xf32>
      %sub3A_2182 = arith.subf %get3A_2177, %scan3A_73 : vector<8x128xf32>
      %sub3A_2183 = arith.subf %get3A_2180, %scan3A_74 : vector<8x128xf32>
      %mul3A_2184 = arith.mulf %sub3A_2181, %sub3A_2181 : vector<8x128xf32>
      %mul3A_2185 = arith.mulf %sub3A_2183, %sub3A_2183 : vector<8x128xf32>
      %add3A_2186 = arith.addf %mul3A_2184, %mul3A_2185 : vector<8x128xf32>
      %mul3A_2187 = arith.mulf %sub3A_2182, %sub3A_2182 : vector<8x128xf32>
      %add3A_2188 = arith.addf %add3A_2186, %mul3A_2187 : vector<8x128xf32>
      %get3A_2189 = arith.constant 0 : index
      %get3A_2190 = arith.constant 8576 : index
      %get3A_2191 = vector.load %arg8[%get3A_2189, %get3A_2190] : memref<8x16384xf32, #tpu.memory_space<vmem>>, vector<8x128xf32>
      %min3A_2192 = arith.minimumf %get3A_2191, %add3A_2188 : vector<8x128xf32>
      %swap3A_2193 = arith.constant 0 : index
      %swap3A_2194 = arith.constant 8576 : index
      %swap3A_2195 = vector.load %arg8[%swap3A_2193, %swap3A_2194] : memref<8x16384xf32, #tpu.memory_space<vmem>>, vector<8x128xf32>
      tpu.vector_store %arg8[%swap3A_2193, %swap3A_2194], %min3A_2192 {strides = array<i32>} : memref<8x16384xf32, #tpu.memory_space<vmem>>, vector<8x128xf32>,
      %gt3A_2196 = arith.cmpf ogt, %min3A_2192, %select_n3A_1941 : vector<8x128xf32>
      %select_n3A_2197 = arith.select %gt3A_2196, %min3A_2192, %select_n3A_1941 : vector<8x128xi1>, vector<8x128xf32>
      %jit3A_2198 = arith.constant 67 : i32
      %broadcast_in_dim3A_2199 = vector.broadcast %jit3A_2198 : i32 to vector<8x128xi32>
      %select_n3A_2200 = arith.select %gt3A_2196, %broadcast_in_dim3A_2199, %select_n3A_1944 : vector<8x128xi1>, vector<8x128xi32>
      %select_n3A_2201 = arith.select %gt3A_2196, %get3A_2174, %select_n3A_1945 : vector<8x128xi1>, vector<8x128xf32>
      %select_n3A_2202 = arith.select %gt3A_2196, %get3A_2177, %select_n3A_1946 : vector<8x128xi1>, vector<8x128xf32>
      %select_n3A_2203 = arith.select %gt3A_2196, %get3A_2180, %select_n3A_1947 : vector<8x128xi1>, vector<8x128xf32>
      %get3A_2204 = arith.constant 0 : index
      %get3A_2205 = arith.constant 8704 : index
      %get3A_2206 = vector.load %arg1[%get3A_2204, %get3A_2205] : memref<8x16384xf32, #tpu.memory_space<vmem>>, vector<8x128xf32>
      %get3A_2207 = arith.constant 0 : index
      %get3A_2208 = arith.constant 8704 : index
      %get3A_2209 = vector.load %arg2[%get3A_2207, %get3A_2208] : memref<8x16384xf32, #tpu.memory_space<vmem>>, vector<8x128xf32>
      %get3A_2210 = arith.constant 0 : index
      %get3A_2211 = arith.constant 8704 : index
      %get3A_2212 = vector.load %arg3[%get3A_2210, %get3A_2211] : memref<8x16384xf32, #tpu.memory_space<vmem>>, vector<8x128xf32>
      %sub3A_2213 = arith.subf %get3A_2206, %scan3A_72 : vector<8x128xf32>
      %sub3A_2214 = arith.subf %get3A_2209, %scan3A_73 : vector<8x128xf32>
      %sub3A_2215 = arith.subf %get3A_2212, %scan3A_74 : vector<8x128xf32>
      %mul3A_2216 = arith.mulf %sub3A_2213, %sub3A_2213 : vector<8x128xf32>
      %mul3A_2217 = arith.mulf %sub3A_2215, %sub3A_2215 : vector<8x128xf32>
      %add3A_2218 = arith.addf %mul3A_2216, %mul3A_2217 : vector<8x128xf32>
      %mul3A_2219 = arith.mulf %sub3A_2214, %sub3A_2214 : vector<8x128xf32>
      %add3A_2220 = arith.addf %add3A_2218, %mul3A_2219 : vector<8x128xf32>
      %get3A_2221 = arith.constant 0 : index
      %get3A_2222 = arith.constant 8704 : index
      %get3A_2223 = vector.load %arg8[%get3A_2221, %get3A_2222] : memref<8x16384xf32, #tpu.memory_space<vmem>>, vector<8x128xf32>
      %min3A_2224 = arith.minimumf %get3A_2223, %add3A_2220 : vector<8x128xf32>
      %swap3A_2225 = arith.constant 0 : index
      %swap3A_2226 = arith.constant 8704 : index
      %swap3A_2227 = vector.load %arg8[%swap3A_2225, %swap3A_2226] : memref<8x16384xf32, #tpu.memory_space<vmem>>, vector<8x128xf32>
      tpu.vector_store %arg8[%swap3A_2225, %swap3A_2226], %min3A_2224 {strides = array<i32>} : memref<8x16384xf32, #tpu.memory_space<vmem>>, vector<8x128xf32>,
      %gt3A_2228 = arith.cmpf ogt, %min3A_2224, %select_n3A_1973 : vector<8x128xf32>
      %select_n3A_2229 = arith.select %gt3A_2228, %min3A_2224, %select_n3A_1973 : vector<8x128xi1>, vector<8x128xf32>
      %jit3A_2230 = arith.constant 68 : i32
      %broadcast_in_dim3A_2231 = vector.broadcast %jit3A_2230 : i32 to vector<8x128xi32>
      %select_n3A_2232 = arith.select %gt3A_2228, %broadcast_in_dim3A_2231, %select_n3A_1976 : vector<8x128xi1>, vector<8x128xi32>
      %select_n3A_2233 = arith.select %gt3A_2228, %get3A_2206, %select_n3A_1977 : vector<8x128xi1>, vector<8x128xf32>
      %select_n3A_2234 = arith.select %gt3A_2228, %get3A_2209, %select_n3A_1978 : vector<8x128xi1>, vector<8x128xf32>
      %select_n3A_2235 = arith.select %gt3A_2228, %get3A_2212, %select_n3A_1979 : vector<8x128xi1>, vector<8x128xf32>
      %get3A_2236 = arith.constant 0 : index
      %get3A_2237 = arith.constant 8832 : index
      %get3A_2238 = vector.load %arg1[%get3A_2236, %get3A_2237] : memref<8x16384xf32, #tpu.memory_space<vmem>>, vector<8x128xf32>
      %get3A_2239 = arith.constant 0 : index
      %get3A_2240 = arith.constant 8832 : index
      %get3A_2241 = vector.load %arg2[%get3A_2239, %get3A_2240] : memref<8x16384xf32, #tpu.memory_space<vmem>>, vector<8x128xf32>
      %get3A_2242 = arith.constant 0 : index
      %get3A_2243 = arith.constant 8832 : index
      %get3A_2244 = vector.load %arg3[%get3A_2242, %get3A_2243] : memref<8x16384xf32, #tpu.memory_space<vmem>>, vector<8x128xf32>
      %sub3A_2245 = arith.subf %get3A_2238, %scan3A_72 : vector<8x128xf32>
      %sub3A_2246 = arith.subf %get3A_2241, %scan3A_73 : vector<8x128xf32>
      %sub3A_2247 = arith.subf %get3A_2244, %scan3A_74 : vector<8x128xf32>
      %mul3A_2248 = arith.mulf %sub3A_2245, %sub3A_2245 : vector<8x128xf32>
      %mul3A_2249 = arith.mulf %sub3A_2247, %sub3A_2247 : vector<8x128xf32>
      %add3A_2250 = arith.addf %mul3A_2248, %mul3A_2249 : vector<8x128xf32>
      %mul3A_2251 = arith.mulf %sub3A_2246, %sub3A_2246 : vector<8x128xf32>
      %add3A_2252 = arith.addf %add3A_2250, %mul3A_2251 : vector<8x128xf32>
      %get3A_2253 = arith.constant 0 : index
      %get3A_2254 = arith.constant 8832 : index
      %get3A_2255 = vector.load %arg8[%get3A_2253, %get3A_2254] : memref<8x16384xf32, #tpu.memory_space<vmem>>, vector<8x128xf32>
      %min3A_2256 = arith.minimumf %get3A_2255, %add3A_2252 : vector<8x128xf32>
      %swap3A_2257 = arith.constant 0 : index
      %swap3A_2258 = arith.constant 8832 : index
      %swap3A_2259 = vector.load %arg8[%swap3A_2257, %swap3A_2258] : memref<8x16384xf32, #tpu.memory_space<vmem>>, vector<8x128xf32>
      tpu.vector_store %arg8[%swap3A_2257, %swap3A_2258], %min3A_2256 {strides = array<i32>} : memref<8x16384xf32, #tpu.memory_space<vmem>>, vector<8x128xf32>,
      %gt3A_2260 = arith.cmpf ogt, %min3A_2256, %select_n3A_2005 : vector<8x128xf32>
      %select_n3A_2261 = arith.select %gt3A_2260, %min3A_2256, %select_n3A_2005 : vector<8x128xi1>, vector<8x128xf32>
      %jit3A_2262 = arith.constant 69 : i32
      %broadcast_in_dim3A_2263 = vector.broadcast %jit3A_2262 : i32 to vector<8x128xi32>
      %select_n3A_2264 = arith.select %gt3A_2260, %broadcast_in_dim3A_2263, %select_n3A_2008 : vector<8x128xi1>, vector<8x128xi32>
      %select_n3A_2265 = arith.select %gt3A_2260, %get3A_2238, %select_n3A_2009 : vector<8x128xi1>, vector<8x128xf32>
      %select_n3A_2266 = arith.select %gt3A_2260, %get3A_2241, %select_n3A_2010 : vector<8x128xi1>, vector<8x128xf32>
      %select_n3A_2267 = arith.select %gt3A_2260, %get3A_2244, %select_n3A_2011 : vector<8x128xi1>, vector<8x128xf32>
      %get3A_2268 = arith.constant 0 : index
      %get3A_2269 = arith.constant 8960 : index
      %get3A_2270 = vector.load %arg1[%get3A_2268, %get3A_2269] : memref<8x16384xf32, #tpu.memory_space<vmem>>, vector<8x128xf32>
      %get3A_2271 = arith.constant 0 : index
      %get3A_2272 = arith.constant 8960 : index
      %get3A_2273 = vector.load %arg2[%get3A_2271, %get3A_2272] : memref<8x16384xf32, #tpu.memory_space<vmem>>, vector<8x128xf32>
      %get3A_2274 = arith.constant 0 : index
      %get3A_2275 = arith.constant 8960 : index
      %get3A_2276 = vector.load %arg3[%get3A_2274, %get3A_2275] : memref<8x16384xf32, #tpu.memory_space<vmem>>, vector<8x128xf32>
      %sub3A_2277 = arith.subf %get3A_2270, %scan3A_72 : vector<8x128xf32>
      %sub3A_2278 = arith.subf %get3A_2273, %scan3A_73 : vector<8x128xf32>
      %sub3A_2279 = arith.subf %get3A_2276, %scan3A_74 : vector<8x128xf32>
      %mul3A_2280 = arith.mulf %sub3A_2277, %sub3A_2277 : vector<8x128xf32>
      %mul3A_2281 = arith.mulf %sub3A_2279, %sub3A_2279 : vector<8x128xf32>
      %add3A_2282 = arith.addf %mul3A_2280, %mul3A_2281 : vector<8x128xf32>
      %mul3A_2283 = arith.mulf %sub3A_2278, %sub3A_2278 : vector<8x128xf32>
      %add3A_2284 = arith.addf %add3A_2282, %mul3A_2283 : vector<8x128xf32>
      %get3A_2285 = arith.constant 0 : index
      %get3A_2286 = arith.constant 8960 : index
      %get3A_2287 = vector.load %arg8[%get3A_2285, %get3A_2286] : memref<8x16384xf32, #tpu.memory_space<vmem>>, vector<8x128xf32>
      %min3A_2288 = arith.minimumf %get3A_2287, %add3A_2284 : vector<8x128xf32>
      %swap3A_2289 = arith.constant 0 : index
      %swap3A_2290 = arith.constant 8960 : index
      %swap3A_2291 = vector.load %arg8[%swap3A_2289, %swap3A_2290] : memref<8x16384xf32, #tpu.memory_space<vmem>>, vector<8x128xf32>
      tpu.vector_store %arg8[%swap3A_2289, %swap3A_2290], %min3A_2288 {strides = array<i32>} : memref<8x16384xf32, #tpu.memory_space<vmem>>, vector<8x128xf32>,
      %gt3A_2292 = arith.cmpf ogt, %min3A_2288, %select_n3A_2037 : vector<8x128xf32>
      %select_n3A_2293 = arith.select %gt3A_2292, %min3A_2288, %select_n3A_2037 : vector<8x128xi1>, vector<8x128xf32>
      %jit3A_2294 = arith.constant 70 : i32
      %broadcast_in_dim3A_2295 = vector.broadcast %jit3A_2294 : i32 to vector<8x128xi32>
      %select_n3A_2296 = arith.select %gt3A_2292, %broadcast_in_dim3A_2295, %select_n3A_2040 : vector<8x128xi1>, vector<8x128xi32>
      %select_n3A_2297 = arith.select %gt3A_2292, %get3A_2270, %select_n3A_2041 : vector<8x128xi1>, vector<8x128xf32>
      %select_n3A_2298 = arith.select %gt3A_2292, %get3A_2273, %select_n3A_2042 : vector<8x128xi1>, vector<8x128xf32>
      %select_n3A_2299 = arith.select %gt3A_2292, %get3A_2276, %select_n3A_2043 : vector<8x128xi1>, vector<8x128xf32>
      %get3A_2300 = arith.constant 0 : index
      %get3A_2301 = arith.constant 9088 : index
      %get3A_2302 = vector.load %arg1[%get3A_2300, %get3A_2301] : memref<8x16384xf32, #tpu.memory_space<vmem>>, vector<8x128xf32>
      %get3A_2303 = arith.constant 0 : index
      %get3A_2304 = arith.constant 9088 : index
      %get3A_2305 = vector.load %arg2[%get3A_2303, %get3A_2304] : memref<8x16384xf32, #tpu.memory_space<vmem>>, vector<8x128xf32>
      %get3A_2306 = arith.constant 0 : index
      %get3A_2307 = arith.constant 9088 : index
      %get3A_2308 = vector.load %arg3[%get3A_2306, %get3A_2307] : memref<8x16384xf32, #tpu.memory_space<vmem>>, vector<8x128xf32>
      %sub3A_2309 = arith.subf %get3A_2302, %scan3A_72 : vector<8x128xf32>
      %sub3A_2310 = arith.subf %get3A_2305, %scan3A_73 : vector<8x128xf32>
      %sub3A_2311 = arith.subf %get3A_2308, %scan3A_74 : vector<8x128xf32>
      %mul3A_2312 = arith.mulf %sub3A_2309, %sub3A_2309 : vector<8x128xf32>
      %mul3A_2313 = arith.mulf %sub3A_2311, %sub3A_2311 : vector<8x128xf32>
      %add3A_2314 = arith.addf %mul3A_2312, %mul3A_2313 : vector<8x128xf32>
      %mul3A_2315 = arith.mulf %sub3A_2310, %sub3A_2310 : vector<8x128xf32>
      %add3A_2316 = arith.addf %add3A_2314, %mul3A_2315 : vector<8x128xf32>
      %get3A_2317 = arith.constant 0 : index
      %get3A_2318 = arith.constant 9088 : index
      %get3A_2319 = vector.load %arg8[%get3A_2317, %get3A_2318] : memref<8x16384xf32, #tpu.memory_space<vmem>>, vector<8x128xf32>
      %min3A_2320 = arith.minimumf %get3A_2319, %add3A_2316 : vector<8x128xf32>
      %swap3A_2321 = arith.constant 0 : index
      %swap3A_2322 = arith.constant 9088 : index
      %swap3A_2323 = vector.load %arg8[%swap3A_2321, %swap3A_2322] : memref<8x16384xf32, #tpu.memory_space<vmem>>, vector<8x128xf32>
      tpu.vector_store %arg8[%swap3A_2321, %swap3A_2322], %min3A_2320 {strides = array<i32>} : memref<8x16384xf32, #tpu.memory_space<vmem>>, vector<8x128xf32>,
      %gt3A_2324 = arith.cmpf ogt, %min3A_2320, %select_n3A_2069 : vector<8x128xf32>
      %select_n3A_2325 = arith.select %gt3A_2324, %min3A_2320, %select_n3A_2069 : vector<8x128xi1>, vector<8x128xf32>
      %jit3A_2326 = arith.constant 71 : i32
      %broadcast_in_dim3A_2327 = vector.broadcast %jit3A_2326 : i32 to vector<8x128xi32>
      %select_n3A_2328 = arith.select %gt3A_2324, %broadcast_in_dim3A_2327, %select_n3A_2072 : vector<8x128xi1>, vector<8x128xi32>
      %select_n3A_2329 = arith.select %gt3A_2324, %get3A_2302, %select_n3A_2073 : vector<8x128xi1>, vector<8x128xf32>
      %select_n3A_2330 = arith.select %gt3A_2324, %get3A_2305, %select_n3A_2074 : vector<8x128xi1>, vector<8x128xf32>
      %select_n3A_2331 = arith.select %gt3A_2324, %get3A_2308, %select_n3A_2075 : vector<8x128xi1>, vector<8x128xf32>
      %get3A_2332 = arith.constant 0 : index
      %get3A_2333 = arith.constant 9216 : index
      %get3A_2334 = vector.load %arg1[%get3A_2332, %get3A_2333] : memref<8x16384xf32, #tpu.memory_space<vmem>>, vector<8x128xf32>
      %get3A_2335 = arith.constant 0 : index
      %get3A_2336 = arith.constant 9216 : index
      %get3A_2337 = vector.load %arg2[%get3A_2335, %get3A_2336] : memref<8x16384xf32, #tpu.memory_space<vmem>>, vector<8x128xf32>
      %get3A_2338 = arith.constant 0 : index
      %get3A_2339 = arith.constant 9216 : index
      %get3A_2340 = vector.load %arg3[%get3A_2338, %get3A_2339] : memref<8x16384xf32, #tpu.memory_space<vmem>>, vector<8x128xf32>
      %sub3A_2341 = arith.subf %get3A_2334, %scan3A_72 : vector<8x128xf32>
      %sub3A_2342 = arith.subf %get3A_2337, %scan3A_73 : vector<8x128xf32>
      %sub3A_2343 = arith.subf %get3A_2340, %scan3A_74 : vector<8x128xf32>
      %mul3A_2344 = arith.mulf %sub3A_2341, %sub3A_2341 : vector<8x128xf32>
      %mul3A_2345 = arith.mulf %sub3A_2343, %sub3A_2343 : vector<8x128xf32>
      %add3A_2346 = arith.addf %mul3A_2344, %mul3A_2345 : vector<8x128xf32>
      %mul3A_2347 = arith.mulf %sub3A_2342, %sub3A_2342 : vector<8x128xf32>
      %add3A_2348 = arith.addf %add3A_2346, %mul3A_2347 : vector<8x128xf32>
      %get3A_2349 = arith.constant 0 : index
      %get3A_2350 = arith.constant 9216 : index
      %get3A_2351 = vector.load %arg8[%get3A_2349, %get3A_2350] : memref<8x16384xf32, #tpu.memory_space<vmem>>, vector<8x128xf32>
      %min3A_2352 = arith.minimumf %get3A_2351, %add3A_2348 : vector<8x128xf32>
      %swap3A_2353 = arith.constant 0 : index
      %swap3A_2354 = arith.constant 9216 : index
      %swap3A_2355 = vector.load %arg8[%swap3A_2353, %swap3A_2354] : memref<8x16384xf32, #tpu.memory_space<vmem>>, vector<8x128xf32>
      tpu.vector_store %arg8[%swap3A_2353, %swap3A_2354], %min3A_2352 {strides = array<i32>} : memref<8x16384xf32, #tpu.memory_space<vmem>>, vector<8x128xf32>,
      %gt3A_2356 = arith.cmpf ogt, %min3A_2352, %select_n3A_2101 : vector<8x128xf32>
      %select_n3A_2357 = arith.select %gt3A_2356, %min3A_2352, %select_n3A_2101 : vector<8x128xi1>, vector<8x128xf32>
      %jit3A_2358 = arith.constant 72 : i32
      %broadcast_in_dim3A_2359 = vector.broadcast %jit3A_2358 : i32 to vector<8x128xi32>
      %select_n3A_2360 = arith.select %gt3A_2356, %broadcast_in_dim3A_2359, %select_n3A_2104 : vector<8x128xi1>, vector<8x128xi32>
      %select_n3A_2361 = arith.select %gt3A_2356, %get3A_2334, %select_n3A_2105 : vector<8x128xi1>, vector<8x128xf32>
      %select_n3A_2362 = arith.select %gt3A_2356, %get3A_2337, %select_n3A_2106 : vector<8x128xi1>, vector<8x128xf32>
      %select_n3A_2363 = arith.select %gt3A_2356, %get3A_2340, %select_n3A_2107 : vector<8x128xi1>, vector<8x128xf32>
      %get3A_2364 = arith.constant 0 : index
      %get3A_2365 = arith.constant 9344 : index
      %get3A_2366 = vector.load %arg1[%get3A_2364, %get3A_2365] : memref<8x16384xf32, #tpu.memory_space<vmem>>, vector<8x128xf32>
      %get3A_2367 = arith.constant 0 : index
      %get3A_2368 = arith.constant 9344 : index
      %get3A_2369 = vector.load %arg2[%get3A_2367, %get3A_2368] : memref<8x16384xf32, #tpu.memory_space<vmem>>, vector<8x128xf32>
      %get3A_2370 = arith.constant 0 : index
      %get3A_2371 = arith.constant 9344 : index
      %get3A_2372 = vector.load %arg3[%get3A_2370, %get3A_2371] : memref<8x16384xf32, #tpu.memory_space<vmem>>, vector<8x128xf32>
      %sub3A_2373 = arith.subf %get3A_2366, %scan3A_72 : vector<8x128xf32>
      %sub3A_2374 = arith.subf %get3A_2369, %scan3A_73 : vector<8x128xf32>
      %sub3A_2375 = arith.subf %get3A_2372, %scan3A_74 : vector<8x128xf32>
      %mul3A_2376 = arith.mulf %sub3A_2373, %sub3A_2373 : vector<8x128xf32>
      %mul3A_2377 = arith.mulf %sub3A_2375, %sub3A_2375 : vector<8x128xf32>
      %add3A_2378 = arith.addf %mul3A_2376, %mul3A_2377 : vector<8x128xf32>
      %mul3A_2379 = arith.mulf %sub3A_2374, %sub3A_2374 : vector<8x128xf32>
      %add3A_2380 = arith.addf %add3A_2378, %mul3A_2379 : vector<8x128xf32>
      %get3A_2381 = arith.constant 0 : index
      %get3A_2382 = arith.constant 9344 : index
      %get3A_2383 = vector.load %arg8[%get3A_2381, %get3A_2382] : memref<8x16384xf32, #tpu.memory_space<vmem>>, vector<8x128xf32>
      %min3A_2384 = arith.minimumf %get3A_2383, %add3A_2380 : vector<8x128xf32>
      %swap3A_2385 = arith.constant 0 : index
      %swap3A_2386 = arith.constant 9344 : index
      %swap3A_2387 = vector.load %arg8[%swap3A_2385, %swap3A_2386] : memref<8x16384xf32, #tpu.memory_space<vmem>>, vector<8x128xf32>
      tpu.vector_store %arg8[%swap3A_2385, %swap3A_2386], %min3A_2384 {strides = array<i32>} : memref<8x16384xf32, #tpu.memory_space<vmem>>, vector<8x128xf32>,
      %gt3A_2388 = arith.cmpf ogt, %min3A_2384, %select_n3A_2133 : vector<8x128xf32>
      %select_n3A_2389 = arith.select %gt3A_2388, %min3A_2384, %select_n3A_2133 : vector<8x128xi1>, vector<8x128xf32>
      %jit3A_2390 = arith.constant 73 : i32
      %broadcast_in_dim3A_2391 = vector.broadcast %jit3A_2390 : i32 to vector<8x128xi32>
      %select_n3A_2392 = arith.select %gt3A_2388, %broadcast_in_dim3A_2391, %select_n3A_2136 : vector<8x128xi1>, vector<8x128xi32>
      %select_n3A_2393 = arith.select %gt3A_2388, %get3A_2366, %select_n3A_2137 : vector<8x128xi1>, vector<8x128xf32>
      %select_n3A_2394 = arith.select %gt3A_2388, %get3A_2369, %select_n3A_2138 : vector<8x128xi1>, vector<8x128xf32>
      %select_n3A_2395 = arith.select %gt3A_2388, %get3A_2372, %select_n3A_2139 : vector<8x128xi1>, vector<8x128xf32>
      %get3A_2396 = arith.constant 0 : index
      %get3A_2397 = arith.constant 9472 : index
      %get3A_2398 = vector.load %arg1[%get3A_2396, %get3A_2397] : memref<8x16384xf32, #tpu.memory_space<vmem>>, vector<8x128xf32>
      %get3A_2399 = arith.constant 0 : index
      %get3A_2400 = arith.constant 9472 : index
      %get3A_2401 = vector.load %arg2[%get3A_2399, %get3A_2400] : memref<8x16384xf32, #tpu.memory_space<vmem>>, vector<8x128xf32>
      %get3A_2402 = arith.constant 0 : index
      %get3A_2403 = arith.constant 9472 : index
      %get3A_2404 = vector.load %arg3[%get3A_2402, %get3A_2403] : memref<8x16384xf32, #tpu.memory_space<vmem>>, vector<8x128xf32>
      %sub3A_2405 = arith.subf %get3A_2398, %scan3A_72 : vector<8x128xf32>
      %sub3A_2406 = arith.subf %get3A_2401, %scan3A_73 : vector<8x128xf32>
      %sub3A_2407 = arith.subf %get3A_2404, %scan3A_74 : vector<8x128xf32>
      %mul3A_2408 = arith.mulf %sub3A_2405, %sub3A_2405 : vector<8x128xf32>
      %mul3A_2409 = arith.mulf %sub3A_2407, %sub3A_2407 : vector<8x128xf32>
      %add3A_2410 = arith.addf %mul3A_2408, %mul3A_2409 : vector<8x128xf32>
      %mul3A_2411 = arith.mulf %sub3A_2406, %sub3A_2406 : vector<8x128xf32>
      %add3A_2412 = arith.addf %add3A_2410, %mul3A_2411 : vector<8x128xf32>
      %get3A_2413 = arith.constant 0 : index
      %get3A_2414 = arith.constant 9472 : index
      %get3A_2415 = vector.load %arg8[%get3A_2413, %get3A_2414] : memref<8x16384xf32, #tpu.memory_space<vmem>>, vector<8x128xf32>
      %min3A_2416 = arith.minimumf %get3A_2415, %add3A_2412 : vector<8x128xf32>
      %swap3A_2417 = arith.constant 0 : index
      %swap3A_2418 = arith.constant 9472 : index
      %swap3A_2419 = vector.load %arg8[%swap3A_2417, %swap3A_2418] : memref<8x16384xf32, #tpu.memory_space<vmem>>, vector<8x128xf32>
      tpu.vector_store %arg8[%swap3A_2417, %swap3A_2418], %min3A_2416 {strides = array<i32>} : memref<8x16384xf32, #tpu.memory_space<vmem>>, vector<8x128xf32>,
      %gt3A_2420 = arith.cmpf ogt, %min3A_2416, %select_n3A_2165 : vector<8x128xf32>
      %select_n3A_2421 = arith.select %gt3A_2420, %min3A_2416, %select_n3A_2165 : vector<8x128xi1>, vector<8x128xf32>
      %jit3A_2422 = arith.constant 74 : i32
      %broadcast_in_dim3A_2423 = vector.broadcast %jit3A_2422 : i32 to vector<8x128xi32>
      %select_n3A_2424 = arith.select %gt3A_2420, %broadcast_in_dim3A_2423, %select_n3A_2168 : vector<8x128xi1>, vector<8x128xi32>
      %select_n3A_2425 = arith.select %gt3A_2420, %get3A_2398, %select_n3A_2169 : vector<8x128xi1>, vector<8x128xf32>
      %select_n3A_2426 = arith.select %gt3A_2420, %get3A_2401, %select_n3A_2170 : vector<8x128xi1>, vector<8x128xf32>
      %select_n3A_2427 = arith.select %gt3A_2420, %get3A_2404, %select_n3A_2171 : vector<8x128xi1>, vector<8x128xf32>
      %get3A_2428 = arith.constant 0 : index
      %get3A_2429 = arith.constant 9600 : index
      %get3A_2430 = vector.load %arg1[%get3A_2428, %get3A_2429] : memref<8x16384xf32, #tpu.memory_space<vmem>>, vector<8x128xf32>
      %get3A_2431 = arith.constant 0 : index
      %get3A_2432 = arith.constant 9600 : index
      %get3A_2433 = vector.load %arg2[%get3A_2431, %get3A_2432] : memref<8x16384xf32, #tpu.memory_space<vmem>>, vector<8x128xf32>
      %get3A_2434 = arith.constant 0 : index
      %get3A_2435 = arith.constant 9600 : index
      %get3A_2436 = vector.load %arg3[%get3A_2434, %get3A_2435] : memref<8x16384xf32, #tpu.memory_space<vmem>>, vector<8x128xf32>
      %sub3A_2437 = arith.subf %get3A_2430, %scan3A_72 : vector<8x128xf32>
      %sub3A_2438 = arith.subf %get3A_2433, %scan3A_73 : vector<8x128xf32>
      %sub3A_2439 = arith.subf %get3A_2436, %scan3A_74 : vector<8x128xf32>
      %mul3A_2440 = arith.mulf %sub3A_2437, %sub3A_2437 : vector<8x128xf32>
      %mul3A_2441 = arith.mulf %sub3A_2439, %sub3A_2439 : vector<8x128xf32>
      %add3A_2442 = arith.addf %mul3A_2440, %mul3A_2441 : vector<8x128xf32>
      %mul3A_2443 = arith.mulf %sub3A_2438, %sub3A_2438 : vector<8x128xf32>
      %add3A_2444 = arith.addf %add3A_2442, %mul3A_2443 : vector<8x128xf32>
      %get3A_2445 = arith.constant 0 : index
      %get3A_2446 = arith.constant 9600 : index
      %get3A_2447 = vector.load %arg8[%get3A_2445, %get3A_2446] : memref<8x16384xf32, #tpu.memory_space<vmem>>, vector<8x128xf32>
      %min3A_2448 = arith.minimumf %get3A_2447, %add3A_2444 : vector<8x128xf32>
      %swap3A_2449 = arith.constant 0 : index
      %swap3A_2450 = arith.constant 9600 : index
      %swap3A_2451 = vector.load %arg8[%swap3A_2449, %swap3A_2450] : memref<8x16384xf32, #tpu.memory_space<vmem>>, vector<8x128xf32>
      tpu.vector_store %arg8[%swap3A_2449, %swap3A_2450], %min3A_2448 {strides = array<i32>} : memref<8x16384xf32, #tpu.memory_space<vmem>>, vector<8x128xf32>,
      %gt3A_2452 = arith.cmpf ogt, %min3A_2448, %select_n3A_2197 : vector<8x128xf32>
      %select_n3A_2453 = arith.select %gt3A_2452, %min3A_2448, %select_n3A_2197 : vector<8x128xi1>, vector<8x128xf32>
      %jit3A_2454 = arith.constant 75 : i32
      %broadcast_in_dim3A_2455 = vector.broadcast %jit3A_2454 : i32 to vector<8x128xi32>
      %select_n3A_2456 = arith.select %gt3A_2452, %broadcast_in_dim3A_2455, %select_n3A_2200 : vector<8x128xi1>, vector<8x128xi32>
      %select_n3A_2457 = arith.select %gt3A_2452, %get3A_2430, %select_n3A_2201 : vector<8x128xi1>, vector<8x128xf32>
      %select_n3A_2458 = arith.select %gt3A_2452, %get3A_2433, %select_n3A_2202 : vector<8x128xi1>, vector<8x128xf32>
      %select_n3A_2459 = arith.select %gt3A_2452, %get3A_2436, %select_n3A_2203 : vector<8x128xi1>, vector<8x128xf32>
      %get3A_2460 = arith.constant 0 : index
      %get3A_2461 = arith.constant 9728 : index
      %get3A_2462 = vector.load %arg1[%get3A_2460, %get3A_2461] : memref<8x16384xf32, #tpu.memory_space<vmem>>, vector<8x128xf32>
      %get3A_2463 = arith.constant 0 : index
      %get3A_2464 = arith.constant 9728 : index
      %get3A_2465 = vector.load %arg2[%get3A_2463, %get3A_2464] : memref<8x16384xf32, #tpu.memory_space<vmem>>, vector<8x128xf32>
      %get3A_2466 = arith.constant 0 : index
      %get3A_2467 = arith.constant 9728 : index
      %get3A_2468 = vector.load %arg3[%get3A_2466, %get3A_2467] : memref<8x16384xf32, #tpu.memory_space<vmem>>, vector<8x128xf32>
      %sub3A_2469 = arith.subf %get3A_2462, %scan3A_72 : vector<8x128xf32>
      %sub3A_2470 = arith.subf %get3A_2465, %scan3A_73 : vector<8x128xf32>
      %sub3A_2471 = arith.subf %get3A_2468, %scan3A_74 : vector<8x128xf32>
      %mul3A_2472 = arith.mulf %sub3A_2469, %sub3A_2469 : vector<8x128xf32>
      %mul3A_2473 = arith.mulf %sub3A_2471, %sub3A_2471 : vector<8x128xf32>
      %add3A_2474 = arith.addf %mul3A_2472, %mul3A_2473 : vector<8x128xf32>
      %mul3A_2475 = arith.mulf %sub3A_2470, %sub3A_2470 : vector<8x128xf32>
      %add3A_2476 = arith.addf %add3A_2474, %mul3A_2475 : vector<8x128xf32>
      %get3A_2477 = arith.constant 0 : index
      %get3A_2478 = arith.constant 9728 : index
      %get3A_2479 = vector.load %arg8[%get3A_2477, %get3A_2478] : memref<8x16384xf32, #tpu.memory_space<vmem>>, vector<8x128xf32>
      %min3A_2480 = arith.minimumf %get3A_2479, %add3A_2476 : vector<8x128xf32>
      %swap3A_2481 = arith.constant 0 : index
      %swap3A_2482 = arith.constant 9728 : index
      %swap3A_2483 = vector.load %arg8[%swap3A_2481, %swap3A_2482] : memref<8x16384xf32, #tpu.memory_space<vmem>>, vector<8x128xf32>
      tpu.vector_store %arg8[%swap3A_2481, %swap3A_2482], %min3A_2480 {strides = array<i32>} : memref<8x16384xf32, #tpu.memory_space<vmem>>, vector<8x128xf32>,
      %gt3A_2484 = arith.cmpf ogt, %min3A_2480, %select_n3A_2229 : vector<8x128xf32>
      %select_n3A_2485 = arith.select %gt3A_2484, %min3A_2480, %select_n3A_2229 : vector<8x128xi1>, vector<8x128xf32>
      %jit3A_2486 = arith.constant 76 : i32
      %broadcast_in_dim3A_2487 = vector.broadcast %jit3A_2486 : i32 to vector<8x128xi32>
      %select_n3A_2488 = arith.select %gt3A_2484, %broadcast_in_dim3A_2487, %select_n3A_2232 : vector<8x128xi1>, vector<8x128xi32>
      %select_n3A_2489 = arith.select %gt3A_2484, %get3A_2462, %select_n3A_2233 : vector<8x128xi1>, vector<8x128xf32>
      %select_n3A_2490 = arith.select %gt3A_2484, %get3A_2465, %select_n3A_2234 : vector<8x128xi1>, vector<8x128xf32>
      %select_n3A_2491 = arith.select %gt3A_2484, %get3A_2468, %select_n3A_2235 : vector<8x128xi1>, vector<8x128xf32>
      %get3A_2492 = arith.constant 0 : index
      %get3A_2493 = arith.constant 9856 : index
      %get3A_2494 = vector.load %arg1[%get3A_2492, %get3A_2493] : memref<8x16384xf32, #tpu.memory_space<vmem>>, vector<8x128xf32>
      %get3A_2495 = arith.constant 0 : index
      %get3A_2496 = arith.constant 9856 : index
      %get3A_2497 = vector.load %arg2[%get3A_2495, %get3A_2496] : memref<8x16384xf32, #tpu.memory_space<vmem>>, vector<8x128xf32>
      %get3A_2498 = arith.constant 0 : index
      %get3A_2499 = arith.constant 9856 : index
      %get3A_2500 = vector.load %arg3[%get3A_2498, %get3A_2499] : memref<8x16384xf32, #tpu.memory_space<vmem>>, vector<8x128xf32>
      %sub3A_2501 = arith.subf %get3A_2494, %scan3A_72 : vector<8x128xf32>
      %sub3A_2502 = arith.subf %get3A_2497, %scan3A_73 : vector<8x128xf32>
      %sub3A_2503 = arith.subf %get3A_2500, %scan3A_74 : vector<8x128xf32>
      %mul3A_2504 = arith.mulf %sub3A_2501, %sub3A_2501 : vector<8x128xf32>
      %mul3A_2505 = arith.mulf %sub3A_2503, %sub3A_2503 : vector<8x128xf32>
      %add3A_2506 = arith.addf %mul3A_2504, %mul3A_2505 : vector<8x128xf32>
      %mul3A_2507 = arith.mulf %sub3A_2502, %sub3A_2502 : vector<8x128xf32>
      %add3A_2508 = arith.addf %add3A_2506, %mul3A_2507 : vector<8x128xf32>
      %get3A_2509 = arith.constant 0 : index
      %get3A_2510 = arith.constant 9856 : index
      %get3A_2511 = vector.load %arg8[%get3A_2509, %get3A_2510] : memref<8x16384xf32, #tpu.memory_space<vmem>>, vector<8x128xf32>
      %min3A_2512 = arith.minimumf %get3A_2511, %add3A_2508 : vector<8x128xf32>
      %swap3A_2513 = arith.constant 0 : index
      %swap3A_2514 = arith.constant 9856 : index
      %swap3A_2515 = vector.load %arg8[%swap3A_2513, %swap3A_2514] : memref<8x16384xf32, #tpu.memory_space<vmem>>, vector<8x128xf32>
      tpu.vector_store %arg8[%swap3A_2513, %swap3A_2514], %min3A_2512 {strides = array<i32>} : memref<8x16384xf32, #tpu.memory_space<vmem>>, vector<8x128xf32>,
      %gt3A_2516 = arith.cmpf ogt, %min3A_2512, %select_n3A_2261 : vector<8x128xf32>
      %select_n3A_2517 = arith.select %gt3A_2516, %min3A_2512, %select_n3A_2261 : vector<8x128xi1>, vector<8x128xf32>
      %jit3A_2518 = arith.constant 77 : i32
      %broadcast_in_dim3A_2519 = vector.broadcast %jit3A_2518 : i32 to vector<8x128xi32>
      %select_n3A_2520 = arith.select %gt3A_2516, %broadcast_in_dim3A_2519, %select_n3A_2264 : vector<8x128xi1>, vector<8x128xi32>
      %select_n3A_2521 = arith.select %gt3A_2516, %get3A_2494, %select_n3A_2265 : vector<8x128xi1>, vector<8x128xf32>
      %select_n3A_2522 = arith.select %gt3A_2516, %get3A_2497, %select_n3A_2266 : vector<8x128xi1>, vector<8x128xf32>
      %select_n3A_2523 = arith.select %gt3A_2516, %get3A_2500, %select_n3A_2267 : vector<8x128xi1>, vector<8x128xf32>
      %get3A_2524 = arith.constant 0 : index
      %get3A_2525 = arith.constant 9984 : index
      %get3A_2526 = vector.load %arg1[%get3A_2524, %get3A_2525] : memref<8x16384xf32, #tpu.memory_space<vmem>>, vector<8x128xf32>
      %get3A_2527 = arith.constant 0 : index
      %get3A_2528 = arith.constant 9984 : index
      %get3A_2529 = vector.load %arg2[%get3A_2527, %get3A_2528] : memref<8x16384xf32, #tpu.memory_space<vmem>>, vector<8x128xf32>
      %get3A_2530 = arith.constant 0 : index
      %get3A_2531 = arith.constant 9984 : index
      %get3A_2532 = vector.load %arg3[%get3A_2530, %get3A_2531] : memref<8x16384xf32, #tpu.memory_space<vmem>>, vector<8x128xf32>
      %sub3A_2533 = arith.subf %get3A_2526, %scan3A_72 : vector<8x128xf32>
      %sub3A_2534 = arith.subf %get3A_2529, %scan3A_73 : vector<8x128xf32>
      %sub3A_2535 = arith.subf %get3A_2532, %scan3A_74 : vector<8x128xf32>
      %mul3A_2536 = arith.mulf %sub3A_2533, %sub3A_2533 : vector<8x128xf32>
      %mul3A_2537 = arith.mulf %sub3A_2535, %sub3A_2535 : vector<8x128xf32>
      %add3A_2538 = arith.addf %mul3A_2536, %mul3A_2537 : vector<8x128xf32>
      %mul3A_2539 = arith.mulf %sub3A_2534, %sub3A_2534 : vector<8x128xf32>
      %add3A_2540 = arith.addf %add3A_2538, %mul3A_2539 : vector<8x128xf32>
      %get3A_2541 = arith.constant 0 : index
      %get3A_2542 = arith.constant 9984 : index
      %get3A_2543 = vector.load %arg8[%get3A_2541, %get3A_2542] : memref<8x16384xf32, #tpu.memory_space<vmem>>, vector<8x128xf32>
      %min3A_2544 = arith.minimumf %get3A_2543, %add3A_2540 : vector<8x128xf32>
      %swap3A_2545 = arith.constant 0 : index
      %swap3A_2546 = arith.constant 9984 : index
      %swap3A_2547 = vector.load %arg8[%swap3A_2545, %swap3A_2546] : memref<8x16384xf32, #tpu.memory_space<vmem>>, vector<8x128xf32>
      tpu.vector_store %arg8[%swap3A_2545, %swap3A_2546], %min3A_2544 {strides = array<i32>} : memref<8x16384xf32, #tpu.memory_space<vmem>>, vector<8x128xf32>,
      %gt3A_2548 = arith.cmpf ogt, %min3A_2544, %select_n3A_2293 : vector<8x128xf32>
      %select_n3A_2549 = arith.select %gt3A_2548, %min3A_2544, %select_n3A_2293 : vector<8x128xi1>, vector<8x128xf32>
      %jit3A_2550 = arith.constant 78 : i32
      %broadcast_in_dim3A_2551 = vector.broadcast %jit3A_2550 : i32 to vector<8x128xi32>
      %select_n3A_2552 = arith.select %gt3A_2548, %broadcast_in_dim3A_2551, %select_n3A_2296 : vector<8x128xi1>, vector<8x128xi32>
      %select_n3A_2553 = arith.select %gt3A_2548, %get3A_2526, %select_n3A_2297 : vector<8x128xi1>, vector<8x128xf32>
      %select_n3A_2554 = arith.select %gt3A_2548, %get3A_2529, %select_n3A_2298 : vector<8x128xi1>, vector<8x128xf32>
      %select_n3A_2555 = arith.select %gt3A_2548, %get3A_2532, %select_n3A_2299 : vector<8x128xi1>, vector<8x128xf32>
      %get3A_2556 = arith.constant 0 : index
      %get3A_2557 = arith.constant 10112 : index
      %get3A_2558 = vector.load %arg1[%get3A_2556, %get3A_2557] : memref<8x16384xf32, #tpu.memory_space<vmem>>, vector<8x128xf32>
      %get3A_2559 = arith.constant 0 : index
      %get3A_2560 = arith.constant 10112 : index
      %get3A_2561 = vector.load %arg2[%get3A_2559, %get3A_2560] : memref<8x16384xf32, #tpu.memory_space<vmem>>, vector<8x128xf32>
      %get3A_2562 = arith.constant 0 : index
      %get3A_2563 = arith.constant 10112 : index
      %get3A_2564 = vector.load %arg3[%get3A_2562, %get3A_2563] : memref<8x16384xf32, #tpu.memory_space<vmem>>, vector<8x128xf32>
      %sub3A_2565 = arith.subf %get3A_2558, %scan3A_72 : vector<8x128xf32>
      %sub3A_2566 = arith.subf %get3A_2561, %scan3A_73 : vector<8x128xf32>
      %sub3A_2567 = arith.subf %get3A_2564, %scan3A_74 : vector<8x128xf32>
      %mul3A_2568 = arith.mulf %sub3A_2565, %sub3A_2565 : vector<8x128xf32>
      %mul3A_2569 = arith.mulf %sub3A_2567, %sub3A_2567 : vector<8x128xf32>
      %add3A_2570 = arith.addf %mul3A_2568, %mul3A_2569 : vector<8x128xf32>
      %mul3A_2571 = arith.mulf %sub3A_2566, %sub3A_2566 : vector<8x128xf32>
      %add3A_2572 = arith.addf %add3A_2570, %mul3A_2571 : vector<8x128xf32>
      %get3A_2573 = arith.constant 0 : index
      %get3A_2574 = arith.constant 10112 : index
      %get3A_2575 = vector.load %arg8[%get3A_2573, %get3A_2574] : memref<8x16384xf32, #tpu.memory_space<vmem>>, vector<8x128xf32>
      %min3A_2576 = arith.minimumf %get3A_2575, %add3A_2572 : vector<8x128xf32>
      %swap3A_2577 = arith.constant 0 : index
      %swap3A_2578 = arith.constant 10112 : index
      %swap3A_2579 = vector.load %arg8[%swap3A_2577, %swap3A_2578] : memref<8x16384xf32, #tpu.memory_space<vmem>>, vector<8x128xf32>
      tpu.vector_store %arg8[%swap3A_2577, %swap3A_2578], %min3A_2576 {strides = array<i32>} : memref<8x16384xf32, #tpu.memory_space<vmem>>, vector<8x128xf32>,
      %gt3A_2580 = arith.cmpf ogt, %min3A_2576, %select_n3A_2325 : vector<8x128xf32>
      %select_n3A_2581 = arith.select %gt3A_2580, %min3A_2576, %select_n3A_2325 : vector<8x128xi1>, vector<8x128xf32>
      %jit3A_2582 = arith.constant 79 : i32
      %broadcast_in_dim3A_2583 = vector.broadcast %jit3A_2582 : i32 to vector<8x128xi32>
      %select_n3A_2584 = arith.select %gt3A_2580, %broadcast_in_dim3A_2583, %select_n3A_2328 : vector<8x128xi1>, vector<8x128xi32>
      %select_n3A_2585 = arith.select %gt3A_2580, %get3A_2558, %select_n3A_2329 : vector<8x128xi1>, vector<8x128xf32>
      %select_n3A_2586 = arith.select %gt3A_2580, %get3A_2561, %select_n3A_2330 : vector<8x128xi1>, vector<8x128xf32>
      %select_n3A_2587 = arith.select %gt3A_2580, %get3A_2564, %select_n3A_2331 : vector<8x128xi1>, vector<8x128xf32>
      %get3A_2588 = arith.constant 0 : index
      %get3A_2589 = arith.constant 10240 : index
      %get3A_2590 = vector.load %arg1[%get3A_2588, %get3A_2589] : memref<8x16384xf32, #tpu.memory_space<vmem>>, vector<8x128xf32>
      %get3A_2591 = arith.constant 0 : index
      %get3A_2592 = arith.constant 10240 : index
      %get3A_2593 = vector.load %arg2[%get3A_2591, %get3A_2592] : memref<8x16384xf32, #tpu.memory_space<vmem>>, vector<8x128xf32>
      %get3A_2594 = arith.constant 0 : index
      %get3A_2595 = arith.constant 10240 : index
      %get3A_2596 = vector.load %arg3[%get3A_2594, %get3A_2595] : memref<8x16384xf32, #tpu.memory_space<vmem>>, vector<8x128xf32>
      %sub3A_2597 = arith.subf %get3A_2590, %scan3A_72 : vector<8x128xf32>
      %sub3A_2598 = arith.subf %get3A_2593, %scan3A_73 : vector<8x128xf32>
      %sub3A_2599 = arith.subf %get3A_2596, %scan3A_74 : vector<8x128xf32>
      %mul3A_2600 = arith.mulf %sub3A_2597, %sub3A_2597 : vector<8x128xf32>
      %mul3A_2601 = arith.mulf %sub3A_2599, %sub3A_2599 : vector<8x128xf32>
      %add3A_2602 = arith.addf %mul3A_2600, %mul3A_2601 : vector<8x128xf32>
      %mul3A_2603 = arith.mulf %sub3A_2598, %sub3A_2598 : vector<8x128xf32>
      %add3A_2604 = arith.addf %add3A_2602, %mul3A_2603 : vector<8x128xf32>
      %get3A_2605 = arith.constant 0 : index
      %get3A_2606 = arith.constant 10240 : index
      %get3A_2607 = vector.load %arg8[%get3A_2605, %get3A_2606] : memref<8x16384xf32, #tpu.memory_space<vmem>>, vector<8x128xf32>
      %min3A_2608 = arith.minimumf %get3A_2607, %add3A_2604 : vector<8x128xf32>
      %swap3A_2609 = arith.constant 0 : index
      %swap3A_2610 = arith.constant 10240 : index
      %swap3A_2611 = vector.load %arg8[%swap3A_2609, %swap3A_2610] : memref<8x16384xf32, #tpu.memory_space<vmem>>, vector<8x128xf32>
      tpu.vector_store %arg8[%swap3A_2609, %swap3A_2610], %min3A_2608 {strides = array<i32>} : memref<8x16384xf32, #tpu.memory_space<vmem>>, vector<8x128xf32>,
      %gt3A_2612 = arith.cmpf ogt, %min3A_2608, %select_n3A_2357 : vector<8x128xf32>
      %select_n3A_2613 = arith.select %gt3A_2612, %min3A_2608, %select_n3A_2357 : vector<8x128xi1>, vector<8x128xf32>
      %jit3A_2614 = arith.constant 80 : i32
      %broadcast_in_dim3A_2615 = vector.broadcast %jit3A_2614 : i32 to vector<8x128xi32>
      %select_n3A_2616 = arith.select %gt3A_2612, %broadcast_in_dim3A_2615, %select_n3A_2360 : vector<8x128xi1>, vector<8x128xi32>
      %select_n3A_2617 = arith.select %gt3A_2612, %get3A_2590, %select_n3A_2361 : vector<8x128xi1>, vector<8x128xf32>
      %select_n3A_2618 = arith.select %gt3A_2612, %get3A_2593, %select_n3A_2362 : vector<8x128xi1>, vector<8x128xf32>
      %select_n3A_2619 = arith.select %gt3A_2612, %get3A_2596, %select_n3A_2363 : vector<8x128xi1>, vector<8x128xf32>
      %get3A_2620 = arith.constant 0 : index
      %get3A_2621 = arith.constant 10368 : index
      %get3A_2622 = vector.load %arg1[%get3A_2620, %get3A_2621] : memref<8x16384xf32, #tpu.memory_space<vmem>>, vector<8x128xf32>
      %get3A_2623 = arith.constant 0 : index
      %get3A_2624 = arith.constant 10368 : index
      %get3A_2625 = vector.load %arg2[%get3A_2623, %get3A_2624] : memref<8x16384xf32, #tpu.memory_space<vmem>>, vector<8x128xf32>
      %get3A_2626 = arith.constant 0 : index
      %get3A_2627 = arith.constant 10368 : index
      %get3A_2628 = vector.load %arg3[%get3A_2626, %get3A_2627] : memref<8x16384xf32, #tpu.memory_space<vmem>>, vector<8x128xf32>
      %sub3A_2629 = arith.subf %get3A_2622, %scan3A_72 : vector<8x128xf32>
      %sub3A_2630 = arith.subf %get3A_2625, %scan3A_73 : vector<8x128xf32>
      %sub3A_2631 = arith.subf %get3A_2628, %scan3A_74 : vector<8x128xf32>
      %mul3A_2632 = arith.mulf %sub3A_2629, %sub3A_2629 : vector<8x128xf32>
      %mul3A_2633 = arith.mulf %sub3A_2631, %sub3A_2631 : vector<8x128xf32>
      %add3A_2634 = arith.addf %mul3A_2632, %mul3A_2633 : vector<8x128xf32>
      %mul3A_2635 = arith.mulf %sub3A_2630, %sub3A_2630 : vector<8x128xf32>
      %add3A_2636 = arith.addf %add3A_2634, %mul3A_2635 : vector<8x128xf32>
      %get3A_2637 = arith.constant 0 : index
      %get3A_2638 = arith.constant 10368 : index
      %get3A_2639 = vector.load %arg8[%get3A_2637, %get3A_2638] : memref<8x16384xf32, #tpu.memory_space<vmem>>, vector<8x128xf32>
      %min3A_2640 = arith.minimumf %get3A_2639, %add3A_2636 : vector<8x128xf32>
      %swap3A_2641 = arith.constant 0 : index
      %swap3A_2642 = arith.constant 10368 : index
      %swap3A_2643 = vector.load %arg8[%swap3A_2641, %swap3A_2642] : memref<8x16384xf32, #tpu.memory_space<vmem>>, vector<8x128xf32>
      tpu.vector_store %arg8[%swap3A_2641, %swap3A_2642], %min3A_2640 {strides = array<i32>} : memref<8x16384xf32, #tpu.memory_space<vmem>>, vector<8x128xf32>,
      %gt3A_2644 = arith.cmpf ogt, %min3A_2640, %select_n3A_2389 : vector<8x128xf32>
      %select_n3A_2645 = arith.select %gt3A_2644, %min3A_2640, %select_n3A_2389 : vector<8x128xi1>, vector<8x128xf32>
      %jit3A_2646 = arith.constant 81 : i32
      %broadcast_in_dim3A_2647 = vector.broadcast %jit3A_2646 : i32 to vector<8x128xi32>
      %select_n3A_2648 = arith.select %gt3A_2644, %broadcast_in_dim3A_2647, %select_n3A_2392 : vector<8x128xi1>, vector<8x128xi32>
      %select_n3A_2649 = arith.select %gt3A_2644, %get3A_2622, %select_n3A_2393 : vector<8x128xi1>, vector<8x128xf32>
      %select_n3A_2650 = arith.select %gt3A_2644, %get3A_2625, %select_n3A_2394 : vector<8x128xi1>, vector<8x128xf32>
      %select_n3A_2651 = arith.select %gt3A_2644, %get3A_2628, %select_n3A_2395 : vector<8x128xi1>, vector<8x128xf32>
      %get3A_2652 = arith.constant 0 : index
      %get3A_2653 = arith.constant 10496 : index
      %get3A_2654 = vector.load %arg1[%get3A_2652, %get3A_2653] : memref<8x16384xf32, #tpu.memory_space<vmem>>, vector<8x128xf32>
      %get3A_2655 = arith.constant 0 : index
      %get3A_2656 = arith.constant 10496 : index
      %get3A_2657 = vector.load %arg2[%get3A_2655, %get3A_2656] : memref<8x16384xf32, #tpu.memory_space<vmem>>, vector<8x128xf32>
      %get3A_2658 = arith.constant 0 : index
      %get3A_2659 = arith.constant 10496 : index
      %get3A_2660 = vector.load %arg3[%get3A_2658, %get3A_2659] : memref<8x16384xf32, #tpu.memory_space<vmem>>, vector<8x128xf32>
      %sub3A_2661 = arith.subf %get3A_2654, %scan3A_72 : vector<8x128xf32>
      %sub3A_2662 = arith.subf %get3A_2657, %scan3A_73 : vector<8x128xf32>
      %sub3A_2663 = arith.subf %get3A_2660, %scan3A_74 : vector<8x128xf32>
      %mul3A_2664 = arith.mulf %sub3A_2661, %sub3A_2661 : vector<8x128xf32>
      %mul3A_2665 = arith.mulf %sub3A_2663, %sub3A_2663 : vector<8x128xf32>
      %add3A_2666 = arith.addf %mul3A_2664, %mul3A_2665 : vector<8x128xf32>
      %mul3A_2667 = arith.mulf %sub3A_2662, %sub3A_2662 : vector<8x128xf32>
      %add3A_2668 = arith.addf %add3A_2666, %mul3A_2667 : vector<8x128xf32>
      %get3A_2669 = arith.constant 0 : index
      %get3A_2670 = arith.constant 10496 : index
      %get3A_2671 = vector.load %arg8[%get3A_2669, %get3A_2670] : memref<8x16384xf32, #tpu.memory_space<vmem>>, vector<8x128xf32>
      %min3A_2672 = arith.minimumf %get3A_2671, %add3A_2668 : vector<8x128xf32>
      %swap3A_2673 = arith.constant 0 : index
      %swap3A_2674 = arith.constant 10496 : index
      %swap3A_2675 = vector.load %arg8[%swap3A_2673, %swap3A_2674] : memref<8x16384xf32, #tpu.memory_space<vmem>>, vector<8x128xf32>
      tpu.vector_store %arg8[%swap3A_2673, %swap3A_2674], %min3A_2672 {strides = array<i32>} : memref<8x16384xf32, #tpu.memory_space<vmem>>, vector<8x128xf32>,
      %gt3A_2676 = arith.cmpf ogt, %min3A_2672, %select_n3A_2421 : vector<8x128xf32>
      %select_n3A_2677 = arith.select %gt3A_2676, %min3A_2672, %select_n3A_2421 : vector<8x128xi1>, vector<8x128xf32>
      %jit3A_2678 = arith.constant 82 : i32
      %broadcast_in_dim3A_2679 = vector.broadcast %jit3A_2678 : i32 to vector<8x128xi32>
      %select_n3A_2680 = arith.select %gt3A_2676, %broadcast_in_dim3A_2679, %select_n3A_2424 : vector<8x128xi1>, vector<8x128xi32>
      %select_n3A_2681 = arith.select %gt3A_2676, %get3A_2654, %select_n3A_2425 : vector<8x128xi1>, vector<8x128xf32>
      %select_n3A_2682 = arith.select %gt3A_2676, %get3A_2657, %select_n3A_2426 : vector<8x128xi1>, vector<8x128xf32>
      %select_n3A_2683 = arith.select %gt3A_2676, %get3A_2660, %select_n3A_2427 : vector<8x128xi1>, vector<8x128xf32>
      %get3A_2684 = arith.constant 0 : index
      %get3A_2685 = arith.constant 10624 : index
      %get3A_2686 = vector.load %arg1[%get3A_2684, %get3A_2685] : memref<8x16384xf32, #tpu.memory_space<vmem>>, vector<8x128xf32>
      %get3A_2687 = arith.constant 0 : index
      %get3A_2688 = arith.constant 10624 : index
      %get3A_2689 = vector.load %arg2[%get3A_2687, %get3A_2688] : memref<8x16384xf32, #tpu.memory_space<vmem>>, vector<8x128xf32>
      %get3A_2690 = arith.constant 0 : index
      %get3A_2691 = arith.constant 10624 : index
      %get3A_2692 = vector.load %arg3[%get3A_2690, %get3A_2691] : memref<8x16384xf32, #tpu.memory_space<vmem>>, vector<8x128xf32>
      %sub3A_2693 = arith.subf %get3A_2686, %scan3A_72 : vector<8x128xf32>
      %sub3A_2694 = arith.subf %get3A_2689, %scan3A_73 : vector<8x128xf32>
      %sub3A_2695 = arith.subf %get3A_2692, %scan3A_74 : vector<8x128xf32>
      %mul3A_2696 = arith.mulf %sub3A_2693, %sub3A_2693 : vector<8x128xf32>
      %mul3A_2697 = arith.mulf %sub3A_2695, %sub3A_2695 : vector<8x128xf32>
      %add3A_2698 = arith.addf %mul3A_2696, %mul3A_2697 : vector<8x128xf32>
      %mul3A_2699 = arith.mulf %sub3A_2694, %sub3A_2694 : vector<8x128xf32>
      %add3A_2700 = arith.addf %add3A_2698, %mul3A_2699 : vector<8x128xf32>
      %get3A_2701 = arith.constant 0 : index
      %get3A_2702 = arith.constant 10624 : index
      %get3A_2703 = vector.load %arg8[%get3A_2701, %get3A_2702] : memref<8x16384xf32, #tpu.memory_space<vmem>>, vector<8x128xf32>
      %min3A_2704 = arith.minimumf %get3A_2703, %add3A_2700 : vector<8x128xf32>
      %swap3A_2705 = arith.constant 0 : index
      %swap3A_2706 = arith.constant 10624 : index
      %swap3A_2707 = vector.load %arg8[%swap3A_2705, %swap3A_2706] : memref<8x16384xf32, #tpu.memory_space<vmem>>, vector<8x128xf32>
      tpu.vector_store %arg8[%swap3A_2705, %swap3A_2706], %min3A_2704 {strides = array<i32>} : memref<8x16384xf32, #tpu.memory_space<vmem>>, vector<8x128xf32>,
      %gt3A_2708 = arith.cmpf ogt, %min3A_2704, %select_n3A_2453 : vector<8x128xf32>
      %select_n3A_2709 = arith.select %gt3A_2708, %min3A_2704, %select_n3A_2453 : vector<8x128xi1>, vector<8x128xf32>
      %jit3A_2710 = arith.constant 83 : i32
      %broadcast_in_dim3A_2711 = vector.broadcast %jit3A_2710 : i32 to vector<8x128xi32>
      %select_n3A_2712 = arith.select %gt3A_2708, %broadcast_in_dim3A_2711, %select_n3A_2456 : vector<8x128xi1>, vector<8x128xi32>
      %select_n3A_2713 = arith.select %gt3A_2708, %get3A_2686, %select_n3A_2457 : vector<8x128xi1>, vector<8x128xf32>
      %select_n3A_2714 = arith.select %gt3A_2708, %get3A_2689, %select_n3A_2458 : vector<8x128xi1>, vector<8x128xf32>
      %select_n3A_2715 = arith.select %gt3A_2708, %get3A_2692, %select_n3A_2459 : vector<8x128xi1>, vector<8x128xf32>
      %get3A_2716 = arith.constant 0 : index
      %get3A_2717 = arith.constant 10752 : index
      %get3A_2718 = vector.load %arg1[%get3A_2716, %get3A_2717] : memref<8x16384xf32, #tpu.memory_space<vmem>>, vector<8x128xf32>
      %get3A_2719 = arith.constant 0 : index
      %get3A_2720 = arith.constant 10752 : index
      %get3A_2721 = vector.load %arg2[%get3A_2719, %get3A_2720] : memref<8x16384xf32, #tpu.memory_space<vmem>>, vector<8x128xf32>
      %get3A_2722 = arith.constant 0 : index
      %get3A_2723 = arith.constant 10752 : index
      %get3A_2724 = vector.load %arg3[%get3A_2722, %get3A_2723] : memref<8x16384xf32, #tpu.memory_space<vmem>>, vector<8x128xf32>
      %sub3A_2725 = arith.subf %get3A_2718, %scan3A_72 : vector<8x128xf32>
      %sub3A_2726 = arith.subf %get3A_2721, %scan3A_73 : vector<8x128xf32>
      %sub3A_2727 = arith.subf %get3A_2724, %scan3A_74 : vector<8x128xf32>
      %mul3A_2728 = arith.mulf %sub3A_2725, %sub3A_2725 : vector<8x128xf32>
      %mul3A_2729 = arith.mulf %sub3A_2727, %sub3A_2727 : vector<8x128xf32>
      %add3A_2730 = arith.addf %mul3A_2728, %mul3A_2729 : vector<8x128xf32>
      %mul3A_2731 = arith.mulf %sub3A_2726, %sub3A_2726 : vector<8x128xf32>
      %add3A_2732 = arith.addf %add3A_2730, %mul3A_2731 : vector<8x128xf32>
      %get3A_2733 = arith.constant 0 : index
      %get3A_2734 = arith.constant 10752 : index
      %get3A_2735 = vector.load %arg8[%get3A_2733, %get3A_2734] : memref<8x16384xf32, #tpu.memory_space<vmem>>, vector<8x128xf32>
      %min3A_2736 = arith.minimumf %get3A_2735, %add3A_2732 : vector<8x128xf32>
      %swap3A_2737 = arith.constant 0 : index
      %swap3A_2738 = arith.constant 10752 : index
      %swap3A_2739 = vector.load %arg8[%swap3A_2737, %swap3A_2738] : memref<8x16384xf32, #tpu.memory_space<vmem>>, vector<8x128xf32>
      tpu.vector_store %arg8[%swap3A_2737, %swap3A_2738], %min3A_2736 {strides = array<i32>} : memref<8x16384xf32, #tpu.memory_space<vmem>>, vector<8x128xf32>,
      %gt3A_2740 = arith.cmpf ogt, %min3A_2736, %select_n3A_2485 : vector<8x128xf32>
      %select_n3A_2741 = arith.select %gt3A_2740, %min3A_2736, %select_n3A_2485 : vector<8x128xi1>, vector<8x128xf32>
      %jit3A_2742 = arith.constant 84 : i32
      %broadcast_in_dim3A_2743 = vector.broadcast %jit3A_2742 : i32 to vector<8x128xi32>
      %select_n3A_2744 = arith.select %gt3A_2740, %broadcast_in_dim3A_2743, %select_n3A_2488 : vector<8x128xi1>, vector<8x128xi32>
      %select_n3A_2745 = arith.select %gt3A_2740, %get3A_2718, %select_n3A_2489 : vector<8x128xi1>, vector<8x128xf32>
      %select_n3A_2746 = arith.select %gt3A_2740, %get3A_2721, %select_n3A_2490 : vector<8x128xi1>, vector<8x128xf32>
      %select_n3A_2747 = arith.select %gt3A_2740, %get3A_2724, %select_n3A_2491 : vector<8x128xi1>, vector<8x128xf32>
      %get3A_2748 = arith.constant 0 : index
      %get3A_2749 = arith.constant 10880 : index
      %get3A_2750 = vector.load %arg1[%get3A_2748, %get3A_2749] : memref<8x16384xf32, #tpu.memory_space<vmem>>, vector<8x128xf32>
      %get3A_2751 = arith.constant 0 : index
      %get3A_2752 = arith.constant 10880 : index
      %get3A_2753 = vector.load %arg2[%get3A_2751, %get3A_2752] : memref<8x16384xf32, #tpu.memory_space<vmem>>, vector<8x128xf32>
      %get3A_2754 = arith.constant 0 : index
      %get3A_2755 = arith.constant 10880 : index
      %get3A_2756 = vector.load %arg3[%get3A_2754, %get3A_2755] : memref<8x16384xf32, #tpu.memory_space<vmem>>, vector<8x128xf32>
      %sub3A_2757 = arith.subf %get3A_2750, %scan3A_72 : vector<8x128xf32>
      %sub3A_2758 = arith.subf %get3A_2753, %scan3A_73 : vector<8x128xf32>
      %sub3A_2759 = arith.subf %get3A_2756, %scan3A_74 : vector<8x128xf32>
      %mul3A_2760 = arith.mulf %sub3A_2757, %sub3A_2757 : vector<8x128xf32>
      %mul3A_2761 = arith.mulf %sub3A_2759, %sub3A_2759 : vector<8x128xf32>
      %add3A_2762 = arith.addf %mul3A_2760, %mul3A_2761 : vector<8x128xf32>
      %mul3A_2763 = arith.mulf %sub3A_2758, %sub3A_2758 : vector<8x128xf32>
      %add3A_2764 = arith.addf %add3A_2762, %mul3A_2763 : vector<8x128xf32>
      %get3A_2765 = arith.constant 0 : index
      %get3A_2766 = arith.constant 10880 : index
      %get3A_2767 = vector.load %arg8[%get3A_2765, %get3A_2766] : memref<8x16384xf32, #tpu.memory_space<vmem>>, vector<8x128xf32>
      %min3A_2768 = arith.minimumf %get3A_2767, %add3A_2764 : vector<8x128xf32>
      %swap3A_2769 = arith.constant 0 : index
      %swap3A_2770 = arith.constant 10880 : index
      %swap3A_2771 = vector.load %arg8[%swap3A_2769, %swap3A_2770] : memref<8x16384xf32, #tpu.memory_space<vmem>>, vector<8x128xf32>
      tpu.vector_store %arg8[%swap3A_2769, %swap3A_2770], %min3A_2768 {strides = array<i32>} : memref<8x16384xf32, #tpu.memory_space<vmem>>, vector<8x128xf32>,
      %gt3A_2772 = arith.cmpf ogt, %min3A_2768, %select_n3A_2517 : vector<8x128xf32>
      %select_n3A_2773 = arith.select %gt3A_2772, %min3A_2768, %select_n3A_2517 : vector<8x128xi1>, vector<8x128xf32>
      %jit3A_2774 = arith.constant 85 : i32
      %broadcast_in_dim3A_2775 = vector.broadcast %jit3A_2774 : i32 to vector<8x128xi32>
      %select_n3A_2776 = arith.select %gt3A_2772, %broadcast_in_dim3A_2775, %select_n3A_2520 : vector<8x128xi1>, vector<8x128xi32>
      %select_n3A_2777 = arith.select %gt3A_2772, %get3A_2750, %select_n3A_2521 : vector<8x128xi1>, vector<8x128xf32>
      %select_n3A_2778 = arith.select %gt3A_2772, %get3A_2753, %select_n3A_2522 : vector<8x128xi1>, vector<8x128xf32>
      %select_n3A_2779 = arith.select %gt3A_2772, %get3A_2756, %select_n3A_2523 : vector<8x128xi1>, vector<8x128xf32>
      %get3A_2780 = arith.constant 0 : index
      %get3A_2781 = arith.constant 11008 : index
      %get3A_2782 = vector.load %arg1[%get3A_2780, %get3A_2781] : memref<8x16384xf32, #tpu.memory_space<vmem>>, vector<8x128xf32>
      %get3A_2783 = arith.constant 0 : index
      %get3A_2784 = arith.constant 11008 : index
      %get3A_2785 = vector.load %arg2[%get3A_2783, %get3A_2784] : memref<8x16384xf32, #tpu.memory_space<vmem>>, vector<8x128xf32>
      %get3A_2786 = arith.constant 0 : index
      %get3A_2787 = arith.constant 11008 : index
      %get3A_2788 = vector.load %arg3[%get3A_2786, %get3A_2787] : memref<8x16384xf32, #tpu.memory_space<vmem>>, vector<8x128xf32>
      %sub3A_2789 = arith.subf %get3A_2782, %scan3A_72 : vector<8x128xf32>
      %sub3A_2790 = arith.subf %get3A_2785, %scan3A_73 : vector<8x128xf32>
      %sub3A_2791 = arith.subf %get3A_2788, %scan3A_74 : vector<8x128xf32>
      %mul3A_2792 = arith.mulf %sub3A_2789, %sub3A_2789 : vector<8x128xf32>
      %mul3A_2793 = arith.mulf %sub3A_2791, %sub3A_2791 : vector<8x128xf32>
      %add3A_2794 = arith.addf %mul3A_2792, %mul3A_2793 : vector<8x128xf32>
      %mul3A_2795 = arith.mulf %sub3A_2790, %sub3A_2790 : vector<8x128xf32>
      %add3A_2796 = arith.addf %add3A_2794, %mul3A_2795 : vector<8x128xf32>
      %get3A_2797 = arith.constant 0 : index
      %get3A_2798 = arith.constant 11008 : index
      %get3A_2799 = vector.load %arg8[%get3A_2797, %get3A_2798] : memref<8x16384xf32, #tpu.memory_space<vmem>>, vector<8x128xf32>
      %min3A_2800 = arith.minimumf %get3A_2799, %add3A_2796 : vector<8x128xf32>
      %swap3A_2801 = arith.constant 0 : index
      %swap3A_2802 = arith.constant 11008 : index
      %swap3A_2803 = vector.load %arg8[%swap3A_2801, %swap3A_2802] : memref<8x16384xf32, #tpu.memory_space<vmem>>, vector<8x128xf32>
      tpu.vector_store %arg8[%swap3A_2801, %swap3A_2802], %min3A_2800 {strides = array<i32>} : memref<8x16384xf32, #tpu.memory_space<vmem>>, vector<8x128xf32>,
      %gt3A_2804 = arith.cmpf ogt, %min3A_2800, %select_n3A_2549 : vector<8x128xf32>
      %select_n3A_2805 = arith.select %gt3A_2804, %min3A_2800, %select_n3A_2549 : vector<8x128xi1>, vector<8x128xf32>
      %jit3A_2806 = arith.constant 86 : i32
      %broadcast_in_dim3A_2807 = vector.broadcast %jit3A_2806 : i32 to vector<8x128xi32>
      %select_n3A_2808 = arith.select %gt3A_2804, %broadcast_in_dim3A_2807, %select_n3A_2552 : vector<8x128xi1>, vector<8x128xi32>
      %select_n3A_2809 = arith.select %gt3A_2804, %get3A_2782, %select_n3A_2553 : vector<8x128xi1>, vector<8x128xf32>
      %select_n3A_2810 = arith.select %gt3A_2804, %get3A_2785, %select_n3A_2554 : vector<8x128xi1>, vector<8x128xf32>
      %select_n3A_2811 = arith.select %gt3A_2804, %get3A_2788, %select_n3A_2555 : vector<8x128xi1>, vector<8x128xf32>
      %get3A_2812 = arith.constant 0 : index
      %get3A_2813 = arith.constant 11136 : index
      %get3A_2814 = vector.load %arg1[%get3A_2812, %get3A_2813] : memref<8x16384xf32, #tpu.memory_space<vmem>>, vector<8x128xf32>
      %get3A_2815 = arith.constant 0 : index
      %get3A_2816 = arith.constant 11136 : index
      %get3A_2817 = vector.load %arg2[%get3A_2815, %get3A_2816] : memref<8x16384xf32, #tpu.memory_space<vmem>>, vector<8x128xf32>
      %get3A_2818 = arith.constant 0 : index
      %get3A_2819 = arith.constant 11136 : index
      %get3A_2820 = vector.load %arg3[%get3A_2818, %get3A_2819] : memref<8x16384xf32, #tpu.memory_space<vmem>>, vector<8x128xf32>
      %sub3A_2821 = arith.subf %get3A_2814, %scan3A_72 : vector<8x128xf32>
      %sub3A_2822 = arith.subf %get3A_2817, %scan3A_73 : vector<8x128xf32>
      %sub3A_2823 = arith.subf %get3A_2820, %scan3A_74 : vector<8x128xf32>
      %mul3A_2824 = arith.mulf %sub3A_2821, %sub3A_2821 : vector<8x128xf32>
      %mul3A_2825 = arith.mulf %sub3A_2823, %sub3A_2823 : vector<8x128xf32>
      %add3A_2826 = arith.addf %mul3A_2824, %mul3A_2825 : vector<8x128xf32>
      %mul3A_2827 = arith.mulf %sub3A_2822, %sub3A_2822 : vector<8x128xf32>
      %add3A_2828 = arith.addf %add3A_2826, %mul3A_2827 : vector<8x128xf32>
      %get3A_2829 = arith.constant 0 : index
      %get3A_2830 = arith.constant 11136 : index
      %get3A_2831 = vector.load %arg8[%get3A_2829, %get3A_2830] : memref<8x16384xf32, #tpu.memory_space<vmem>>, vector<8x128xf32>
      %min3A_2832 = arith.minimumf %get3A_2831, %add3A_2828 : vector<8x128xf32>
      %swap3A_2833 = arith.constant 0 : index
      %swap3A_2834 = arith.constant 11136 : index
      %swap3A_2835 = vector.load %arg8[%swap3A_2833, %swap3A_2834] : memref<8x16384xf32, #tpu.memory_space<vmem>>, vector<8x128xf32>
      tpu.vector_store %arg8[%swap3A_2833, %swap3A_2834], %min3A_2832 {strides = array<i32>} : memref<8x16384xf32, #tpu.memory_space<vmem>>, vector<8x128xf32>,
      %gt3A_2836 = arith.cmpf ogt, %min3A_2832, %select_n3A_2581 : vector<8x128xf32>
      %select_n3A_2837 = arith.select %gt3A_2836, %min3A_2832, %select_n3A_2581 : vector<8x128xi1>, vector<8x128xf32>
      %jit3A_2838 = arith.constant 87 : i32
      %broadcast_in_dim3A_2839 = vector.broadcast %jit3A_2838 : i32 to vector<8x128xi32>
      %select_n3A_2840 = arith.select %gt3A_2836, %broadcast_in_dim3A_2839, %select_n3A_2584 : vector<8x128xi1>, vector<8x128xi32>
      %select_n3A_2841 = arith.select %gt3A_2836, %get3A_2814, %select_n3A_2585 : vector<8x128xi1>, vector<8x128xf32>
      %select_n3A_2842 = arith.select %gt3A_2836, %get3A_2817, %select_n3A_2586 : vector<8x128xi1>, vector<8x128xf32>
      %select_n3A_2843 = arith.select %gt3A_2836, %get3A_2820, %select_n3A_2587 : vector<8x128xi1>, vector<8x128xf32>
      %get3A_2844 = arith.constant 0 : index
      %get3A_2845 = arith.constant 11264 : index
      %get3A_2846 = vector.load %arg1[%get3A_2844, %get3A_2845] : memref<8x16384xf32, #tpu.memory_space<vmem>>, vector<8x128xf32>
      %get3A_2847 = arith.constant 0 : index
      %get3A_2848 = arith.constant 11264 : index
      %get3A_2849 = vector.load %arg2[%get3A_2847, %get3A_2848] : memref<8x16384xf32, #tpu.memory_space<vmem>>, vector<8x128xf32>
      %get3A_2850 = arith.constant 0 : index
      %get3A_2851 = arith.constant 11264 : index
      %get3A_2852 = vector.load %arg3[%get3A_2850, %get3A_2851] : memref<8x16384xf32, #tpu.memory_space<vmem>>, vector<8x128xf32>
      %sub3A_2853 = arith.subf %get3A_2846, %scan3A_72 : vector<8x128xf32>
      %sub3A_2854 = arith.subf %get3A_2849, %scan3A_73 : vector<8x128xf32>
      %sub3A_2855 = arith.subf %get3A_2852, %scan3A_74 : vector<8x128xf32>
      %mul3A_2856 = arith.mulf %sub3A_2853, %sub3A_2853 : vector<8x128xf32>
      %mul3A_2857 = arith.mulf %sub3A_2855, %sub3A_2855 : vector<8x128xf32>
      %add3A_2858 = arith.addf %mul3A_2856, %mul3A_2857 : vector<8x128xf32>
      %mul3A_2859 = arith.mulf %sub3A_2854, %sub3A_2854 : vector<8x128xf32>
      %add3A_2860 = arith.addf %add3A_2858, %mul3A_2859 : vector<8x128xf32>
      %get3A_2861 = arith.constant 0 : index
      %get3A_2862 = arith.constant 11264 : index
      %get3A_2863 = vector.load %arg8[%get3A_2861, %get3A_2862] : memref<8x16384xf32, #tpu.memory_space<vmem>>, vector<8x128xf32>
      %min3A_2864 = arith.minimumf %get3A_2863, %add3A_2860 : vector<8x128xf32>
      %swap3A_2865 = arith.constant 0 : index
      %swap3A_2866 = arith.constant 11264 : index
      %swap3A_2867 = vector.load %arg8[%swap3A_2865, %swap3A_2866] : memref<8x16384xf32, #tpu.memory_space<vmem>>, vector<8x128xf32>
      tpu.vector_store %arg8[%swap3A_2865, %swap3A_2866], %min3A_2864 {strides = array<i32>} : memref<8x16384xf32, #tpu.memory_space<vmem>>, vector<8x128xf32>,
      %gt3A_2868 = arith.cmpf ogt, %min3A_2864, %select_n3A_2613 : vector<8x128xf32>
      %select_n3A_2869 = arith.select %gt3A_2868, %min3A_2864, %select_n3A_2613 : vector<8x128xi1>, vector<8x128xf32>
      %jit3A_2870 = arith.constant 88 : i32
      %broadcast_in_dim3A_2871 = vector.broadcast %jit3A_2870 : i32 to vector<8x128xi32>
      %select_n3A_2872 = arith.select %gt3A_2868, %broadcast_in_dim3A_2871, %select_n3A_2616 : vector<8x128xi1>, vector<8x128xi32>
      %select_n3A_2873 = arith.select %gt3A_2868, %get3A_2846, %select_n3A_2617 : vector<8x128xi1>, vector<8x128xf32>
      %select_n3A_2874 = arith.select %gt3A_2868, %get3A_2849, %select_n3A_2618 : vector<8x128xi1>, vector<8x128xf32>
      %select_n3A_2875 = arith.select %gt3A_2868, %get3A_2852, %select_n3A_2619 : vector<8x128xi1>, vector<8x128xf32>
      %get3A_2876 = arith.constant 0 : index
      %get3A_2877 = arith.constant 11392 : index
      %get3A_2878 = vector.load %arg1[%get3A_2876, %get3A_2877] : memref<8x16384xf32, #tpu.memory_space<vmem>>, vector<8x128xf32>
      %get3A_2879 = arith.constant 0 : index
      %get3A_2880 = arith.constant 11392 : index
      %get3A_2881 = vector.load %arg2[%get3A_2879, %get3A_2880] : memref<8x16384xf32, #tpu.memory_space<vmem>>, vector<8x128xf32>
      %get3A_2882 = arith.constant 0 : index
      %get3A_2883 = arith.constant 11392 : index
      %get3A_2884 = vector.load %arg3[%get3A_2882, %get3A_2883] : memref<8x16384xf32, #tpu.memory_space<vmem>>, vector<8x128xf32>
      %sub3A_2885 = arith.subf %get3A_2878, %scan3A_72 : vector<8x128xf32>
      %sub3A_2886 = arith.subf %get3A_2881, %scan3A_73 : vector<8x128xf32>
      %sub3A_2887 = arith.subf %get3A_2884, %scan3A_74 : vector<8x128xf32>
      %mul3A_2888 = arith.mulf %sub3A_2885, %sub3A_2885 : vector<8x128xf32>
      %mul3A_2889 = arith.mulf %sub3A_2887, %sub3A_2887 : vector<8x128xf32>
      %add3A_2890 = arith.addf %mul3A_2888, %mul3A_2889 : vector<8x128xf32>
      %mul3A_2891 = arith.mulf %sub3A_2886, %sub3A_2886 : vector<8x128xf32>
      %add3A_2892 = arith.addf %add3A_2890, %mul3A_2891 : vector<8x128xf32>
      %get3A_2893 = arith.constant 0 : index
      %get3A_2894 = arith.constant 11392 : index
      %get3A_2895 = vector.load %arg8[%get3A_2893, %get3A_2894] : memref<8x16384xf32, #tpu.memory_space<vmem>>, vector<8x128xf32>
      %min3A_2896 = arith.minimumf %get3A_2895, %add3A_2892 : vector<8x128xf32>
      %swap3A_2897 = arith.constant 0 : index
      %swap3A_2898 = arith.constant 11392 : index
      %swap3A_2899 = vector.load %arg8[%swap3A_2897, %swap3A_2898] : memref<8x16384xf32, #tpu.memory_space<vmem>>, vector<8x128xf32>
      tpu.vector_store %arg8[%swap3A_2897, %swap3A_2898], %min3A_2896 {strides = array<i32>} : memref<8x16384xf32, #tpu.memory_space<vmem>>, vector<8x128xf32>,
      %gt3A_2900 = arith.cmpf ogt, %min3A_2896, %select_n3A_2645 : vector<8x128xf32>
      %select_n3A_2901 = arith.select %gt3A_2900, %min3A_2896, %select_n3A_2645 : vector<8x128xi1>, vector<8x128xf32>
      %jit3A_2902 = arith.constant 89 : i32
      %broadcast_in_dim3A_2903 = vector.broadcast %jit3A_2902 : i32 to vector<8x128xi32>
      %select_n3A_2904 = arith.select %gt3A_2900, %broadcast_in_dim3A_2903, %select_n3A_2648 : vector<8x128xi1>, vector<8x128xi32>
      %select_n3A_2905 = arith.select %gt3A_2900, %get3A_2878, %select_n3A_2649 : vector<8x128xi1>, vector<8x128xf32>
      %select_n3A_2906 = arith.select %gt3A_2900, %get3A_2881, %select_n3A_2650 : vector<8x128xi1>, vector<8x128xf32>
      %select_n3A_2907 = arith.select %gt3A_2900, %get3A_2884, %select_n3A_2651 : vector<8x128xi1>, vector<8x128xf32>
      %get3A_2908 = arith.constant 0 : index
      %get3A_2909 = arith.constant 11520 : index
      %get3A_2910 = vector.load %arg1[%get3A_2908, %get3A_2909] : memref<8x16384xf32, #tpu.memory_space<vmem>>, vector<8x128xf32>
      %get3A_2911 = arith.constant 0 : index
      %get3A_2912 = arith.constant 11520 : index
      %get3A_2913 = vector.load %arg2[%get3A_2911, %get3A_2912] : memref<8x16384xf32, #tpu.memory_space<vmem>>, vector<8x128xf32>
      %get3A_2914 = arith.constant 0 : index
      %get3A_2915 = arith.constant 11520 : index
      %get3A_2916 = vector.load %arg3[%get3A_2914, %get3A_2915] : memref<8x16384xf32, #tpu.memory_space<vmem>>, vector<8x128xf32>
      %sub3A_2917 = arith.subf %get3A_2910, %scan3A_72 : vector<8x128xf32>
      %sub3A_2918 = arith.subf %get3A_2913, %scan3A_73 : vector<8x128xf32>
      %sub3A_2919 = arith.subf %get3A_2916, %scan3A_74 : vector<8x128xf32>
      %mul3A_2920 = arith.mulf %sub3A_2917, %sub3A_2917 : vector<8x128xf32>
      %mul3A_2921 = arith.mulf %sub3A_2919, %sub3A_2919 : vector<8x128xf32>
      %add3A_2922 = arith.addf %mul3A_2920, %mul3A_2921 : vector<8x128xf32>
      %mul3A_2923 = arith.mulf %sub3A_2918, %sub3A_2918 : vector<8x128xf32>
      %add3A_2924 = arith.addf %add3A_2922, %mul3A_2923 : vector<8x128xf32>
      %get3A_2925 = arith.constant 0 : index
      %get3A_2926 = arith.constant 11520 : index
      %get3A_2927 = vector.load %arg8[%get3A_2925, %get3A_2926] : memref<8x16384xf32, #tpu.memory_space<vmem>>, vector<8x128xf32>
      %min3A_2928 = arith.minimumf %get3A_2927, %add3A_2924 : vector<8x128xf32>
      %swap3A_2929 = arith.constant 0 : index
      %swap3A_2930 = arith.constant 11520 : index
      %swap3A_2931 = vector.load %arg8[%swap3A_2929, %swap3A_2930] : memref<8x16384xf32, #tpu.memory_space<vmem>>, vector<8x128xf32>
      tpu.vector_store %arg8[%swap3A_2929, %swap3A_2930], %min3A_2928 {strides = array<i32>} : memref<8x16384xf32, #tpu.memory_space<vmem>>, vector<8x128xf32>,
      %gt3A_2932 = arith.cmpf ogt, %min3A_2928, %select_n3A_2677 : vector<8x128xf32>
      %select_n3A_2933 = arith.select %gt3A_2932, %min3A_2928, %select_n3A_2677 : vector<8x128xi1>, vector<8x128xf32>
      %jit3A_2934 = arith.constant 90 : i32
      %broadcast_in_dim3A_2935 = vector.broadcast %jit3A_2934 : i32 to vector<8x128xi32>
      %select_n3A_2936 = arith.select %gt3A_2932, %broadcast_in_dim3A_2935, %select_n3A_2680 : vector<8x128xi1>, vector<8x128xi32>
      %select_n3A_2937 = arith.select %gt3A_2932, %get3A_2910, %select_n3A_2681 : vector<8x128xi1>, vector<8x128xf32>
      %select_n3A_2938 = arith.select %gt3A_2932, %get3A_2913, %select_n3A_2682 : vector<8x128xi1>, vector<8x128xf32>
      %select_n3A_2939 = arith.select %gt3A_2932, %get3A_2916, %select_n3A_2683 : vector<8x128xi1>, vector<8x128xf32>
      %get3A_2940 = arith.constant 0 : index
      %get3A_2941 = arith.constant 11648 : index
      %get3A_2942 = vector.load %arg1[%get3A_2940, %get3A_2941] : memref<8x16384xf32, #tpu.memory_space<vmem>>, vector<8x128xf32>
      %get3A_2943 = arith.constant 0 : index
      %get3A_2944 = arith.constant 11648 : index
      %get3A_2945 = vector.load %arg2[%get3A_2943, %get3A_2944] : memref<8x16384xf32, #tpu.memory_space<vmem>>, vector<8x128xf32>
      %get3A_2946 = arith.constant 0 : index
      %get3A_2947 = arith.constant 11648 : index
      %get3A_2948 = vector.load %arg3[%get3A_2946, %get3A_2947] : memref<8x16384xf32, #tpu.memory_space<vmem>>, vector<8x128xf32>
      %sub3A_2949 = arith.subf %get3A_2942, %scan3A_72 : vector<8x128xf32>
      %sub3A_2950 = arith.subf %get3A_2945, %scan3A_73 : vector<8x128xf32>
      %sub3A_2951 = arith.subf %get3A_2948, %scan3A_74 : vector<8x128xf32>
      %mul3A_2952 = arith.mulf %sub3A_2949, %sub3A_2949 : vector<8x128xf32>
      %mul3A_2953 = arith.mulf %sub3A_2951, %sub3A_2951 : vector<8x128xf32>
      %add3A_2954 = arith.addf %mul3A_2952, %mul3A_2953 : vector<8x128xf32>
      %mul3A_2955 = arith.mulf %sub3A_2950, %sub3A_2950 : vector<8x128xf32>
      %add3A_2956 = arith.addf %add3A_2954, %mul3A_2955 : vector<8x128xf32>
      %get3A_2957 = arith.constant 0 : index
      %get3A_2958 = arith.constant 11648 : index
      %get3A_2959 = vector.load %arg8[%get3A_2957, %get3A_2958] : memref<8x16384xf32, #tpu.memory_space<vmem>>, vector<8x128xf32>
      %min3A_2960 = arith.minimumf %get3A_2959, %add3A_2956 : vector<8x128xf32>
      %swap3A_2961 = arith.constant 0 : index
      %swap3A_2962 = arith.constant 11648 : index
      %swap3A_2963 = vector.load %arg8[%swap3A_2961, %swap3A_2962] : memref<8x16384xf32, #tpu.memory_space<vmem>>, vector<8x128xf32>
      tpu.vector_store %arg8[%swap3A_2961, %swap3A_2962], %min3A_2960 {strides = array<i32>} : memref<8x16384xf32, #tpu.memory_space<vmem>>, vector<8x128xf32>,
      %gt3A_2964 = arith.cmpf ogt, %min3A_2960, %select_n3A_2709 : vector<8x128xf32>
      %select_n3A_2965 = arith.select %gt3A_2964, %min3A_2960, %select_n3A_2709 : vector<8x128xi1>, vector<8x128xf32>
      %jit3A_2966 = arith.constant 91 : i32
      %broadcast_in_dim3A_2967 = vector.broadcast %jit3A_2966 : i32 to vector<8x128xi32>
      %select_n3A_2968 = arith.select %gt3A_2964, %broadcast_in_dim3A_2967, %select_n3A_2712 : vector<8x128xi1>, vector<8x128xi32>
      %select_n3A_2969 = arith.select %gt3A_2964, %get3A_2942, %select_n3A_2713 : vector<8x128xi1>, vector<8x128xf32>
      %select_n3A_2970 = arith.select %gt3A_2964, %get3A_2945, %select_n3A_2714 : vector<8x128xi1>, vector<8x128xf32>
      %select_n3A_2971 = arith.select %gt3A_2964, %get3A_2948, %select_n3A_2715 : vector<8x128xi1>, vector<8x128xf32>
      %get3A_2972 = arith.constant 0 : index
      %get3A_2973 = arith.constant 11776 : index
      %get3A_2974 = vector.load %arg1[%get3A_2972, %get3A_2973] : memref<8x16384xf32, #tpu.memory_space<vmem>>, vector<8x128xf32>
      %get3A_2975 = arith.constant 0 : index
      %get3A_2976 = arith.constant 11776 : index
      %get3A_2977 = vector.load %arg2[%get3A_2975, %get3A_2976] : memref<8x16384xf32, #tpu.memory_space<vmem>>, vector<8x128xf32>
      %get3A_2978 = arith.constant 0 : index
      %get3A_2979 = arith.constant 11776 : index
      %get3A_2980 = vector.load %arg3[%get3A_2978, %get3A_2979] : memref<8x16384xf32, #tpu.memory_space<vmem>>, vector<8x128xf32>
      %sub3A_2981 = arith.subf %get3A_2974, %scan3A_72 : vector<8x128xf32>
      %sub3A_2982 = arith.subf %get3A_2977, %scan3A_73 : vector<8x128xf32>
      %sub3A_2983 = arith.subf %get3A_2980, %scan3A_74 : vector<8x128xf32>
      %mul3A_2984 = arith.mulf %sub3A_2981, %sub3A_2981 : vector<8x128xf32>
      %mul3A_2985 = arith.mulf %sub3A_2983, %sub3A_2983 : vector<8x128xf32>
      %add3A_2986 = arith.addf %mul3A_2984, %mul3A_2985 : vector<8x128xf32>
      %mul3A_2987 = arith.mulf %sub3A_2982, %sub3A_2982 : vector<8x128xf32>
      %add3A_2988 = arith.addf %add3A_2986, %mul3A_2987 : vector<8x128xf32>
      %get3A_2989 = arith.constant 0 : index
      %get3A_2990 = arith.constant 11776 : index
      %get3A_2991 = vector.load %arg8[%get3A_2989, %get3A_2990] : memref<8x16384xf32, #tpu.memory_space<vmem>>, vector<8x128xf32>
      %min3A_2992 = arith.minimumf %get3A_2991, %add3A_2988 : vector<8x128xf32>
      %swap3A_2993 = arith.constant 0 : index
      %swap3A_2994 = arith.constant 11776 : index
      %swap3A_2995 = vector.load %arg8[%swap3A_2993, %swap3A_2994] : memref<8x16384xf32, #tpu.memory_space<vmem>>, vector<8x128xf32>
      tpu.vector_store %arg8[%swap3A_2993, %swap3A_2994], %min3A_2992 {strides = array<i32>} : memref<8x16384xf32, #tpu.memory_space<vmem>>, vector<8x128xf32>,
      %gt3A_2996 = arith.cmpf ogt, %min3A_2992, %select_n3A_2741 : vector<8x128xf32>
      %select_n3A_2997 = arith.select %gt3A_2996, %min3A_2992, %select_n3A_2741 : vector<8x128xi1>, vector<8x128xf32>
      %jit3A_2998 = arith.constant 92 : i32
      %broadcast_in_dim3A_2999 = vector.broadcast %jit3A_2998 : i32 to vector<8x128xi32>
      %select_n3A_3000 = arith.select %gt3A_2996, %broadcast_in_dim3A_2999, %select_n3A_2744 : vector<8x128xi1>, vector<8x128xi32>
      %select_n3A_3001 = arith.select %gt3A_2996, %get3A_2974, %select_n3A_2745 : vector<8x128xi1>, vector<8x128xf32>
      %select_n3A_3002 = arith.select %gt3A_2996, %get3A_2977, %select_n3A_2746 : vector<8x128xi1>, vector<8x128xf32>
      %select_n3A_3003 = arith.select %gt3A_2996, %get3A_2980, %select_n3A_2747 : vector<8x128xi1>, vector<8x128xf32>
      %get3A_3004 = arith.constant 0 : index
      %get3A_3005 = arith.constant 11904 : index
      %get3A_3006 = vector.load %arg1[%get3A_3004, %get3A_3005] : memref<8x16384xf32, #tpu.memory_space<vmem>>, vector<8x128xf32>
      %get3A_3007 = arith.constant 0 : index
      %get3A_3008 = arith.constant 11904 : index
      %get3A_3009 = vector.load %arg2[%get3A_3007, %get3A_3008] : memref<8x16384xf32, #tpu.memory_space<vmem>>, vector<8x128xf32>
      %get3A_3010 = arith.constant 0 : index
      %get3A_3011 = arith.constant 11904 : index
      %get3A_3012 = vector.load %arg3[%get3A_3010, %get3A_3011] : memref<8x16384xf32, #tpu.memory_space<vmem>>, vector<8x128xf32>
      %sub3A_3013 = arith.subf %get3A_3006, %scan3A_72 : vector<8x128xf32>
      %sub3A_3014 = arith.subf %get3A_3009, %scan3A_73 : vector<8x128xf32>
      %sub3A_3015 = arith.subf %get3A_3012, %scan3A_74 : vector<8x128xf32>
      %mul3A_3016 = arith.mulf %sub3A_3013, %sub3A_3013 : vector<8x128xf32>
      %mul3A_3017 = arith.mulf %sub3A_3015, %sub3A_3015 : vector<8x128xf32>
      %add3A_3018 = arith.addf %mul3A_3016, %mul3A_3017 : vector<8x128xf32>
      %mul3A_3019 = arith.mulf %sub3A_3014, %sub3A_3014 : vector<8x128xf32>
      %add3A_3020 = arith.addf %add3A_3018, %mul3A_3019 : vector<8x128xf32>
      %get3A_3021 = arith.constant 0 : index
      %get3A_3022 = arith.constant 11904 : index
      %get3A_3023 = vector.load %arg8[%get3A_3021, %get3A_3022] : memref<8x16384xf32, #tpu.memory_space<vmem>>, vector<8x128xf32>
      %min3A_3024 = arith.minimumf %get3A_3023, %add3A_3020 : vector<8x128xf32>
      %swap3A_3025 = arith.constant 0 : index
      %swap3A_3026 = arith.constant 11904 : index
      %swap3A_3027 = vector.load %arg8[%swap3A_3025, %swap3A_3026] : memref<8x16384xf32, #tpu.memory_space<vmem>>, vector<8x128xf32>
      tpu.vector_store %arg8[%swap3A_3025, %swap3A_3026], %min3A_3024 {strides = array<i32>} : memref<8x16384xf32, #tpu.memory_space<vmem>>, vector<8x128xf32>,
      %gt3A_3028 = arith.cmpf ogt, %min3A_3024, %select_n3A_2773 : vector<8x128xf32>
      %select_n3A_3029 = arith.select %gt3A_3028, %min3A_3024, %select_n3A_2773 : vector<8x128xi1>, vector<8x128xf32>
      %jit3A_3030 = arith.constant 93 : i32
      %broadcast_in_dim3A_3031 = vector.broadcast %jit3A_3030 : i32 to vector<8x128xi32>
      %select_n3A_3032 = arith.select %gt3A_3028, %broadcast_in_dim3A_3031, %select_n3A_2776 : vector<8x128xi1>, vector<8x128xi32>
      %select_n3A_3033 = arith.select %gt3A_3028, %get3A_3006, %select_n3A_2777 : vector<8x128xi1>, vector<8x128xf32>
      %select_n3A_3034 = arith.select %gt3A_3028, %get3A_3009, %select_n3A_2778 : vector<8x128xi1>, vector<8x128xf32>
      %select_n3A_3035 = arith.select %gt3A_3028, %get3A_3012, %select_n3A_2779 : vector<8x128xi1>, vector<8x128xf32>
      %get3A_3036 = arith.constant 0 : index
      %get3A_3037 = arith.constant 12032 : index
      %get3A_3038 = vector.load %arg1[%get3A_3036, %get3A_3037] : memref<8x16384xf32, #tpu.memory_space<vmem>>, vector<8x128xf32>
      %get3A_3039 = arith.constant 0 : index
      %get3A_3040 = arith.constant 12032 : index
      %get3A_3041 = vector.load %arg2[%get3A_3039, %get3A_3040] : memref<8x16384xf32, #tpu.memory_space<vmem>>, vector<8x128xf32>
      %get3A_3042 = arith.constant 0 : index
      %get3A_3043 = arith.constant 12032 : index
      %get3A_3044 = vector.load %arg3[%get3A_3042, %get3A_3043] : memref<8x16384xf32, #tpu.memory_space<vmem>>, vector<8x128xf32>
      %sub3A_3045 = arith.subf %get3A_3038, %scan3A_72 : vector<8x128xf32>
      %sub3A_3046 = arith.subf %get3A_3041, %scan3A_73 : vector<8x128xf32>
      %sub3A_3047 = arith.subf %get3A_3044, %scan3A_74 : vector<8x128xf32>
      %mul3A_3048 = arith.mulf %sub3A_3045, %sub3A_3045 : vector<8x128xf32>
      %mul3A_3049 = arith.mulf %sub3A_3047, %sub3A_3047 : vector<8x128xf32>
      %add3A_3050 = arith.addf %mul3A_3048, %mul3A_3049 : vector<8x128xf32>
      %mul3A_3051 = arith.mulf %sub3A_3046, %sub3A_3046 : vector<8x128xf32>
      %add3A_3052 = arith.addf %add3A_3050, %mul3A_3051 : vector<8x128xf32>
      %get3A_3053 = arith.constant 0 : index
      %get3A_3054 = arith.constant 12032 : index
      %get3A_3055 = vector.load %arg8[%get3A_3053, %get3A_3054] : memref<8x16384xf32, #tpu.memory_space<vmem>>, vector<8x128xf32>
      %min3A_3056 = arith.minimumf %get3A_3055, %add3A_3052 : vector<8x128xf32>
      %swap3A_3057 = arith.constant 0 : index
      %swap3A_3058 = arith.constant 12032 : index
      %swap3A_3059 = vector.load %arg8[%swap3A_3057, %swap3A_3058] : memref<8x16384xf32, #tpu.memory_space<vmem>>, vector<8x128xf32>
      tpu.vector_store %arg8[%swap3A_3057, %swap3A_3058], %min3A_3056 {strides = array<i32>} : memref<8x16384xf32, #tpu.memory_space<vmem>>, vector<8x128xf32>,
      %gt3A_3060 = arith.cmpf ogt, %min3A_3056, %select_n3A_2805 : vector<8x128xf32>
      %select_n3A_3061 = arith.select %gt3A_3060, %min3A_3056, %select_n3A_2805 : vector<8x128xi1>, vector<8x128xf32>
      %jit3A_3062 = arith.constant 94 : i32
      %broadcast_in_dim3A_3063 = vector.broadcast %jit3A_3062 : i32 to vector<8x128xi32>
      %select_n3A_3064 = arith.select %gt3A_3060, %broadcast_in_dim3A_3063, %select_n3A_2808 : vector<8x128xi1>, vector<8x128xi32>
      %select_n3A_3065 = arith.select %gt3A_3060, %get3A_3038, %select_n3A_2809 : vector<8x128xi1>, vector<8x128xf32>
      %select_n3A_3066 = arith.select %gt3A_3060, %get3A_3041, %select_n3A_2810 : vector<8x128xi1>, vector<8x128xf32>
      %select_n3A_3067 = arith.select %gt3A_3060, %get3A_3044, %select_n3A_2811 : vector<8x128xi1>, vector<8x128xf32>
      %get3A_3068 = arith.constant 0 : index
      %get3A_3069 = arith.constant 12160 : index
      %get3A_3070 = vector.load %arg1[%get3A_3068, %get3A_3069] : memref<8x16384xf32, #tpu.memory_space<vmem>>, vector<8x128xf32>
      %get3A_3071 = arith.constant 0 : index
      %get3A_3072 = arith.constant 12160 : index
      %get3A_3073 = vector.load %arg2[%get3A_3071, %get3A_3072] : memref<8x16384xf32, #tpu.memory_space<vmem>>, vector<8x128xf32>
      %get3A_3074 = arith.constant 0 : index
      %get3A_3075 = arith.constant 12160 : index
      %get3A_3076 = vector.load %arg3[%get3A_3074, %get3A_3075] : memref<8x16384xf32, #tpu.memory_space<vmem>>, vector<8x128xf32>
      %sub3A_3077 = arith.subf %get3A_3070, %scan3A_72 : vector<8x128xf32>
      %sub3A_3078 = arith.subf %get3A_3073, %scan3A_73 : vector<8x128xf32>
      %sub3A_3079 = arith.subf %get3A_3076, %scan3A_74 : vector<8x128xf32>
      %mul3A_3080 = arith.mulf %sub3A_3077, %sub3A_3077 : vector<8x128xf32>
      %mul3A_3081 = arith.mulf %sub3A_3079, %sub3A_3079 : vector<8x128xf32>
      %add3A_3082 = arith.addf %mul3A_3080, %mul3A_3081 : vector<8x128xf32>
      %mul3A_3083 = arith.mulf %sub3A_3078, %sub3A_3078 : vector<8x128xf32>
      %add3A_3084 = arith.addf %add3A_3082, %mul3A_3083 : vector<8x128xf32>
      %get3A_3085 = arith.constant 0 : index
      %get3A_3086 = arith.constant 12160 : index
      %get3A_3087 = vector.load %arg8[%get3A_3085, %get3A_3086] : memref<8x16384xf32, #tpu.memory_space<vmem>>, vector<8x128xf32>
      %min3A_3088 = arith.minimumf %get3A_3087, %add3A_3084 : vector<8x128xf32>
      %swap3A_3089 = arith.constant 0 : index
      %swap3A_3090 = arith.constant 12160 : index
      %swap3A_3091 = vector.load %arg8[%swap3A_3089, %swap3A_3090] : memref<8x16384xf32, #tpu.memory_space<vmem>>, vector<8x128xf32>
      tpu.vector_store %arg8[%swap3A_3089, %swap3A_3090], %min3A_3088 {strides = array<i32>} : memref<8x16384xf32, #tpu.memory_space<vmem>>, vector<8x128xf32>,
      %gt3A_3092 = arith.cmpf ogt, %min3A_3088, %select_n3A_2837 : vector<8x128xf32>
      %select_n3A_3093 = arith.select %gt3A_3092, %min3A_3088, %select_n3A_2837 : vector<8x128xi1>, vector<8x128xf32>
      %jit3A_3094 = arith.constant 95 : i32
      %broadcast_in_dim3A_3095 = vector.broadcast %jit3A_3094 : i32 to vector<8x128xi32>
      %select_n3A_3096 = arith.select %gt3A_3092, %broadcast_in_dim3A_3095, %select_n3A_2840 : vector<8x128xi1>, vector<8x128xi32>
      %select_n3A_3097 = arith.select %gt3A_3092, %get3A_3070, %select_n3A_2841 : vector<8x128xi1>, vector<8x128xf32>
      %select_n3A_3098 = arith.select %gt3A_3092, %get3A_3073, %select_n3A_2842 : vector<8x128xi1>, vector<8x128xf32>
      %select_n3A_3099 = arith.select %gt3A_3092, %get3A_3076, %select_n3A_2843 : vector<8x128xi1>, vector<8x128xf32>
      %get3A_3100 = arith.constant 0 : index
      %get3A_3101 = arith.constant 12288 : index
      %get3A_3102 = vector.load %arg1[%get3A_3100, %get3A_3101] : memref<8x16384xf32, #tpu.memory_space<vmem>>, vector<8x128xf32>
      %get3A_3103 = arith.constant 0 : index
      %get3A_3104 = arith.constant 12288 : index
      %get3A_3105 = vector.load %arg2[%get3A_3103, %get3A_3104] : memref<8x16384xf32, #tpu.memory_space<vmem>>, vector<8x128xf32>
      %get3A_3106 = arith.constant 0 : index
      %get3A_3107 = arith.constant 12288 : index
      %get3A_3108 = vector.load %arg3[%get3A_3106, %get3A_3107] : memref<8x16384xf32, #tpu.memory_space<vmem>>, vector<8x128xf32>
      %sub3A_3109 = arith.subf %get3A_3102, %scan3A_72 : vector<8x128xf32>
      %sub3A_3110 = arith.subf %get3A_3105, %scan3A_73 : vector<8x128xf32>
      %sub3A_3111 = arith.subf %get3A_3108, %scan3A_74 : vector<8x128xf32>
      %mul3A_3112 = arith.mulf %sub3A_3109, %sub3A_3109 : vector<8x128xf32>
      %mul3A_3113 = arith.mulf %sub3A_3111, %sub3A_3111 : vector<8x128xf32>
      %add3A_3114 = arith.addf %mul3A_3112, %mul3A_3113 : vector<8x128xf32>
      %mul3A_3115 = arith.mulf %sub3A_3110, %sub3A_3110 : vector<8x128xf32>
      %add3A_3116 = arith.addf %add3A_3114, %mul3A_3115 : vector<8x128xf32>
      %get3A_3117 = arith.constant 0 : index
      %get3A_3118 = arith.constant 12288 : index
      %get3A_3119 = vector.load %arg8[%get3A_3117, %get3A_3118] : memref<8x16384xf32, #tpu.memory_space<vmem>>, vector<8x128xf32>
      %min3A_3120 = arith.minimumf %get3A_3119, %add3A_3116 : vector<8x128xf32>
      %swap3A_3121 = arith.constant 0 : index
      %swap3A_3122 = arith.constant 12288 : index
      %swap3A_3123 = vector.load %arg8[%swap3A_3121, %swap3A_3122] : memref<8x16384xf32, #tpu.memory_space<vmem>>, vector<8x128xf32>
      tpu.vector_store %arg8[%swap3A_3121, %swap3A_3122], %min3A_3120 {strides = array<i32>} : memref<8x16384xf32, #tpu.memory_space<vmem>>, vector<8x128xf32>,
      %gt3A_3124 = arith.cmpf ogt, %min3A_3120, %select_n3A_2869 : vector<8x128xf32>
      %select_n3A_3125 = arith.select %gt3A_3124, %min3A_3120, %select_n3A_2869 : vector<8x128xi1>, vector<8x128xf32>
      %jit3A_3126 = arith.constant 96 : i32
      %broadcast_in_dim3A_3127 = vector.broadcast %jit3A_3126 : i32 to vector<8x128xi32>
      %select_n3A_3128 = arith.select %gt3A_3124, %broadcast_in_dim3A_3127, %select_n3A_2872 : vector<8x128xi1>, vector<8x128xi32>
      %select_n3A_3129 = arith.select %gt3A_3124, %get3A_3102, %select_n3A_2873 : vector<8x128xi1>, vector<8x128xf32>
      %select_n3A_3130 = arith.select %gt3A_3124, %get3A_3105, %select_n3A_2874 : vector<8x128xi1>, vector<8x128xf32>
      %select_n3A_3131 = arith.select %gt3A_3124, %get3A_3108, %select_n3A_2875 : vector<8x128xi1>, vector<8x128xf32>
      %get3A_3132 = arith.constant 0 : index
      %get3A_3133 = arith.constant 12416 : index
      %get3A_3134 = vector.load %arg1[%get3A_3132, %get3A_3133] : memref<8x16384xf32, #tpu.memory_space<vmem>>, vector<8x128xf32>
      %get3A_3135 = arith.constant 0 : index
      %get3A_3136 = arith.constant 12416 : index
      %get3A_3137 = vector.load %arg2[%get3A_3135, %get3A_3136] : memref<8x16384xf32, #tpu.memory_space<vmem>>, vector<8x128xf32>
      %get3A_3138 = arith.constant 0 : index
      %get3A_3139 = arith.constant 12416 : index
      %get3A_3140 = vector.load %arg3[%get3A_3138, %get3A_3139] : memref<8x16384xf32, #tpu.memory_space<vmem>>, vector<8x128xf32>
      %sub3A_3141 = arith.subf %get3A_3134, %scan3A_72 : vector<8x128xf32>
      %sub3A_3142 = arith.subf %get3A_3137, %scan3A_73 : vector<8x128xf32>
      %sub3A_3143 = arith.subf %get3A_3140, %scan3A_74 : vector<8x128xf32>
      %mul3A_3144 = arith.mulf %sub3A_3141, %sub3A_3141 : vector<8x128xf32>
      %mul3A_3145 = arith.mulf %sub3A_3143, %sub3A_3143 : vector<8x128xf32>
      %add3A_3146 = arith.addf %mul3A_3144, %mul3A_3145 : vector<8x128xf32>
      %mul3A_3147 = arith.mulf %sub3A_3142, %sub3A_3142 : vector<8x128xf32>
      %add3A_3148 = arith.addf %add3A_3146, %mul3A_3147 : vector<8x128xf32>
      %get3A_3149 = arith.constant 0 : index
      %get3A_3150 = arith.constant 12416 : index
      %get3A_3151 = vector.load %arg8[%get3A_3149, %get3A_3150] : memref<8x16384xf32, #tpu.memory_space<vmem>>, vector<8x128xf32>
      %min3A_3152 = arith.minimumf %get3A_3151, %add3A_3148 : vector<8x128xf32>
      %swap3A_3153 = arith.constant 0 : index
      %swap3A_3154 = arith.constant 12416 : index
      %swap3A_3155 = vector.load %arg8[%swap3A_3153, %swap3A_3154] : memref<8x16384xf32, #tpu.memory_space<vmem>>, vector<8x128xf32>
      tpu.vector_store %arg8[%swap3A_3153, %swap3A_3154], %min3A_3152 {strides = array<i32>} : memref<8x16384xf32, #tpu.memory_space<vmem>>, vector<8x128xf32>,
      %gt3A_3156 = arith.cmpf ogt, %min3A_3152, %select_n3A_2901 : vector<8x128xf32>
      %select_n3A_3157 = arith.select %gt3A_3156, %min3A_3152, %select_n3A_2901 : vector<8x128xi1>, vector<8x128xf32>
      %jit3A_3158 = arith.constant 97 : i32
      %broadcast_in_dim3A_3159 = vector.broadcast %jit3A_3158 : i32 to vector<8x128xi32>
      %select_n3A_3160 = arith.select %gt3A_3156, %broadcast_in_dim3A_3159, %select_n3A_2904 : vector<8x128xi1>, vector<8x128xi32>
      %select_n3A_3161 = arith.select %gt3A_3156, %get3A_3134, %select_n3A_2905 : vector<8x128xi1>, vector<8x128xf32>
      %select_n3A_3162 = arith.select %gt3A_3156, %get3A_3137, %select_n3A_2906 : vector<8x128xi1>, vector<8x128xf32>
      %select_n3A_3163 = arith.select %gt3A_3156, %get3A_3140, %select_n3A_2907 : vector<8x128xi1>, vector<8x128xf32>
      %get3A_3164 = arith.constant 0 : index
      %get3A_3165 = arith.constant 12544 : index
      %get3A_3166 = vector.load %arg1[%get3A_3164, %get3A_3165] : memref<8x16384xf32, #tpu.memory_space<vmem>>, vector<8x128xf32>
      %get3A_3167 = arith.constant 0 : index
      %get3A_3168 = arith.constant 12544 : index
      %get3A_3169 = vector.load %arg2[%get3A_3167, %get3A_3168] : memref<8x16384xf32, #tpu.memory_space<vmem>>, vector<8x128xf32>
      %get3A_3170 = arith.constant 0 : index
      %get3A_3171 = arith.constant 12544 : index
      %get3A_3172 = vector.load %arg3[%get3A_3170, %get3A_3171] : memref<8x16384xf32, #tpu.memory_space<vmem>>, vector<8x128xf32>
      %sub3A_3173 = arith.subf %get3A_3166, %scan3A_72 : vector<8x128xf32>
      %sub3A_3174 = arith.subf %get3A_3169, %scan3A_73 : vector<8x128xf32>
      %sub3A_3175 = arith.subf %get3A_3172, %scan3A_74 : vector<8x128xf32>
      %mul3A_3176 = arith.mulf %sub3A_3173, %sub3A_3173 : vector<8x128xf32>
      %mul3A_3177 = arith.mulf %sub3A_3175, %sub3A_3175 : vector<8x128xf32>
      %add3A_3178 = arith.addf %mul3A_3176, %mul3A_3177 : vector<8x128xf32>
      %mul3A_3179 = arith.mulf %sub3A_3174, %sub3A_3174 : vector<8x128xf32>
      %add3A_3180 = arith.addf %add3A_3178, %mul3A_3179 : vector<8x128xf32>
      %get3A_3181 = arith.constant 0 : index
      %get3A_3182 = arith.constant 12544 : index
      %get3A_3183 = vector.load %arg8[%get3A_3181, %get3A_3182] : memref<8x16384xf32, #tpu.memory_space<vmem>>, vector<8x128xf32>
      %min3A_3184 = arith.minimumf %get3A_3183, %add3A_3180 : vector<8x128xf32>
      %swap3A_3185 = arith.constant 0 : index
      %swap3A_3186 = arith.constant 12544 : index
      %swap3A_3187 = vector.load %arg8[%swap3A_3185, %swap3A_3186] : memref<8x16384xf32, #tpu.memory_space<vmem>>, vector<8x128xf32>
      tpu.vector_store %arg8[%swap3A_3185, %swap3A_3186], %min3A_3184 {strides = array<i32>} : memref<8x16384xf32, #tpu.memory_space<vmem>>, vector<8x128xf32>,
      %gt3A_3188 = arith.cmpf ogt, %min3A_3184, %select_n3A_2933 : vector<8x128xf32>
      %select_n3A_3189 = arith.select %gt3A_3188, %min3A_3184, %select_n3A_2933 : vector<8x128xi1>, vector<8x128xf32>
      %jit3A_3190 = arith.constant 98 : i32
      %broadcast_in_dim3A_3191 = vector.broadcast %jit3A_3190 : i32 to vector<8x128xi32>
      %select_n3A_3192 = arith.select %gt3A_3188, %broadcast_in_dim3A_3191, %select_n3A_2936 : vector<8x128xi1>, vector<8x128xi32>
      %select_n3A_3193 = arith.select %gt3A_3188, %get3A_3166, %select_n3A_2937 : vector<8x128xi1>, vector<8x128xf32>
      %select_n3A_3194 = arith.select %gt3A_3188, %get3A_3169, %select_n3A_2938 : vector<8x128xi1>, vector<8x128xf32>
      %select_n3A_3195 = arith.select %gt3A_3188, %get3A_3172, %select_n3A_2939 : vector<8x128xi1>, vector<8x128xf32>
      %get3A_3196 = arith.constant 0 : index
      %get3A_3197 = arith.constant 12672 : index
      %get3A_3198 = vector.load %arg1[%get3A_3196, %get3A_3197] : memref<8x16384xf32, #tpu.memory_space<vmem>>, vector<8x128xf32>
      %get3A_3199 = arith.constant 0 : index
      %get3A_3200 = arith.constant 12672 : index
      %get3A_3201 = vector.load %arg2[%get3A_3199, %get3A_3200] : memref<8x16384xf32, #tpu.memory_space<vmem>>, vector<8x128xf32>
      %get3A_3202 = arith.constant 0 : index
      %get3A_3203 = arith.constant 12672 : index
      %get3A_3204 = vector.load %arg3[%get3A_3202, %get3A_3203] : memref<8x16384xf32, #tpu.memory_space<vmem>>, vector<8x128xf32>
      %sub3A_3205 = arith.subf %get3A_3198, %scan3A_72 : vector<8x128xf32>
      %sub3A_3206 = arith.subf %get3A_3201, %scan3A_73 : vector<8x128xf32>
      %sub3A_3207 = arith.subf %get3A_3204, %scan3A_74 : vector<8x128xf32>
      %mul3A_3208 = arith.mulf %sub3A_3205, %sub3A_3205 : vector<8x128xf32>
      %mul3A_3209 = arith.mulf %sub3A_3207, %sub3A_3207 : vector<8x128xf32>
      %add3A_3210 = arith.addf %mul3A_3208, %mul3A_3209 : vector<8x128xf32>
      %mul3A_3211 = arith.mulf %sub3A_3206, %sub3A_3206 : vector<8x128xf32>
      %add3A_3212 = arith.addf %add3A_3210, %mul3A_3211 : vector<8x128xf32>
      %get3A_3213 = arith.constant 0 : index
      %get3A_3214 = arith.constant 12672 : index
      %get3A_3215 = vector.load %arg8[%get3A_3213, %get3A_3214] : memref<8x16384xf32, #tpu.memory_space<vmem>>, vector<8x128xf32>
      %min3A_3216 = arith.minimumf %get3A_3215, %add3A_3212 : vector<8x128xf32>
      %swap3A_3217 = arith.constant 0 : index
      %swap3A_3218 = arith.constant 12672 : index
      %swap3A_3219 = vector.load %arg8[%swap3A_3217, %swap3A_3218] : memref<8x16384xf32, #tpu.memory_space<vmem>>, vector<8x128xf32>
      tpu.vector_store %arg8[%swap3A_3217, %swap3A_3218], %min3A_3216 {strides = array<i32>} : memref<8x16384xf32, #tpu.memory_space<vmem>>, vector<8x128xf32>,
      %gt3A_3220 = arith.cmpf ogt, %min3A_3216, %select_n3A_2965 : vector<8x128xf32>
      %select_n3A_3221 = arith.select %gt3A_3220, %min3A_3216, %select_n3A_2965 : vector<8x128xi1>, vector<8x128xf32>
      %jit3A_3222 = arith.constant 99 : i32
      %broadcast_in_dim3A_3223 = vector.broadcast %jit3A_3222 : i32 to vector<8x128xi32>
      %select_n3A_3224 = arith.select %gt3A_3220, %broadcast_in_dim3A_3223, %select_n3A_2968 : vector<8x128xi1>, vector<8x128xi32>
      %select_n3A_3225 = arith.select %gt3A_3220, %get3A_3198, %select_n3A_2969 : vector<8x128xi1>, vector<8x128xf32>
      %select_n3A_3226 = arith.select %gt3A_3220, %get3A_3201, %select_n3A_2970 : vector<8x128xi1>, vector<8x128xf32>
      %select_n3A_3227 = arith.select %gt3A_3220, %get3A_3204, %select_n3A_2971 : vector<8x128xi1>, vector<8x128xf32>
      %get3A_3228 = arith.constant 0 : index
      %get3A_3229 = arith.constant 12800 : index
      %get3A_3230 = vector.load %arg1[%get3A_3228, %get3A_3229] : memref<8x16384xf32, #tpu.memory_space<vmem>>, vector<8x128xf32>
      %get3A_3231 = arith.constant 0 : index
      %get3A_3232 = arith.constant 12800 : index
      %get3A_3233 = vector.load %arg2[%get3A_3231, %get3A_3232] : memref<8x16384xf32, #tpu.memory_space<vmem>>, vector<8x128xf32>
      %get3A_3234 = arith.constant 0 : index
      %get3A_3235 = arith.constant 12800 : index
      %get3A_3236 = vector.load %arg3[%get3A_3234, %get3A_3235] : memref<8x16384xf32, #tpu.memory_space<vmem>>, vector<8x128xf32>
      %sub3A_3237 = arith.subf %get3A_3230, %scan3A_72 : vector<8x128xf32>
      %sub3A_3238 = arith.subf %get3A_3233, %scan3A_73 : vector<8x128xf32>
      %sub3A_3239 = arith.subf %get3A_3236, %scan3A_74 : vector<8x128xf32>
      %mul3A_3240 = arith.mulf %sub3A_3237, %sub3A_3237 : vector<8x128xf32>
      %mul3A_3241 = arith.mulf %sub3A_3239, %sub3A_3239 : vector<8x128xf32>
      %add3A_3242 = arith.addf %mul3A_3240, %mul3A_3241 : vector<8x128xf32>
      %mul3A_3243 = arith.mulf %sub3A_3238, %sub3A_3238 : vector<8x128xf32>
      %add3A_3244 = arith.addf %add3A_3242, %mul3A_3243 : vector<8x128xf32>
      %get3A_3245 = arith.constant 0 : index
      %get3A_3246 = arith.constant 12800 : index
      %get3A_3247 = vector.load %arg8[%get3A_3245, %get3A_3246] : memref<8x16384xf32, #tpu.memory_space<vmem>>, vector<8x128xf32>
      %min3A_3248 = arith.minimumf %get3A_3247, %add3A_3244 : vector<8x128xf32>
      %swap3A_3249 = arith.constant 0 : index
      %swap3A_3250 = arith.constant 12800 : index
      %swap3A_3251 = vector.load %arg8[%swap3A_3249, %swap3A_3250] : memref<8x16384xf32, #tpu.memory_space<vmem>>, vector<8x128xf32>
      tpu.vector_store %arg8[%swap3A_3249, %swap3A_3250], %min3A_3248 {strides = array<i32>} : memref<8x16384xf32, #tpu.memory_space<vmem>>, vector<8x128xf32>,
      %gt3A_3252 = arith.cmpf ogt, %min3A_3248, %select_n3A_2997 : vector<8x128xf32>
      %select_n3A_3253 = arith.select %gt3A_3252, %min3A_3248, %select_n3A_2997 : vector<8x128xi1>, vector<8x128xf32>
      %jit3A_3254 = arith.constant 100 : i32
      %broadcast_in_dim3A_3255 = vector.broadcast %jit3A_3254 : i32 to vector<8x128xi32>
      %select_n3A_3256 = arith.select %gt3A_3252, %broadcast_in_dim3A_3255, %select_n3A_3000 : vector<8x128xi1>, vector<8x128xi32>
      %select_n3A_3257 = arith.select %gt3A_3252, %get3A_3230, %select_n3A_3001 : vector<8x128xi1>, vector<8x128xf32>
      %select_n3A_3258 = arith.select %gt3A_3252, %get3A_3233, %select_n3A_3002 : vector<8x128xi1>, vector<8x128xf32>
      %select_n3A_3259 = arith.select %gt3A_3252, %get3A_3236, %select_n3A_3003 : vector<8x128xi1>, vector<8x128xf32>
      %get3A_3260 = arith.constant 0 : index
      %get3A_3261 = arith.constant 12928 : index
      %get3A_3262 = vector.load %arg1[%get3A_3260, %get3A_3261] : memref<8x16384xf32, #tpu.memory_space<vmem>>, vector<8x128xf32>
      %get3A_3263 = arith.constant 0 : index
      %get3A_3264 = arith.constant 12928 : index
      %get3A_3265 = vector.load %arg2[%get3A_3263, %get3A_3264] : memref<8x16384xf32, #tpu.memory_space<vmem>>, vector<8x128xf32>
      %get3A_3266 = arith.constant 0 : index
      %get3A_3267 = arith.constant 12928 : index
      %get3A_3268 = vector.load %arg3[%get3A_3266, %get3A_3267] : memref<8x16384xf32, #tpu.memory_space<vmem>>, vector<8x128xf32>
      %sub3A_3269 = arith.subf %get3A_3262, %scan3A_72 : vector<8x128xf32>
      %sub3A_3270 = arith.subf %get3A_3265, %scan3A_73 : vector<8x128xf32>
      %sub3A_3271 = arith.subf %get3A_3268, %scan3A_74 : vector<8x128xf32>
      %mul3A_3272 = arith.mulf %sub3A_3269, %sub3A_3269 : vector<8x128xf32>
      %mul3A_3273 = arith.mulf %sub3A_3271, %sub3A_3271 : vector<8x128xf32>
      %add3A_3274 = arith.addf %mul3A_3272, %mul3A_3273 : vector<8x128xf32>
      %mul3A_3275 = arith.mulf %sub3A_3270, %sub3A_3270 : vector<8x128xf32>
      %add3A_3276 = arith.addf %add3A_3274, %mul3A_3275 : vector<8x128xf32>
      %get3A_3277 = arith.constant 0 : index
      %get3A_3278 = arith.constant 12928 : index
      %get3A_3279 = vector.load %arg8[%get3A_3277, %get3A_3278] : memref<8x16384xf32, #tpu.memory_space<vmem>>, vector<8x128xf32>
      %min3A_3280 = arith.minimumf %get3A_3279, %add3A_3276 : vector<8x128xf32>
      %swap3A_3281 = arith.constant 0 : index
      %swap3A_3282 = arith.constant 12928 : index
      %swap3A_3283 = vector.load %arg8[%swap3A_3281, %swap3A_3282] : memref<8x16384xf32, #tpu.memory_space<vmem>>, vector<8x128xf32>
      tpu.vector_store %arg8[%swap3A_3281, %swap3A_3282], %min3A_3280 {strides = array<i32>} : memref<8x16384xf32, #tpu.memory_space<vmem>>, vector<8x128xf32>,
      %gt3A_3284 = arith.cmpf ogt, %min3A_3280, %select_n3A_3029 : vector<8x128xf32>
      %select_n3A_3285 = arith.select %gt3A_3284, %min3A_3280, %select_n3A_3029 : vector<8x128xi1>, vector<8x128xf32>
      %jit3A_3286 = arith.constant 101 : i32
      %broadcast_in_dim3A_3287 = vector.broadcast %jit3A_3286 : i32 to vector<8x128xi32>
      %select_n3A_3288 = arith.select %gt3A_3284, %broadcast_in_dim3A_3287, %select_n3A_3032 : vector<8x128xi1>, vector<8x128xi32>
      %select_n3A_3289 = arith.select %gt3A_3284, %get3A_3262, %select_n3A_3033 : vector<8x128xi1>, vector<8x128xf32>
      %select_n3A_3290 = arith.select %gt3A_3284, %get3A_3265, %select_n3A_3034 : vector<8x128xi1>, vector<8x128xf32>
      %select_n3A_3291 = arith.select %gt3A_3284, %get3A_3268, %select_n3A_3035 : vector<8x128xi1>, vector<8x128xf32>
      %get3A_3292 = arith.constant 0 : index
      %get3A_3293 = arith.constant 13056 : index
      %get3A_3294 = vector.load %arg1[%get3A_3292, %get3A_3293] : memref<8x16384xf32, #tpu.memory_space<vmem>>, vector<8x128xf32>
      %get3A_3295 = arith.constant 0 : index
      %get3A_3296 = arith.constant 13056 : index
      %get3A_3297 = vector.load %arg2[%get3A_3295, %get3A_3296] : memref<8x16384xf32, #tpu.memory_space<vmem>>, vector<8x128xf32>
      %get3A_3298 = arith.constant 0 : index
      %get3A_3299 = arith.constant 13056 : index
      %get3A_3300 = vector.load %arg3[%get3A_3298, %get3A_3299] : memref<8x16384xf32, #tpu.memory_space<vmem>>, vector<8x128xf32>
      %sub3A_3301 = arith.subf %get3A_3294, %scan3A_72 : vector<8x128xf32>
      %sub3A_3302 = arith.subf %get3A_3297, %scan3A_73 : vector<8x128xf32>
      %sub3A_3303 = arith.subf %get3A_3300, %scan3A_74 : vector<8x128xf32>
      %mul3A_3304 = arith.mulf %sub3A_3301, %sub3A_3301 : vector<8x128xf32>
      %mul3A_3305 = arith.mulf %sub3A_3303, %sub3A_3303 : vector<8x128xf32>
      %add3A_3306 = arith.addf %mul3A_3304, %mul3A_3305 : vector<8x128xf32>
      %mul3A_3307 = arith.mulf %sub3A_3302, %sub3A_3302 : vector<8x128xf32>
      %add3A_3308 = arith.addf %add3A_3306, %mul3A_3307 : vector<8x128xf32>
      %get3A_3309 = arith.constant 0 : index
      %get3A_3310 = arith.constant 13056 : index
      %get3A_3311 = vector.load %arg8[%get3A_3309, %get3A_3310] : memref<8x16384xf32, #tpu.memory_space<vmem>>, vector<8x128xf32>
      %min3A_3312 = arith.minimumf %get3A_3311, %add3A_3308 : vector<8x128xf32>
      %swap3A_3313 = arith.constant 0 : index
      %swap3A_3314 = arith.constant 13056 : index
      %swap3A_3315 = vector.load %arg8[%swap3A_3313, %swap3A_3314] : memref<8x16384xf32, #tpu.memory_space<vmem>>, vector<8x128xf32>
      tpu.vector_store %arg8[%swap3A_3313, %swap3A_3314], %min3A_3312 {strides = array<i32>} : memref<8x16384xf32, #tpu.memory_space<vmem>>, vector<8x128xf32>,
      %gt3A_3316 = arith.cmpf ogt, %min3A_3312, %select_n3A_3061 : vector<8x128xf32>
      %select_n3A_3317 = arith.select %gt3A_3316, %min3A_3312, %select_n3A_3061 : vector<8x128xi1>, vector<8x128xf32>
      %jit3A_3318 = arith.constant 102 : i32
      %broadcast_in_dim3A_3319 = vector.broadcast %jit3A_3318 : i32 to vector<8x128xi32>
      %select_n3A_3320 = arith.select %gt3A_3316, %broadcast_in_dim3A_3319, %select_n3A_3064 : vector<8x128xi1>, vector<8x128xi32>
      %select_n3A_3321 = arith.select %gt3A_3316, %get3A_3294, %select_n3A_3065 : vector<8x128xi1>, vector<8x128xf32>
      %select_n3A_3322 = arith.select %gt3A_3316, %get3A_3297, %select_n3A_3066 : vector<8x128xi1>, vector<8x128xf32>
      %select_n3A_3323 = arith.select %gt3A_3316, %get3A_3300, %select_n3A_3067 : vector<8x128xi1>, vector<8x128xf32>
      %get3A_3324 = arith.constant 0 : index
      %get3A_3325 = arith.constant 13184 : index
      %get3A_3326 = vector.load %arg1[%get3A_3324, %get3A_3325] : memref<8x16384xf32, #tpu.memory_space<vmem>>, vector<8x128xf32>
      %get3A_3327 = arith.constant 0 : index
      %get3A_3328 = arith.constant 13184 : index
      %get3A_3329 = vector.load %arg2[%get3A_3327, %get3A_3328] : memref<8x16384xf32, #tpu.memory_space<vmem>>, vector<8x128xf32>
      %get3A_3330 = arith.constant 0 : index
      %get3A_3331 = arith.constant 13184 : index
      %get3A_3332 = vector.load %arg3[%get3A_3330, %get3A_3331] : memref<8x16384xf32, #tpu.memory_space<vmem>>, vector<8x128xf32>
      %sub3A_3333 = arith.subf %get3A_3326, %scan3A_72 : vector<8x128xf32>
      %sub3A_3334 = arith.subf %get3A_3329, %scan3A_73 : vector<8x128xf32>
      %sub3A_3335 = arith.subf %get3A_3332, %scan3A_74 : vector<8x128xf32>
      %mul3A_3336 = arith.mulf %sub3A_3333, %sub3A_3333 : vector<8x128xf32>
      %mul3A_3337 = arith.mulf %sub3A_3335, %sub3A_3335 : vector<8x128xf32>
      %add3A_3338 = arith.addf %mul3A_3336, %mul3A_3337 : vector<8x128xf32>
      %mul3A_3339 = arith.mulf %sub3A_3334, %sub3A_3334 : vector<8x128xf32>
      %add3A_3340 = arith.addf %add3A_3338, %mul3A_3339 : vector<8x128xf32>
      %get3A_3341 = arith.constant 0 : index
      %get3A_3342 = arith.constant 13184 : index
      %get3A_3343 = vector.load %arg8[%get3A_3341, %get3A_3342] : memref<8x16384xf32, #tpu.memory_space<vmem>>, vector<8x128xf32>
      %min3A_3344 = arith.minimumf %get3A_3343, %add3A_3340 : vector<8x128xf32>
      %swap3A_3345 = arith.constant 0 : index
      %swap3A_3346 = arith.constant 13184 : index
      %swap3A_3347 = vector.load %arg8[%swap3A_3345, %swap3A_3346] : memref<8x16384xf32, #tpu.memory_space<vmem>>, vector<8x128xf32>
      tpu.vector_store %arg8[%swap3A_3345, %swap3A_3346], %min3A_3344 {strides = array<i32>} : memref<8x16384xf32, #tpu.memory_space<vmem>>, vector<8x128xf32>,
      %gt3A_3348 = arith.cmpf ogt, %min3A_3344, %select_n3A_3093 : vector<8x128xf32>
      %select_n3A_3349 = arith.select %gt3A_3348, %min3A_3344, %select_n3A_3093 : vector<8x128xi1>, vector<8x128xf32>
      %jit3A_3350 = arith.constant 103 : i32
      %broadcast_in_dim3A_3351 = vector.broadcast %jit3A_3350 : i32 to vector<8x128xi32>
      %select_n3A_3352 = arith.select %gt3A_3348, %broadcast_in_dim3A_3351, %select_n3A_3096 : vector<8x128xi1>, vector<8x128xi32>
      %select_n3A_3353 = arith.select %gt3A_3348, %get3A_3326, %select_n3A_3097 : vector<8x128xi1>, vector<8x128xf32>
      %select_n3A_3354 = arith.select %gt3A_3348, %get3A_3329, %select_n3A_3098 : vector<8x128xi1>, vector<8x128xf32>
      %select_n3A_3355 = arith.select %gt3A_3348, %get3A_3332, %select_n3A_3099 : vector<8x128xi1>, vector<8x128xf32>
      %get3A_3356 = arith.constant 0 : index
      %get3A_3357 = arith.constant 13312 : index
      %get3A_3358 = vector.load %arg1[%get3A_3356, %get3A_3357] : memref<8x16384xf32, #tpu.memory_space<vmem>>, vector<8x128xf32>
      %get3A_3359 = arith.constant 0 : index
      %get3A_3360 = arith.constant 13312 : index
      %get3A_3361 = vector.load %arg2[%get3A_3359, %get3A_3360] : memref<8x16384xf32, #tpu.memory_space<vmem>>, vector<8x128xf32>
      %get3A_3362 = arith.constant 0 : index
      %get3A_3363 = arith.constant 13312 : index
      %get3A_3364 = vector.load %arg3[%get3A_3362, %get3A_3363] : memref<8x16384xf32, #tpu.memory_space<vmem>>, vector<8x128xf32>
      %sub3A_3365 = arith.subf %get3A_3358, %scan3A_72 : vector<8x128xf32>
      %sub3A_3366 = arith.subf %get3A_3361, %scan3A_73 : vector<8x128xf32>
      %sub3A_3367 = arith.subf %get3A_3364, %scan3A_74 : vector<8x128xf32>
      %mul3A_3368 = arith.mulf %sub3A_3365, %sub3A_3365 : vector<8x128xf32>
      %mul3A_3369 = arith.mulf %sub3A_3367, %sub3A_3367 : vector<8x128xf32>
      %add3A_3370 = arith.addf %mul3A_3368, %mul3A_3369 : vector<8x128xf32>
      %mul3A_3371 = arith.mulf %sub3A_3366, %sub3A_3366 : vector<8x128xf32>
      %add3A_3372 = arith.addf %add3A_3370, %mul3A_3371 : vector<8x128xf32>
      %get3A_3373 = arith.constant 0 : index
      %get3A_3374 = arith.constant 13312 : index
      %get3A_3375 = vector.load %arg8[%get3A_3373, %get3A_3374] : memref<8x16384xf32, #tpu.memory_space<vmem>>, vector<8x128xf32>
      %min3A_3376 = arith.minimumf %get3A_3375, %add3A_3372 : vector<8x128xf32>
      %swap3A_3377 = arith.constant 0 : index
      %swap3A_3378 = arith.constant 13312 : index
      %swap3A_3379 = vector.load %arg8[%swap3A_3377, %swap3A_3378] : memref<8x16384xf32, #tpu.memory_space<vmem>>, vector<8x128xf32>
      tpu.vector_store %arg8[%swap3A_3377, %swap3A_3378], %min3A_3376 {strides = array<i32>} : memref<8x16384xf32, #tpu.memory_space<vmem>>, vector<8x128xf32>,
      %gt3A_3380 = arith.cmpf ogt, %min3A_3376, %select_n3A_3125 : vector<8x128xf32>
      %select_n3A_3381 = arith.select %gt3A_3380, %min3A_3376, %select_n3A_3125 : vector<8x128xi1>, vector<8x128xf32>
      %jit3A_3382 = arith.constant 104 : i32
      %broadcast_in_dim3A_3383 = vector.broadcast %jit3A_3382 : i32 to vector<8x128xi32>
      %select_n3A_3384 = arith.select %gt3A_3380, %broadcast_in_dim3A_3383, %select_n3A_3128 : vector<8x128xi1>, vector<8x128xi32>
      %select_n3A_3385 = arith.select %gt3A_3380, %get3A_3358, %select_n3A_3129 : vector<8x128xi1>, vector<8x128xf32>
      %select_n3A_3386 = arith.select %gt3A_3380, %get3A_3361, %select_n3A_3130 : vector<8x128xi1>, vector<8x128xf32>
      %select_n3A_3387 = arith.select %gt3A_3380, %get3A_3364, %select_n3A_3131 : vector<8x128xi1>, vector<8x128xf32>
      %get3A_3388 = arith.constant 0 : index
      %get3A_3389 = arith.constant 13440 : index
      %get3A_3390 = vector.load %arg1[%get3A_3388, %get3A_3389] : memref<8x16384xf32, #tpu.memory_space<vmem>>, vector<8x128xf32>
      %get3A_3391 = arith.constant 0 : index
      %get3A_3392 = arith.constant 13440 : index
      %get3A_3393 = vector.load %arg2[%get3A_3391, %get3A_3392] : memref<8x16384xf32, #tpu.memory_space<vmem>>, vector<8x128xf32>
      %get3A_3394 = arith.constant 0 : index
      %get3A_3395 = arith.constant 13440 : index
      %get3A_3396 = vector.load %arg3[%get3A_3394, %get3A_3395] : memref<8x16384xf32, #tpu.memory_space<vmem>>, vector<8x128xf32>
      %sub3A_3397 = arith.subf %get3A_3390, %scan3A_72 : vector<8x128xf32>
      %sub3A_3398 = arith.subf %get3A_3393, %scan3A_73 : vector<8x128xf32>
      %sub3A_3399 = arith.subf %get3A_3396, %scan3A_74 : vector<8x128xf32>
      %mul3A_3400 = arith.mulf %sub3A_3397, %sub3A_3397 : vector<8x128xf32>
      %mul3A_3401 = arith.mulf %sub3A_3399, %sub3A_3399 : vector<8x128xf32>
      %add3A_3402 = arith.addf %mul3A_3400, %mul3A_3401 : vector<8x128xf32>
      %mul3A_3403 = arith.mulf %sub3A_3398, %sub3A_3398 : vector<8x128xf32>
      %add3A_3404 = arith.addf %add3A_3402, %mul3A_3403 : vector<8x128xf32>
      %get3A_3405 = arith.constant 0 : index
      %get3A_3406 = arith.constant 13440 : index
      %get3A_3407 = vector.load %arg8[%get3A_3405, %get3A_3406] : memref<8x16384xf32, #tpu.memory_space<vmem>>, vector<8x128xf32>
      %min3A_3408 = arith.minimumf %get3A_3407, %add3A_3404 : vector<8x128xf32>
      %swap3A_3409 = arith.constant 0 : index
      %swap3A_3410 = arith.constant 13440 : index
      %swap3A_3411 = vector.load %arg8[%swap3A_3409, %swap3A_3410] : memref<8x16384xf32, #tpu.memory_space<vmem>>, vector<8x128xf32>
      tpu.vector_store %arg8[%swap3A_3409, %swap3A_3410], %min3A_3408 {strides = array<i32>} : memref<8x16384xf32, #tpu.memory_space<vmem>>, vector<8x128xf32>,
      %gt3A_3412 = arith.cmpf ogt, %min3A_3408, %select_n3A_3157 : vector<8x128xf32>
      %select_n3A_3413 = arith.select %gt3A_3412, %min3A_3408, %select_n3A_3157 : vector<8x128xi1>, vector<8x128xf32>
      %jit3A_3414 = arith.constant 105 : i32
      %broadcast_in_dim3A_3415 = vector.broadcast %jit3A_3414 : i32 to vector<8x128xi32>
      %select_n3A_3416 = arith.select %gt3A_3412, %broadcast_in_dim3A_3415, %select_n3A_3160 : vector<8x128xi1>, vector<8x128xi32>
      %select_n3A_3417 = arith.select %gt3A_3412, %get3A_3390, %select_n3A_3161 : vector<8x128xi1>, vector<8x128xf32>
      %select_n3A_3418 = arith.select %gt3A_3412, %get3A_3393, %select_n3A_3162 : vector<8x128xi1>, vector<8x128xf32>
      %select_n3A_3419 = arith.select %gt3A_3412, %get3A_3396, %select_n3A_3163 : vector<8x128xi1>, vector<8x128xf32>
      %get3A_3420 = arith.constant 0 : index
      %get3A_3421 = arith.constant 13568 : index
      %get3A_3422 = vector.load %arg1[%get3A_3420, %get3A_3421] : memref<8x16384xf32, #tpu.memory_space<vmem>>, vector<8x128xf32>
      %get3A_3423 = arith.constant 0 : index
      %get3A_3424 = arith.constant 13568 : index
      %get3A_3425 = vector.load %arg2[%get3A_3423, %get3A_3424] : memref<8x16384xf32, #tpu.memory_space<vmem>>, vector<8x128xf32>
      %get3A_3426 = arith.constant 0 : index
      %get3A_3427 = arith.constant 13568 : index
      %get3A_3428 = vector.load %arg3[%get3A_3426, %get3A_3427] : memref<8x16384xf32, #tpu.memory_space<vmem>>, vector<8x128xf32>
      %sub3A_3429 = arith.subf %get3A_3422, %scan3A_72 : vector<8x128xf32>
      %sub3A_3430 = arith.subf %get3A_3425, %scan3A_73 : vector<8x128xf32>
      %sub3A_3431 = arith.subf %get3A_3428, %scan3A_74 : vector<8x128xf32>
      %mul3A_3432 = arith.mulf %sub3A_3429, %sub3A_3429 : vector<8x128xf32>
      %mul3A_3433 = arith.mulf %sub3A_3431, %sub3A_3431 : vector<8x128xf32>
      %add3A_3434 = arith.addf %mul3A_3432, %mul3A_3433 : vector<8x128xf32>
      %mul3A_3435 = arith.mulf %sub3A_3430, %sub3A_3430 : vector<8x128xf32>
      %add3A_3436 = arith.addf %add3A_3434, %mul3A_3435 : vector<8x128xf32>
      %get3A_3437 = arith.constant 0 : index
      %get3A_3438 = arith.constant 13568 : index
      %get3A_3439 = vector.load %arg8[%get3A_3437, %get3A_3438] : memref<8x16384xf32, #tpu.memory_space<vmem>>, vector<8x128xf32>
      %min3A_3440 = arith.minimumf %get3A_3439, %add3A_3436 : vector<8x128xf32>
      %swap3A_3441 = arith.constant 0 : index
      %swap3A_3442 = arith.constant 13568 : index
      %swap3A_3443 = vector.load %arg8[%swap3A_3441, %swap3A_3442] : memref<8x16384xf32, #tpu.memory_space<vmem>>, vector<8x128xf32>
      tpu.vector_store %arg8[%swap3A_3441, %swap3A_3442], %min3A_3440 {strides = array<i32>} : memref<8x16384xf32, #tpu.memory_space<vmem>>, vector<8x128xf32>,
      %gt3A_3444 = arith.cmpf ogt, %min3A_3440, %select_n3A_3189 : vector<8x128xf32>
      %select_n3A_3445 = arith.select %gt3A_3444, %min3A_3440, %select_n3A_3189 : vector<8x128xi1>, vector<8x128xf32>
      %jit3A_3446 = arith.constant 106 : i32
      %broadcast_in_dim3A_3447 = vector.broadcast %jit3A_3446 : i32 to vector<8x128xi32>
      %select_n3A_3448 = arith.select %gt3A_3444, %broadcast_in_dim3A_3447, %select_n3A_3192 : vector<8x128xi1>, vector<8x128xi32>
      %select_n3A_3449 = arith.select %gt3A_3444, %get3A_3422, %select_n3A_3193 : vector<8x128xi1>, vector<8x128xf32>
      %select_n3A_3450 = arith.select %gt3A_3444, %get3A_3425, %select_n3A_3194 : vector<8x128xi1>, vector<8x128xf32>
      %select_n3A_3451 = arith.select %gt3A_3444, %get3A_3428, %select_n3A_3195 : vector<8x128xi1>, vector<8x128xf32>
      %get3A_3452 = arith.constant 0 : index
      %get3A_3453 = arith.constant 13696 : index
      %get3A_3454 = vector.load %arg1[%get3A_3452, %get3A_3453] : memref<8x16384xf32, #tpu.memory_space<vmem>>, vector<8x128xf32>
      %get3A_3455 = arith.constant 0 : index
      %get3A_3456 = arith.constant 13696 : index
      %get3A_3457 = vector.load %arg2[%get3A_3455, %get3A_3456] : memref<8x16384xf32, #tpu.memory_space<vmem>>, vector<8x128xf32>
      %get3A_3458 = arith.constant 0 : index
      %get3A_3459 = arith.constant 13696 : index
      %get3A_3460 = vector.load %arg3[%get3A_3458, %get3A_3459] : memref<8x16384xf32, #tpu.memory_space<vmem>>, vector<8x128xf32>
      %sub3A_3461 = arith.subf %get3A_3454, %scan3A_72 : vector<8x128xf32>
      %sub3A_3462 = arith.subf %get3A_3457, %scan3A_73 : vector<8x128xf32>
      %sub3A_3463 = arith.subf %get3A_3460, %scan3A_74 : vector<8x128xf32>
      %mul3A_3464 = arith.mulf %sub3A_3461, %sub3A_3461 : vector<8x128xf32>
      %mul3A_3465 = arith.mulf %sub3A_3463, %sub3A_3463 : vector<8x128xf32>
      %add3A_3466 = arith.addf %mul3A_3464, %mul3A_3465 : vector<8x128xf32>
      %mul3A_3467 = arith.mulf %sub3A_3462, %sub3A_3462 : vector<8x128xf32>
      %add3A_3468 = arith.addf %add3A_3466, %mul3A_3467 : vector<8x128xf32>
      %get3A_3469 = arith.constant 0 : index
      %get3A_3470 = arith.constant 13696 : index
      %get3A_3471 = vector.load %arg8[%get3A_3469, %get3A_3470] : memref<8x16384xf32, #tpu.memory_space<vmem>>, vector<8x128xf32>
      %min3A_3472 = arith.minimumf %get3A_3471, %add3A_3468 : vector<8x128xf32>
      %swap3A_3473 = arith.constant 0 : index
      %swap3A_3474 = arith.constant 13696 : index
      %swap3A_3475 = vector.load %arg8[%swap3A_3473, %swap3A_3474] : memref<8x16384xf32, #tpu.memory_space<vmem>>, vector<8x128xf32>
      tpu.vector_store %arg8[%swap3A_3473, %swap3A_3474], %min3A_3472 {strides = array<i32>} : memref<8x16384xf32, #tpu.memory_space<vmem>>, vector<8x128xf32>,
      %gt3A_3476 = arith.cmpf ogt, %min3A_3472, %select_n3A_3221 : vector<8x128xf32>
      %select_n3A_3477 = arith.select %gt3A_3476, %min3A_3472, %select_n3A_3221 : vector<8x128xi1>, vector<8x128xf32>
      %jit3A_3478 = arith.constant 107 : i32
      %broadcast_in_dim3A_3479 = vector.broadcast %jit3A_3478 : i32 to vector<8x128xi32>
      %select_n3A_3480 = arith.select %gt3A_3476, %broadcast_in_dim3A_3479, %select_n3A_3224 : vector<8x128xi1>, vector<8x128xi32>
      %select_n3A_3481 = arith.select %gt3A_3476, %get3A_3454, %select_n3A_3225 : vector<8x128xi1>, vector<8x128xf32>
      %select_n3A_3482 = arith.select %gt3A_3476, %get3A_3457, %select_n3A_3226 : vector<8x128xi1>, vector<8x128xf32>
      %select_n3A_3483 = arith.select %gt3A_3476, %get3A_3460, %select_n3A_3227 : vector<8x128xi1>, vector<8x128xf32>
      %get3A_3484 = arith.constant 0 : index
      %get3A_3485 = arith.constant 13824 : index
      %get3A_3486 = vector.load %arg1[%get3A_3484, %get3A_3485] : memref<8x16384xf32, #tpu.memory_space<vmem>>, vector<8x128xf32>
      %get3A_3487 = arith.constant 0 : index
      %get3A_3488 = arith.constant 13824 : index
      %get3A_3489 = vector.load %arg2[%get3A_3487, %get3A_3488] : memref<8x16384xf32, #tpu.memory_space<vmem>>, vector<8x128xf32>
      %get3A_3490 = arith.constant 0 : index
      %get3A_3491 = arith.constant 13824 : index
      %get3A_3492 = vector.load %arg3[%get3A_3490, %get3A_3491] : memref<8x16384xf32, #tpu.memory_space<vmem>>, vector<8x128xf32>
      %sub3A_3493 = arith.subf %get3A_3486, %scan3A_72 : vector<8x128xf32>
      %sub3A_3494 = arith.subf %get3A_3489, %scan3A_73 : vector<8x128xf32>
      %sub3A_3495 = arith.subf %get3A_3492, %scan3A_74 : vector<8x128xf32>
      %mul3A_3496 = arith.mulf %sub3A_3493, %sub3A_3493 : vector<8x128xf32>
      %mul3A_3497 = arith.mulf %sub3A_3495, %sub3A_3495 : vector<8x128xf32>
      %add3A_3498 = arith.addf %mul3A_3496, %mul3A_3497 : vector<8x128xf32>
      %mul3A_3499 = arith.mulf %sub3A_3494, %sub3A_3494 : vector<8x128xf32>
      %add3A_3500 = arith.addf %add3A_3498, %mul3A_3499 : vector<8x128xf32>
      %get3A_3501 = arith.constant 0 : index
      %get3A_3502 = arith.constant 13824 : index
      %get3A_3503 = vector.load %arg8[%get3A_3501, %get3A_3502] : memref<8x16384xf32, #tpu.memory_space<vmem>>, vector<8x128xf32>
      %min3A_3504 = arith.minimumf %get3A_3503, %add3A_3500 : vector<8x128xf32>
      %swap3A_3505 = arith.constant 0 : index
      %swap3A_3506 = arith.constant 13824 : index
      %swap3A_3507 = vector.load %arg8[%swap3A_3505, %swap3A_3506] : memref<8x16384xf32, #tpu.memory_space<vmem>>, vector<8x128xf32>
      tpu.vector_store %arg8[%swap3A_3505, %swap3A_3506], %min3A_3504 {strides = array<i32>} : memref<8x16384xf32, #tpu.memory_space<vmem>>, vector<8x128xf32>,
      %gt3A_3508 = arith.cmpf ogt, %min3A_3504, %select_n3A_3253 : vector<8x128xf32>
      %select_n3A_3509 = arith.select %gt3A_3508, %min3A_3504, %select_n3A_3253 : vector<8x128xi1>, vector<8x128xf32>
      %jit3A_3510 = arith.constant 108 : i32
      %broadcast_in_dim3A_3511 = vector.broadcast %jit3A_3510 : i32 to vector<8x128xi32>
      %select_n3A_3512 = arith.select %gt3A_3508, %broadcast_in_dim3A_3511, %select_n3A_3256 : vector<8x128xi1>, vector<8x128xi32>
      %select_n3A_3513 = arith.select %gt3A_3508, %get3A_3486, %select_n3A_3257 : vector<8x128xi1>, vector<8x128xf32>
      %select_n3A_3514 = arith.select %gt3A_3508, %get3A_3489, %select_n3A_3258 : vector<8x128xi1>, vector<8x128xf32>
      %select_n3A_3515 = arith.select %gt3A_3508, %get3A_3492, %select_n3A_3259 : vector<8x128xi1>, vector<8x128xf32>
      %get3A_3516 = arith.constant 0 : index
      %get3A_3517 = arith.constant 13952 : index
      %get3A_3518 = vector.load %arg1[%get3A_3516, %get3A_3517] : memref<8x16384xf32, #tpu.memory_space<vmem>>, vector<8x128xf32>
      %get3A_3519 = arith.constant 0 : index
      %get3A_3520 = arith.constant 13952 : index
      %get3A_3521 = vector.load %arg2[%get3A_3519, %get3A_3520] : memref<8x16384xf32, #tpu.memory_space<vmem>>, vector<8x128xf32>
      %get3A_3522 = arith.constant 0 : index
      %get3A_3523 = arith.constant 13952 : index
      %get3A_3524 = vector.load %arg3[%get3A_3522, %get3A_3523] : memref<8x16384xf32, #tpu.memory_space<vmem>>, vector<8x128xf32>
      %sub3A_3525 = arith.subf %get3A_3518, %scan3A_72 : vector<8x128xf32>
      %sub3A_3526 = arith.subf %get3A_3521, %scan3A_73 : vector<8x128xf32>
      %sub3A_3527 = arith.subf %get3A_3524, %scan3A_74 : vector<8x128xf32>
      %mul3A_3528 = arith.mulf %sub3A_3525, %sub3A_3525 : vector<8x128xf32>
      %mul3A_3529 = arith.mulf %sub3A_3527, %sub3A_3527 : vector<8x128xf32>
      %add3A_3530 = arith.addf %mul3A_3528, %mul3A_3529 : vector<8x128xf32>
      %mul3A_3531 = arith.mulf %sub3A_3526, %sub3A_3526 : vector<8x128xf32>
      %add3A_3532 = arith.addf %add3A_3530, %mul3A_3531 : vector<8x128xf32>
      %get3A_3533 = arith.constant 0 : index
      %get3A_3534 = arith.constant 13952 : index
      %get3A_3535 = vector.load %arg8[%get3A_3533, %get3A_3534] : memref<8x16384xf32, #tpu.memory_space<vmem>>, vector<8x128xf32>
      %min3A_3536 = arith.minimumf %get3A_3535, %add3A_3532 : vector<8x128xf32>
      %swap3A_3537 = arith.constant 0 : index
      %swap3A_3538 = arith.constant 13952 : index
      %swap3A_3539 = vector.load %arg8[%swap3A_3537, %swap3A_3538] : memref<8x16384xf32, #tpu.memory_space<vmem>>, vector<8x128xf32>
      tpu.vector_store %arg8[%swap3A_3537, %swap3A_3538], %min3A_3536 {strides = array<i32>} : memref<8x16384xf32, #tpu.memory_space<vmem>>, vector<8x128xf32>,
      %gt3A_3540 = arith.cmpf ogt, %min3A_3536, %select_n3A_3285 : vector<8x128xf32>
      %select_n3A_3541 = arith.select %gt3A_3540, %min3A_3536, %select_n3A_3285 : vector<8x128xi1>, vector<8x128xf32>
      %jit3A_3542 = arith.constant 109 : i32
      %broadcast_in_dim3A_3543 = vector.broadcast %jit3A_3542 : i32 to vector<8x128xi32>
      %select_n3A_3544 = arith.select %gt3A_3540, %broadcast_in_dim3A_3543, %select_n3A_3288 : vector<8x128xi1>, vector<8x128xi32>
      %select_n3A_3545 = arith.select %gt3A_3540, %get3A_3518, %select_n3A_3289 : vector<8x128xi1>, vector<8x128xf32>
      %select_n3A_3546 = arith.select %gt3A_3540, %get3A_3521, %select_n3A_3290 : vector<8x128xi1>, vector<8x128xf32>
      %select_n3A_3547 = arith.select %gt3A_3540, %get3A_3524, %select_n3A_3291 : vector<8x128xi1>, vector<8x128xf32>
      %get3A_3548 = arith.constant 0 : index
      %get3A_3549 = arith.constant 14080 : index
      %get3A_3550 = vector.load %arg1[%get3A_3548, %get3A_3549] : memref<8x16384xf32, #tpu.memory_space<vmem>>, vector<8x128xf32>
      %get3A_3551 = arith.constant 0 : index
      %get3A_3552 = arith.constant 14080 : index
      %get3A_3553 = vector.load %arg2[%get3A_3551, %get3A_3552] : memref<8x16384xf32, #tpu.memory_space<vmem>>, vector<8x128xf32>
      %get3A_3554 = arith.constant 0 : index
      %get3A_3555 = arith.constant 14080 : index
      %get3A_3556 = vector.load %arg3[%get3A_3554, %get3A_3555] : memref<8x16384xf32, #tpu.memory_space<vmem>>, vector<8x128xf32>
      %sub3A_3557 = arith.subf %get3A_3550, %scan3A_72 : vector<8x128xf32>
      %sub3A_3558 = arith.subf %get3A_3553, %scan3A_73 : vector<8x128xf32>
      %sub3A_3559 = arith.subf %get3A_3556, %scan3A_74 : vector<8x128xf32>
      %mul3A_3560 = arith.mulf %sub3A_3557, %sub3A_3557 : vector<8x128xf32>
      %mul3A_3561 = arith.mulf %sub3A_3559, %sub3A_3559 : vector<8x128xf32>
      %add3A_3562 = arith.addf %mul3A_3560, %mul3A_3561 : vector<8x128xf32>
      %mul3A_3563 = arith.mulf %sub3A_3558, %sub3A_3558 : vector<8x128xf32>
      %add3A_3564 = arith.addf %add3A_3562, %mul3A_3563 : vector<8x128xf32>
      %get3A_3565 = arith.constant 0 : index
      %get3A_3566 = arith.constant 14080 : index
      %get3A_3567 = vector.load %arg8[%get3A_3565, %get3A_3566] : memref<8x16384xf32, #tpu.memory_space<vmem>>, vector<8x128xf32>
      %min3A_3568 = arith.minimumf %get3A_3567, %add3A_3564 : vector<8x128xf32>
      %swap3A_3569 = arith.constant 0 : index
      %swap3A_3570 = arith.constant 14080 : index
      %swap3A_3571 = vector.load %arg8[%swap3A_3569, %swap3A_3570] : memref<8x16384xf32, #tpu.memory_space<vmem>>, vector<8x128xf32>
      tpu.vector_store %arg8[%swap3A_3569, %swap3A_3570], %min3A_3568 {strides = array<i32>} : memref<8x16384xf32, #tpu.memory_space<vmem>>, vector<8x128xf32>,
      %gt3A_3572 = arith.cmpf ogt, %min3A_3568, %select_n3A_3317 : vector<8x128xf32>
      %select_n3A_3573 = arith.select %gt3A_3572, %min3A_3568, %select_n3A_3317 : vector<8x128xi1>, vector<8x128xf32>
      %jit3A_3574 = arith.constant 110 : i32
      %broadcast_in_dim3A_3575 = vector.broadcast %jit3A_3574 : i32 to vector<8x128xi32>
      %select_n3A_3576 = arith.select %gt3A_3572, %broadcast_in_dim3A_3575, %select_n3A_3320 : vector<8x128xi1>, vector<8x128xi32>
      %select_n3A_3577 = arith.select %gt3A_3572, %get3A_3550, %select_n3A_3321 : vector<8x128xi1>, vector<8x128xf32>
      %select_n3A_3578 = arith.select %gt3A_3572, %get3A_3553, %select_n3A_3322 : vector<8x128xi1>, vector<8x128xf32>
      %select_n3A_3579 = arith.select %gt3A_3572, %get3A_3556, %select_n3A_3323 : vector<8x128xi1>, vector<8x128xf32>
      %get3A_3580 = arith.constant 0 : index
      %get3A_3581 = arith.constant 14208 : index
      %get3A_3582 = vector.load %arg1[%get3A_3580, %get3A_3581] : memref<8x16384xf32, #tpu.memory_space<vmem>>, vector<8x128xf32>
      %get3A_3583 = arith.constant 0 : index
      %get3A_3584 = arith.constant 14208 : index
      %get3A_3585 = vector.load %arg2[%get3A_3583, %get3A_3584] : memref<8x16384xf32, #tpu.memory_space<vmem>>, vector<8x128xf32>
      %get3A_3586 = arith.constant 0 : index
      %get3A_3587 = arith.constant 14208 : index
      %get3A_3588 = vector.load %arg3[%get3A_3586, %get3A_3587] : memref<8x16384xf32, #tpu.memory_space<vmem>>, vector<8x128xf32>
      %sub3A_3589 = arith.subf %get3A_3582, %scan3A_72 : vector<8x128xf32>
      %sub3A_3590 = arith.subf %get3A_3585, %scan3A_73 : vector<8x128xf32>
      %sub3A_3591 = arith.subf %get3A_3588, %scan3A_74 : vector<8x128xf32>
      %mul3A_3592 = arith.mulf %sub3A_3589, %sub3A_3589 : vector<8x128xf32>
      %mul3A_3593 = arith.mulf %sub3A_3591, %sub3A_3591 : vector<8x128xf32>
      %add3A_3594 = arith.addf %mul3A_3592, %mul3A_3593 : vector<8x128xf32>
      %mul3A_3595 = arith.mulf %sub3A_3590, %sub3A_3590 : vector<8x128xf32>
      %add3A_3596 = arith.addf %add3A_3594, %mul3A_3595 : vector<8x128xf32>
      %get3A_3597 = arith.constant 0 : index
      %get3A_3598 = arith.constant 14208 : index
      %get3A_3599 = vector.load %arg8[%get3A_3597, %get3A_3598] : memref<8x16384xf32, #tpu.memory_space<vmem>>, vector<8x128xf32>
      %min3A_3600 = arith.minimumf %get3A_3599, %add3A_3596 : vector<8x128xf32>
      %swap3A_3601 = arith.constant 0 : index
      %swap3A_3602 = arith.constant 14208 : index
      %swap3A_3603 = vector.load %arg8[%swap3A_3601, %swap3A_3602] : memref<8x16384xf32, #tpu.memory_space<vmem>>, vector<8x128xf32>
      tpu.vector_store %arg8[%swap3A_3601, %swap3A_3602], %min3A_3600 {strides = array<i32>} : memref<8x16384xf32, #tpu.memory_space<vmem>>, vector<8x128xf32>,
      %gt3A_3604 = arith.cmpf ogt, %min3A_3600, %select_n3A_3349 : vector<8x128xf32>
      %select_n3A_3605 = arith.select %gt3A_3604, %min3A_3600, %select_n3A_3349 : vector<8x128xi1>, vector<8x128xf32>
      %jit3A_3606 = arith.constant 111 : i32
      %broadcast_in_dim3A_3607 = vector.broadcast %jit3A_3606 : i32 to vector<8x128xi32>
      %select_n3A_3608 = arith.select %gt3A_3604, %broadcast_in_dim3A_3607, %select_n3A_3352 : vector<8x128xi1>, vector<8x128xi32>
      %select_n3A_3609 = arith.select %gt3A_3604, %get3A_3582, %select_n3A_3353 : vector<8x128xi1>, vector<8x128xf32>
      %select_n3A_3610 = arith.select %gt3A_3604, %get3A_3585, %select_n3A_3354 : vector<8x128xi1>, vector<8x128xf32>
      %select_n3A_3611 = arith.select %gt3A_3604, %get3A_3588, %select_n3A_3355 : vector<8x128xi1>, vector<8x128xf32>
      %get3A_3612 = arith.constant 0 : index
      %get3A_3613 = arith.constant 14336 : index
      %get3A_3614 = vector.load %arg1[%get3A_3612, %get3A_3613] : memref<8x16384xf32, #tpu.memory_space<vmem>>, vector<8x128xf32>
      %get3A_3615 = arith.constant 0 : index
      %get3A_3616 = arith.constant 14336 : index
      %get3A_3617 = vector.load %arg2[%get3A_3615, %get3A_3616] : memref<8x16384xf32, #tpu.memory_space<vmem>>, vector<8x128xf32>
      %get3A_3618 = arith.constant 0 : index
      %get3A_3619 = arith.constant 14336 : index
      %get3A_3620 = vector.load %arg3[%get3A_3618, %get3A_3619] : memref<8x16384xf32, #tpu.memory_space<vmem>>, vector<8x128xf32>
      %sub3A_3621 = arith.subf %get3A_3614, %scan3A_72 : vector<8x128xf32>
      %sub3A_3622 = arith.subf %get3A_3617, %scan3A_73 : vector<8x128xf32>
      %sub3A_3623 = arith.subf %get3A_3620, %scan3A_74 : vector<8x128xf32>
      %mul3A_3624 = arith.mulf %sub3A_3621, %sub3A_3621 : vector<8x128xf32>
      %mul3A_3625 = arith.mulf %sub3A_3623, %sub3A_3623 : vector<8x128xf32>
      %add3A_3626 = arith.addf %mul3A_3624, %mul3A_3625 : vector<8x128xf32>
      %mul3A_3627 = arith.mulf %sub3A_3622, %sub3A_3622 : vector<8x128xf32>
      %add3A_3628 = arith.addf %add3A_3626, %mul3A_3627 : vector<8x128xf32>
      %get3A_3629 = arith.constant 0 : index
      %get3A_3630 = arith.constant 14336 : index
      %get3A_3631 = vector.load %arg8[%get3A_3629, %get3A_3630] : memref<8x16384xf32, #tpu.memory_space<vmem>>, vector<8x128xf32>
      %min3A_3632 = arith.minimumf %get3A_3631, %add3A_3628 : vector<8x128xf32>
      %swap3A_3633 = arith.constant 0 : index
      %swap3A_3634 = arith.constant 14336 : index
      %swap3A_3635 = vector.load %arg8[%swap3A_3633, %swap3A_3634] : memref<8x16384xf32, #tpu.memory_space<vmem>>, vector<8x128xf32>
      tpu.vector_store %arg8[%swap3A_3633, %swap3A_3634], %min3A_3632 {strides = array<i32>} : memref<8x16384xf32, #tpu.memory_space<vmem>>, vector<8x128xf32>,
      %gt3A_3636 = arith.cmpf ogt, %min3A_3632, %select_n3A_3381 : vector<8x128xf32>
      %select_n3A_3637 = arith.select %gt3A_3636, %min3A_3632, %select_n3A_3381 : vector<8x128xi1>, vector<8x128xf32>
      %jit3A_3638 = arith.constant 112 : i32
      %broadcast_in_dim3A_3639 = vector.broadcast %jit3A_3638 : i32 to vector<8x128xi32>
      %select_n3A_3640 = arith.select %gt3A_3636, %broadcast_in_dim3A_3639, %select_n3A_3384 : vector<8x128xi1>, vector<8x128xi32>
      %select_n3A_3641 = arith.select %gt3A_3636, %get3A_3614, %select_n3A_3385 : vector<8x128xi1>, vector<8x128xf32>
      %select_n3A_3642 = arith.select %gt3A_3636, %get3A_3617, %select_n3A_3386 : vector<8x128xi1>, vector<8x128xf32>
      %select_n3A_3643 = arith.select %gt3A_3636, %get3A_3620, %select_n3A_3387 : vector<8x128xi1>, vector<8x128xf32>
      %get3A_3644 = arith.constant 0 : index
      %get3A_3645 = arith.constant 14464 : index
      %get3A_3646 = vector.load %arg1[%get3A_3644, %get3A_3645] : memref<8x16384xf32, #tpu.memory_space<vmem>>, vector<8x128xf32>
      %get3A_3647 = arith.constant 0 : index
      %get3A_3648 = arith.constant 14464 : index
      %get3A_3649 = vector.load %arg2[%get3A_3647, %get3A_3648] : memref<8x16384xf32, #tpu.memory_space<vmem>>, vector<8x128xf32>
      %get3A_3650 = arith.constant 0 : index
      %get3A_3651 = arith.constant 14464 : index
      %get3A_3652 = vector.load %arg3[%get3A_3650, %get3A_3651] : memref<8x16384xf32, #tpu.memory_space<vmem>>, vector<8x128xf32>
      %sub3A_3653 = arith.subf %get3A_3646, %scan3A_72 : vector<8x128xf32>
      %sub3A_3654 = arith.subf %get3A_3649, %scan3A_73 : vector<8x128xf32>
      %sub3A_3655 = arith.subf %get3A_3652, %scan3A_74 : vector<8x128xf32>
      %mul3A_3656 = arith.mulf %sub3A_3653, %sub3A_3653 : vector<8x128xf32>
      %mul3A_3657 = arith.mulf %sub3A_3655, %sub3A_3655 : vector<8x128xf32>
      %add3A_3658 = arith.addf %mul3A_3656, %mul3A_3657 : vector<8x128xf32>
      %mul3A_3659 = arith.mulf %sub3A_3654, %sub3A_3654 : vector<8x128xf32>
      %add3A_3660 = arith.addf %add3A_3658, %mul3A_3659 : vector<8x128xf32>
      %get3A_3661 = arith.constant 0 : index
      %get3A_3662 = arith.constant 14464 : index
      %get3A_3663 = vector.load %arg8[%get3A_3661, %get3A_3662] : memref<8x16384xf32, #tpu.memory_space<vmem>>, vector<8x128xf32>
      %min3A_3664 = arith.minimumf %get3A_3663, %add3A_3660 : vector<8x128xf32>
      %swap3A_3665 = arith.constant 0 : index
      %swap3A_3666 = arith.constant 14464 : index
      %swap3A_3667 = vector.load %arg8[%swap3A_3665, %swap3A_3666] : memref<8x16384xf32, #tpu.memory_space<vmem>>, vector<8x128xf32>
      tpu.vector_store %arg8[%swap3A_3665, %swap3A_3666], %min3A_3664 {strides = array<i32>} : memref<8x16384xf32, #tpu.memory_space<vmem>>, vector<8x128xf32>,
      %gt3A_3668 = arith.cmpf ogt, %min3A_3664, %select_n3A_3413 : vector<8x128xf32>
      %select_n3A_3669 = arith.select %gt3A_3668, %min3A_3664, %select_n3A_3413 : vector<8x128xi1>, vector<8x128xf32>
      %jit3A_3670 = arith.constant 113 : i32
      %broadcast_in_dim3A_3671 = vector.broadcast %jit3A_3670 : i32 to vector<8x128xi32>
      %select_n3A_3672 = arith.select %gt3A_3668, %broadcast_in_dim3A_3671, %select_n3A_3416 : vector<8x128xi1>, vector<8x128xi32>
      %select_n3A_3673 = arith.select %gt3A_3668, %get3A_3646, %select_n3A_3417 : vector<8x128xi1>, vector<8x128xf32>
      %select_n3A_3674 = arith.select %gt3A_3668, %get3A_3649, %select_n3A_3418 : vector<8x128xi1>, vector<8x128xf32>
      %select_n3A_3675 = arith.select %gt3A_3668, %get3A_3652, %select_n3A_3419 : vector<8x128xi1>, vector<8x128xf32>
      %get3A_3676 = arith.constant 0 : index
      %get3A_3677 = arith.constant 14592 : index
      %get3A_3678 = vector.load %arg1[%get3A_3676, %get3A_3677] : memref<8x16384xf32, #tpu.memory_space<vmem>>, vector<8x128xf32>
      %get3A_3679 = arith.constant 0 : index
      %get3A_3680 = arith.constant 14592 : index
      %get3A_3681 = vector.load %arg2[%get3A_3679, %get3A_3680] : memref<8x16384xf32, #tpu.memory_space<vmem>>, vector<8x128xf32>
      %get3A_3682 = arith.constant 0 : index
      %get3A_3683 = arith.constant 14592 : index
      %get3A_3684 = vector.load %arg3[%get3A_3682, %get3A_3683] : memref<8x16384xf32, #tpu.memory_space<vmem>>, vector<8x128xf32>
      %sub3A_3685 = arith.subf %get3A_3678, %scan3A_72 : vector<8x128xf32>
      %sub3A_3686 = arith.subf %get3A_3681, %scan3A_73 : vector<8x128xf32>
      %sub3A_3687 = arith.subf %get3A_3684, %scan3A_74 : vector<8x128xf32>
      %mul3A_3688 = arith.mulf %sub3A_3685, %sub3A_3685 : vector<8x128xf32>
      %mul3A_3689 = arith.mulf %sub3A_3687, %sub3A_3687 : vector<8x128xf32>
      %add3A_3690 = arith.addf %mul3A_3688, %mul3A_3689 : vector<8x128xf32>
      %mul3A_3691 = arith.mulf %sub3A_3686, %sub3A_3686 : vector<8x128xf32>
      %add3A_3692 = arith.addf %add3A_3690, %mul3A_3691 : vector<8x128xf32>
      %get3A_3693 = arith.constant 0 : index
      %get3A_3694 = arith.constant 14592 : index
      %get3A_3695 = vector.load %arg8[%get3A_3693, %get3A_3694] : memref<8x16384xf32, #tpu.memory_space<vmem>>, vector<8x128xf32>
      %min3A_3696 = arith.minimumf %get3A_3695, %add3A_3692 : vector<8x128xf32>
      %swap3A_3697 = arith.constant 0 : index
      %swap3A_3698 = arith.constant 14592 : index
      %swap3A_3699 = vector.load %arg8[%swap3A_3697, %swap3A_3698] : memref<8x16384xf32, #tpu.memory_space<vmem>>, vector<8x128xf32>
      tpu.vector_store %arg8[%swap3A_3697, %swap3A_3698], %min3A_3696 {strides = array<i32>} : memref<8x16384xf32, #tpu.memory_space<vmem>>, vector<8x128xf32>,
      %gt3A_3700 = arith.cmpf ogt, %min3A_3696, %select_n3A_3445 : vector<8x128xf32>
      %select_n3A_3701 = arith.select %gt3A_3700, %min3A_3696, %select_n3A_3445 : vector<8x128xi1>, vector<8x128xf32>
      %jit3A_3702 = arith.constant 114 : i32
      %broadcast_in_dim3A_3703 = vector.broadcast %jit3A_3702 : i32 to vector<8x128xi32>
      %select_n3A_3704 = arith.select %gt3A_3700, %broadcast_in_dim3A_3703, %select_n3A_3448 : vector<8x128xi1>, vector<8x128xi32>
      %select_n3A_3705 = arith.select %gt3A_3700, %get3A_3678, %select_n3A_3449 : vector<8x128xi1>, vector<8x128xf32>
      %select_n3A_3706 = arith.select %gt3A_3700, %get3A_3681, %select_n3A_3450 : vector<8x128xi1>, vector<8x128xf32>
      %select_n3A_3707 = arith.select %gt3A_3700, %get3A_3684, %select_n3A_3451 : vector<8x128xi1>, vector<8x128xf32>
      %get3A_3708 = arith.constant 0 : index
      %get3A_3709 = arith.constant 14720 : index
      %get3A_3710 = vector.load %arg1[%get3A_3708, %get3A_3709] : memref<8x16384xf32, #tpu.memory_space<vmem>>, vector<8x128xf32>
      %get3A_3711 = arith.constant 0 : index
      %get3A_3712 = arith.constant 14720 : index
      %get3A_3713 = vector.load %arg2[%get3A_3711, %get3A_3712] : memref<8x16384xf32, #tpu.memory_space<vmem>>, vector<8x128xf32>
      %get3A_3714 = arith.constant 0 : index
      %get3A_3715 = arith.constant 14720 : index
      %get3A_3716 = vector.load %arg3[%get3A_3714, %get3A_3715] : memref<8x16384xf32, #tpu.memory_space<vmem>>, vector<8x128xf32>
      %sub3A_3717 = arith.subf %get3A_3710, %scan3A_72 : vector<8x128xf32>
      %sub3A_3718 = arith.subf %get3A_3713, %scan3A_73 : vector<8x128xf32>
      %sub3A_3719 = arith.subf %get3A_3716, %scan3A_74 : vector<8x128xf32>
      %mul3A_3720 = arith.mulf %sub3A_3717, %sub3A_3717 : vector<8x128xf32>
      %mul3A_3721 = arith.mulf %sub3A_3719, %sub3A_3719 : vector<8x128xf32>
      %add3A_3722 = arith.addf %mul3A_3720, %mul3A_3721 : vector<8x128xf32>
      %mul3A_3723 = arith.mulf %sub3A_3718, %sub3A_3718 : vector<8x128xf32>
      %add3A_3724 = arith.addf %add3A_3722, %mul3A_3723 : vector<8x128xf32>
      %get3A_3725 = arith.constant 0 : index
      %get3A_3726 = arith.constant 14720 : index
      %get3A_3727 = vector.load %arg8[%get3A_3725, %get3A_3726] : memref<8x16384xf32, #tpu.memory_space<vmem>>, vector<8x128xf32>
      %min3A_3728 = arith.minimumf %get3A_3727, %add3A_3724 : vector<8x128xf32>
      %swap3A_3729 = arith.constant 0 : index
      %swap3A_3730 = arith.constant 14720 : index
      %swap3A_3731 = vector.load %arg8[%swap3A_3729, %swap3A_3730] : memref<8x16384xf32, #tpu.memory_space<vmem>>, vector<8x128xf32>
      tpu.vector_store %arg8[%swap3A_3729, %swap3A_3730], %min3A_3728 {strides = array<i32>} : memref<8x16384xf32, #tpu.memory_space<vmem>>, vector<8x128xf32>,
      %gt3A_3732 = arith.cmpf ogt, %min3A_3728, %select_n3A_3477 : vector<8x128xf32>
      %select_n3A_3733 = arith.select %gt3A_3732, %min3A_3728, %select_n3A_3477 : vector<8x128xi1>, vector<8x128xf32>
      %jit3A_3734 = arith.constant 115 : i32
      %broadcast_in_dim3A_3735 = vector.broadcast %jit3A_3734 : i32 to vector<8x128xi32>
      %select_n3A_3736 = arith.select %gt3A_3732, %broadcast_in_dim3A_3735, %select_n3A_3480 : vector<8x128xi1>, vector<8x128xi32>
      %select_n3A_3737 = arith.select %gt3A_3732, %get3A_3710, %select_n3A_3481 : vector<8x128xi1>, vector<8x128xf32>
      %select_n3A_3738 = arith.select %gt3A_3732, %get3A_3713, %select_n3A_3482 : vector<8x128xi1>, vector<8x128xf32>
      %select_n3A_3739 = arith.select %gt3A_3732, %get3A_3716, %select_n3A_3483 : vector<8x128xi1>, vector<8x128xf32>
      %get3A_3740 = arith.constant 0 : index
      %get3A_3741 = arith.constant 14848 : index
      %get3A_3742 = vector.load %arg1[%get3A_3740, %get3A_3741] : memref<8x16384xf32, #tpu.memory_space<vmem>>, vector<8x128xf32>
      %get3A_3743 = arith.constant 0 : index
      %get3A_3744 = arith.constant 14848 : index
      %get3A_3745 = vector.load %arg2[%get3A_3743, %get3A_3744] : memref<8x16384xf32, #tpu.memory_space<vmem>>, vector<8x128xf32>
      %get3A_3746 = arith.constant 0 : index
      %get3A_3747 = arith.constant 14848 : index
      %get3A_3748 = vector.load %arg3[%get3A_3746, %get3A_3747] : memref<8x16384xf32, #tpu.memory_space<vmem>>, vector<8x128xf32>
      %sub3A_3749 = arith.subf %get3A_3742, %scan3A_72 : vector<8x128xf32>
      %sub3A_3750 = arith.subf %get3A_3745, %scan3A_73 : vector<8x128xf32>
      %sub3A_3751 = arith.subf %get3A_3748, %scan3A_74 : vector<8x128xf32>
      %mul3A_3752 = arith.mulf %sub3A_3749, %sub3A_3749 : vector<8x128xf32>
      %mul3A_3753 = arith.mulf %sub3A_3751, %sub3A_3751 : vector<8x128xf32>
      %add3A_3754 = arith.addf %mul3A_3752, %mul3A_3753 : vector<8x128xf32>
      %mul3A_3755 = arith.mulf %sub3A_3750, %sub3A_3750 : vector<8x128xf32>
      %add3A_3756 = arith.addf %add3A_3754, %mul3A_3755 : vector<8x128xf32>
      %get3A_3757 = arith.constant 0 : index
      %get3A_3758 = arith.constant 14848 : index
      %get3A_3759 = vector.load %arg8[%get3A_3757, %get3A_3758] : memref<8x16384xf32, #tpu.memory_space<vmem>>, vector<8x128xf32>
      %min3A_3760 = arith.minimumf %get3A_3759, %add3A_3756 : vector<8x128xf32>
      %swap3A_3761 = arith.constant 0 : index
      %swap3A_3762 = arith.constant 14848 : index
      %swap3A_3763 = vector.load %arg8[%swap3A_3761, %swap3A_3762] : memref<8x16384xf32, #tpu.memory_space<vmem>>, vector<8x128xf32>
      tpu.vector_store %arg8[%swap3A_3761, %swap3A_3762], %min3A_3760 {strides = array<i32>} : memref<8x16384xf32, #tpu.memory_space<vmem>>, vector<8x128xf32>,
      %gt3A_3764 = arith.cmpf ogt, %min3A_3760, %select_n3A_3509 : vector<8x128xf32>
      %select_n3A_3765 = arith.select %gt3A_3764, %min3A_3760, %select_n3A_3509 : vector<8x128xi1>, vector<8x128xf32>
      %jit3A_3766 = arith.constant 116 : i32
      %broadcast_in_dim3A_3767 = vector.broadcast %jit3A_3766 : i32 to vector<8x128xi32>
      %select_n3A_3768 = arith.select %gt3A_3764, %broadcast_in_dim3A_3767, %select_n3A_3512 : vector<8x128xi1>, vector<8x128xi32>
      %select_n3A_3769 = arith.select %gt3A_3764, %get3A_3742, %select_n3A_3513 : vector<8x128xi1>, vector<8x128xf32>
      %select_n3A_3770 = arith.select %gt3A_3764, %get3A_3745, %select_n3A_3514 : vector<8x128xi1>, vector<8x128xf32>
      %select_n3A_3771 = arith.select %gt3A_3764, %get3A_3748, %select_n3A_3515 : vector<8x128xi1>, vector<8x128xf32>
      %get3A_3772 = arith.constant 0 : index
      %get3A_3773 = arith.constant 14976 : index
      %get3A_3774 = vector.load %arg1[%get3A_3772, %get3A_3773] : memref<8x16384xf32, #tpu.memory_space<vmem>>, vector<8x128xf32>
      %get3A_3775 = arith.constant 0 : index
      %get3A_3776 = arith.constant 14976 : index
      %get3A_3777 = vector.load %arg2[%get3A_3775, %get3A_3776] : memref<8x16384xf32, #tpu.memory_space<vmem>>, vector<8x128xf32>
      %get3A_3778 = arith.constant 0 : index
      %get3A_3779 = arith.constant 14976 : index
      %get3A_3780 = vector.load %arg3[%get3A_3778, %get3A_3779] : memref<8x16384xf32, #tpu.memory_space<vmem>>, vector<8x128xf32>
      %sub3A_3781 = arith.subf %get3A_3774, %scan3A_72 : vector<8x128xf32>
      %sub3A_3782 = arith.subf %get3A_3777, %scan3A_73 : vector<8x128xf32>
      %sub3A_3783 = arith.subf %get3A_3780, %scan3A_74 : vector<8x128xf32>
      %mul3A_3784 = arith.mulf %sub3A_3781, %sub3A_3781 : vector<8x128xf32>
      %mul3A_3785 = arith.mulf %sub3A_3783, %sub3A_3783 : vector<8x128xf32>
      %add3A_3786 = arith.addf %mul3A_3784, %mul3A_3785 : vector<8x128xf32>
      %mul3A_3787 = arith.mulf %sub3A_3782, %sub3A_3782 : vector<8x128xf32>
      %add3A_3788 = arith.addf %add3A_3786, %mul3A_3787 : vector<8x128xf32>
      %get3A_3789 = arith.constant 0 : index
      %get3A_3790 = arith.constant 14976 : index
      %get3A_3791 = vector.load %arg8[%get3A_3789, %get3A_3790] : memref<8x16384xf32, #tpu.memory_space<vmem>>, vector<8x128xf32>
      %min3A_3792 = arith.minimumf %get3A_3791, %add3A_3788 : vector<8x128xf32>
      %swap3A_3793 = arith.constant 0 : index
      %swap3A_3794 = arith.constant 14976 : index
      %swap3A_3795 = vector.load %arg8[%swap3A_3793, %swap3A_3794] : memref<8x16384xf32, #tpu.memory_space<vmem>>, vector<8x128xf32>
      tpu.vector_store %arg8[%swap3A_3793, %swap3A_3794], %min3A_3792 {strides = array<i32>} : memref<8x16384xf32, #tpu.memory_space<vmem>>, vector<8x128xf32>,
      %gt3A_3796 = arith.cmpf ogt, %min3A_3792, %select_n3A_3541 : vector<8x128xf32>
      %select_n3A_3797 = arith.select %gt3A_3796, %min3A_3792, %select_n3A_3541 : vector<8x128xi1>, vector<8x128xf32>
      %jit3A_3798 = arith.constant 117 : i32
      %broadcast_in_dim3A_3799 = vector.broadcast %jit3A_3798 : i32 to vector<8x128xi32>
      %select_n3A_3800 = arith.select %gt3A_3796, %broadcast_in_dim3A_3799, %select_n3A_3544 : vector<8x128xi1>, vector<8x128xi32>
      %select_n3A_3801 = arith.select %gt3A_3796, %get3A_3774, %select_n3A_3545 : vector<8x128xi1>, vector<8x128xf32>
      %select_n3A_3802 = arith.select %gt3A_3796, %get3A_3777, %select_n3A_3546 : vector<8x128xi1>, vector<8x128xf32>
      %select_n3A_3803 = arith.select %gt3A_3796, %get3A_3780, %select_n3A_3547 : vector<8x128xi1>, vector<8x128xf32>
      %get3A_3804 = arith.constant 0 : index
      %get3A_3805 = arith.constant 15104 : index
      %get3A_3806 = vector.load %arg1[%get3A_3804, %get3A_3805] : memref<8x16384xf32, #tpu.memory_space<vmem>>, vector<8x128xf32>
      %get3A_3807 = arith.constant 0 : index
      %get3A_3808 = arith.constant 15104 : index
      %get3A_3809 = vector.load %arg2[%get3A_3807, %get3A_3808] : memref<8x16384xf32, #tpu.memory_space<vmem>>, vector<8x128xf32>
      %get3A_3810 = arith.constant 0 : index
      %get3A_3811 = arith.constant 15104 : index
      %get3A_3812 = vector.load %arg3[%get3A_3810, %get3A_3811] : memref<8x16384xf32, #tpu.memory_space<vmem>>, vector<8x128xf32>
      %sub3A_3813 = arith.subf %get3A_3806, %scan3A_72 : vector<8x128xf32>
      %sub3A_3814 = arith.subf %get3A_3809, %scan3A_73 : vector<8x128xf32>
      %sub3A_3815 = arith.subf %get3A_3812, %scan3A_74 : vector<8x128xf32>
      %mul3A_3816 = arith.mulf %sub3A_3813, %sub3A_3813 : vector<8x128xf32>
      %mul3A_3817 = arith.mulf %sub3A_3815, %sub3A_3815 : vector<8x128xf32>
      %add3A_3818 = arith.addf %mul3A_3816, %mul3A_3817 : vector<8x128xf32>
      %mul3A_3819 = arith.mulf %sub3A_3814, %sub3A_3814 : vector<8x128xf32>
      %add3A_3820 = arith.addf %add3A_3818, %mul3A_3819 : vector<8x128xf32>
      %get3A_3821 = arith.constant 0 : index
      %get3A_3822 = arith.constant 15104 : index
      %get3A_3823 = vector.load %arg8[%get3A_3821, %get3A_3822] : memref<8x16384xf32, #tpu.memory_space<vmem>>, vector<8x128xf32>
      %min3A_3824 = arith.minimumf %get3A_3823, %add3A_3820 : vector<8x128xf32>
      %swap3A_3825 = arith.constant 0 : index
      %swap3A_3826 = arith.constant 15104 : index
      %swap3A_3827 = vector.load %arg8[%swap3A_3825, %swap3A_3826] : memref<8x16384xf32, #tpu.memory_space<vmem>>, vector<8x128xf32>
      tpu.vector_store %arg8[%swap3A_3825, %swap3A_3826], %min3A_3824 {strides = array<i32>} : memref<8x16384xf32, #tpu.memory_space<vmem>>, vector<8x128xf32>,
      %gt3A_3828 = arith.cmpf ogt, %min3A_3824, %select_n3A_3573 : vector<8x128xf32>
      %select_n3A_3829 = arith.select %gt3A_3828, %min3A_3824, %select_n3A_3573 : vector<8x128xi1>, vector<8x128xf32>
      %jit3A_3830 = arith.constant 118 : i32
      %broadcast_in_dim3A_3831 = vector.broadcast %jit3A_3830 : i32 to vector<8x128xi32>
      %select_n3A_3832 = arith.select %gt3A_3828, %broadcast_in_dim3A_3831, %select_n3A_3576 : vector<8x128xi1>, vector<8x128xi32>
      %select_n3A_3833 = arith.select %gt3A_3828, %get3A_3806, %select_n3A_3577 : vector<8x128xi1>, vector<8x128xf32>
      %select_n3A_3834 = arith.select %gt3A_3828, %get3A_3809, %select_n3A_3578 : vector<8x128xi1>, vector<8x128xf32>
      %select_n3A_3835 = arith.select %gt3A_3828, %get3A_3812, %select_n3A_3579 : vector<8x128xi1>, vector<8x128xf32>
      %get3A_3836 = arith.constant 0 : index
      %get3A_3837 = arith.constant 15232 : index
      %get3A_3838 = vector.load %arg1[%get3A_3836, %get3A_3837] : memref<8x16384xf32, #tpu.memory_space<vmem>>, vector<8x128xf32>
      %get3A_3839 = arith.constant 0 : index
      %get3A_3840 = arith.constant 15232 : index
      %get3A_3841 = vector.load %arg2[%get3A_3839, %get3A_3840] : memref<8x16384xf32, #tpu.memory_space<vmem>>, vector<8x128xf32>
      %get3A_3842 = arith.constant 0 : index
      %get3A_3843 = arith.constant 15232 : index
      %get3A_3844 = vector.load %arg3[%get3A_3842, %get3A_3843] : memref<8x16384xf32, #tpu.memory_space<vmem>>, vector<8x128xf32>
      %sub3A_3845 = arith.subf %get3A_3838, %scan3A_72 : vector<8x128xf32>
      %sub3A_3846 = arith.subf %get3A_3841, %scan3A_73 : vector<8x128xf32>
      %sub3A_3847 = arith.subf %get3A_3844, %scan3A_74 : vector<8x128xf32>
      %mul3A_3848 = arith.mulf %sub3A_3845, %sub3A_3845 : vector<8x128xf32>
      %mul3A_3849 = arith.mulf %sub3A_3847, %sub3A_3847 : vector<8x128xf32>
      %add3A_3850 = arith.addf %mul3A_3848, %mul3A_3849 : vector<8x128xf32>
      %mul3A_3851 = arith.mulf %sub3A_3846, %sub3A_3846 : vector<8x128xf32>
      %add3A_3852 = arith.addf %add3A_3850, %mul3A_3851 : vector<8x128xf32>
      %get3A_3853 = arith.constant 0 : index
      %get3A_3854 = arith.constant 15232 : index
      %get3A_3855 = vector.load %arg8[%get3A_3853, %get3A_3854] : memref<8x16384xf32, #tpu.memory_space<vmem>>, vector<8x128xf32>
      %min3A_3856 = arith.minimumf %get3A_3855, %add3A_3852 : vector<8x128xf32>
      %swap3A_3857 = arith.constant 0 : index
      %swap3A_3858 = arith.constant 15232 : index
      %swap3A_3859 = vector.load %arg8[%swap3A_3857, %swap3A_3858] : memref<8x16384xf32, #tpu.memory_space<vmem>>, vector<8x128xf32>
      tpu.vector_store %arg8[%swap3A_3857, %swap3A_3858], %min3A_3856 {strides = array<i32>} : memref<8x16384xf32, #tpu.memory_space<vmem>>, vector<8x128xf32>,
      %gt3A_3860 = arith.cmpf ogt, %min3A_3856, %select_n3A_3605 : vector<8x128xf32>
      %select_n3A_3861 = arith.select %gt3A_3860, %min3A_3856, %select_n3A_3605 : vector<8x128xi1>, vector<8x128xf32>
      %jit3A_3862 = arith.constant 119 : i32
      %broadcast_in_dim3A_3863 = vector.broadcast %jit3A_3862 : i32 to vector<8x128xi32>
      %select_n3A_3864 = arith.select %gt3A_3860, %broadcast_in_dim3A_3863, %select_n3A_3608 : vector<8x128xi1>, vector<8x128xi32>
      %select_n3A_3865 = arith.select %gt3A_3860, %get3A_3838, %select_n3A_3609 : vector<8x128xi1>, vector<8x128xf32>
      %select_n3A_3866 = arith.select %gt3A_3860, %get3A_3841, %select_n3A_3610 : vector<8x128xi1>, vector<8x128xf32>
      %select_n3A_3867 = arith.select %gt3A_3860, %get3A_3844, %select_n3A_3611 : vector<8x128xi1>, vector<8x128xf32>
      %get3A_3868 = arith.constant 0 : index
      %get3A_3869 = arith.constant 15360 : index
      %get3A_3870 = vector.load %arg1[%get3A_3868, %get3A_3869] : memref<8x16384xf32, #tpu.memory_space<vmem>>, vector<8x128xf32>
      %get3A_3871 = arith.constant 0 : index
      %get3A_3872 = arith.constant 15360 : index
      %get3A_3873 = vector.load %arg2[%get3A_3871, %get3A_3872] : memref<8x16384xf32, #tpu.memory_space<vmem>>, vector<8x128xf32>
      %get3A_3874 = arith.constant 0 : index
      %get3A_3875 = arith.constant 15360 : index
      %get3A_3876 = vector.load %arg3[%get3A_3874, %get3A_3875] : memref<8x16384xf32, #tpu.memory_space<vmem>>, vector<8x128xf32>
      %sub3A_3877 = arith.subf %get3A_3870, %scan3A_72 : vector<8x128xf32>
      %sub3A_3878 = arith.subf %get3A_3873, %scan3A_73 : vector<8x128xf32>
      %sub3A_3879 = arith.subf %get3A_3876, %scan3A_74 : vector<8x128xf32>
      %mul3A_3880 = arith.mulf %sub3A_3877, %sub3A_3877 : vector<8x128xf32>
      %mul3A_3881 = arith.mulf %sub3A_3879, %sub3A_3879 : vector<8x128xf32>
      %add3A_3882 = arith.addf %mul3A_3880, %mul3A_3881 : vector<8x128xf32>
      %mul3A_3883 = arith.mulf %sub3A_3878, %sub3A_3878 : vector<8x128xf32>
      %add3A_3884 = arith.addf %add3A_3882, %mul3A_3883 : vector<8x128xf32>
      %get3A_3885 = arith.constant 0 : index
      %get3A_3886 = arith.constant 15360 : index
      %get3A_3887 = vector.load %arg8[%get3A_3885, %get3A_3886] : memref<8x16384xf32, #tpu.memory_space<vmem>>, vector<8x128xf32>
      %min3A_3888 = arith.minimumf %get3A_3887, %add3A_3884 : vector<8x128xf32>
      %swap3A_3889 = arith.constant 0 : index
      %swap3A_3890 = arith.constant 15360 : index
      %swap3A_3891 = vector.load %arg8[%swap3A_3889, %swap3A_3890] : memref<8x16384xf32, #tpu.memory_space<vmem>>, vector<8x128xf32>
      tpu.vector_store %arg8[%swap3A_3889, %swap3A_3890], %min3A_3888 {strides = array<i32>} : memref<8x16384xf32, #tpu.memory_space<vmem>>, vector<8x128xf32>,
      %gt3A_3892 = arith.cmpf ogt, %min3A_3888, %select_n3A_3637 : vector<8x128xf32>
      %select_n3A_3893 = arith.select %gt3A_3892, %min3A_3888, %select_n3A_3637 : vector<8x128xi1>, vector<8x128xf32>
      %jit3A_3894 = arith.constant 120 : i32
      %broadcast_in_dim3A_3895 = vector.broadcast %jit3A_3894 : i32 to vector<8x128xi32>
      %select_n3A_3896 = arith.select %gt3A_3892, %broadcast_in_dim3A_3895, %select_n3A_3640 : vector<8x128xi1>, vector<8x128xi32>
      %select_n3A_3897 = arith.select %gt3A_3892, %get3A_3870, %select_n3A_3641 : vector<8x128xi1>, vector<8x128xf32>
      %select_n3A_3898 = arith.select %gt3A_3892, %get3A_3873, %select_n3A_3642 : vector<8x128xi1>, vector<8x128xf32>
      %select_n3A_3899 = arith.select %gt3A_3892, %get3A_3876, %select_n3A_3643 : vector<8x128xi1>, vector<8x128xf32>
      %get3A_3900 = arith.constant 0 : index
      %get3A_3901 = arith.constant 15488 : index
      %get3A_3902 = vector.load %arg1[%get3A_3900, %get3A_3901] : memref<8x16384xf32, #tpu.memory_space<vmem>>, vector<8x128xf32>
      %get3A_3903 = arith.constant 0 : index
      %get3A_3904 = arith.constant 15488 : index
      %get3A_3905 = vector.load %arg2[%get3A_3903, %get3A_3904] : memref<8x16384xf32, #tpu.memory_space<vmem>>, vector<8x128xf32>
      %get3A_3906 = arith.constant 0 : index
      %get3A_3907 = arith.constant 15488 : index
      %get3A_3908 = vector.load %arg3[%get3A_3906, %get3A_3907] : memref<8x16384xf32, #tpu.memory_space<vmem>>, vector<8x128xf32>
      %sub3A_3909 = arith.subf %get3A_3902, %scan3A_72 : vector<8x128xf32>
      %sub3A_3910 = arith.subf %get3A_3905, %scan3A_73 : vector<8x128xf32>
      %sub3A_3911 = arith.subf %get3A_3908, %scan3A_74 : vector<8x128xf32>
      %mul3A_3912 = arith.mulf %sub3A_3909, %sub3A_3909 : vector<8x128xf32>
      %mul3A_3913 = arith.mulf %sub3A_3911, %sub3A_3911 : vector<8x128xf32>
      %add3A_3914 = arith.addf %mul3A_3912, %mul3A_3913 : vector<8x128xf32>
      %mul3A_3915 = arith.mulf %sub3A_3910, %sub3A_3910 : vector<8x128xf32>
      %add3A_3916 = arith.addf %add3A_3914, %mul3A_3915 : vector<8x128xf32>
      %get3A_3917 = arith.constant 0 : index
      %get3A_3918 = arith.constant 15488 : index
      %get3A_3919 = vector.load %arg8[%get3A_3917, %get3A_3918] : memref<8x16384xf32, #tpu.memory_space<vmem>>, vector<8x128xf32>
      %min3A_3920 = arith.minimumf %get3A_3919, %add3A_3916 : vector<8x128xf32>
      %swap3A_3921 = arith.constant 0 : index
      %swap3A_3922 = arith.constant 15488 : index
      %swap3A_3923 = vector.load %arg8[%swap3A_3921, %swap3A_3922] : memref<8x16384xf32, #tpu.memory_space<vmem>>, vector<8x128xf32>
      tpu.vector_store %arg8[%swap3A_3921, %swap3A_3922], %min3A_3920 {strides = array<i32>} : memref<8x16384xf32, #tpu.memory_space<vmem>>, vector<8x128xf32>,
      %gt3A_3924 = arith.cmpf ogt, %min3A_3920, %select_n3A_3669 : vector<8x128xf32>
      %select_n3A_3925 = arith.select %gt3A_3924, %min3A_3920, %select_n3A_3669 : vector<8x128xi1>, vector<8x128xf32>
      %jit3A_3926 = arith.constant 121 : i32
      %broadcast_in_dim3A_3927 = vector.broadcast %jit3A_3926 : i32 to vector<8x128xi32>
      %select_n3A_3928 = arith.select %gt3A_3924, %broadcast_in_dim3A_3927, %select_n3A_3672 : vector<8x128xi1>, vector<8x128xi32>
      %select_n3A_3929 = arith.select %gt3A_3924, %get3A_3902, %select_n3A_3673 : vector<8x128xi1>, vector<8x128xf32>
      %select_n3A_3930 = arith.select %gt3A_3924, %get3A_3905, %select_n3A_3674 : vector<8x128xi1>, vector<8x128xf32>
      %select_n3A_3931 = arith.select %gt3A_3924, %get3A_3908, %select_n3A_3675 : vector<8x128xi1>, vector<8x128xf32>
      %get3A_3932 = arith.constant 0 : index
      %get3A_3933 = arith.constant 15616 : index
      %get3A_3934 = vector.load %arg1[%get3A_3932, %get3A_3933] : memref<8x16384xf32, #tpu.memory_space<vmem>>, vector<8x128xf32>
      %get3A_3935 = arith.constant 0 : index
      %get3A_3936 = arith.constant 15616 : index
      %get3A_3937 = vector.load %arg2[%get3A_3935, %get3A_3936] : memref<8x16384xf32, #tpu.memory_space<vmem>>, vector<8x128xf32>
      %get3A_3938 = arith.constant 0 : index
      %get3A_3939 = arith.constant 15616 : index
      %get3A_3940 = vector.load %arg3[%get3A_3938, %get3A_3939] : memref<8x16384xf32, #tpu.memory_space<vmem>>, vector<8x128xf32>
      %sub3A_3941 = arith.subf %get3A_3934, %scan3A_72 : vector<8x128xf32>
      %sub3A_3942 = arith.subf %get3A_3937, %scan3A_73 : vector<8x128xf32>
      %sub3A_3943 = arith.subf %get3A_3940, %scan3A_74 : vector<8x128xf32>
      %mul3A_3944 = arith.mulf %sub3A_3941, %sub3A_3941 : vector<8x128xf32>
      %mul3A_3945 = arith.mulf %sub3A_3943, %sub3A_3943 : vector<8x128xf32>
      %add3A_3946 = arith.addf %mul3A_3944, %mul3A_3945 : vector<8x128xf32>
      %mul3A_3947 = arith.mulf %sub3A_3942, %sub3A_3942 : vector<8x128xf32>
      %add3A_3948 = arith.addf %add3A_3946, %mul3A_3947 : vector<8x128xf32>
      %get3A_3949 = arith.constant 0 : index
      %get3A_3950 = arith.constant 15616 : index
      %get3A_3951 = vector.load %arg8[%get3A_3949, %get3A_3950] : memref<8x16384xf32, #tpu.memory_space<vmem>>, vector<8x128xf32>
      %min3A_3952 = arith.minimumf %get3A_3951, %add3A_3948 : vector<8x128xf32>
      %swap3A_3953 = arith.constant 0 : index
      %swap3A_3954 = arith.constant 15616 : index
      %swap3A_3955 = vector.load %arg8[%swap3A_3953, %swap3A_3954] : memref<8x16384xf32, #tpu.memory_space<vmem>>, vector<8x128xf32>
      tpu.vector_store %arg8[%swap3A_3953, %swap3A_3954], %min3A_3952 {strides = array<i32>} : memref<8x16384xf32, #tpu.memory_space<vmem>>, vector<8x128xf32>,
      %gt3A_3956 = arith.cmpf ogt, %min3A_3952, %select_n3A_3701 : vector<8x128xf32>
      %select_n3A_3957 = arith.select %gt3A_3956, %min3A_3952, %select_n3A_3701 : vector<8x128xi1>, vector<8x128xf32>
      %jit3A_3958 = arith.constant 122 : i32
      %broadcast_in_dim3A_3959 = vector.broadcast %jit3A_3958 : i32 to vector<8x128xi32>
      %select_n3A_3960 = arith.select %gt3A_3956, %broadcast_in_dim3A_3959, %select_n3A_3704 : vector<8x128xi1>, vector<8x128xi32>
      %select_n3A_3961 = arith.select %gt3A_3956, %get3A_3934, %select_n3A_3705 : vector<8x128xi1>, vector<8x128xf32>
      %select_n3A_3962 = arith.select %gt3A_3956, %get3A_3937, %select_n3A_3706 : vector<8x128xi1>, vector<8x128xf32>
      %select_n3A_3963 = arith.select %gt3A_3956, %get3A_3940, %select_n3A_3707 : vector<8x128xi1>, vector<8x128xf32>
      %get3A_3964 = arith.constant 0 : index
      %get3A_3965 = arith.constant 15744 : index
      %get3A_3966 = vector.load %arg1[%get3A_3964, %get3A_3965] : memref<8x16384xf32, #tpu.memory_space<vmem>>, vector<8x128xf32>
      %get3A_3967 = arith.constant 0 : index
      %get3A_3968 = arith.constant 15744 : index
      %get3A_3969 = vector.load %arg2[%get3A_3967, %get3A_3968] : memref<8x16384xf32, #tpu.memory_space<vmem>>, vector<8x128xf32>
      %get3A_3970 = arith.constant 0 : index
      %get3A_3971 = arith.constant 15744 : index
      %get3A_3972 = vector.load %arg3[%get3A_3970, %get3A_3971] : memref<8x16384xf32, #tpu.memory_space<vmem>>, vector<8x128xf32>
      %sub3A_3973 = arith.subf %get3A_3966, %scan3A_72 : vector<8x128xf32>
      %sub3A_3974 = arith.subf %get3A_3969, %scan3A_73 : vector<8x128xf32>
      %sub3A_3975 = arith.subf %get3A_3972, %scan3A_74 : vector<8x128xf32>
      %mul3A_3976 = arith.mulf %sub3A_3973, %sub3A_3973 : vector<8x128xf32>
      %mul3A_3977 = arith.mulf %sub3A_3975, %sub3A_3975 : vector<8x128xf32>
      %add3A_3978 = arith.addf %mul3A_3976, %mul3A_3977 : vector<8x128xf32>
      %mul3A_3979 = arith.mulf %sub3A_3974, %sub3A_3974 : vector<8x128xf32>
      %add3A_3980 = arith.addf %add3A_3978, %mul3A_3979 : vector<8x128xf32>
      %get3A_3981 = arith.constant 0 : index
      %get3A_3982 = arith.constant 15744 : index
      %get3A_3983 = vector.load %arg8[%get3A_3981, %get3A_3982] : memref<8x16384xf32, #tpu.memory_space<vmem>>, vector<8x128xf32>
      %min3A_3984 = arith.minimumf %get3A_3983, %add3A_3980 : vector<8x128xf32>
      %swap3A_3985 = arith.constant 0 : index
      %swap3A_3986 = arith.constant 15744 : index
      %swap3A_3987 = vector.load %arg8[%swap3A_3985, %swap3A_3986] : memref<8x16384xf32, #tpu.memory_space<vmem>>, vector<8x128xf32>
      tpu.vector_store %arg8[%swap3A_3985, %swap3A_3986], %min3A_3984 {strides = array<i32>} : memref<8x16384xf32, #tpu.memory_space<vmem>>, vector<8x128xf32>,
      %gt3A_3988 = arith.cmpf ogt, %min3A_3984, %select_n3A_3733 : vector<8x128xf32>
      %select_n3A_3989 = arith.select %gt3A_3988, %min3A_3984, %select_n3A_3733 : vector<8x128xi1>, vector<8x128xf32>
      %jit3A_3990 = arith.constant 123 : i32
      %broadcast_in_dim3A_3991 = vector.broadcast %jit3A_3990 : i32 to vector<8x128xi32>
      %select_n3A_3992 = arith.select %gt3A_3988, %broadcast_in_dim3A_3991, %select_n3A_3736 : vector<8x128xi1>, vector<8x128xi32>
      %select_n3A_3993 = arith.select %gt3A_3988, %get3A_3966, %select_n3A_3737 : vector<8x128xi1>, vector<8x128xf32>
      %select_n3A_3994 = arith.select %gt3A_3988, %get3A_3969, %select_n3A_3738 : vector<8x128xi1>, vector<8x128xf32>
      %select_n3A_3995 = arith.select %gt3A_3988, %get3A_3972, %select_n3A_3739 : vector<8x128xi1>, vector<8x128xf32>
      %get3A_3996 = arith.constant 0 : index
      %get3A_3997 = arith.constant 15872 : index
      %get3A_3998 = vector.load %arg1[%get3A_3996, %get3A_3997] : memref<8x16384xf32, #tpu.memory_space<vmem>>, vector<8x128xf32>
      %get3A_3999 = arith.constant 0 : index
      %get3A_4000 = arith.constant 15872 : index
      %get3A_4001 = vector.load %arg2[%get3A_3999, %get3A_4000] : memref<8x16384xf32, #tpu.memory_space<vmem>>, vector<8x128xf32>
      %get3A_4002 = arith.constant 0 : index
      %get3A_4003 = arith.constant 15872 : index
      %get3A_4004 = vector.load %arg3[%get3A_4002, %get3A_4003] : memref<8x16384xf32, #tpu.memory_space<vmem>>, vector<8x128xf32>
      %sub3A_4005 = arith.subf %get3A_3998, %scan3A_72 : vector<8x128xf32>
      %sub3A_4006 = arith.subf %get3A_4001, %scan3A_73 : vector<8x128xf32>
      %sub3A_4007 = arith.subf %get3A_4004, %scan3A_74 : vector<8x128xf32>
      %mul3A_4008 = arith.mulf %sub3A_4005, %sub3A_4005 : vector<8x128xf32>
      %mul3A_4009 = arith.mulf %sub3A_4007, %sub3A_4007 : vector<8x128xf32>
      %add3A_4010 = arith.addf %mul3A_4008, %mul3A_4009 : vector<8x128xf32>
      %mul3A_4011 = arith.mulf %sub3A_4006, %sub3A_4006 : vector<8x128xf32>
      %add3A_4012 = arith.addf %add3A_4010, %mul3A_4011 : vector<8x128xf32>
      %get3A_4013 = arith.constant 0 : index
      %get3A_4014 = arith.constant 15872 : index
      %get3A_4015 = vector.load %arg8[%get3A_4013, %get3A_4014] : memref<8x16384xf32, #tpu.memory_space<vmem>>, vector<8x128xf32>
      %min3A_4016 = arith.minimumf %get3A_4015, %add3A_4012 : vector<8x128xf32>
      %swap3A_4017 = arith.constant 0 : index
      %swap3A_4018 = arith.constant 15872 : index
      %swap3A_4019 = vector.load %arg8[%swap3A_4017, %swap3A_4018] : memref<8x16384xf32, #tpu.memory_space<vmem>>, vector<8x128xf32>
      tpu.vector_store %arg8[%swap3A_4017, %swap3A_4018], %min3A_4016 {strides = array<i32>} : memref<8x16384xf32, #tpu.memory_space<vmem>>, vector<8x128xf32>,
      %gt3A_4020 = arith.cmpf ogt, %min3A_4016, %select_n3A_3765 : vector<8x128xf32>
      %select_n3A_4021 = arith.select %gt3A_4020, %min3A_4016, %select_n3A_3765 : vector<8x128xi1>, vector<8x128xf32>
      %jit3A_4022 = arith.constant 124 : i32
      %broadcast_in_dim3A_4023 = vector.broadcast %jit3A_4022 : i32 to vector<8x128xi32>
      %select_n3A_4024 = arith.select %gt3A_4020, %broadcast_in_dim3A_4023, %select_n3A_3768 : vector<8x128xi1>, vector<8x128xi32>
      %select_n3A_4025 = arith.select %gt3A_4020, %get3A_3998, %select_n3A_3769 : vector<8x128xi1>, vector<8x128xf32>
      %select_n3A_4026 = arith.select %gt3A_4020, %get3A_4001, %select_n3A_3770 : vector<8x128xi1>, vector<8x128xf32>
      %select_n3A_4027 = arith.select %gt3A_4020, %get3A_4004, %select_n3A_3771 : vector<8x128xi1>, vector<8x128xf32>
      %get3A_4028 = arith.constant 0 : index
      %get3A_4029 = arith.constant 16000 : index
      %get3A_4030 = vector.load %arg1[%get3A_4028, %get3A_4029] : memref<8x16384xf32, #tpu.memory_space<vmem>>, vector<8x128xf32>
      %get3A_4031 = arith.constant 0 : index
      %get3A_4032 = arith.constant 16000 : index
      %get3A_4033 = vector.load %arg2[%get3A_4031, %get3A_4032] : memref<8x16384xf32, #tpu.memory_space<vmem>>, vector<8x128xf32>
      %get3A_4034 = arith.constant 0 : index
      %get3A_4035 = arith.constant 16000 : index
      %get3A_4036 = vector.load %arg3[%get3A_4034, %get3A_4035] : memref<8x16384xf32, #tpu.memory_space<vmem>>, vector<8x128xf32>
      %sub3A_4037 = arith.subf %get3A_4030, %scan3A_72 : vector<8x128xf32>
      %sub3A_4038 = arith.subf %get3A_4033, %scan3A_73 : vector<8x128xf32>
      %sub3A_4039 = arith.subf %get3A_4036, %scan3A_74 : vector<8x128xf32>
      %mul3A_4040 = arith.mulf %sub3A_4037, %sub3A_4037 : vector<8x128xf32>
      %mul3A_4041 = arith.mulf %sub3A_4039, %sub3A_4039 : vector<8x128xf32>
      %add3A_4042 = arith.addf %mul3A_4040, %mul3A_4041 : vector<8x128xf32>
      %mul3A_4043 = arith.mulf %sub3A_4038, %sub3A_4038 : vector<8x128xf32>
      %add3A_4044 = arith.addf %add3A_4042, %mul3A_4043 : vector<8x128xf32>
      %get3A_4045 = arith.constant 0 : index
      %get3A_4046 = arith.constant 16000 : index
      %get3A_4047 = vector.load %arg8[%get3A_4045, %get3A_4046] : memref<8x16384xf32, #tpu.memory_space<vmem>>, vector<8x128xf32>
      %min3A_4048 = arith.minimumf %get3A_4047, %add3A_4044 : vector<8x128xf32>
      %swap3A_4049 = arith.constant 0 : index
      %swap3A_4050 = arith.constant 16000 : index
      %swap3A_4051 = vector.load %arg8[%swap3A_4049, %swap3A_4050] : memref<8x16384xf32, #tpu.memory_space<vmem>>, vector<8x128xf32>
      tpu.vector_store %arg8[%swap3A_4049, %swap3A_4050], %min3A_4048 {strides = array<i32>} : memref<8x16384xf32, #tpu.memory_space<vmem>>, vector<8x128xf32>,
      %gt3A_4052 = arith.cmpf ogt, %min3A_4048, %select_n3A_3797 : vector<8x128xf32>
      %select_n3A_4053 = arith.select %gt3A_4052, %min3A_4048, %select_n3A_3797 : vector<8x128xi1>, vector<8x128xf32>
      %jit3A_4054 = arith.constant 125 : i32
      %broadcast_in_dim3A_4055 = vector.broadcast %jit3A_4054 : i32 to vector<8x128xi32>
      %select_n3A_4056 = arith.select %gt3A_4052, %broadcast_in_dim3A_4055, %select_n3A_3800 : vector<8x128xi1>, vector<8x128xi32>
      %select_n3A_4057 = arith.select %gt3A_4052, %get3A_4030, %select_n3A_3801 : vector<8x128xi1>, vector<8x128xf32>
      %select_n3A_4058 = arith.select %gt3A_4052, %get3A_4033, %select_n3A_3802 : vector<8x128xi1>, vector<8x128xf32>
      %select_n3A_4059 = arith.select %gt3A_4052, %get3A_4036, %select_n3A_3803 : vector<8x128xi1>, vector<8x128xf32>
      %get3A_4060 = arith.constant 0 : index
      %get3A_4061 = arith.constant 16128 : index
      %get3A_4062 = vector.load %arg1[%get3A_4060, %get3A_4061] : memref<8x16384xf32, #tpu.memory_space<vmem>>, vector<8x128xf32>
      %get3A_4063 = arith.constant 0 : index
      %get3A_4064 = arith.constant 16128 : index
      %get3A_4065 = vector.load %arg2[%get3A_4063, %get3A_4064] : memref<8x16384xf32, #tpu.memory_space<vmem>>, vector<8x128xf32>
      %get3A_4066 = arith.constant 0 : index
      %get3A_4067 = arith.constant 16128 : index
      %get3A_4068 = vector.load %arg3[%get3A_4066, %get3A_4067] : memref<8x16384xf32, #tpu.memory_space<vmem>>, vector<8x128xf32>
      %sub3A_4069 = arith.subf %get3A_4062, %scan3A_72 : vector<8x128xf32>
      %sub3A_4070 = arith.subf %get3A_4065, %scan3A_73 : vector<8x128xf32>
      %sub3A_4071 = arith.subf %get3A_4068, %scan3A_74 : vector<8x128xf32>
      %mul3A_4072 = arith.mulf %sub3A_4069, %sub3A_4069 : vector<8x128xf32>
      %mul3A_4073 = arith.mulf %sub3A_4071, %sub3A_4071 : vector<8x128xf32>
      %add3A_4074 = arith.addf %mul3A_4072, %mul3A_4073 : vector<8x128xf32>
      %mul3A_4075 = arith.mulf %sub3A_4070, %sub3A_4070 : vector<8x128xf32>
      %add3A_4076 = arith.addf %add3A_4074, %mul3A_4075 : vector<8x128xf32>
      %get3A_4077 = arith.constant 0 : index
      %get3A_4078 = arith.constant 16128 : index
      %get3A_4079 = vector.load %arg8[%get3A_4077, %get3A_4078] : memref<8x16384xf32, #tpu.memory_space<vmem>>, vector<8x128xf32>
      %min3A_4080 = arith.minimumf %get3A_4079, %add3A_4076 : vector<8x128xf32>
      %swap3A_4081 = arith.constant 0 : index
      %swap3A_4082 = arith.constant 16128 : index
      %swap3A_4083 = vector.load %arg8[%swap3A_4081, %swap3A_4082] : memref<8x16384xf32, #tpu.memory_space<vmem>>, vector<8x128xf32>
      tpu.vector_store %arg8[%swap3A_4081, %swap3A_4082], %min3A_4080 {strides = array<i32>} : memref<8x16384xf32, #tpu.memory_space<vmem>>, vector<8x128xf32>,
      %gt3A_4084 = arith.cmpf ogt, %min3A_4080, %select_n3A_3829 : vector<8x128xf32>
      %select_n3A_4085 = arith.select %gt3A_4084, %min3A_4080, %select_n3A_3829 : vector<8x128xi1>, vector<8x128xf32>
      %jit3A_4086 = arith.constant 126 : i32
      %broadcast_in_dim3A_4087 = vector.broadcast %jit3A_4086 : i32 to vector<8x128xi32>
      %select_n3A_4088 = arith.select %gt3A_4084, %broadcast_in_dim3A_4087, %select_n3A_3832 : vector<8x128xi1>, vector<8x128xi32>
      %select_n3A_4089 = arith.select %gt3A_4084, %get3A_4062, %select_n3A_3833 : vector<8x128xi1>, vector<8x128xf32>
      %select_n3A_4090 = arith.select %gt3A_4084, %get3A_4065, %select_n3A_3834 : vector<8x128xi1>, vector<8x128xf32>
      %select_n3A_4091 = arith.select %gt3A_4084, %get3A_4068, %select_n3A_3835 : vector<8x128xi1>, vector<8x128xf32>
      %get3A_4092 = arith.constant 0 : index
      %get3A_4093 = arith.constant 16256 : index
      %get3A_4094 = vector.load %arg1[%get3A_4092, %get3A_4093] : memref<8x16384xf32, #tpu.memory_space<vmem>>, vector<8x128xf32>
      %get3A_4095 = arith.constant 0 : index
      %get3A_4096 = arith.constant 16256 : index
      %get3A_4097 = vector.load %arg2[%get3A_4095, %get3A_4096] : memref<8x16384xf32, #tpu.memory_space<vmem>>, vector<8x128xf32>
      %get3A_4098 = arith.constant 0 : index
      %get3A_4099 = arith.constant 16256 : index
      %get3A_4100 = vector.load %arg3[%get3A_4098, %get3A_4099] : memref<8x16384xf32, #tpu.memory_space<vmem>>, vector<8x128xf32>
      %sub3A_4101 = arith.subf %get3A_4094, %scan3A_72 : vector<8x128xf32>
      %sub3A_4102 = arith.subf %get3A_4097, %scan3A_73 : vector<8x128xf32>
      %sub3A_4103 = arith.subf %get3A_4100, %scan3A_74 : vector<8x128xf32>
      %mul3A_4104 = arith.mulf %sub3A_4101, %sub3A_4101 : vector<8x128xf32>
      %mul3A_4105 = arith.mulf %sub3A_4103, %sub3A_4103 : vector<8x128xf32>
      %add3A_4106 = arith.addf %mul3A_4104, %mul3A_4105 : vector<8x128xf32>
      %mul3A_4107 = arith.mulf %sub3A_4102, %sub3A_4102 : vector<8x128xf32>
      %add3A_4108 = arith.addf %add3A_4106, %mul3A_4107 : vector<8x128xf32>
      %get3A_4109 = arith.constant 0 : index
      %get3A_4110 = arith.constant 16256 : index
      %get3A_4111 = vector.load %arg8[%get3A_4109, %get3A_4110] : memref<8x16384xf32, #tpu.memory_space<vmem>>, vector<8x128xf32>
      %min3A_4112 = arith.minimumf %get3A_4111, %add3A_4108 : vector<8x128xf32>
      %swap3A_4113 = arith.constant 0 : index
      %swap3A_4114 = arith.constant 16256 : index
      %swap3A_4115 = vector.load %arg8[%swap3A_4113, %swap3A_4114] : memref<8x16384xf32, #tpu.memory_space<vmem>>, vector<8x128xf32>
      tpu.vector_store %arg8[%swap3A_4113, %swap3A_4114], %min3A_4112 {strides = array<i32>} : memref<8x16384xf32, #tpu.memory_space<vmem>>, vector<8x128xf32>,
      %gt3A_4116 = arith.cmpf ogt, %min3A_4112, %select_n3A_3861 : vector<8x128xf32>
      %select_n3A_4117 = arith.select %gt3A_4116, %min3A_4112, %select_n3A_3861 : vector<8x128xi1>, vector<8x128xf32>
      %jit3A_4118 = arith.constant 127 : i32
      %broadcast_in_dim3A_4119 = vector.broadcast %jit3A_4118 : i32 to vector<8x128xi32>
      %select_n3A_4120 = arith.select %gt3A_4116, %broadcast_in_dim3A_4119, %select_n3A_3864 : vector<8x128xi1>, vector<8x128xi32>
      %select_n3A_4121 = arith.select %gt3A_4116, %get3A_4094, %select_n3A_3865 : vector<8x128xi1>, vector<8x128xf32>
      %select_n3A_4122 = arith.select %gt3A_4116, %get3A_4097, %select_n3A_3866 : vector<8x128xi1>, vector<8x128xf32>
      %select_n3A_4123 = arith.select %gt3A_4116, %get3A_4100, %select_n3A_3867 : vector<8x128xi1>, vector<8x128xf32>
      %gt3A_4124 = arith.cmpf ogt, %select_n3A_3925, %select_n3A_3893 : vector<8x128xf32>
      %eq3A_4125 = arith.cmpf oeq, %select_n3A_3925, %select_n3A_3893 : vector<8x128xf32>
      %lt3A = arith.cmpi slt, %select_n3A_3928, %select_n3A_3896 : vector<8x128xi32>
      %and3A = arith.andi %eq3A_4125, %lt3A : vector<8x128xi1>
      %or3A = arith.ori %gt3A_4124, %and3A : vector<8x128xi1>
      %select_n3A_4126 = arith.select %or3A, %select_n3A_3925, %select_n3A_3893 : vector<8x128xi1>, vector<8x128xf32>
      %select_n3A_4127 = arith.select %or3A, %select_n3A_3928, %select_n3A_3896 : vector<8x128xi1>, vector<8x128xi32>
      %select_n3A_4128 = arith.select %or3A, %select_n3A_3929, %select_n3A_3897 : vector<8x128xi1>, vector<8x128xf32>
      %select_n3A_4129 = arith.select %or3A, %select_n3A_3930, %select_n3A_3898 : vector<8x128xi1>, vector<8x128xf32>
      %select_n3A_4130 = arith.select %or3A, %select_n3A_3931, %select_n3A_3899 : vector<8x128xi1>, vector<8x128xf32>
      %gt3A_4131 = arith.cmpf ogt, %select_n3A_3989, %select_n3A_3957 : vector<8x128xf32>
      %eq3A_4132 = arith.cmpf oeq, %select_n3A_3989, %select_n3A_3957 : vector<8x128xf32>
      %lt3A_4133 = arith.cmpi slt, %select_n3A_3992, %select_n3A_3960 : vector<8x128xi32>
      %and3A_4134 = arith.andi %eq3A_4132, %lt3A_4133 : vector<8x128xi1>
      %or3A_4135 = arith.ori %gt3A_4131, %and3A_4134 : vector<8x128xi1>
      %select_n3A_4136 = arith.select %or3A_4135, %select_n3A_3989, %select_n3A_3957 : vector<8x128xi1>, vector<8x128xf32>
      %select_n3A_4137 = arith.select %or3A_4135, %select_n3A_3992, %select_n3A_3960 : vector<8x128xi1>, vector<8x128xi32>
      %select_n3A_4138 = arith.select %or3A_4135, %select_n3A_3993, %select_n3A_3961 : vector<8x128xi1>, vector<8x128xf32>
      %select_n3A_4139 = arith.select %or3A_4135, %select_n3A_3994, %select_n3A_3962 : vector<8x128xi1>, vector<8x128xf32>
      %select_n3A_4140 = arith.select %or3A_4135, %select_n3A_3995, %select_n3A_3963 : vector<8x128xi1>, vector<8x128xf32>
      %gt3A_4141 = arith.cmpf ogt, %select_n3A_4053, %select_n3A_4021 : vector<8x128xf32>
      %eq3A_4142 = arith.cmpf oeq, %select_n3A_4053, %select_n3A_4021 : vector<8x128xf32>
      %lt3A_4143 = arith.cmpi slt, %select_n3A_4056, %select_n3A_4024 : vector<8x128xi32>
      %and3A_4144 = arith.andi %eq3A_4142, %lt3A_4143 : vector<8x128xi1>
      %or3A_4145 = arith.ori %gt3A_4141, %and3A_4144 : vector<8x128xi1>
      %select_n3A_4146 = arith.select %or3A_4145, %select_n3A_4053, %select_n3A_4021 : vector<8x128xi1>, vector<8x128xf32>
      %select_n3A_4147 = arith.select %or3A_4145, %select_n3A_4056, %select_n3A_4024 : vector<8x128xi1>, vector<8x128xi32>
      %select_n3A_4148 = arith.select %or3A_4145, %select_n3A_4057, %select_n3A_4025 : vector<8x128xi1>, vector<8x128xf32>
      %select_n3A_4149 = arith.select %or3A_4145, %select_n3A_4058, %select_n3A_4026 : vector<8x128xi1>, vector<8x128xf32>
      %select_n3A_4150 = arith.select %or3A_4145, %select_n3A_4059, %select_n3A_4027 : vector<8x128xi1>, vector<8x128xf32>
      %gt3A_4151 = arith.cmpf ogt, %select_n3A_4117, %select_n3A_4085 : vector<8x128xf32>
      %eq3A_4152 = arith.cmpf oeq, %select_n3A_4117, %select_n3A_4085 : vector<8x128xf32>
      %lt3A_4153 = arith.cmpi slt, %select_n3A_4120, %select_n3A_4088 : vector<8x128xi32>
      %and3A_4154 = arith.andi %eq3A_4152, %lt3A_4153 : vector<8x128xi1>
      %or3A_4155 = arith.ori %gt3A_4151, %and3A_4154 : vector<8x128xi1>
      %select_n3A_4156 = arith.select %or3A_4155, %select_n3A_4117, %select_n3A_4085 : vector<8x128xi1>, vector<8x128xf32>
      %select_n3A_4157 = arith.select %or3A_4155, %select_n3A_4120, %select_n3A_4088 : vector<8x128xi1>, vector<8x128xi32>
      %select_n3A_4158 = arith.select %or3A_4155, %select_n3A_4121, %select_n3A_4089 : vector<8x128xi1>, vector<8x128xf32>
      %select_n3A_4159 = arith.select %or3A_4155, %select_n3A_4122, %select_n3A_4090 : vector<8x128xi1>, vector<8x128xf32>
      %select_n3A_4160 = arith.select %or3A_4155, %select_n3A_4123, %select_n3A_4091 : vector<8x128xi1>, vector<8x128xf32>
      %gt3A_4161 = arith.cmpf ogt, %select_n3A_4136, %select_n3A_4126 : vector<8x128xf32>
      %eq3A_4162 = arith.cmpf oeq, %select_n3A_4136, %select_n3A_4126 : vector<8x128xf32>
      %lt3A_4163 = arith.cmpi slt, %select_n3A_4137, %select_n3A_4127 : vector<8x128xi32>
      %and3A_4164 = arith.andi %eq3A_4162, %lt3A_4163 : vector<8x128xi1>
      %or3A_4165 = arith.ori %gt3A_4161, %and3A_4164 : vector<8x128xi1>
      %select_n3A_4166 = arith.select %or3A_4165, %select_n3A_4136, %select_n3A_4126 : vector<8x128xi1>, vector<8x128xf32>
      %select_n3A_4167 = arith.select %or3A_4165, %select_n3A_4137, %select_n3A_4127 : vector<8x128xi1>, vector<8x128xi32>
      %select_n3A_4168 = arith.select %or3A_4165, %select_n3A_4138, %select_n3A_4128 : vector<8x128xi1>, vector<8x128xf32>
      %select_n3A_4169 = arith.select %or3A_4165, %select_n3A_4139, %select_n3A_4129 : vector<8x128xi1>, vector<8x128xf32>
      %select_n3A_4170 = arith.select %or3A_4165, %select_n3A_4140, %select_n3A_4130 : vector<8x128xi1>, vector<8x128xf32>
      %gt3A_4171 = arith.cmpf ogt, %select_n3A_4156, %select_n3A_4146 : vector<8x128xf32>
      %eq3A_4172 = arith.cmpf oeq, %select_n3A_4156, %select_n3A_4146 : vector<8x128xf32>
      %lt3A_4173 = arith.cmpi slt, %select_n3A_4157, %select_n3A_4147 : vector<8x128xi32>
      %and3A_4174 = arith.andi %eq3A_4172, %lt3A_4173 : vector<8x128xi1>
      %or3A_4175 = arith.ori %gt3A_4171, %and3A_4174 : vector<8x128xi1>
      %select_n3A_4176 = arith.select %or3A_4175, %select_n3A_4156, %select_n3A_4146 : vector<8x128xi1>, vector<8x128xf32>
      %select_n3A_4177 = arith.select %or3A_4175, %select_n3A_4157, %select_n3A_4147 : vector<8x128xi1>, vector<8x128xi32>
      %select_n3A_4178 = arith.select %or3A_4175, %select_n3A_4158, %select_n3A_4148 : vector<8x128xi1>, vector<8x128xf32>
      %select_n3A_4179 = arith.select %or3A_4175, %select_n3A_4159, %select_n3A_4149 : vector<8x128xi1>, vector<8x128xf32>
      %select_n3A_4180 = arith.select %or3A_4175, %select_n3A_4160, %select_n3A_4150 : vector<8x128xi1>, vector<8x128xf32>
      %gt3A_4181 = arith.cmpf ogt, %select_n3A_4176, %select_n3A_4166 : vector<8x128xf32>
      %eq3A_4182 = arith.cmpf oeq, %select_n3A_4176, %select_n3A_4166 : vector<8x128xf32>
      %lt3A_4183 = arith.cmpi slt, %select_n3A_4177, %select_n3A_4167 : vector<8x128xi32>
      %and3A_4184 = arith.andi %eq3A_4182, %lt3A_4183 : vector<8x128xi1>
      %or3A_4185 = arith.ori %gt3A_4181, %and3A_4184 : vector<8x128xi1>
      %select_n3A_4186 = arith.select %or3A_4185, %select_n3A_4176, %select_n3A_4166 : vector<8x128xi1>, vector<8x128xf32>
      %select_n3A_4187 = arith.select %or3A_4185, %select_n3A_4177, %select_n3A_4167 : vector<8x128xi1>, vector<8x128xi32>
      %select_n3A_4188 = arith.select %or3A_4185, %select_n3A_4178, %select_n3A_4168 : vector<8x128xi1>, vector<8x128xf32>
      %select_n3A_4189 = arith.select %or3A_4185, %select_n3A_4179, %select_n3A_4169 : vector<8x128xi1>, vector<8x128xf32>
      %select_n3A_4190 = arith.select %or3A_4185, %select_n3A_4180, %select_n3A_4170 : vector<8x128xi1>, vector<8x128xf32>
      %mul3A_4191 = arith.constant 128 : i32
      %mul3A_4192 = vector.broadcast %mul3A_4191 : i32 to vector<8x128xi32>
      %mul3A_4193 = arith.muli %select_n3A_4187, %mul3A_4192 : vector<8x128xi32>
      %add3A_4194 = arith.addi %mul3A_4193, %iota3A : vector<8x128xi32>
      %add3A_4195 = arith.addi %add3A_4194, %mul3A_2 : vector<8x128xi32>
      %reduce_max3A = arith.constant dense<0xFF800000> : vector<8xf32>
      %reduce_max3A_4196 = vector.multi_reduction <maximumf>, %select_n3A_4186, %reduce_max3A [1] : vector<8x128xf32> to vector<8xf32>
      %broadcast_in_dim3A_4197 = vector.shape_cast %reduce_max3A_4196 : vector<8xf32> to vector<8x1xf32>
      %eq3A_4198 = vector.broadcast %broadcast_in_dim3A_4197 : vector<8x1xf32> to vector<8x128xf32>
      %eq3A_4199 = arith.cmpf oeq, %select_n3A_4186, %eq3A_4198 : vector<8x128xf32>
      %jit3A_4200 = arith.constant 131072 : i32
      %broadcast_in_dim3A_4201 = vector.broadcast %jit3A_4200 : i32 to vector<8x128xi32>
      %select_n3A_4202 = arith.select %eq3A_4199, %add3A_4195, %broadcast_in_dim3A_4201 : vector<8x128xi1>, vector<8x128xi32>
      %reduce_min3A = arith.constant dense<2147483647> : vector<8xi32>
      %reduce_min3A_4203 = vector.multi_reduction <minsi>, %select_n3A_4202, %reduce_min3A [1] : vector<8x128xi32> to vector<8xi32>
      %broadcast_in_dim3A_4204 = vector.shape_cast %reduce_min3A_4203 : vector<8xi32> to vector<8x1xi32>
      %broadcast_in_dim3A_4205 = vector.shape_cast %broadcast_in_dim3A_4204 : vector<8x1xi32> to vector<8x1xi32>
      %broadcast_in_dim3A_4206 = vector.broadcast %broadcast_in_dim3A_4205 : vector<8x1xi32> to vector<8x128xi32>
      %jit3A_4207 = arith.constant 1.000000e+00 : f32
      %jit3A_4208 = arith.constant 0.000000e+00 : f32
      %broadcast_in_dim3A_4209 = vector.broadcast %jit3A_4207 : f32 to vector<8x128xf32>
      %broadcast_in_dim3A_4210 = vector.broadcast %jit3A_4208 : f32 to vector<8x128xf32>
      %select_n3A_4211 = arith.select %eq3A_4199, %broadcast_in_dim3A_4209, %broadcast_in_dim3A_4210 : vector<8x128xi1>, vector<8x128xf32>
      %reduce_sum3A = vector.shape_cast %select_n3A_4211 : vector<8x128xf32> to vector<1x8x128xf32>
      %reduce_sum3A_4212 = arith.constant dense<0.000000e+00> : vector<1xf32>
      %reduce_sum3A_4213 = vector.multi_reduction <add>, %reduce_sum3A, %reduce_sum3A_4212 [1, 2] : vector<1x8x128xf32> to vector<1xf32>
      %reduce_sum3A_4214 = vector.shape_cast %reduce_sum3A_4213 : vector<1xf32> to vector<1x1x1xf32>
      %reduce_sum3A_4215 = vector.extract %reduce_sum3A_4214[0, 0, 0] : f32 from vector<1x1x1xf32>
      %jit3A_4216 = arith.constant 0.000000e+00 : f32
      %broadcast_in_dim3A_4217 = vector.broadcast %jit3A_4216 : f32 to vector<8x128xf32>
      %select_n3A_4218 = arith.select %eq3A_4199, %select_n3A_4188, %broadcast_in_dim3A_4217 : vector<8x128xi1>, vector<8x128xf32>
      %reduce_sum3A_4219 = arith.constant dense<0.000000e+00> : vector<8xf32>
      %reduce_sum3A_4220 = vector.multi_reduction <add>, %select_n3A_4218, %reduce_sum3A_4219 [1] : vector<8x128xf32> to vector<8xf32>
      %broadcast_in_dim3A_4221 = vector.shape_cast %reduce_sum3A_4220 : vector<8xf32> to vector<8x1xf32>
      %broadcast_in_dim3A_4222 = vector.shape_cast %broadcast_in_dim3A_4221 : vector<8x1xf32> to vector<8x1xf32>
      %broadcast_in_dim3A_4223 = vector.broadcast %broadcast_in_dim3A_4222 : vector<8x1xf32> to vector<8x128xf32>
      %swap3A_4224 = arith.constant 0 : index
      %swap3A_4225 = arith.constant 0 : index
      %swap3A_4226 = arith.constant 0 : index
      %swap3A_4227 = vector.load %arg10[%swap3A_4224, %swap3A_4225, %swap3A_4226] : memref<3x8x128xf32, #tpu.memory_space<vmem>>, vector<1x8x128xf32>
      %swap3A_4228 = vector.shape_cast %swap3A_4227 : vector<1x8x128xf32> to vector<8x128xf32>
      %swap3A_4229 = vector.shape_cast %broadcast_in_dim3A_4223 : vector<8x128xf32> to vector<1x8x128xf32>
      tpu.vector_store %arg10[%swap3A_4224, %swap3A_4225, %swap3A_4226], %swap3A_4229 {strides = array<i32>} : memref<3x8x128xf32, #tpu.memory_space<vmem>>, vector<1x8x128xf32>,
      %jit3A_4230 = arith.constant 0.000000e+00 : f32
      %broadcast_in_dim3A_4231 = vector.broadcast %jit3A_4230 : f32 to vector<8x128xf32>
      %select_n3A_4232 = arith.select %eq3A_4199, %select_n3A_4189, %broadcast_in_dim3A_4231 : vector<8x128xi1>, vector<8x128xf32>
      %reduce_sum3A_4233 = arith.constant dense<0.000000e+00> : vector<8xf32>
      %reduce_sum3A_4234 = vector.multi_reduction <add>, %select_n3A_4232, %reduce_sum3A_4233 [1] : vector<8x128xf32> to vector<8xf32>
      %broadcast_in_dim3A_4235 = vector.shape_cast %reduce_sum3A_4234 : vector<8xf32> to vector<8x1xf32>
      %broadcast_in_dim3A_4236 = vector.shape_cast %broadcast_in_dim3A_4235 : vector<8x1xf32> to vector<8x1xf32>
      %broadcast_in_dim3A_4237 = vector.broadcast %broadcast_in_dim3A_4236 : vector<8x1xf32> to vector<8x128xf32>
      %swap3A_4238 = arith.constant 1 : index
      %swap3A_4239 = arith.constant 0 : index
      %swap3A_4240 = arith.constant 0 : index
      %swap3A_4241 = vector.load %arg10[%swap3A_4238, %swap3A_4239, %swap3A_4240] : memref<3x8x128xf32, #tpu.memory_space<vmem>>, vector<1x8x128xf32>
      %swap3A_4242 = vector.shape_cast %swap3A_4241 : vector<1x8x128xf32> to vector<8x128xf32>
      %swap3A_4243 = vector.shape_cast %broadcast_in_dim3A_4237 : vector<8x128xf32> to vector<1x8x128xf32>
      tpu.vector_store %arg10[%swap3A_4238, %swap3A_4239, %swap3A_4240], %swap3A_4243 {strides = array<i32>} : memref<3x8x128xf32, #tpu.memory_space<vmem>>, vector<1x8x128xf32>,
      %jit3A_4244 = arith.constant 0.000000e+00 : f32
      %broadcast_in_dim3A_4245 = vector.broadcast %jit3A_4244 : f32 to vector<8x128xf32>
      %select_n3A_4246 = arith.select %eq3A_4199, %select_n3A_4190, %broadcast_in_dim3A_4245 : vector<8x128xi1>, vector<8x128xf32>
      %reduce_sum3A_4247 = arith.constant dense<0.000000e+00> : vector<8xf32>
      %reduce_sum3A_4248 = vector.multi_reduction <add>, %select_n3A_4246, %reduce_sum3A_4247 [1] : vector<8x128xf32> to vector<8xf32>
      %broadcast_in_dim3A_4249 = vector.shape_cast %reduce_sum3A_4248 : vector<8xf32> to vector<8x1xf32>
      %broadcast_in_dim3A_4250 = vector.shape_cast %broadcast_in_dim3A_4249 : vector<8x1xf32> to vector<8x1xf32>
      %broadcast_in_dim3A_4251 = vector.broadcast %broadcast_in_dim3A_4250 : vector<8x1xf32> to vector<8x128xf32>
      %swap3A_4252 = arith.constant 2 : index
      %swap3A_4253 = arith.constant 0 : index
      %swap3A_4254 = arith.constant 0 : index
      %swap3A_4255 = vector.load %arg10[%swap3A_4252, %swap3A_4253, %swap3A_4254] : memref<3x8x128xf32, #tpu.memory_space<vmem>>, vector<1x8x128xf32>
      %swap3A_4256 = vector.shape_cast %swap3A_4255 : vector<1x8x128xf32> to vector<8x128xf32>
      %swap3A_4257 = vector.shape_cast %broadcast_in_dim3A_4251 : vector<8x128xf32> to vector<1x8x128xf32>
      tpu.vector_store %arg10[%swap3A_4252, %swap3A_4253, %swap3A_4254], %swap3A_4257 {strides = array<i32>} : memref<3x8x128xf32, #tpu.memory_space<vmem>>, vector<1x8x128xf32>,
      %gt3A_4258 = arith.constant 8.500000e+00 : f32
      %gt3A_4259 = arith.cmpf ogt, %reduce_sum3A_4215, %gt3A_4258 : f32
      %convert_element_type3A_4260 = arith.extui %gt3A_4259 : i1 to i32
      %cond3A_4261 = arith.constant 0 : i32
      %cond3A_4262 = arith.cmpi ne, %convert_element_type3A_4260, %cond3A_4261 : i32
      scf.if %cond3A_4262 {
        %eq3A_4290 = arith.cmpi eq, %add3A_4195, %broadcast_in_dim3A_4206 : vector<8x128xi32>
        %jit3A_4291 = arith.constant 0.000000e+00 : f32
        %broadcast_in_dim3A_4292 = vector.broadcast %jit3A_4291 : f32 to vector<8x128xf32>
        %select_n3A_4293 = arith.select %eq3A_4290, %select_n3A_4188, %broadcast_in_dim3A_4292 : vector<8x128xi1>, vector<8x128xf32>
        %reduce_sum3A_4294 = arith.constant dense<0.000000e+00> : vector<8xf32>
        %reduce_sum3A_4295 = vector.multi_reduction <add>, %select_n3A_4293, %reduce_sum3A_4294 [1] : vector<8x128xf32> to vector<8xf32>
        %broadcast_in_dim3A_4296 = vector.shape_cast %reduce_sum3A_4295 : vector<8xf32> to vector<8x1xf32>
        %broadcast_in_dim3A_4297 = vector.shape_cast %broadcast_in_dim3A_4296 : vector<8x1xf32> to vector<8x1xf32>
        %broadcast_in_dim3A_4298 = vector.broadcast %broadcast_in_dim3A_4297 : vector<8x1xf32> to vector<8x128xf32>
        %swap3A_4299 = arith.constant 0 : index
        %swap3A_4300 = arith.constant 0 : index
        %swap3A_4301 = arith.constant 0 : index
        %swap3A_4302 = vector.load %arg10[%swap3A_4299, %swap3A_4300, %swap3A_4301] : memref<3x8x128xf32, #tpu.memory_space<vmem>>, vector<1x8x128xf32>
        %swap3A_4303 = vector.shape_cast %swap3A_4302 : vector<1x8x128xf32> to vector<8x128xf32>
        %swap3A_4304 = vector.shape_cast %broadcast_in_dim3A_4298 : vector<8x128xf32> to vector<1x8x128xf32>
        tpu.vector_store %arg10[%swap3A_4299, %swap3A_4300, %swap3A_4301], %swap3A_4304 {strides = array<i32>} : memref<3x8x128xf32, #tpu.memory_space<vmem>>, vector<1x8x128xf32>,
        %jit3A_4305 = arith.constant 0.000000e+00 : f32
        %broadcast_in_dim3A_4306 = vector.broadcast %jit3A_4305 : f32 to vector<8x128xf32>
        %select_n3A_4307 = arith.select %eq3A_4290, %select_n3A_4189, %broadcast_in_dim3A_4306 : vector<8x128xi1>, vector<8x128xf32>
        %reduce_sum3A_4308 = arith.constant dense<0.000000e+00> : vector<8xf32>
        %reduce_sum3A_4309 = vector.multi_reduction <add>, %select_n3A_4307, %reduce_sum3A_4308 [1] : vector<8x128xf32> to vector<8xf32>
        %broadcast_in_dim3A_4310 = vector.shape_cast %reduce_sum3A_4309 : vector<8xf32> to vector<8x1xf32>
        %broadcast_in_dim3A_4311 = vector.shape_cast %broadcast_in_dim3A_4310 : vector<8x1xf32> to vector<8x1xf32>
        %broadcast_in_dim3A_4312 = vector.broadcast %broadcast_in_dim3A_4311 : vector<8x1xf32> to vector<8x128xf32>
        %swap3A_4313 = arith.constant 1 : index
        %swap3A_4314 = arith.constant 0 : index
        %swap3A_4315 = arith.constant 0 : index
        %swap3A_4316 = vector.load %arg10[%swap3A_4313, %swap3A_4314, %swap3A_4315] : memref<3x8x128xf32, #tpu.memory_space<vmem>>, vector<1x8x128xf32>
        %swap3A_4317 = vector.shape_cast %swap3A_4316 : vector<1x8x128xf32> to vector<8x128xf32>
        %swap3A_4318 = vector.shape_cast %broadcast_in_dim3A_4312 : vector<8x128xf32> to vector<1x8x128xf32>
        tpu.vector_store %arg10[%swap3A_4313, %swap3A_4314, %swap3A_4315], %swap3A_4318 {strides = array<i32>} : memref<3x8x128xf32, #tpu.memory_space<vmem>>, vector<1x8x128xf32>,
        %jit3A_4319 = arith.constant 0.000000e+00 : f32
        %broadcast_in_dim3A_4320 = vector.broadcast %jit3A_4319 : f32 to vector<8x128xf32>
        %select_n3A_4321 = arith.select %eq3A_4290, %select_n3A_4190, %broadcast_in_dim3A_4320 : vector<8x128xi1>, vector<8x128xf32>
        %reduce_sum3A_4322 = arith.constant dense<0.000000e+00> : vector<8xf32>
        %reduce_sum3A_4323 = vector.multi_reduction <add>, %select_n3A_4321, %reduce_sum3A_4322 [1] : vector<8x128xf32> to vector<8xf32>
        %broadcast_in_dim3A_4324 = vector.shape_cast %reduce_sum3A_4323 : vector<8xf32> to vector<8x1xf32>
        %broadcast_in_dim3A_4325 = vector.shape_cast %broadcast_in_dim3A_4324 : vector<8x1xf32> to vector<8x1xf32>
        %broadcast_in_dim3A_4326 = vector.broadcast %broadcast_in_dim3A_4325 : vector<8x1xf32> to vector<8x128xf32>
        %swap3A_4327 = arith.constant 2 : index
        %swap3A_4328 = arith.constant 0 : index
        %swap3A_4329 = arith.constant 0 : index
        %swap3A_4330 = vector.load %arg10[%swap3A_4327, %swap3A_4328, %swap3A_4329] : memref<3x8x128xf32, #tpu.memory_space<vmem>>, vector<1x8x128xf32>
        %swap3A_4331 = vector.shape_cast %swap3A_4330 : vector<1x8x128xf32> to vector<8x128xf32>
        %swap3A_4332 = vector.shape_cast %broadcast_in_dim3A_4326 : vector<8x128xf32> to vector<1x8x128xf32>
        tpu.vector_store %arg10[%swap3A_4327, %swap3A_4328, %swap3A_4329], %swap3A_4332 {strides = array<i32>} : memref<3x8x128xf32, #tpu.memory_space<vmem>>, vector<1x8x128xf32>,
      } else {
      }
      %get3A_4263 = arith.constant 0 : index
      %get3A_4264 = arith.constant 0 : index
      %get3A_4265 = arith.constant 0 : index
      %get3A_4266 = vector.load %arg10[%get3A_4263, %get3A_4264, %get3A_4265] : memref<3x8x128xf32, #tpu.memory_space<vmem>>, vector<1x8x128xf32>
      %get3A_4267 = vector.shape_cast %get3A_4266 : vector<1x8x128xf32> to vector<8x128xf32>
      %get3A_4268 = arith.constant 1 : index
      %get3A_4269 = arith.constant 0 : index
      %get3A_4270 = arith.constant 0 : index
      %get3A_4271 = vector.load %arg10[%get3A_4268, %get3A_4269, %get3A_4270] : memref<3x8x128xf32, #tpu.memory_space<vmem>>, vector<1x8x128xf32>
      %get3A_4272 = vector.shape_cast %get3A_4271 : vector<1x8x128xf32> to vector<8x128xf32>
      %get3A_4273 = arith.constant 2 : index
      %get3A_4274 = arith.constant 0 : index
      %get3A_4275 = arith.constant 0 : index
      %get3A_4276 = vector.load %arg10[%get3A_4273, %get3A_4274, %get3A_4275] : memref<3x8x128xf32, #tpu.memory_space<vmem>>, vector<1x8x128xf32>
      %get3A_4277 = vector.shape_cast %get3A_4276 : vector<1x8x128xf32> to vector<8x128xf32>
      %eq3A_4278 = arith.constant 0 : i32
      %eq3A_4279 = arith.cmpi eq, %add3A, %eq3A_4278 : i32
      %select_n3A_4280 = arith.select %eq3A_4279, %mul3A_2, %broadcast_in_dim3A_4206 : vector<8x128xi32>
      %select_n3A_4281 = arith.select %eq3A_4279, %broadcast_in_dim3A_22, %get3A_4267 : vector<8x128xf32>
      %select_n3A_4282 = arith.select %eq3A_4279, %broadcast_in_dim3A_27, %get3A_4272 : vector<8x128xf32>
      %select_n3A_4283 = arith.select %eq3A_4279, %broadcast_in_dim3A_32, %get3A_4277 : vector<8x128xf32>
      %eq3A_4284 = vector.broadcast %scan3A_71 : i32 to vector<8x128xi32>
      %eq3A_4285 = arith.cmpi eq, %iota3A, %eq3A_4284 : vector<8x128xi32>
      %select_n3A_4286 = arith.select %eq3A_4285, %select_n3A_4280, %scan3A_75 : vector<8x128xi1>, vector<8x128xi32>
      %select_n3A_4287 = arith.select %eq3A_4285, %select_n3A_4281, %scan3A_76 : vector<8x128xi1>, vector<8x128xf32>
      %select_n3A_4288 = arith.select %eq3A_4285, %select_n3A_4282, %scan3A_77 : vector<8x128xi1>, vector<8x128xf32>
      %select_n3A_4289 = arith.select %eq3A_4285, %select_n3A_4283, %scan3A_78 : vector<8x128xi1>, vector<8x128xf32>
      scf.yield %select_n3A_4281, %select_n3A_4282, %select_n3A_4283, %select_n3A_4286, %select_n3A_4287, %select_n3A_4288, %select_n3A_4289 : vector<8x128xf32>, vector<8x128xf32>, vector<8x128xf32>, vector<8x128xi32>, vector<8x128xf32>, vector<8x128xf32>, vector<8x128xf32>
    }
    %scan3A_41 = arith.constant 128 : i32
    %swap3A = arith.constant 0 : index
    %swap3A_42 = arith.constant 0 : index
    %swap3A_43 = arith.constant 0 : index
    %swap3A_44 = vector.load %arg9[%swap3A, %swap3A_42, %swap3A_43] : memref<3x8x128xf32, #tpu.memory_space<vmem>>, vector<1x8x128xf32>
    %swap3A_45 = vector.shape_cast %swap3A_44 : vector<1x8x128xf32> to vector<8x128xf32>
    %swap3A_46 = vector.shape_cast %scan3A_40#0 : vector<8x128xf32> to vector<1x8x128xf32>
    tpu.vector_store %arg9[%swap3A, %swap3A_42, %swap3A_43], %swap3A_46 {strides = array<i32>} : memref<3x8x128xf32, #tpu.memory_space<vmem>>, vector<1x8x128xf32>,
    %swap3A_47 = arith.constant 1 : index
    %swap3A_48 = arith.constant 0 : index
    %swap3A_49 = arith.constant 0 : index
    %swap3A_50 = vector.load %arg9[%swap3A_47, %swap3A_48, %swap3A_49] : memref<3x8x128xf32, #tpu.memory_space<vmem>>, vector<1x8x128xf32>
    %swap3A_51 = vector.shape_cast %swap3A_50 : vector<1x8x128xf32> to vector<8x128xf32>
    %swap3A_52 = vector.shape_cast %scan3A_40#1 : vector<8x128xf32> to vector<1x8x128xf32>
    tpu.vector_store %arg9[%swap3A_47, %swap3A_48, %swap3A_49], %swap3A_52 {strides = array<i32>} : memref<3x8x128xf32, #tpu.memory_space<vmem>>, vector<1x8x128xf32>,
    %swap3A_53 = arith.constant 2 : index
    %swap3A_54 = arith.constant 0 : index
    %swap3A_55 = arith.constant 0 : index
    %swap3A_56 = vector.load %arg9[%swap3A_53, %swap3A_54, %swap3A_55] : memref<3x8x128xf32, #tpu.memory_space<vmem>>, vector<1x8x128xf32>
    %swap3A_57 = vector.shape_cast %swap3A_56 : vector<1x8x128xf32> to vector<8x128xf32>
    %swap3A_58 = vector.shape_cast %scan3A_40#2 : vector<8x128xf32> to vector<1x8x128xf32>
    tpu.vector_store %arg9[%swap3A_53, %swap3A_54, %swap3A_55], %swap3A_58 {strides = array<i32>} : memref<3x8x128xf32, #tpu.memory_space<vmem>>, vector<1x8x128xf32>,
    %swap3A_59 = arith.constant 0 : index
    %swap3A_60 = arith.constant 0 : index
    %swap3A_61 = vector.load %arg4[%swap3A_59, %swap3A_60] : memref<8x128xi32, #tpu.memory_space<vmem>>, vector<8x128xi32>
    tpu.vector_store %arg4[%swap3A_59, %swap3A_60], %scan3A_40#3 {strides = array<i32>} : memref<8x128xi32, #tpu.memory_space<vmem>>, vector<8x128xi32>,
    %swap3A_62 = arith.constant 0 : index
    %swap3A_63 = arith.constant 0 : index
    %swap3A_64 = vector.load %arg5[%swap3A_62, %swap3A_63] : memref<8x128xf32, #tpu.memory_space<vmem>>, vector<8x128xf32>
    tpu.vector_store %arg5[%swap3A_62, %swap3A_63], %scan3A_40#4 {strides = array<i32>} : memref<8x128xf32, #tpu.memory_space<vmem>>, vector<8x128xf32>,
    %swap3A_65 = arith.constant 0 : index
    %swap3A_66 = arith.constant 0 : index
    %swap3A_67 = vector.load %arg6[%swap3A_65, %swap3A_66] : memref<8x128xf32, #tpu.memory_space<vmem>>, vector<8x128xf32>
    tpu.vector_store %arg6[%swap3A_65, %swap3A_66], %scan3A_40#5 {strides = array<i32>} : memref<8x128xf32, #tpu.memory_space<vmem>>, vector<8x128xf32>,
    %swap3A_68 = arith.constant 0 : index
    %swap3A_69 = arith.constant 0 : index
    %swap3A_70 = vector.load %arg7[%swap3A_68, %swap3A_69] : memref<8x128xf32, #tpu.memory_space<vmem>>, vector<8x128xf32>
    tpu.vector_store %arg7[%swap3A_68, %swap3A_69], %scan3A_40#6 {strides = array<i32>} : memref<8x128xf32, #tpu.memory_space<vmem>>, vector<8x128xf32>,
    return
  }
  func.func @transform_0(%arg0: i32) -> (i32, i32) {
    %c0_i32 = arith.constant 0 : i32
    %c0_i32_0 = arith.constant 0 : i32
    %c0_i32_1 = arith.constant 0 : i32
    return %c0_i32, %c0_i32_0 : i32, i32
  }
  func.func @transform_1(%arg0: i32) -> (i32, i32) {
    %c0_i32 = arith.constant 0 : i32
    %c0_i32_0 = arith.constant 0 : i32
    %c0_i32_1 = arith.constant 0 : i32
    return %c0_i32, %c0_i32_0 : i32, i32
  }
  func.func @transform_2(%arg0: i32) -> (i32, i32) {
    %c0_i32 = arith.constant 0 : i32
    %c0_i32_0 = arith.constant 0 : i32
    %c0_i32_1 = arith.constant 0 : i32
    return %c0_i32, %c0_i32_0 : i32, i32
  }
  func.func @transform_3(%arg0: i32) -> (i32, i32) {
    %c0_i32 = arith.constant 0 : i32
    %c0_i32_0 = arith.constant 0 : i32
    return %c0_i32, %arg0 : i32, i32
  }
  func.func @transform_4(%arg0: i32) -> (i32, i32) {
    %c0_i32 = arith.constant 0 : i32
    %c0_i32_0 = arith.constant 0 : i32
    return %c0_i32, %arg0 : i32, i32
  }
  func.func @transform_5(%arg0: i32) -> (i32, i32) {
    %c0_i32 = arith.constant 0 : i32
    %c0_i32_0 = arith.constant 0 : i32
    return %c0_i32, %arg0 : i32, i32
  }
  func.func @transform_6(%arg0: i32) -> (i32, i32) {
    %c0_i32 = arith.constant 0 : i32
    %c0_i32_0 = arith.constant 0 : i32
    return %c0_i32, %arg0 : i32, i32
  }
}

</mosaic_0001>

<sc_bundles>
// kernel: kernel.4.cloned.1.call-start
scs
__scs_entry_jumppad:
0x0: {  	(pc) =	sbr.rel $0x88, $3  }
0x1: {  	(tag) =	ssettag $0x0;
	lr =	simm.s32 $0x1  }
0x2: {  	[smem:$0x3F9F] =	sst lr;
	_ =	strace $0xD0000000  }
0x3: {  	_ = 	snop  }
0x4: {  	_ = 	snop  }
0x5: {  	_ = 	snop  }
0x6: {  	_ = 	snop  }
0x7: {  	_ = 	snop  }
__scs_overlays_trampoline_lowered:
0x8: {  	[smem:$0x3FAE] =	sst s0  }
0x9: {  	[smem:$0x3FAF] =	sst s1  }
0xa: {  	[smem:$0x3FB0] =	sst s2  }
0xb: {  	[smem:$0x3FB1] =	sst s3  }
0xc: {  	[smem:$0x3FB2] =	sst s4  }
0xd: {  	[smem:$0x3FB3] =	sst s5  }
0xe: {  	[smem:$0x3FB4] =	sst s6  }
0xf: {  	[smem:$0x3FB5] =	sst s7  }
0x10: {  	[smem:$0x3FB6] =	sst s8  }
0x11: {  	[smem:$0x3FB7] =	sst s9;
	s0 =	simm.s32 @!p0 $0x0  }
0x12: {  	s1 =	sld [smem:$0x3F9D];
	s0 =	simm.s32 @p0 $0x1  }
0x13: {  	[smem:$0x3FB8] =	sst s0;
	s0 =	simm.s32 @!p1 $0x0  }
0x14: {  	s2 =	sld [smem:$0x3F9C];
	s0 =	simm.s32 @p1 $0x1  }
0x15: {  	[smem:$0x3FB9] =	sst s0;
	s0 =	simm.s32 @!p2 $0x0  }
0x16: {  	s3 =	sld [smem:$0x3FDB];
	s0 =	simm.s32 @p2 $0x1  }
0x17: {  	s4 =	simm.s32 $0x1BF5;
	[smem:$0x3FBB] =	sst s0  }
0x18: {  	s0 =	sld [smem:$0x3F9E];
	_ =	swait.ge [sflag:s4], $0x0  }
0x19: {  	s7 =	sld [smem:$0x3F9F]  }
0x1a: {  	s8 =	sadd.s32 $0xFFFFE003, lr  }
0x1b: {  	s9 =	sadd.s32 $0xFFFFFEF7, lr;
	s5 =	simm.s32 $0xFFFFFFFF;
	p2 =	slt.u32 s8, $0xFFFFF086  }
0x1c: {  	p1 =	slt.u32 s9, $0xF7A;
	s5 =	simm.s32 @!p2 $0x0  }
0x1d: {  	s5 =	simm.s32 @p1 $0x1;
	p0 =	seq.s32 s7, s2  }
0x1e: {  	s7 =	smul.u32 @!p0 $0xF7A, s2;
	p2 =	seq.s32 @!p0 s5, $0x0  }
0x1f: {  	s9 =	smul.u32 $0xF7A, s1;
	s8 =	simm.s32 @!p0 $0x1BF5;
	p2 =	por !p2, p0  }
0x20: {  	[sflag:s8] =	ssyncset.s32 @!p0 $0xFFFFF086;
	s6 =	sadd.s32 @!p0 s3, s7;
	s7 =	simm.s32 @!p0 $0x108  }
0x21: {  	s3 =	sadd.s32 s3, s9;
	s6 =	sadd.s32 @!p0 $0x88, s6;
	s7 =	simm.s32 @p2 $0x1082  }
0x22: {  	[simem:s7], [sflag:s8] =	dma.local @!p0 [hbm:s6], $0xF7A  }
0x23: {  	s9 =	sor.u32 $0xD0000000, s2;
	s6 =	simm.s32 $0x108;
	_ =	swait.ge @!p0 [sflag:s8], $0x0  }
0x24: {  	s3 =	sadd.s32 $0x88, s3;
	s6 =	simm.s32 @!p1 $0x1082;
	[sflag:s4] =	ssyncset.s32 $0xFFFFF086  }
0x25: {  	[simem:s6], [sflag:s4] =	dma.local [hbm:s3], $0xF7A  }
0x26: {  	[smem:$0x3F9F] =	sst s1;
	(tag) =	ssettag s2;
	_ =	strace s9  }
0x27: {  	s1 =	sld [smem:$0x3FAF]  }
0x28: {  	s2 =	sld [smem:$0x3FB0]  }
0x29: {  	s4 =	sld [smem:$0x3FB2]  }
0x2a: {  	p0 =	seq.s32 s5, $0x0;
	s5 =	sld [smem:$0x3FB3]  }
0x2b: {  	s6 =	sld [smem:$0x3FB4]  }
0x2c: {  	s7 =	sld [smem:$0x3FB5]  }
0x2d: {  	s3 =	simm.s32 $0x108;
	s8 =	sld [smem:$0x3FB6]  }
0x2e: {  	s3 =	simm.s32 @!p0 $0x1082;
	s9 =	sld [smem:$0x3FB7]  }
0x2f: {  	lr =	sadd.s32 s0, s3;
	s0 =	sld [smem:$0x3FAE]  }
0x30: {  	s3 =	sld [smem:$0x3FB1]  }
0x31: {  	[smem:$0x3FBA] =	sst s10  }
0x32: {  	s10 =	sld [smem:$0x3FB8];
	_ =	sdelay $0x3  }
0x33: {  	p0 =	seq.s32 s10, $0x1;
	s10 =	sld [smem:$0x3FBA];
	_ =	sdelay $0x3  }
0x34: {  	[smem:$0x3FBA] =	sst s10  }
0x35: {  	s10 =	sld [smem:$0x3FB9];
	_ =	sdelay $0x3  }
0x36: {  	p1 =	seq.s32 s10, $0x1;
	s10 =	sld [smem:$0x3FBA];
	_ =	sdelay $0x3  }
0x37: {  	[smem:$0x3FBA] =	sst s10  }
0x38: {  	s10 =	sld [smem:$0x3FBB]  }
0x39: {  	_ = 	snop;
	(pc) =	sbr.ind lr, $3  }
0x3a: {  	_ = 	snop  }
0x3b: {  	_ = 	snop  }
0x3c: {  	p2 =	seq.s32 s10, $0x1;
	s10 =	sld [smem:$0x3FBA]  }
0x3d: {  	_ =	shalt  }
0x3e: {  	_ =	shalt  }
0x3f: {  	_ =	shalt  }
0x40: {  	_ =	shalt  }
0x41: {  	_ =	shalt  }
0x42: {  	_ =	shalt  }
0x43: {  	_ =	shalt  }
0x44: {  	_ =	shalt  }
0x45: {  	_ =	shalt  }
0x46: {  	_ =	shalt  }
0x47: {  	_ =	shalt  }
0x48: {  	_ =	shalt  }
0x49: {  	_ =	shalt  }
0x4a: {  	_ =	shalt  }
0x4b: {  	_ =	shalt  }
0x4c: {  	_ =	shalt  }
0x4d: {  	_ =	shalt  }
0x4e: {  	_ =	shalt  }
0x4f: {  	_ =	shalt  }
0x50: {  	_ =	shalt  }
0x51: {  	_ =	shalt  }
0x52: {  	_ =	shalt  }
0x53: {  	_ =	shalt  }
0x54: {  	_ =	shalt  }
0x55: {  	_ =	shalt  }
0x56: {  	_ =	shalt  }
0x57: {  	_ =	shalt  }
0x58: {  	_ =	shalt  }
0x59: {  	_ =	shalt  }
0x5a: {  	_ =	shalt  }
0x5b: {  	_ =	shalt  }
0x5c: {  	_ =	shalt  }
0x5d: {  	_ =	shalt  }
0x5e: {  	_ =	shalt  }
0x5f: {  	_ =	shalt  }
0x60: {  	_ =	shalt  }
0x61: {  	_ =	shalt  }
0x62: {  	_ =	shalt  }
0x63: {  	_ =	shalt  }
0x64: {  	_ =	shalt  }
0x65: {  	_ =	shalt  }
0x66: {  	_ =	shalt  }
0x67: {  	_ =	shalt  }
0x68: {  	_ =	shalt  }
0x69: {  	_ =	shalt  }
0x6a: {  	_ =	shalt  }
0x6b: {  	_ =	shalt  }
0x6c: {  	_ =	shalt  }
0x6d: {  	_ =	shalt  }
0x6e: {  	_ =	shalt  }
0x6f: {  	_ =	shalt  }
0x70: {  	_ =	shalt  }
0x71: {  	_ =	shalt  }
0x72: {  	_ =	shalt  }
0x73: {  	_ =	shalt  }
0x74: {  	_ =	shalt  }
0x75: {  	_ =	shalt  }
0x76: {  	_ =	shalt  }
0x77: {  	_ =	shalt  }
0x78: {  	_ =	shalt  }
0x79: {  	_ =	shalt  }
0x7a: {  	_ =	shalt  }
0x7b: {  	_ =	shalt  }
0x7c: {  	_ =	shalt  }
0x7d: {  	_ =	shalt  }
0x7e: {  	_ =	shalt  }
0x7f: {  	_ =	shalt  }
0x80: {  	_ =	shalt  }
0x81: {  	_ =	shalt  }
0x82: {  	_ =	shalt  }
0x83: {  	_ =	shalt  }
0x84: {  	_ =	shalt  }
0x85: {  	_ =	shalt  }
0x86: {  	_ =	shalt  }
0x87: {  	_ =	shalt  }
.Lfunc_end0:
.L_simem_size_0:
called_computation_lowered:
.L_overlay_start_0:
0x88: {  	s2 =	sld [smem:$0x3FD9]  }
0x89: {  	s3 =	sld [smem:$0x3FFE];
	_ =	sdelay $0x1  }
0x8a: {  	s1 =	srdreg.scid  }
0x8b: {  	s0 =	sand.u32 $0x1, s1  }
0x8c: {  	s14 =	sshll.u32 s0, $0xA;
	s2 =	sadd.s32 s3, s2  }
0x8d: {  	s2 =	sadd.s32 s2, s14  }
0x8e: {  	[smem:$0x3FC6] =	sst s2  }
0x8f: {  	_ = 	snop  }
0x90: {  	s2 =	sld [smem:$0x3FD0];
	_ =	sdelay $0x2  }
0x91: {  	s15 =	simm.s32 $0xA;
	s4 =	simm.s32 $0x10  }
0x92: {  	[smem:s4], [sflag:s15] =	dma.local [hbm:s2], $0x1  }
0x93: {  	_ =	swait.eq [sflag:s15], $0x1  }
0x94: {  	[sflag:s15] =	ssyncset.done $0x0  }
0x95: {  	[sflag:s15] =	ssyncadd.s32 $0xFFFFFFFF  }
0x96: {  	s16 =	sld [smem:$0x11];
	(tm) =	ssettm $0x1  }
0x97: {  	s17 =	sld [smem:$0x3FFB];
	_ =	sdelay $0x3  }
0x98: {  	_ =	strace s17  }
0x99: {  	s3 =	sld [smem:$0x3FFC];
	_ =	sdelay $0x3  }
0x9a: {  	_ =	strace s3  }
0x9b: {  	s3 =	sld [smem:$0x3FFD];
	_ =	sdelay $0x3  }
0x9c: {  	_ =	strace s3  }
0x9d: {  	_ =	strace $0x8FFFFFFF  }
0x9e: {  	s18 =	sld [smem:$0x3FDB];
	_ =	sdelay $0x1  }
0x9f: {  	s19 =	simm.s32 $_scs_section_size  }
0xa0: {  	s5 =	simm.s32 $_size__tile_overlayer_lowered;
	s6 =	simm.s32 $_tile_overlayer_lowered  }
0xa1: {  	s22 =	simm.s32 $0x1BFF;
	s21 =	sshll.u32 s6, $0x1;
	s3 =	sadd.s32 s19, s18  }
0xa2: {  	s7 =	simm.s32 $0x0;
	s20 =	sshll.u32 s5, $0x1;
	s5 =	sadd.s32 s21, s3  }
0xa3: {  	[timem:s7], [sflag:s22] =	dma.local [hbm:s5], s20  }
0xa4: {  	_ =	swait.ge [sflag:s22], s20  }
0xa5: {  	s4 =	ssub.s32 $0x0, s20;
	[sflag:s22] =	ssyncset.done $0x0  }
0xa6: {  	[sflag:s22] =	ssyncadd.s32 s4;
	_ =	sdelay $0x1  }
0xa7: {  	s23 =	simm.s32 $0x1B8B  }
0xa8: {  	_ =	swait.ge [sflag:s23], $0x1  }
0xa9: {  	[sflag:s23] =	ssyncset.done $0x0  }
0xaa: {  	s25 =	simm.s32 $0x1B8E;
	s24 =	sld [smem:$0x3FFE];
	[sflag:s23] =	ssyncadd.s32 $0xFFFFFFFF  }
0xab: {  	s26 =	simm.s32 $execute0_lowered;
	[smem:$0x3FD2] =	sst s25  }
0xac: {  	s5 =	sshll.u32 s26, $0x1;
	_ =	strace $0x80000046;
	[dreg:$0x1] =	wrdreg $0xFFFFFFFF  }
0xad: {  	s28 =	simm.s32 $_size_execute0_lowered;
	s3 =	sadd.s32 s3, s5;
	[dreg:$0x0] =	wrdreg $0x0  }
0xae: {  	s5 =	sshll.u32 s28, $0x1;
	[dreg:$0x2] =	wrdreg s3  }
0xaf: {  	[dreg:$0x3] =	wrdreg s5  }
0xb0: {  	[dreg:$0x4] =	wrdreg $0xC0  }
0xb1: {  	_ =	task [dreg:s7], $0x5FFFF  }
0xb2: {  	[dreg:$0x1] =	wrdreg $0xFFFFFFFF  }
0xb3: {  	[dreg:$0x0] =	wrdreg $0x60  }
0xb4: {  	[dreg:$0x2] =	wrdreg s24  }
0xb5: {  	[dreg:$0x3] =	wrdreg s16  }
0xb6: {  	[dreg:$0x4] =	wrdreg $0x9  }
0xb7: {  	_ =	task.clear_ibuf [dreg:s7], $0x5FFFF;
	_ =	strace $0x90000046  }
0xb8: {  	s29 =	simm.s32 $0x9;
	_ =	strace $0x80000048  }
0xb9: {  	_ =	swait.ge [sflag:s29], $0x1  }
0xba: {  	[sflag:s29] =	ssyncadd.s32 $0xFFFFFFFF  }
0xbb: {  	_ =	strace $0x90000048  }
0xbc: {  	_ =	sfence  }
0xbd: {  	s30 =	sld [smem:$0x0];
	_ =	sdelay $0x2  }
0xbe: {  	s31 =	sshll.u32 s1, $0xD;
	s1 =	sshrl.u32 s1, $0x2  }
0xbf: {  	s3 =	sand.u32 $0x4000, s31;
	s1 =	sadd.s32 s1, s30  }
0xc0: {  	s0 =	sor.u32 s3, s0;
	s1 =	sshll.u32 s1, $0x11  }
0xc1: {  	s0 =	sor.u32 s1, s0  }
0xc2: {  	s0 =	sadd.s32 $0x8F2B, s0  }
0xc3: {  	[sflag:s0] =	ssyncadd.remote.s32 $0x1  }
0xc4: {  	_ =	sfence.sel $0xFFFF  }
0xc5: {  	[dreg:$0x0] =	wrdreg $0xFFFFFFFF;
	(pc) =	sbr.abs _section_cstart, $3  }
0xc6: {  	[dreg:$0x1] =	wrdreg $0xFFFFFFFF  }
0xc7: {  	_ =	task.clear_ibuf [dreg:s7], $0x2FFFF;
	_ =	strace $0x9FFFFFFF  }
0xc8: {  	(tm) =	ssettm $0x7FFFFFFF  }
0xc9: {  	_ =	shalt  }
tec
execute0_lowered:
.L_overlay_start_1:
0x0: {  	(tag) =	ssettag $0x1  }
0x1: {  	s1 =	srdreg.scid;
	s0 =	stileid.u32  }
0x2: {  	s1 =	sand.u32 $0x1, s1;
	s2 =	sshll.u32 s0, $0x1  }
0x3: {  	s5 =	rddreg [dreg:$0x0];
	s4 =	sor.u32 s1, s2  }
0x4: {  	s3 =	rddreg [dreg:$0x1];
	s6 =	sshll.u32 s4, $0x8  }
0x5: {  	s2 =	simm.s32 $0x0;
	s4 =	sshll.u32 s4, $0xE;
	s6 =	sadd.s32 s6, s5  }
0x6: {  	[smem:$0x7FF] =	sst s2;
	s3 =	sadd.s32 s3, s4;
	s6 =	sadd.s32 $0x800, s6  }
0x7: {  	_ =	strace $0x80000047;
	s4 =	sadd.s32 $0x400, s3;
	[dreg:$0x3] =	wrdreg s6  }
0x8: {  	s19 =	sadd.s32 $0x800, s3;
	[dreg:$0x4] =	wrdreg s4  }
0x9: {  	s20 =	sadd.s32 $0xC00, s3;
	[dreg:$0x5] =	wrdreg s19  }
0xa: {  	s21 =	sadd.s32 $0x1000, s3;
	[dreg:$0x6] =	wrdreg s20  }
0xb: {  	s22 =	sadd.s32 $0x1400, s3;
	[dreg:$0x7] =	wrdreg s21  }
0xc: {  	s23 =	sadd.s32 $0x1800, s3;
	[dreg:$0x8] =	wrdreg s22  }
0xd: {  	s24 =	sadd.s32 $0x1C00, s3;
	[dreg:$0x9] =	wrdreg s23  }
0xe: {  	s25 =	sadd.s32 $0x2000, s3;
	[dreg:$0xa] =	wrdreg s24  }
0xf: {  	s26 =	sadd.s32 $0x2400, s3;
	[dreg:$0xb] =	wrdreg s25  }
0x10: {  	[dreg:$0xc] =	wrdreg s26  }
0x11: {  	s4 =	simm.s32 $0x3;
	s6 =	rddreg [dreg:$0x3]  }
0x12: {  	[tilespmem:s2], [sflag:$0x3] =	stream.linear.gather [hbm4b:s6+s2], $0x800, $0x38;
	[tilespmem:$0x4800] =	vst v63  }
0x13: {  	_ =	swait.ge [sflag:s4], $0x800  }
0x14: {  	s7 =	simm.s32 $0x800;
	s8 =	simm.s32 $0x1;
	[sflag:s4] =	ssyncset.done $0x0  }
0x15: {  	s5 =	sadd.s32 $0x202800, s5;
	s6 =	simm.s32 $0x80;
	[sflag:s4] =	ssyncadd.s32 $0xFFFFF800  }
0x16: {  	[tilespmem:s7], [sflag:$0x1] =	stream.indirect.gather [hbm4b:s5+s6], $0x40, s2, s6, $0xb8;
	[tilespmem:$0x4800] =	vst v63  }
0x17: {  	_ =	swait.ge [sflag:s8], $0x2000  }
0x18: {  	[sflag:s8] =	ssyncset.done $0x0  }
0x19: {  	[sflag:s8] =	ssyncadd.s32 $0xFFFFE000  }
0x1a: {  	[hbm4b:s3+s2] =	stream.linear.scatter [tilespmem:s7], [sflag:$0x1], $0x2000, $0x38;
	[tilespmem:$0x4800] =	vst v63  }
0x1b: {  	s10 =	simm.s32 $0x2800;
	s9 =	simm.s32 $0x2  }
0x1c: {  	[tilespmem:s10], [sflag:$0x2] =	stream.indirect.gather [hbm4b:s5+s6], $0x40, s6, s6, $0xb8;
	[tilespmem:$0x4800] =	vst v63  }
0x1d: {  	_ =	swait.ge [sflag:s9], $0x2000  }
0x1e: {  	[sflag:s9] =	ssyncset.done $0x0  }
0x1f: {  	s11 =	rddreg [dreg:$0x4];
	[sflag:s9] =	ssyncadd.s32 $0xFFFFE000  }
0x20: {  	[hbm4b:s11+s2] =	stream.linear.scatter [tilespmem:s10], [sflag:$0x2], $0x2000, $0x38;
	[tilespmem:$0x4800] =	vst v63  }
0x21: {  	_ =	swait.ge [sflag:s8], $0x2000  }
0x22: {  	[sflag:s8] =	ssyncset.done $0x0  }
0x23: {  	s11 =	simm.s32 $0x100;
	[sflag:s8] =	ssyncadd.s32 $0xFFFFE000  }
0x24: {  	[tilespmem:s7], [sflag:$0x1] =	stream.indirect.gather [hbm4b:s5+s6], $0x40, s11, s6, $0xb8;
	[tilespmem:$0x4800] =	vst v63  }
0x25: {  	_ =	swait.ge [sflag:s8], $0x2000  }
0x26: {  	[sflag:s8] =	ssyncset.done $0x0  }
0x27: {  	s12 =	rddreg [dreg:$0x5];
	[sflag:s8] =	ssyncadd.s32 $0xFFFFE000  }
0x28: {  	[hbm4b:s12+s2] =	stream.linear.scatter [tilespmem:s7], [sflag:$0x1], $0x2000, $0x38;
	[tilespmem:$0x4800] =	vst v63  }
0x29: {  	_ =	swait.ge [sflag:s9], $0x2000  }
0x2a: {  	[sflag:s9] =	ssyncset.done $0x0  }
0x2b: {  	s12 =	simm.s32 $0x180;
	[sflag:s9] =	ssyncadd.s32 $0xFFFFE000  }
0x2c: {  	[tilespmem:s10], [sflag:$0x2] =	stream.indirect.gather [hbm4b:s5+s6], $0x40, s12, s6, $0xb8;
	[tilespmem:$0x4800] =	vst v63  }
0x2d: {  	_ =	swait.ge [sflag:s9], $0x2000  }
0x2e: {  	[sflag:s9] =	ssyncset.done $0x0  }
0x2f: {  	s13 =	rddreg [dreg:$0x6];
	[sflag:s9] =	ssyncadd.s32 $0xFFFFE000  }
0x30: {  	[hbm4b:s13+s2] =	stream.linear.scatter [tilespmem:s10], [sflag:$0x2], $0x2000, $0x38;
	[tilespmem:$0x4800] =	vst v63  }
0x31: {  	_ =	swait.ge [sflag:s8], $0x2000  }
0x32: {  	[sflag:s8] =	ssyncset.done $0x0  }
0x33: {  	s13 =	simm.s32 $0x200;
	[sflag:s8] =	ssyncadd.s32 $0xFFFFE000  }
0x34: {  	[tilespmem:s7], [sflag:$0x1] =	stream.indirect.gather [hbm4b:s5+s6], $0x40, s13, s6, $0xb8;
	[tilespmem:$0x4800] =	vst v63  }
0x35: {  	_ =	swait.ge [sflag:s8], $0x2000  }
0x36: {  	[sflag:s8] =	ssyncset.done $0x0  }
0x37: {  	s14 =	rddreg [dreg:$0x7];
	[sflag:s8] =	ssyncadd.s32 $0xFFFFE000  }
0x38: {  	[hbm4b:s14+s2] =	stream.linear.scatter [tilespmem:s7], [sflag:$0x1], $0x2000, $0x38;
	[tilespmem:$0x4800] =	vst v63  }
0x39: {  	_ =	swait.ge [sflag:s9], $0x2000  }
0x3a: {  	[sflag:s9] =	ssyncset.done $0x0  }
0x3b: {  	s14 =	simm.s32 $0x280;
	[sflag:s9] =	ssyncadd.s32 $0xFFFFE000  }
0x3c: {  	[tilespmem:s10], [sflag:$0x2] =	stream.indirect.gather [hbm4b:s5+s6], $0x40, s14, s6, $0xb8;
	[tilespmem:$0x4800] =	vst v63  }
0x3d: {  	_ =	swait.ge [sflag:s9], $0x2000  }
0x3e: {  	[sflag:s9] =	ssyncset.done $0x0  }
0x3f: {  	s15 =	rddreg [dreg:$0x8];
	[sflag:s9] =	ssyncadd.s32 $0xFFFFE000  }
0x40: {  	[hbm4b:s15+s2] =	stream.linear.scatter [tilespmem:s10], [sflag:$0x2], $0x2000, $0x38;
	[tilespmem:$0x4800] =	vst v63  }
0x41: {  	_ =	swait.ge [sflag:s8], $0x2000  }
0x42: {  	[sflag:s8] =	ssyncset.done $0x0  }
0x43: {  	s15 =	simm.s32 $0x300;
	[sflag:s8] =	ssyncadd.s32 $0xFFFFE000  }
0x44: {  	[tilespmem:s7], [sflag:$0x1] =	stream.indirect.gather [hbm4b:s5+s6], $0x40, s15, s6, $0xb8;
	[tilespmem:$0x4800] =	vst v63  }
0x45: {  	_ =	swait.ge [sflag:s8], $0x2000  }
0x46: {  	[sflag:s8] =	ssyncset.done $0x0  }
0x47: {  	s16 =	rddreg [dreg:$0x9];
	[sflag:s8] =	ssyncadd.s32 $0xFFFFE000  }
0x48: {  	[hbm4b:s16+s2] =	stream.linear.scatter [tilespmem:s7], [sflag:$0x1], $0x2000, $0x38;
	[tilespmem:$0x4800] =	vst v63  }
0x49: {  	_ =	swait.ge [sflag:s9], $0x2000  }
0x4a: {  	[sflag:s9] =	ssyncset.done $0x0  }
0x4b: {  	s16 =	simm.s32 $0x380;
	[sflag:s9] =	ssyncadd.s32 $0xFFFFE000  }
0x4c: {  	[tilespmem:s10], [sflag:$0x2] =	stream.indirect.gather [hbm4b:s5+s6], $0x40, s16, s6, $0xb8;
	[tilespmem:$0x4800] =	vst v63  }
0x4d: {  	_ =	swait.ge [sflag:s9], $0x2000  }
0x4e: {  	[sflag:s9] =	ssyncset.done $0x0  }
0x4f: {  	s17 =	rddreg [dreg:$0xa];
	[sflag:s9] =	ssyncadd.s32 $0xFFFFE000  }
0x50: {  	[hbm4b:s17+s2] =	stream.linear.scatter [tilespmem:s10], [sflag:$0x2], $0x2000, $0x38;
	[tilespmem:$0x4800] =	vst v63  }
0x51: {  	_ =	swait.ge [sflag:s8], $0x2000  }
0x52: {  	[sflag:s8] =	ssyncset.done $0x0  }
0x53: {  	s17 =	simm.s32 $0x400;
	[sflag:s8] =	ssyncadd.s32 $0xFFFFE000  }
0x54: {  	[tilespmem:s7], [sflag:$0x1] =	stream.indirect.gather [hbm4b:s5+s6], $0x40, s17, s6, $0xb8;
	[tilespmem:$0x4800] =	vst v63  }
0x55: {  	_ =	swait.ge [sflag:s8], $0x2000  }
0x56: {  	[sflag:s8] =	ssyncset.done $0x0  }
0x57: {  	s18 =	rddreg [dreg:$0xb];
	[sflag:s8] =	ssyncadd.s32 $0xFFFFE000  }
0x58: {  	[hbm4b:s18+s2] =	stream.linear.scatter [tilespmem:s7], [sflag:$0x1], $0x2000, $0x38;
	[tilespmem:$0x4800] =	vst v63  }
0x59: {  	_ =	swait.ge [sflag:s9], $0x2000  }
0x5a: {  	[sflag:s9] =	ssyncset.done $0x0  }
0x5b: {  	s18 =	simm.s32 $0x480;
	[sflag:s9] =	ssyncadd.s32 $0xFFFFE000  }
0x5c: {  	[tilespmem:s10], [sflag:$0x2] =	stream.indirect.gather [hbm4b:s5+s6], $0x40, s18, s6, $0xb8;
	[tilespmem:$0x4800] =	vst v63  }
0x5d: {  	_ =	swait.ge [sflag:s9], $0x2000  }
0x5e: {  	[sflag:s9] =	ssyncset.done $0x0  }
0x5f: {  	s19 =	rddreg [dreg:$0xc];
	[sflag:s9] =	ssyncadd.s32 $0xFFFFE000  }
0x60: {  	[hbm4b:s19+s2] =	stream.linear.scatter [tilespmem:s10], [sflag:$0x2], $0x2000, $0x38;
	[tilespmem:$0x4800] =	vst v63  }
0x61: {  	_ =	swait.ge [sflag:s8], $0x2000  }
0x62: {  	[sflag:s8] =	ssyncset.done $0x0  }
0x63: {  	s19 =	simm.s32 $0x500;
	[sflag:s8] =	ssyncadd.s32 $0xFFFFE000  }
0x64: {  	[tilespmem:s7], [sflag:$0x1] =	stream.indirect.gather [hbm4b:s5+s6], $0x40, s19, s6, $0xb8;
	[tilespmem:$0x4800] =	vst v63  }
0x65: {  	_ =	swait.ge [sflag:s8], $0x2000  }
0x66: {  	[sflag:s8] =	ssyncset.done $0x0  }
0x67: {  	s20 =	sadd.s32 $0x2800, s3;
	[sflag:s8] =	ssyncadd.s32 $0xFFFFE000  }
0x68: {  	[hbm4b:s20+s2] =	stream.linear.scatter [tilespmem:s7], [sflag:$0x1], $0x2000, $0x38;
	[tilespmem:$0x4800] =	vst v63  }
0x69: {  	_ =	swait.ge [sflag:s9], $0x2000  }
0x6a: {  	[sflag:s9] =	ssyncset.done $0x0  }
0x6b: {  	s21 =	simm.s32 $0x580;
	[sflag:s9] =	ssyncadd.s32 $0xFFFFE000  }
0x6c: {  	[tilespmem:s10], [sflag:$0x2] =	stream.indirect.gather [hbm4b:s5+s6], $0x40, s21, s6, $0xb8;
	[tilespmem:$0x4800] =	vst v63  }
0x6d: {  	_ =	swait.ge [sflag:s9], $0x2000  }
0x6e: {  	[sflag:s9] =	ssyncset.done $0x0  }
0x6f: {  	s22 =	sadd.s32 $0x2C00, s3;
	[sflag:s9] =	ssyncadd.s32 $0xFFFFE000  }
0x70: {  	[hbm4b:s22+s2] =	stream.linear.scatter [tilespmem:s10], [sflag:$0x2], $0x2000, $0x38;
	[tilespmem:$0x4800] =	vst v63  }
0x71: {  	_ =	swait.ge [sflag:s8], $0x2000  }
0x72: {  	[sflag:s8] =	ssyncset.done $0x0  }
0x73: {  	s23 =	simm.s32 $0x600;
	[sflag:s8] =	ssyncadd.s32 $0xFFFFE000  }
0x74: {  	[tilespmem:s7], [sflag:$0x1] =	stream.indirect.gather [hbm4b:s5+s6], $0x40, s23, s6, $0xb8;
	[tilespmem:$0x4800] =	vst v63  }
0x75: {  	_ =	swait.ge [sflag:s8], $0x2000  }
0x76: {  	[sflag:s8] =	ssyncset.done $0x0  }
0x77: {  	s24 =	sadd.s32 $0x3000, s3;
	[sflag:s8] =	ssyncadd.s32 $0xFFFFE000  }
0x78: {  	[hbm4b:s24+s2] =	stream.linear.scatter [tilespmem:s7], [sflag:$0x1], $0x2000, $0x38;
	[tilespmem:$0x4800] =	vst v63  }
0x79: {  	_ =	swait.ge [sflag:s9], $0x2000  }
0x7a: {  	[sflag:s9] =	ssyncset.done $0x0  }
0x7b: {  	s25 =	simm.s32 $0x680;
	[sflag:s9] =	ssyncadd.s32 $0xFFFFE000  }
0x7c: {  	[tilespmem:s10], [sflag:$0x2] =	stream.indirect.gather [hbm4b:s5+s6], $0x40, s25, s6, $0xb8;
	[tilespmem:$0x4800] =	vst v63  }
0x7d: {  	_ =	swait.ge [sflag:s9], $0x2000  }
0x7e: {  	[sflag:s9] =	ssyncset.done $0x0  }
0x7f: {  	s26 =	sadd.s32 $0x3400, s3;
	[sflag:s9] =	ssyncadd.s32 $0xFFFFE000  }
0x80: {  	[hbm4b:s26+s2] =	stream.linear.scatter [tilespmem:s10], [sflag:$0x2], $0x2000, $0x38;
	[tilespmem:$0x4800] =	vst v63  }
0x81: {  	_ =	swait.ge [sflag:s8], $0x2000  }
0x82: {  	[sflag:s8] =	ssyncset.done $0x0  }
0x83: {  	s28 =	simm.s32 $0x700;
	[sflag:s8] =	ssyncadd.s32 $0xFFFFE000  }
0x84: {  	[tilespmem:s7], [sflag:$0x1] =	stream.indirect.gather [hbm4b:s5+s6], $0x40, s28, s6, $0xb8;
	[tilespmem:$0x4800] =	vst v63  }
0x85: {  	_ =	swait.ge [sflag:s8], $0x2000  }
0x86: {  	[sflag:s8] =	ssyncset.done $0x0  }
0x87: {  	s29 =	sadd.s32 $0x3800, s3;
	[sflag:s8] =	ssyncadd.s32 $0xFFFFE000  }
0x88: {  	[hbm4b:s29+s2] =	stream.linear.scatter [tilespmem:s7], [sflag:$0x1], $0x2000, $0x38;
	[tilespmem:$0x4800] =	vst v63  }
0x89: {  	_ =	swait.ge [sflag:s9], $0x2000  }
0x8a: {  	s1 =	ssub.s32 $0x2, s1;
	[sflag:s9] =	ssyncset.done $0x0  }
0x8b: {  	s30 =	simm.s32 $0x780;
	s0 =	sshrl.u32 s1, $0x1;
	[sflag:s9] =	ssyncadd.s32 $0xFFFFE000  }
0x8c: {  	[tilespmem:s10], [sflag:$0x2] =	stream.indirect.gather [hbm4b:s5+s6], $0x40, s30, s6, $0xb8;
	[tilespmem:$0x4800] =	vst v63  }
0x8d: {  	s0 =	ssub.s32 s1, s0;
	_ =	swait.ge [sflag:s9], $0x2000  }
0x8e: {  	s0 =	smax.u32 s0, $0x1;
	[sflag:s9] =	ssyncset.done $0x0  }
0x8f: {  	s31 =	sadd.s32 $0x3C00, s3;
	p0 =	sne.s32 s0, $0x1;
	[sflag:s9] =	ssyncadd.s32 $0xFFFFE000  }
0x90: {  	[hbm4b:s31+s2] =	stream.linear.scatter [tilespmem:s10], [sflag:$0x2], $0x2000, $0x38;
	[tilespmem:$0x4800] =	vst v63  }
.Ltmp0:
0x91: {  	_ =	swait.ge [sflag:s8], $0x2000;
	(pc) =	sbr.rel @!p0 .LBB2_2-.Ltmp0, $4  }
0x92: {  	[sflag:s8] =	ssyncset.done $0x0  }
0x93: {  	[sflag:s8] =	ssyncadd.s32 $0xFFFFE000  }
0x94: {  	_ =	swait.ge [sflag:s9], $0x2000  }
0x95: {  	s1 =	sadd.s32 $0xFFFFFFFF, s0;
	[sflag:s9] =	ssyncset.done $0x0  }
.LBB2_1:
0x96: {  	s0 =	rddreg [dreg:$0x3];
	[sflag:s9] =	ssyncadd.s32 $0xFFFFE000  }
0x97: {  	[tilespmem:s2], [sflag:$0x3] =	stream.linear.gather [hbm4b:s0+s2], $0x800, $0x38;
	[tilespmem:$0x4800] =	vst v63  }
0x98: {  	_ =	swait.ge [sflag:s4], $0x800  }
0x99: {  	[sflag:s4] =	ssyncset.done $0x0  }
0x9a: {  	[sflag:s4] =	ssyncadd.s32 $0xFFFFF800  }
0x9b: {  	[tilespmem:s7], [sflag:$0x1] =	stream.indirect.gather [hbm4b:s5+s6], $0x40, s2, s6, $0xb8;
	[tilespmem:$0x4800] =	vst v63  }
0x9c: {  	_ =	swait.ge [sflag:s8], $0x2000  }
0x9d: {  	[sflag:s8] =	ssyncset.done $0x0  }
0x9e: {  	[sflag:s8] =	ssyncadd.s32 $0xFFFFE000  }
0x9f: {  	[hbm4b:s3+s2] =	stream.linear.scatter [tilespmem:s7], [sflag:$0x1], $0x2000, $0x38;
	[tilespmem:$0x4800] =	vst v63  }
0xa0: {  	_ = 	snop  }
0xa1: {  	[tilespmem:s10], [sflag:$0x2] =	stream.indirect.gather [hbm4b:s5+s6], $0x40, s6, s6, $0xb8;
	[tilespmem:$0x4800] =	vst v63  }
0xa2: {  	_ =	swait.ge [sflag:s9], $0x2000  }
0xa3: {  	[sflag:s9] =	ssyncset.done $0x0  }
0xa4: {  	s0 =	rddreg [dreg:$0x4];
	[sflag:s9] =	ssyncadd.s32 $0xFFFFE000  }
0xa5: {  	[hbm4b:s0+s2] =	stream.linear.scatter [tilespmem:s10], [sflag:$0x2], $0x2000, $0x38;
	[tilespmem:$0x4800] =	vst v63  }
0xa6: {  	_ =	swait.ge [sflag:s8], $0x2000  }
0xa7: {  	[sflag:s8] =	ssyncset.done $0x0  }
0xa8: {  	[sflag:s8] =	ssyncadd.s32 $0xFFFFE000  }
0xa9: {  	[tilespmem:s7], [sflag:$0x1] =	stream.indirect.gather [hbm4b:s5+s6], $0x40, s11, s6, $0xb8;
	[tilespmem:$0x4800] =	vst v63  }
0xaa: {  	_ =	swait.ge [sflag:s8], $0x2000  }
0xab: {  	[sflag:s8] =	ssyncset.done $0x0  }
0xac: {  	s0 =	rddreg [dreg:$0x5];
	[sflag:s8] =	ssyncadd.s32 $0xFFFFE000  }
0xad: {  	[hbm4b:s0+s2] =	stream.linear.scatter [tilespmem:s7], [sflag:$0x1], $0x2000, $0x38;
	[tilespmem:$0x4800] =	vst v63  }
0xae: {  	_ =	swait.ge [sflag:s9], $0x2000  }
0xaf: {  	[sflag:s9] =	ssyncset.done $0x0  }
0xb0: {  	[sflag:s9] =	ssyncadd.s32 $0xFFFFE000  }
0xb1: {  	[tilespmem:s10], [sflag:$0x2] =	stream.indirect.gather [hbm4b:s5+s6], $0x40, s12, s6, $0xb8;
	[tilespmem:$0x4800] =	vst v63  }
0xb2: {  	_ =	swait.ge [sflag:s9], $0x2000  }
0xb3: {  	[sflag:s9] =	ssyncset.done $0x0  }
0xb4: {  	s0 =	rddreg [dreg:$0x6];
	[sflag:s9] =	ssyncadd.s32 $0xFFFFE000  }
0xb5: {  	[hbm4b:s0+s2] =	stream.linear.scatter [tilespmem:s10], [sflag:$0x2], $0x2000, $0x38;
	[tilespmem:$0x4800] =	vst v63  }
0xb6: {  	_ =	swait.ge [sflag:s8], $0x2000  }
0xb7: {  	[sflag:s8] =	ssyncset.done $0x0  }
0xb8: {  	[sflag:s8] =	ssyncadd.s32 $0xFFFFE000  }
0xb9: {  	[tilespmem:s7], [sflag:$0x1] =	stream.indirect.gather [hbm4b:s5+s6], $0x40, s13, s6, $0xb8;
	[tilespmem:$0x4800] =	vst v63  }
0xba: {  	_ =	swait.ge [sflag:s8], $0x2000  }
0xbb: {  	[sflag:s8] =	ssyncset.done $0x0  }
0xbc: {  	s0 =	rddreg [dreg:$0x7];
	[sflag:s8] =	ssyncadd.s32 $0xFFFFE000  }
0xbd: {  	[hbm4b:s0+s2] =	stream.linear.scatter [tilespmem:s7], [sflag:$0x1], $0x2000, $0x38;
	[tilespmem:$0x4800] =	vst v63  }
0xbe: {  	_ =	swait.ge [sflag:s9], $0x2000  }
0xbf: {  	[sflag:s9] =	ssyncset.done $0x0  }
0xc0: {  	[sflag:s9] =	ssyncadd.s32 $0xFFFFE000  }
0xc1: {  	[tilespmem:s10], [sflag:$0x2] =	stream.indirect.gather [hbm4b:s5+s6], $0x40, s14, s6, $0xb8;
	[tilespmem:$0x4800] =	vst v63  }
0xc2: {  	_ =	swait.ge [sflag:s9], $0x2000  }
0xc3: {  	[sflag:s9] =	ssyncset.done $0x0  }
0xc4: {  	s0 =	rddreg [dreg:$0x8];
	[sflag:s9] =	ssyncadd.s32 $0xFFFFE000  }
0xc5: {  	[hbm4b:s0+s2] =	stream.linear.scatter [tilespmem:s10], [sflag:$0x2], $0x2000, $0x38;
	[tilespmem:$0x4800] =	vst v63  }
0xc6: {  	_ =	swait.ge [sflag:s8], $0x2000  }
0xc7: {  	[sflag:s8] =	ssyncset.done $0x0  }
0xc8: {  	[sflag:s8] =	ssyncadd.s32 $0xFFFFE000  }
0xc9: {  	[tilespmem:s7], [sflag:$0x1] =	stream.indirect.gather [hbm4b:s5+s6], $0x40, s15, s6, $0xb8;
	[tilespmem:$0x4800] =	vst v63  }
0xca: {  	_ =	swait.ge [sflag:s8], $0x2000  }
0xcb: {  	[sflag:s8] =	ssyncset.done $0x0  }
0xcc: {  	s0 =	rddreg [dreg:$0x9];
	[sflag:s8] =	ssyncadd.s32 $0xFFFFE000  }
0xcd: {  	[hbm4b:s0+s2] =	stream.linear.scatter [tilespmem:s7], [sflag:$0x1], $0x2000, $0x38;
	[tilespmem:$0x4800] =	vst v63  }
0xce: {  	_ =	swait.ge [sflag:s9], $0x2000  }
0xcf: {  	[sflag:s9] =	ssyncset.done $0x0  }
0xd0: {  	[sflag:s9] =	ssyncadd.s32 $0xFFFFE000  }
0xd1: {  	[tilespmem:s10], [sflag:$0x2] =	stream.indirect.gather [hbm4b:s5+s6], $0x40, s16, s6, $0xb8;
	[tilespmem:$0x4800] =	vst v63  }
0xd2: {  	_ =	swait.ge [sflag:s9], $0x2000  }
0xd3: {  	[sflag:s9] =	ssyncset.done $0x0  }
0xd4: {  	s0 =	rddreg [dreg:$0xa];
	[sflag:s9] =	ssyncadd.s32 $0xFFFFE000  }
0xd5: {  	[hbm4b:s0+s2] =	stream.linear.scatter [tilespmem:s10], [sflag:$0x2], $0x2000, $0x38;
	[tilespmem:$0x4800] =	vst v63  }
0xd6: {  	_ =	swait.ge [sflag:s8], $0x2000  }
0xd7: {  	[sflag:s8] =	ssyncset.done $0x0  }
0xd8: {  	[sflag:s8] =	ssyncadd.s32 $0xFFFFE000  }
0xd9: {  	[tilespmem:s7], [sflag:$0x1] =	stream.indirect.gather [hbm4b:s5+s6], $0x40, s17, s6, $0xb8;
	[tilespmem:$0x4800] =	vst v63  }
0xda: {  	_ =	swait.ge [sflag:s8], $0x2000  }
0xdb: {  	[sflag:s8] =	ssyncset.done $0x0  }
0xdc: {  	s0 =	rddreg [dreg:$0xb];
	[sflag:s8] =	ssyncadd.s32 $0xFFFFE000  }
0xdd: {  	[hbm4b:s0+s2] =	stream.linear.scatter [tilespmem:s7], [sflag:$0x1], $0x2000, $0x38;
	[tilespmem:$0x4800] =	vst v63  }
0xde: {  	_ =	swait.ge [sflag:s9], $0x2000  }
0xdf: {  	[sflag:s9] =	ssyncset.done $0x0  }
0xe0: {  	[sflag:s9] =	ssyncadd.s32 $0xFFFFE000  }
0xe1: {  	[tilespmem:s10], [sflag:$0x2] =	stream.indirect.gather [hbm4b:s5+s6], $0x40, s18, s6, $0xb8;
	[tilespmem:$0x4800] =	vst v63  }
0xe2: {  	_ =	swait.ge [sflag:s9], $0x2000  }
0xe3: {  	[sflag:s9] =	ssyncset.done $0x0  }
0xe4: {  	s0 =	rddreg [dreg:$0xc];
	[sflag:s9] =	ssyncadd.s32 $0xFFFFE000  }
0xe5: {  	[hbm4b:s0+s2] =	stream.linear.scatter [tilespmem:s10], [sflag:$0x2], $0x2000, $0x38;
	[tilespmem:$0x4800] =	vst v63  }
0xe6: {  	_ =	swait.ge [sflag:s8], $0x2000  }
0xe7: {  	[sflag:s8] =	ssyncset.done $0x0  }
0xe8: {  	[sflag:s8] =	ssyncadd.s32 $0xFFFFE000  }
0xe9: {  	[tilespmem:s7], [sflag:$0x1] =	stream.indirect.gather [hbm4b:s5+s6], $0x40, s19, s6, $0xb8;
	[tilespmem:$0x4800] =	vst v63  }
0xea: {  	_ =	swait.ge [sflag:s8], $0x2000  }
0xeb: {  	[sflag:s8] =	ssyncset.done $0x0  }
0xec: {  	[sflag:s8] =	ssyncadd.s32 $0xFFFFE000  }
0xed: {  	[hbm4b:s20+s2] =	stream.linear.scatter [tilespmem:s7], [sflag:$0x1], $0x2000, $0x38;
	[tilespmem:$0x4800] =	vst v63  }
0xee: {  	_ =	swait.ge [sflag:s9], $0x2000  }
0xef: {  	[sflag:s9] =	ssyncset.done $0x0  }
0xf0: {  	[sflag:s9] =	ssyncadd.s32 $0xFFFFE000  }
0xf1: {  	[tilespmem:s10], [sflag:$0x2] =	stream.indirect.gather [hbm4b:s5+s6], $0x40, s21, s6, $0xb8;
	[tilespmem:$0x4800] =	vst v63  }
0xf2: {  	_ =	swait.ge [sflag:s9], $0x2000  }
0xf3: {  	[sflag:s9] =	ssyncset.done $0x0  }
0xf4: {  	[sflag:s9] =	ssyncadd.s32 $0xFFFFE000  }
0xf5: {  	[hbm4b:s22+s2] =	stream.linear.scatter [tilespmem:s10], [sflag:$0x2], $0x2000, $0x38;
	[tilespmem:$0x4800] =	vst v63  }
0xf6: {  	_ =	swait.ge [sflag:s8], $0x2000  }
0xf7: {  	[sflag:s8] =	ssyncset.done $0x0  }
0xf8: {  	[sflag:s8] =	ssyncadd.s32 $0xFFFFE000  }
0xf9: {  	[tilespmem:s7], [sflag:$0x1] =	stream.indirect.gather [hbm4b:s5+s6], $0x40, s23, s6, $0xb8;
	[tilespmem:$0x4800] =	vst v63  }
0xfa: {  	_ =	swait.ge [sflag:s8], $0x2000  }
0xfb: {  	[sflag:s8] =	ssyncset.done $0x0  }
0xfc: {  	[sflag:s8] =	ssyncadd.s32 $0xFFFFE000  }
0xfd: {  	[hbm4b:s24+s2] =	stream.linear.scatter [tilespmem:s7], [sflag:$0x1], $0x2000, $0x38;
	[tilespmem:$0x4800] =	vst v63  }
0xfe: {  	_ =	swait.ge [sflag:s9], $0x2000  }
0xff: {  	[sflag:s9] =	ssyncset.done $0x0  }
0x100: {  	[sflag:s9] =	ssyncadd.s32 $0xFFFFE000  }
0x101: {  	[tilespmem:s10], [sflag:$0x2] =	stream.indirect.gather [hbm4b:s5+s6], $0x40, s25, s6, $0xb8;
	[tilespmem:$0x4800] =	vst v63  }
0x102: {  	_ =	swait.ge [sflag:s9], $0x2000  }
0x103: {  	[sflag:s9] =	ssyncset.done $0x0  }
0x104: {  	[sflag:s9] =	ssyncadd.s32 $0xFFFFE000  }
0x105: {  	[hbm4b:s26+s2] =	stream.linear.scatter [tilespmem:s10], [sflag:$0x2], $0x2000, $0x38;
	[tilespmem:$0x4800] =	vst v63  }
0x106: {  	_ =	swait.ge [sflag:s8], $0x2000  }
0x107: {  	[sflag:s8] =	ssyncset.done $0x0  }
0x108: {  	[sflag:s8] =	ssyncadd.s32 $0xFFFFE000  }
0x109: {  	[tilespmem:s7], [sflag:$0x1] =	stream.indirect.gather [hbm4b:s5+s6], $0x40, s28, s6, $0xb8;
	[tilespmem:$0x4800] =	vst v63  }
0x10a: {  	_ =	swait.ge [sflag:s8], $0x2000  }
0x10b: {  	[sflag:s8] =	ssyncset.done $0x0  }
0x10c: {  	[sflag:s8] =	ssyncadd.s32 $0xFFFFE000  }
0x10d: {  	[hbm4b:s29+s2] =	stream.linear.scatter [tilespmem:s7], [sflag:$0x1], $0x2000, $0x38;
	[tilespmem:$0x4800] =	vst v63  }
0x10e: {  	_ =	swait.ge [sflag:s9], $0x2000  }
0x10f: {  	[sflag:s9] =	ssyncset.done $0x0  }
0x110: {  	[sflag:s9] =	ssyncadd.s32 $0xFFFFE000  }
0x111: {  	[tilespmem:s10], [sflag:$0x2] =	stream.indirect.gather [hbm4b:s5+s6], $0x40, s30, s6, $0xb8;
	[tilespmem:$0x4800] =	vst v63  }
0x112: {  	_ =	swait.ge [sflag:s9], $0x2000  }
0x113: {  	[sflag:s9] =	ssyncset.done $0x0  }
0x114: {  	p0 =	sne.s32 s1, $0x1;
	[sflag:s9] =	ssyncadd.s32 $0xFFFFE000  }
0x115: {  	[hbm4b:s31+s2] =	stream.linear.scatter [tilespmem:s10], [sflag:$0x2], $0x2000, $0x38;
	[tilespmem:$0x4800] =	vst v63  }
.Ltmp1:
0x116: {  	_ =	swait.ge [sflag:s8], $0x2000;
	(pc) =	sbr.rel @p0 .LBB2_1-.Ltmp1, $4  }
0x117: {  	[sflag:s8] =	ssyncset.done $0x0  }
0x118: {  	[sflag:s8] =	ssyncadd.s32 $0xFFFFE000  }
0x119: {  	_ =	swait.ge [sflag:s9], $0x2000  }
0x11a: {  	s1 =	sadd.s32 $0xFFFFFFFF, s1;
	[sflag:s9] =	ssyncset.done $0x0  }
.LBB2_2:
0x11b: {  	[sflag:s9] =	ssyncadd.s32 $0xFFFFE000  }
0x11c: {  	_ =	sfence.sel $0x180000  }
0x11d: {  	[bflag:$0x0] =	sbarrier.arrive $0xFFFF  }
0x11e: {  	_ =	strace $0x90000047  }
0x11f: {  	s0 =	stileid.u32;
	[bflag:$0x2] =	sbarrier.arrive $0xFFFF  }
0x120: {  	p0 =	sne.s32 s0, $0x0;
	s0 =	rddreg [dreg:$0x2]  }
0x121: {  	s0 =	sadd.s32 @!p0 $0x100000, s0  }
0x122: {  	[sflag:s0] =	ssyncadd.tile.s32 @!p0 $0x1;
	_ =	shalt  }
.Lfunc_end2:
_tile_overlayer_lowered:
.L_overlay_start_2:
0x123: {  	(tag) =	ssettag $0x2  }
0x124: {  	s0 =	rddreg [dreg:$0x0];
	s2 =	stileid.u32  }
0x125: {  	s1 =	rddreg [dreg:$0x1];
	p0 =	sne.s32 s2, $0x0  }
0x126: {  	s3 =	rddreg [dreg:$0x2];
	[bflag:$0x3] =	sbarrier.arrive $0xFFFF;
	s2 =	simm.s32 @!p0 $0x1C03  }
0x127: {  	[timem:s3], [sflag:s2] =	dma.local @!p0 [hbm:s0], s1  }
0x128: {  	s0 =	simm.s32 @!p0 $0x3  }
0x129: {  	_ =	swait.ge @!p0 [sflag:s0], s1  }
0x12a: {  	s1 =	ssub.s32 @!p0 $0x0, s1;
	[sflag:s0] =	ssyncset.done @!p0 $0x0  }
0x12b: {  	[sflag:s0] =	ssyncadd.s32 @!p0 s1  }
0x12c: {  	[bflag:$0x3] =	sbarrier.arrive $0xFFFF  }
0x12d: {  	_ =	shalt  }

</sc_bundles>
